<compile_context>
chip_gen: v7x
topology: tpu7x:2x2x1
jax: 0.10.2.dev20260603
libtpu: 0.0.44.dev20260713+nightly
codegen_flags: <defaults>
</compile_context>

<pallas_src>
import functools

import jax
import jax.numpy as jnp
from jax import lax
from jax.experimental import pallas as pl
from jax.experimental.pallas import tpu as pltpu
from jax.experimental.pallas import tpu_sc as plsc

B, H, W_IMG = 1, 256, 256
P = B * H * W_IMG
FD, SD = 256, 64
XD = FD + SD + 16
TBD = 384
HID = 512

NC, NS = 2, 16
NW = NC * NS
BSZ = 32
NSPLIT = 2
PS = P // NSPLIT
BM = 2048


def _sc_gather_blend(p2f, f0, f1, f2, table, wv, npix):
  CHUNK = npix // NW
  NB = CHUNK // BSZ
  mesh = plsc.VectorSubcoreMesh(core_axis_name="c", subcore_axis_name="s")

  @functools.partial(
      pl.kernel,
      out_type=jax.ShapeDtypeStruct((npix, XD), jnp.float32),
      mesh=mesh,
      scratch_types=[
          pltpu.VMEM((NB, BSZ), jnp.int32),
          pltpu.VMEM((NB, BSZ), jnp.int32),
          pltpu.VMEM((NB, BSZ), jnp.int32),
          pltpu.VMEM((NB, BSZ), jnp.int32),
          pltpu.VMEM((CHUNK + 16,), jnp.float32),
          pltpu.VMEM((CHUNK + 16,), jnp.float32),
          pltpu.VMEM((CHUNK + 16,), jnp.float32),
          pltpu.VMEM((BSZ, TBD), jnp.float32),
          pltpu.VMEM((BSZ, TBD), jnp.float32),
          pltpu.VMEM((BSZ, TBD), jnp.float32),
          pltpu.VMEM((BSZ, TBD), jnp.float32),
          pltpu.VMEM((BSZ, TBD), jnp.float32),
          pltpu.VMEM((BSZ, TBD), jnp.float32),
          pltpu.VMEM((BSZ, XD), jnp.float32),
          pltpu.SemaphoreType.DMA,
          pltpu.SemaphoreType.DMA,
          pltpu.SemaphoreType.DMA,
      ],
  )
  def k(p2f_h, f0_h, f1_h, f2_h, tab_h, wv_h, x_h,
        pix, v0, v1, v2, wv0, wv1, wv2,
        ga0, ga1, ga2, gb0, gb1, gb2, outb, semA, semB, semF):
    wid = lax.axis_index("s") * NC + lax.axis_index("c")
    base = wid * CHUNK
    pltpu.sync_copy(p2f_h.at[wid], pix)
    pltpu.sync_copy(wv_h.at[0, wid], wv0.at[pl.ds(0, CHUNK)])
    pltpu.sync_copy(wv_h.at[1, wid], wv1.at[pl.ds(0, CHUNK)])
    pltpu.sync_copy(wv_h.at[2, wid], wv2.at[pl.ds(0, CHUNK)])

    def face_fire(b, _):
      pltpu.async_copy(f0_h.at[pix.at[b]], v0.at[b], semF)
      pltpu.async_copy(f1_h.at[pix.at[b]], v1.at[b], semF)
      pltpu.async_copy(f2_h.at[pix.at[b]], v2.at[b], semF)
      return 0
    lax.fori_loop(0, NB, face_fire, 0)
    def face_drain(b, _):
      pltpu.make_async_copy(f0_h.at[pix.at[0]], v0.at[0], semF).wait()
      pltpu.make_async_copy(f1_h.at[pix.at[0]], v1.at[0], semF).wait()
      pltpu.make_async_copy(f2_h.at[pix.at[0]], v2.at[0], semF).wait()
      return 0
    lax.fori_loop(0, NB, face_drain, 0)

    def fire(b, bufs, sem):
      g0, g1, g2 = bufs
      pltpu.async_copy(tab_h.at[v0.at[b]], g0, sem)
      pltpu.async_copy(tab_h.at[v1.at[b]], g1, sem)
      pltpu.async_copy(tab_h.at[v2.at[b]], g2, sem)

    def drain(bufs, sem):
      g0, g1, g2 = bufs
      pltpu.make_async_copy(tab_h.at[v0.at[0]], g0, sem).wait()
      pltpu.make_async_copy(tab_h.at[v1.at[0]], g1, sem).wait()
      pltpu.make_async_copy(tab_h.at[v2.at[0]], g2, sem).wait()

    def blend(b, bufs):
      g0, g1, g2 = bufs
      def row_fn(r, _):
        off = b * BSZ + r
        c0 = jnp.full((16,), wv0[pl.ds(off, 16)][0], jnp.float32)
        c1 = jnp.full((16,), wv1[pl.ds(off, 16)][0], jnp.float32)
        c2 = jnp.full((16,), wv2[pl.ds(off, 16)][0], jnp.float32)
        for kk in range(XD // 16):
          sl = pl.ds(kk * 16, 16)
          outb[r, sl] = g0[r, sl] * c0 + g1[r, sl] * c1 + g2[r, sl] * c2
        return 0
      lax.fori_loop(0, BSZ, row_fn, 0)
      pltpu.sync_copy(outb, x_h.at[pl.ds(base + b * BSZ, BSZ)])

    ring_a = (ga0, ga1, ga2)
    ring_b = (gb0, gb1, gb2)

    fire(0, ring_a, semA)
    def pair(g, _):
      ba = 2 * g
      fire(ba + 1, ring_b, semB)
      drain(ring_a, semA)
      blend(ba, ring_a)
      @pl.when(ba + 2 < NB)
      def _():
        fire(ba + 2, ring_a, semA)
      drain(ring_b, semB)
      blend(ba + 1, ring_b)
      return 0
    lax.fori_loop(0, NB // 2, pair, 0)

  return k(p2f, f0, f1, f2, table, wv)


def _tc_body(p2f_ref, x_ref, w1_ref, b1_ref, w2_ref, b2_ref, w3_ref, b3_ref,
             aux_ref, bg_ref, o_ref):
  xin = x_ref[:, : FD + SD].astype(jnp.bfloat16)
  cfm = x_ref[:, FD + SD : FD + SD + 3]
  w1a = w1_ref[: FD + SD, :]
  w1b = w1_ref[FD + SD :, :]
  auxh = jnp.dot(aux_ref[...], w1b, preferred_element_type=jnp.float32)
  h = jnp.dot(xin, w1a, preferred_element_type=jnp.float32)
  h = jax.nn.relu(h + b1_ref[...] + auxh)
  h = jnp.dot(h.astype(jnp.bfloat16), w2_ref[...],
              preferred_element_type=jnp.float32)
  h = jax.nn.relu(h + b2_ref[...])
  o = jnp.dot(h.astype(jnp.bfloat16), w3_ref[...],
              preferred_element_type=jnp.float32)
  o = jax.nn.sigmoid(o + b3_ref[...])
  colors = jnp.clip(o - 1.0 + cfm, -1.0, 1.0)
  mask = p2f_ref[...] > 0
  buf = jnp.where(mask, colors, bg_ref[...])
  o_ref[...] = jnp.concatenate([buf, mask.astype(jnp.float32)], axis=1)


def _tc_mlp(p2f2, x, W1, b1, W2, b2, W3, b3, aux, bg):
  npix = x.shape[0]
  full = lambda s: pl.BlockSpec(s, lambda i: (0, 0))
  return pl.pallas_call(
      _tc_body,
      grid=(npix // BM,),
      in_specs=[
          pl.BlockSpec((BM, 1), lambda i: (i, 0)),
          pl.BlockSpec((BM, XD), lambda i: (i, 0)),
          full(W1.shape), full(b1.shape), full(W2.shape), full(b2.shape),
          full(W3.shape), full(b3.shape), full(aux.shape), full(bg.shape),
      ],
      out_specs=pl.BlockSpec((BM, 4), lambda i: (i, 0)),
      out_shape=jax.ShapeDtypeStruct((npix, 4), jnp.float32),
  )(p2f2, x, W1, b1, W2, b2, W3, b3, aux, bg)


def kernel(pix_to_face, bary_coords, faces, feature, shape_features, color,
           color_bg, aux_latent, W1, b1, W2, b2, W3, b3):
  bf = jnp.bfloat16
  p2f_flat = pix_to_face.reshape(P)
  wvt = bary_coords.reshape(P, 3).T * (1.0 / 3.0)
  f0 = faces[:, 0]
  f1 = faces[:, 1]
  f2 = faces[:, 2]
  V = feature.shape[0]
  table = jnp.concatenate(
      [feature, shape_features, color,
       jnp.zeros((V, TBD - FD - SD - 3), jnp.float32)], axis=1)
  chunk = PS // NW
  nb = chunk // BSZ
  outs = []
  for hh in range(NSPLIT):
    sl = slice(hh * PS, (hh + 1) * PS)
    p2f_h = p2f_flat[sl].reshape(NW, nb, BSZ)
    wv_h = wvt[:, sl].reshape(3, NW, chunk)
    x_h = _sc_gather_blend(p2f_h, f0, f1, f2, table, wv_h, PS)
    outs.append(_tc_mlp(
        p2f_flat[sl].reshape(PS, 1), x_h, W1.astype(bf), b1.reshape(1, HID),
        W2.astype(bf), b2.reshape(1, HID), W3.astype(bf), b3.reshape(1, 3),
        aux_latent.astype(bf), color_bg[:, :, 0, 0]))
  out = jnp.concatenate(outs, axis=0)
  return out.reshape(B, H, W_IMG, 4)

# --- scband reference (transcript-rebuilt; emitter-appended) ---
"""Pipeline reference for scband-differentiable-mlprenderer-3951369912800 (READ-ONLY COPY).

The authoritative reference and input builder live on the scoring server;
editing this copy changes nothing except your own understanding.
"""

import jax, jax.numpy as jnp
import numpy as np

B, H, W = 1, 256, 256
V = 50000
NF = 100000
FEATURE_DIM = 256
SHAPE_DIM = 64
AUX_DIM = 64
HIDDEN = 512
IN_DIM = FEATURE_DIM + SHAPE_DIM + AUX_DIM


def setup_inputs(seed: int = 0) -> dict:
    key = jax.random.key(seed)
    ks = jax.random.split(key, 16)
    pix_to_face = jax.random.randint(ks[0], (B, H, W, 1), 0, NF, dtype=jnp.int32)
    bary_coords = jax.random.uniform(ks[1], (B, H, W, 1, 3), dtype=jnp.float32)
    faces = jax.random.randint(ks[2], (NF, 3), 0, V, dtype=jnp.int32)
    feature = jax.random.normal(ks[3], (V, FEATURE_DIM), dtype=jnp.float32)
    shape_features = jax.random.normal(ks[4], (V, SHAPE_DIM), dtype=jnp.float32)
    color = jax.random.uniform(ks[5], (V, 3), dtype=jnp.float32)
    color_bg = jax.random.uniform(ks[6], (B, 3, 1, 1), dtype=jnp.float32)
    aux_latent = jax.random.normal(ks[7], (1, AUX_DIM), dtype=jnp.float32)
    W1 = jax.random.normal(ks[8], (IN_DIM, HIDDEN), dtype=jnp.float32) * (1.0 / np.sqrt(IN_DIM))
    b1 = jnp.zeros((HIDDEN,), jnp.float32)
    W2 = jax.random.normal(ks[9], (HIDDEN, HIDDEN), dtype=jnp.float32) * (1.0 / np.sqrt(HIDDEN))
    b2 = jnp.zeros((HIDDEN,), jnp.float32)
    W3 = jax.random.normal(ks[10], (HIDDEN, 3), dtype=jnp.float32) * (1.0 / np.sqrt(HIDDEN))
    b3 = jnp.zeros((3,), jnp.float32)
    return {
        'pix_to_face': pix_to_face, 'bary_coords': bary_coords, 'faces': faces,
        'feature': feature, 'shape_features': shape_features, 'color': color,
        'color_bg': color_bg, 'aux_latent': aux_latent,
        'W1': W1, 'b1': b1, 'W2': W2, 'b2': b2, 'W3': W3, 'b3': b3,
    }


def reference(pix_to_face, bary_coords, faces, feature, shape_features, color,
              color_bg, aux_latent, W1, b1, W2, b2, W3, b3):
    image_shape = pix_to_face.shape[:3]
    # foreground mask: rasterized faces have index > 0
    mask = pix_to_face[..., 0] > 0
    # background buffer filled with per-batch bg color
    bg = jnp.broadcast_to(color_bg[:, :, 0, 0][:, None, None, :], (*image_shape, 3))
    face_idx = pix_to_face[..., 0]
    # pixel -> face -> 3 vertex indices (gather), zeroed for background
    pvm = jnp.where(mask[..., None], faces[face_idx], 0)  # [B,H,W,3]
    bary = bary_coords[..., 0, :]                          # [B,H,W,3]
    # gather per-vertex appearance feature, barycentric-weight, reduce over 3 verts
    fvm = jnp.where(mask[..., None, None], feature[pvm], 0.0)          # [B,H,W,3,256]
    ffm = (fvm * bary[..., None]).mean(axis=3)                          # [B,H,W,256]
    svm = jnp.where(mask[..., None, None], shape_features[pvm], 0.0)   # [B,H,W,3,64]
    sfm = (svm * bary[..., None]).mean(axis=3)                          # [B,H,W,64]
    cvm = jnp.where(mask[..., None, None], color[pvm], 0.0)            # [B,H,W,3,3]
    cfm = (cvm * bary[..., None]).mean(axis=3)                          # [B,H,W,3]
    mask_map = mask[..., None].astype(jnp.float32)
    aux = jnp.broadcast_to(aux_latent[0][None, None, None, :], (*image_shape, AUX_DIM))
    # per-pixel MLP (sigmoid head, use_act=True, tanh=False -> colors = mlp(x) - 1)
    x = jnp.concatenate([ffm, sfm, aux], axis=-1)
    h = jax.nn.relu(x @ W1 + b1)
    h = jax.nn.relu(h @ W2 + b2)
    out = jax.nn.sigmoid(h @ W3 + b3)
    colors = out - 1.0
    colors = colors + cfm
    colors = jnp.clip(colors, -1.0, 1.0)
    buf = jnp.where(mask[..., None], colors, bg)
    return jnp.concatenate([buf, mask_map], axis=3)

if __name__ == "__main__":
    import jax
    _d = setup_inputs()
    print(jax.jit(kernel)(*tuple(_d.values())))

</pallas_src>

<mosaic_0001>
#map = affine_map<(d0, d1) -> (0, 0, 0)>
#map1 = affine_map<(d0, d1) -> (0)>
#map2 = affine_map<(d0, d1) -> (0, 0)>
module attributes {stable_mosaic.version = 14 : i64} {
  func.func @k(%arg0: i32, %arg1: i32, %arg2: memref<32x32x32xi32, #tpu.memory_space<hbm>>, %arg3: memref<100000xi32, #tpu.memory_space<hbm>>, %arg4: memref<100000xi32, #tpu.memory_space<hbm>>, %arg5: memref<100000xi32, #tpu.memory_space<hbm>>, %arg6: memref<50000x384xf32, #tpu.memory_space<hbm>>, %arg7: memref<3x32x1024xf32, #tpu.memory_space<hbm>>, %arg8: memref<32768x336xf32, #tpu.memory_space<hbm>>, %arg9: memref<32x32xi32, #tpu.memory_space<vmem>>, %arg10: memref<32x32xi32, #tpu.memory_space<vmem>>, %arg11: memref<32x32xi32, #tpu.memory_space<vmem>>, %arg12: memref<32x32xi32, #tpu.memory_space<vmem>>, %arg13: memref<1040xf32, #tpu.memory_space<vmem>>, %arg14: memref<1040xf32, #tpu.memory_space<vmem>>, %arg15: memref<1040xf32, #tpu.memory_space<vmem>>, %arg16: memref<32x384xf32, #tpu.memory_space<vmem>>, %arg17: memref<32x384xf32, #tpu.memory_space<vmem>>, %arg18: memref<32x384xf32, #tpu.memory_space<vmem>>, %arg19: memref<32x384xf32, #tpu.memory_space<vmem>>, %arg20: memref<32x384xf32, #tpu.memory_space<vmem>>, %arg21: memref<32x384xf32, #tpu.memory_space<vmem>>, %arg22: memref<32x336xf32, #tpu.memory_space<vmem>>, %arg23: memref<!tpu.dma_semaphore, #tpu.memory_space<semaphore_mem>>, %arg24: memref<!tpu.dma_semaphore, #tpu.memory_space<semaphore_mem>>, %arg25: memref<!tpu.dma_semaphore, #tpu.memory_space<semaphore_mem>>) attributes {dimension_semantics = [#tpu.dimension_semantics<core_parallel>, #tpu.dimension_semantics<subcore_parallel>], iteration_bounds = array<i64: 2, 16>, scalar_prefetch = 0 : i64, scratch_operands = 17 : i64, tpu.core_type = #tpu.core_type<sc_vector_subcore>, window_params = [{transform_indices = #map}, {transform_indices = #map1}, {transform_indices = #map1}, {transform_indices = #map1}, {transform_indices = #map2}, {transform_indices = #map}, {transform_indices = #map2}]} {
    %mul3A = arith.constant 2 : i32
    %mul3A_0 = arith.muli %arg1, %mul3A : i32
    %add3A = arith.addi %mul3A_0, %arg0 : i32
    %mul3A_1 = arith.constant 1024 : i32
    %mul3A_2 = arith.muli %add3A, %mul3A_1 : i32
    "tpu.region"() ({
      %run_scoped3A_45 = tpu.sem_alloc : memref<!tpu.dma_semaphore, #tpu.memory_space<semaphore_mem>>
      %dma_start3A_46 = arith.constant 0 : i32
      %dma_start3A_47 = arith.constant 0 : i32
      %dma_start3A_48 = tpu.memref_slice %arg2[%add3A, %dma_start3A_46, %dma_start3A_47] : memref<32x32x32xi32, #tpu.memory_space<hbm>> -> memref<1x32x32xi32, #tpu.memory_space<hbm>>
      %dma_start3A_49 = tpu.memref_squeeze %dma_start3A_48 : memref<1x32x32xi32, #tpu.memory_space<hbm>> -> memref<32x32xi32, #tpu.memory_space<hbm>>
      %dma_start3A_50 = arith.constant 0 : i32
      %dma_start3A_51 = arith.constant 0 : i32
      %dma_start3A_52 = tpu.memref_slice %arg2[%add3A, %dma_start3A_50, %dma_start3A_51] : memref<32x32x32xi32, #tpu.memory_space<hbm>> -> memref<1x32x32xi32, #tpu.memory_space<hbm>>
      %dma_start3A_53 = tpu.memref_squeeze %dma_start3A_52 : memref<1x32x32xi32, #tpu.memory_space<hbm>> -> memref<32x32xi32, #tpu.memory_space<hbm>>
      tpu.enqueue_dma source(%dma_start3A_53 : memref<32x32xi32, #tpu.memory_space<hbm>>) target(%arg9 : memref<32x32xi32, #tpu.memory_space<vmem>>) target_semaphore(%run_scoped3A_45 : memref<!tpu.dma_semaphore, #tpu.memory_space<semaphore_mem>>)
      %dma_wait3A = arith.constant 0 : i32
      %dma_wait3A_54 = arith.constant 0 : i32
      %dma_wait3A_55 = tpu.memref_slice %arg2[%add3A, %dma_wait3A, %dma_wait3A_54] : memref<32x32x32xi32, #tpu.memory_space<hbm>> -> memref<1x32x32xi32, #tpu.memory_space<hbm>>
      %dma_wait3A_56 = tpu.memref_squeeze %dma_wait3A_55 : memref<1x32x32xi32, #tpu.memory_space<hbm>> -> memref<32x32xi32, #tpu.memory_space<hbm>>
      %dma_wait3A_57 = arith.constant 0 : i32
      %dma_wait3A_58 = arith.constant 0 : i32
      %dma_wait3A_59 = tpu.memref_slice %arg2[%add3A, %dma_wait3A_57, %dma_wait3A_58] : memref<32x32x32xi32, #tpu.memory_space<hbm>> -> memref<1x32x32xi32, #tpu.memory_space<hbm>>
      %dma_wait3A_60 = tpu.memref_squeeze %dma_wait3A_59 : memref<1x32x32xi32, #tpu.memory_space<hbm>> -> memref<32x32xi32, #tpu.memory_space<hbm>>
      tpu.wait_dma2 semaphore(%run_scoped3A_45 : memref<!tpu.dma_semaphore, #tpu.memory_space<semaphore_mem>>) src(%dma_wait3A_60 : memref<32x32xi32, #tpu.memory_space<hbm>>) dst(%arg9 : memref<32x32xi32, #tpu.memory_space<vmem>>)
      tpu.yield
    }) : () -> ()
    %run_scoped3A = arith.constant 0 : i32
    "tpu.region"() ({
      %run_scoped3A_45 = tpu.sem_alloc : memref<!tpu.dma_semaphore, #tpu.memory_space<semaphore_mem>>
      %dma_start3A_46 = arith.constant 0 : i32
      %dma_start3A_47 = tpu.memref_slice %arg13[%dma_start3A_46] : memref<1040xf32, #tpu.memory_space<vmem>> -> memref<1024xf32, #tpu.memory_space<vmem>>
      %dma_start3A_48 = arith.constant 0 : i32
      %dma_start3A_49 = tpu.memref_slice %arg7[%run_scoped3A, %add3A, %dma_start3A_48] : memref<3x32x1024xf32, #tpu.memory_space<hbm>> -> memref<1x1x1024xf32, #tpu.memory_space<hbm>>
      %dma_start3A_50 = tpu.memref_squeeze %dma_start3A_49 : memref<1x1x1024xf32, #tpu.memory_space<hbm>> -> memref<1024xf32, #tpu.memory_space<hbm>>
      %dma_start3A_51 = arith.constant 0 : i32
      %dma_start3A_52 = tpu.memref_slice %arg13[%dma_start3A_51] : memref<1040xf32, #tpu.memory_space<vmem>> -> memref<1024xf32, #tpu.memory_space<vmem>>
      %dma_start3A_53 = arith.constant 0 : i32
      %dma_start3A_54 = tpu.memref_slice %arg7[%run_scoped3A, %add3A, %dma_start3A_53] : memref<3x32x1024xf32, #tpu.memory_space<hbm>> -> memref<1x1x1024xf32, #tpu.memory_space<hbm>>
      %dma_start3A_55 = tpu.memref_squeeze %dma_start3A_54 : memref<1x1x1024xf32, #tpu.memory_space<hbm>> -> memref<1024xf32, #tpu.memory_space<hbm>>
      tpu.enqueue_dma source(%dma_start3A_55 : memref<1024xf32, #tpu.memory_space<hbm>>) target(%dma_start3A_52 : memref<1024xf32, #tpu.memory_space<vmem>>) target_semaphore(%run_scoped3A_45 : memref<!tpu.dma_semaphore, #tpu.memory_space<semaphore_mem>>)
      %dma_wait3A = arith.constant 0 : i32
      %dma_wait3A_56 = tpu.memref_slice %arg13[%dma_wait3A] : memref<1040xf32, #tpu.memory_space<vmem>> -> memref<1024xf32, #tpu.memory_space<vmem>>
      %dma_wait3A_57 = arith.constant 0 : i32
      %dma_wait3A_58 = tpu.memref_slice %arg7[%run_scoped3A, %add3A, %dma_wait3A_57] : memref<3x32x1024xf32, #tpu.memory_space<hbm>> -> memref<1x1x1024xf32, #tpu.memory_space<hbm>>
      %dma_wait3A_59 = tpu.memref_squeeze %dma_wait3A_58 : memref<1x1x1024xf32, #tpu.memory_space<hbm>> -> memref<1024xf32, #tpu.memory_space<hbm>>
      %dma_wait3A_60 = arith.constant 0 : i32
      %dma_wait3A_61 = tpu.memref_slice %arg13[%dma_wait3A_60] : memref<1040xf32, #tpu.memory_space<vmem>> -> memref<1024xf32, #tpu.memory_space<vmem>>
      %dma_wait3A_62 = arith.constant 0 : i32
      %dma_wait3A_63 = tpu.memref_slice %arg7[%run_scoped3A, %add3A, %dma_wait3A_62] : memref<3x32x1024xf32, #tpu.memory_space<hbm>> -> memref<1x1x1024xf32, #tpu.memory_space<hbm>>
      %dma_wait3A_64 = tpu.memref_squeeze %dma_wait3A_63 : memref<1x1x1024xf32, #tpu.memory_space<hbm>> -> memref<1024xf32, #tpu.memory_space<hbm>>
      tpu.wait_dma2 semaphore(%run_scoped3A_45 : memref<!tpu.dma_semaphore, #tpu.memory_space<semaphore_mem>>) src(%dma_wait3A_64 : memref<1024xf32, #tpu.memory_space<hbm>>) dst(%dma_wait3A_61 : memref<1024xf32, #tpu.memory_space<vmem>>)
      tpu.yield
    }) : () -> ()
    %run_scoped3A_3 = arith.constant 1 : i32
    "tpu.region"() ({
      %run_scoped3A_45 = tpu.sem_alloc : memref<!tpu.dma_semaphore, #tpu.memory_space<semaphore_mem>>
      %dma_start3A_46 = arith.constant 0 : i32
      %dma_start3A_47 = tpu.memref_slice %arg14[%dma_start3A_46] : memref<1040xf32, #tpu.memory_space<vmem>> -> memref<1024xf32, #tpu.memory_space<vmem>>
      %dma_start3A_48 = arith.constant 0 : i32
      %dma_start3A_49 = tpu.memref_slice %arg7[%run_scoped3A_3, %add3A, %dma_start3A_48] : memref<3x32x1024xf32, #tpu.memory_space<hbm>> -> memref<1x1x1024xf32, #tpu.memory_space<hbm>>
      %dma_start3A_50 = tpu.memref_squeeze %dma_start3A_49 : memref<1x1x1024xf32, #tpu.memory_space<hbm>> -> memref<1024xf32, #tpu.memory_space<hbm>>
      %dma_start3A_51 = arith.constant 0 : i32
      %dma_start3A_52 = tpu.memref_slice %arg14[%dma_start3A_51] : memref<1040xf32, #tpu.memory_space<vmem>> -> memref<1024xf32, #tpu.memory_space<vmem>>
      %dma_start3A_53 = arith.constant 0 : i32
      %dma_start3A_54 = tpu.memref_slice %arg7[%run_scoped3A_3, %add3A, %dma_start3A_53] : memref<3x32x1024xf32, #tpu.memory_space<hbm>> -> memref<1x1x1024xf32, #tpu.memory_space<hbm>>
      %dma_start3A_55 = tpu.memref_squeeze %dma_start3A_54 : memref<1x1x1024xf32, #tpu.memory_space<hbm>> -> memref<1024xf32, #tpu.memory_space<hbm>>
      tpu.enqueue_dma source(%dma_start3A_55 : memref<1024xf32, #tpu.memory_space<hbm>>) target(%dma_start3A_52 : memref<1024xf32, #tpu.memory_space<vmem>>) target_semaphore(%run_scoped3A_45 : memref<!tpu.dma_semaphore, #tpu.memory_space<semaphore_mem>>)
      %dma_wait3A = arith.constant 0 : i32
      %dma_wait3A_56 = tpu.memref_slice %arg14[%dma_wait3A] : memref<1040xf32, #tpu.memory_space<vmem>> -> memref<1024xf32, #tpu.memory_space<vmem>>
      %dma_wait3A_57 = arith.constant 0 : i32
      %dma_wait3A_58 = tpu.memref_slice %arg7[%run_scoped3A_3, %add3A, %dma_wait3A_57] : memref<3x32x1024xf32, #tpu.memory_space<hbm>> -> memref<1x1x1024xf32, #tpu.memory_space<hbm>>
      %dma_wait3A_59 = tpu.memref_squeeze %dma_wait3A_58 : memref<1x1x1024xf32, #tpu.memory_space<hbm>> -> memref<1024xf32, #tpu.memory_space<hbm>>
      %dma_wait3A_60 = arith.constant 0 : i32
      %dma_wait3A_61 = tpu.memref_slice %arg14[%dma_wait3A_60] : memref<1040xf32, #tpu.memory_space<vmem>> -> memref<1024xf32, #tpu.memory_space<vmem>>
      %dma_wait3A_62 = arith.constant 0 : i32
      %dma_wait3A_63 = tpu.memref_slice %arg7[%run_scoped3A_3, %add3A, %dma_wait3A_62] : memref<3x32x1024xf32, #tpu.memory_space<hbm>> -> memref<1x1x1024xf32, #tpu.memory_space<hbm>>
      %dma_wait3A_64 = tpu.memref_squeeze %dma_wait3A_63 : memref<1x1x1024xf32, #tpu.memory_space<hbm>> -> memref<1024xf32, #tpu.memory_space<hbm>>
      tpu.wait_dma2 semaphore(%run_scoped3A_45 : memref<!tpu.dma_semaphore, #tpu.memory_space<semaphore_mem>>) src(%dma_wait3A_64 : memref<1024xf32, #tpu.memory_space<hbm>>) dst(%dma_wait3A_61 : memref<1024xf32, #tpu.memory_space<vmem>>)
      tpu.yield
    }) : () -> ()
    %run_scoped3A_4 = arith.constant 2 : i32
    "tpu.region"() ({
      %run_scoped3A_45 = tpu.sem_alloc : memref<!tpu.dma_semaphore, #tpu.memory_space<semaphore_mem>>
      %dma_start3A_46 = arith.constant 0 : i32
      %dma_start3A_47 = tpu.memref_slice %arg15[%dma_start3A_46] : memref<1040xf32, #tpu.memory_space<vmem>> -> memref<1024xf32, #tpu.memory_space<vmem>>
      %dma_start3A_48 = arith.constant 0 : i32
      %dma_start3A_49 = tpu.memref_slice %arg7[%run_scoped3A_4, %add3A, %dma_start3A_48] : memref<3x32x1024xf32, #tpu.memory_space<hbm>> -> memref<1x1x1024xf32, #tpu.memory_space<hbm>>
      %dma_start3A_50 = tpu.memref_squeeze %dma_start3A_49 : memref<1x1x1024xf32, #tpu.memory_space<hbm>> -> memref<1024xf32, #tpu.memory_space<hbm>>
      %dma_start3A_51 = arith.constant 0 : i32
      %dma_start3A_52 = tpu.memref_slice %arg15[%dma_start3A_51] : memref<1040xf32, #tpu.memory_space<vmem>> -> memref<1024xf32, #tpu.memory_space<vmem>>
      %dma_start3A_53 = arith.constant 0 : i32
      %dma_start3A_54 = tpu.memref_slice %arg7[%run_scoped3A_4, %add3A, %dma_start3A_53] : memref<3x32x1024xf32, #tpu.memory_space<hbm>> -> memref<1x1x1024xf32, #tpu.memory_space<hbm>>
      %dma_start3A_55 = tpu.memref_squeeze %dma_start3A_54 : memref<1x1x1024xf32, #tpu.memory_space<hbm>> -> memref<1024xf32, #tpu.memory_space<hbm>>
      tpu.enqueue_dma source(%dma_start3A_55 : memref<1024xf32, #tpu.memory_space<hbm>>) target(%dma_start3A_52 : memref<1024xf32, #tpu.memory_space<vmem>>) target_semaphore(%run_scoped3A_45 : memref<!tpu.dma_semaphore, #tpu.memory_space<semaphore_mem>>)
      %dma_wait3A = arith.constant 0 : i32
      %dma_wait3A_56 = tpu.memref_slice %arg15[%dma_wait3A] : memref<1040xf32, #tpu.memory_space<vmem>> -> memref<1024xf32, #tpu.memory_space<vmem>>
      %dma_wait3A_57 = arith.constant 0 : i32
      %dma_wait3A_58 = tpu.memref_slice %arg7[%run_scoped3A_4, %add3A, %dma_wait3A_57] : memref<3x32x1024xf32, #tpu.memory_space<hbm>> -> memref<1x1x1024xf32, #tpu.memory_space<hbm>>
      %dma_wait3A_59 = tpu.memref_squeeze %dma_wait3A_58 : memref<1x1x1024xf32, #tpu.memory_space<hbm>> -> memref<1024xf32, #tpu.memory_space<hbm>>
      %dma_wait3A_60 = arith.constant 0 : i32
      %dma_wait3A_61 = tpu.memref_slice %arg15[%dma_wait3A_60] : memref<1040xf32, #tpu.memory_space<vmem>> -> memref<1024xf32, #tpu.memory_space<vmem>>
      %dma_wait3A_62 = arith.constant 0 : i32
      %dma_wait3A_63 = tpu.memref_slice %arg7[%run_scoped3A_4, %add3A, %dma_wait3A_62] : memref<3x32x1024xf32, #tpu.memory_space<hbm>> -> memref<1x1x1024xf32, #tpu.memory_space<hbm>>
      %dma_wait3A_64 = tpu.memref_squeeze %dma_wait3A_63 : memref<1x1x1024xf32, #tpu.memory_space<hbm>> -> memref<1024xf32, #tpu.memory_space<hbm>>
      tpu.wait_dma2 semaphore(%run_scoped3A_45 : memref<!tpu.dma_semaphore, #tpu.memory_space<semaphore_mem>>) src(%dma_wait3A_64 : memref<1024xf32, #tpu.memory_space<hbm>>) dst(%dma_wait3A_61 : memref<1024xf32, #tpu.memory_space<vmem>>)
      tpu.yield
    }) : () -> ()
    %scan3A = arith.constant 0 : i32
    %scan3A_5 = arith.constant 0 : i32
    %scan3A_6 = arith.constant 32 : i32
    %scan3A_7 = arith.addi %scan3A_5, %scan3A_6 : i32
    %scan3A_8 = arith.constant 1 : i32
    %scan3A_9 = scf.for %scan3A_45 = %scan3A_5 to %scan3A_7 step %scan3A_8 iter_args(%scan3A_46 = %scan3A) -> (i32)  : i32 {
      %dma_start3A_47 = arith.constant 0 : i32
      %dma_start3A_48 = tpu.memref_slice %arg10[%scan3A_45, %dma_start3A_47] : memref<32x32xi32, #tpu.memory_space<vmem>> -> memref<1x32xi32, #tpu.memory_space<vmem>>
      %dma_start3A_49 = tpu.memref_squeeze %dma_start3A_48 : memref<1x32xi32, #tpu.memory_space<vmem>> -> memref<32xi32, #tpu.memory_space<vmem>>
      %dma_start3A_50 = arith.constant 0 : i32
      %dma_start3A_51 = tpu.memref_slice %arg9[%scan3A_45, %dma_start3A_50] : memref<32x32xi32, #tpu.memory_space<vmem>> -> memref<1x32xi32, #tpu.memory_space<vmem>>
      %dma_start3A_52 = tpu.memref_squeeze %dma_start3A_51 : memref<1x32xi32, #tpu.memory_space<vmem>> -> memref<32xi32, #tpu.memory_space<vmem>>
      %dma_start3A_53 = arith.constant 0 : i32
      %dma_start3A_54 = tpu.memref_slice %arg3[%dma_start3A_53] : memref<100000xi32, #tpu.memory_space<hbm>> -> memref<100000xi32, #tpu.memory_space<hbm>>
      tpu.enqueue_indirect_dma source(%dma_start3A_54 : memref<100000xi32, #tpu.memory_space<hbm>>) target(%dma_start3A_49 : memref<32xi32, #tpu.memory_space<vmem>>) offsets(%dma_start3A_52 : memref<32xi32, #tpu.memory_space<vmem>>) semaphore(%arg25 : memref<!tpu.dma_semaphore, #tpu.memory_space<semaphore_mem>>)
      %dma_start3A_55 = arith.constant 0 : i32
      %dma_start3A_56 = tpu.memref_slice %arg11[%scan3A_45, %dma_start3A_55] : memref<32x32xi32, #tpu.memory_space<vmem>> -> memref<1x32xi32, #tpu.memory_space<vmem>>
      %dma_start3A_57 = tpu.memref_squeeze %dma_start3A_56 : memref<1x32xi32, #tpu.memory_space<vmem>> -> memref<32xi32, #tpu.memory_space<vmem>>
      %dma_start3A_58 = arith.constant 0 : i32
      %dma_start3A_59 = tpu.memref_slice %arg9[%scan3A_45, %dma_start3A_58] : memref<32x32xi32, #tpu.memory_space<vmem>> -> memref<1x32xi32, #tpu.memory_space<vmem>>
      %dma_start3A_60 = tpu.memref_squeeze %dma_start3A_59 : memref<1x32xi32, #tpu.memory_space<vmem>> -> memref<32xi32, #tpu.memory_space<vmem>>
      %dma_start3A_61 = arith.constant 0 : i32
      %dma_start3A_62 = tpu.memref_slice %arg4[%dma_start3A_61] : memref<100000xi32, #tpu.memory_space<hbm>> -> memref<100000xi32, #tpu.memory_space<hbm>>
      tpu.enqueue_indirect_dma source(%dma_start3A_62 : memref<100000xi32, #tpu.memory_space<hbm>>) target(%dma_start3A_57 : memref<32xi32, #tpu.memory_space<vmem>>) offsets(%dma_start3A_60 : memref<32xi32, #tpu.memory_space<vmem>>) semaphore(%arg25 : memref<!tpu.dma_semaphore, #tpu.memory_space<semaphore_mem>>)
      %dma_start3A_63 = arith.constant 0 : i32
      %dma_start3A_64 = tpu.memref_slice %arg12[%scan3A_45, %dma_start3A_63] : memref<32x32xi32, #tpu.memory_space<vmem>> -> memref<1x32xi32, #tpu.memory_space<vmem>>
      %dma_start3A_65 = tpu.memref_squeeze %dma_start3A_64 : memref<1x32xi32, #tpu.memory_space<vmem>> -> memref<32xi32, #tpu.memory_space<vmem>>
      %dma_start3A_66 = arith.constant 0 : i32
      %dma_start3A_67 = tpu.memref_slice %arg9[%scan3A_45, %dma_start3A_66] : memref<32x32xi32, #tpu.memory_space<vmem>> -> memref<1x32xi32, #tpu.memory_space<vmem>>
      %dma_start3A_68 = tpu.memref_squeeze %dma_start3A_67 : memref<1x32xi32, #tpu.memory_space<vmem>> -> memref<32xi32, #tpu.memory_space<vmem>>
      %dma_start3A_69 = arith.constant 0 : i32
      %dma_start3A_70 = tpu.memref_slice %arg5[%dma_start3A_69] : memref<100000xi32, #tpu.memory_space<hbm>> -> memref<100000xi32, #tpu.memory_space<hbm>>
      tpu.enqueue_indirect_dma source(%dma_start3A_70 : memref<100000xi32, #tpu.memory_space<hbm>>) target(%dma_start3A_65 : memref<32xi32, #tpu.memory_space<vmem>>) offsets(%dma_start3A_68 : memref<32xi32, #tpu.memory_space<vmem>>) semaphore(%arg25 : memref<!tpu.dma_semaphore, #tpu.memory_space<semaphore_mem>>)
      %scan3A_71 = arith.constant 0 : i32
      scf.yield %scan3A_71 : i32
    }
    %scan3A_10 = arith.constant 32 : i32
    %scan3A_11 = arith.constant 0 : i32
    %scan3A_12 = arith.constant 0 : i32
    %scan3A_13 = arith.constant 32 : i32
    %scan3A_14 = arith.addi %scan3A_12, %scan3A_13 : i32
    %scan3A_15 = arith.constant 1 : i32
    %scan3A_16 = scf.for %scan3A_45 = %scan3A_12 to %scan3A_14 step %scan3A_15 iter_args(%scan3A_46 = %scan3A_11) -> (i32)  : i32 {
      %dma_wait3A = arith.constant 0 : i32
      %dma_wait3A_47 = arith.constant 0 : i32
      %dma_wait3A_48 = arith.constant 0 : i32
      %dma_wait3A_49 = tpu.memref_slice %arg10[%dma_wait3A_47, %dma_wait3A_48] : memref<32x32xi32, #tpu.memory_space<vmem>> -> memref<1x32xi32, #tpu.memory_space<vmem>>
      %dma_wait3A_50 = tpu.memref_squeeze %dma_wait3A_49 : memref<1x32xi32, #tpu.memory_space<vmem>> -> memref<32xi32, #tpu.memory_space<vmem>>
      %dma_wait3A_51 = arith.constant 0 : i32
      %dma_wait3A_52 = tpu.memref_slice %arg9[%dma_wait3A, %dma_wait3A_51] : memref<32x32xi32, #tpu.memory_space<vmem>> -> memref<1x32xi32, #tpu.memory_space<vmem>>
      %dma_wait3A_53 = tpu.memref_squeeze %dma_wait3A_52 : memref<1x32xi32, #tpu.memory_space<vmem>> -> memref<32xi32, #tpu.memory_space<vmem>>
      %dma_wait3A_54 = arith.constant 0 : i32
      %dma_wait3A_55 = tpu.memref_slice %arg3[%dma_wait3A_54] : memref<100000xi32, #tpu.memory_space<hbm>> -> memref<100000xi32, #tpu.memory_space<hbm>>
      tpu.wait_indirect_dma semaphore(%arg25 : memref<!tpu.dma_semaphore, #tpu.memory_space<semaphore_mem>>) src(%dma_wait3A_55 : memref<100000xi32, #tpu.memory_space<hbm>>) dst(%dma_wait3A_50 : memref<32xi32, #tpu.memory_space<vmem>>)
      %dma_wait3A_56 = arith.constant 0 : i32
      %dma_wait3A_57 = arith.constant 0 : i32
      %dma_wait3A_58 = arith.constant 0 : i32
      %dma_wait3A_59 = tpu.memref_slice %arg11[%dma_wait3A_57, %dma_wait3A_58] : memref<32x32xi32, #tpu.memory_space<vmem>> -> memref<1x32xi32, #tpu.memory_space<vmem>>
      %dma_wait3A_60 = tpu.memref_squeeze %dma_wait3A_59 : memref<1x32xi32, #tpu.memory_space<vmem>> -> memref<32xi32, #tpu.memory_space<vmem>>
      %dma_wait3A_61 = arith.constant 0 : i32
      %dma_wait3A_62 = tpu.memref_slice %arg9[%dma_wait3A_56, %dma_wait3A_61] : memref<32x32xi32, #tpu.memory_space<vmem>> -> memref<1x32xi32, #tpu.memory_space<vmem>>
      %dma_wait3A_63 = tpu.memref_squeeze %dma_wait3A_62 : memref<1x32xi32, #tpu.memory_space<vmem>> -> memref<32xi32, #tpu.memory_space<vmem>>
      %dma_wait3A_64 = arith.constant 0 : i32
      %dma_wait3A_65 = tpu.memref_slice %arg4[%dma_wait3A_64] : memref<100000xi32, #tpu.memory_space<hbm>> -> memref<100000xi32, #tpu.memory_space<hbm>>
      tpu.wait_indirect_dma semaphore(%arg25 : memref<!tpu.dma_semaphore, #tpu.memory_space<semaphore_mem>>) src(%dma_wait3A_65 : memref<100000xi32, #tpu.memory_space<hbm>>) dst(%dma_wait3A_60 : memref<32xi32, #tpu.memory_space<vmem>>)
      %dma_wait3A_66 = arith.constant 0 : i32
      %dma_wait3A_67 = arith.constant 0 : i32
      %dma_wait3A_68 = arith.constant 0 : i32
      %dma_wait3A_69 = tpu.memref_slice %arg12[%dma_wait3A_67, %dma_wait3A_68] : memref<32x32xi32, #tpu.memory_space<vmem>> -> memref<1x32xi32, #tpu.memory_space<vmem>>
      %dma_wait3A_70 = tpu.memref_squeeze %dma_wait3A_69 : memref<1x32xi32, #tpu.memory_space<vmem>> -> memref<32xi32, #tpu.memory_space<vmem>>
      %dma_wait3A_71 = arith.constant 0 : i32
      %dma_wait3A_72 = tpu.memref_slice %arg9[%dma_wait3A_66, %dma_wait3A_71] : memref<32x32xi32, #tpu.memory_space<vmem>> -> memref<1x32xi32, #tpu.memory_space<vmem>>
      %dma_wait3A_73 = tpu.memref_squeeze %dma_wait3A_72 : memref<1x32xi32, #tpu.memory_space<vmem>> -> memref<32xi32, #tpu.memory_space<vmem>>
      %dma_wait3A_74 = arith.constant 0 : i32
      %dma_wait3A_75 = tpu.memref_slice %arg5[%dma_wait3A_74] : memref<100000xi32, #tpu.memory_space<hbm>> -> memref<100000xi32, #tpu.memory_space<hbm>>
      tpu.wait_indirect_dma semaphore(%arg25 : memref<!tpu.dma_semaphore, #tpu.memory_space<semaphore_mem>>) src(%dma_wait3A_75 : memref<100000xi32, #tpu.memory_space<hbm>>) dst(%dma_wait3A_70 : memref<32xi32, #tpu.memory_space<vmem>>)
      %scan3A_76 = arith.constant 0 : i32
      scf.yield %scan3A_76 : i32
    }
    %scan3A_17 = arith.constant 32 : i32
    %dma_start3A = arith.constant 0 : i32
    %dma_start3A_18 = arith.constant 0 : i32
    %dma_start3A_19 = tpu.memref_slice %arg10[%dma_start3A, %dma_start3A_18] : memref<32x32xi32, #tpu.memory_space<vmem>> -> memref<1x32xi32, #tpu.memory_space<vmem>>
    %dma_start3A_20 = tpu.memref_squeeze %dma_start3A_19 : memref<1x32xi32, #tpu.memory_space<vmem>> -> memref<32xi32, #tpu.memory_space<vmem>>
    %dma_start3A_21 = arith.constant 0 : i32
    %dma_start3A_22 = arith.constant 0 : i32
    %dma_start3A_23 = tpu.memref_slice %arg6[%dma_start3A_21, %dma_start3A_22] : memref<50000x384xf32, #tpu.memory_space<hbm>> -> memref<50000x384xf32, #tpu.memory_space<hbm>>
    tpu.enqueue_indirect_dma source(%dma_start3A_23 : memref<50000x384xf32, #tpu.memory_space<hbm>>) target(%arg16 : memref<32x384xf32, #tpu.memory_space<vmem>>) offsets(%dma_start3A_20 : memref<32xi32, #tpu.memory_space<vmem>>) semaphore(%arg23 : memref<!tpu.dma_semaphore, #tpu.memory_space<semaphore_mem>>)
    %dma_start3A_24 = arith.constant 0 : i32
    %dma_start3A_25 = arith.constant 0 : i32
    %dma_start3A_26 = tpu.memref_slice %arg11[%dma_start3A_24, %dma_start3A_25] : memref<32x32xi32, #tpu.memory_space<vmem>> -> memref<1x32xi32, #tpu.memory_space<vmem>>
    %dma_start3A_27 = tpu.memref_squeeze %dma_start3A_26 : memref<1x32xi32, #tpu.memory_space<vmem>> -> memref<32xi32, #tpu.memory_space<vmem>>
    %dma_start3A_28 = arith.constant 0 : i32
    %dma_start3A_29 = arith.constant 0 : i32
    %dma_start3A_30 = tpu.memref_slice %arg6[%dma_start3A_28, %dma_start3A_29] : memref<50000x384xf32, #tpu.memory_space<hbm>> -> memref<50000x384xf32, #tpu.memory_space<hbm>>
    tpu.enqueue_indirect_dma source(%dma_start3A_30 : memref<50000x384xf32, #tpu.memory_space<hbm>>) target(%arg17 : memref<32x384xf32, #tpu.memory_space<vmem>>) offsets(%dma_start3A_27 : memref<32xi32, #tpu.memory_space<vmem>>) semaphore(%arg23 : memref<!tpu.dma_semaphore, #tpu.memory_space<semaphore_mem>>)
    %dma_start3A_31 = arith.constant 0 : i32
    %dma_start3A_32 = arith.constant 0 : i32
    %dma_start3A_33 = tpu.memref_slice %arg12[%dma_start3A_31, %dma_start3A_32] : memref<32x32xi32, #tpu.memory_space<vmem>> -> memref<1x32xi32, #tpu.memory_space<vmem>>
    %dma_start3A_34 = tpu.memref_squeeze %dma_start3A_33 : memref<1x32xi32, #tpu.memory_space<vmem>> -> memref<32xi32, #tpu.memory_space<vmem>>
    %dma_start3A_35 = arith.constant 0 : i32
    %dma_start3A_36 = arith.constant 0 : i32
    %dma_start3A_37 = tpu.memref_slice %arg6[%dma_start3A_35, %dma_start3A_36] : memref<50000x384xf32, #tpu.memory_space<hbm>> -> memref<50000x384xf32, #tpu.memory_space<hbm>>
    tpu.enqueue_indirect_dma source(%dma_start3A_37 : memref<50000x384xf32, #tpu.memory_space<hbm>>) target(%arg18 : memref<32x384xf32, #tpu.memory_space<vmem>>) offsets(%dma_start3A_34 : memref<32xi32, #tpu.memory_space<vmem>>) semaphore(%arg23 : memref<!tpu.dma_semaphore, #tpu.memory_space<semaphore_mem>>)
    %scan3A_38 = arith.constant 0 : i32
    %scan3A_39 = arith.constant 0 : i32
    %scan3A_40 = arith.constant 16 : i32
    %scan3A_41 = arith.addi %scan3A_39, %scan3A_40 : i32
    %scan3A_42 = arith.constant 1 : i32
    %scan3A_43 = scf.for %scan3A_45 = %scan3A_39 to %scan3A_41 step %scan3A_42 iter_args(%scan3A_46 = %scan3A_38) -> (i32)  : i32 {
      %mul3A_47 = arith.constant 2 : i32
      %mul3A_48 = arith.muli %mul3A_47, %scan3A_45 : i32
      %add3A_49 = arith.constant 1 : i32
      %add3A_50 = arith.addi %mul3A_48, %add3A_49 : i32
      %dma_start3A_51 = arith.constant 0 : i32
      %dma_start3A_52 = tpu.memref_slice %arg10[%add3A_50, %dma_start3A_51] : memref<32x32xi32, #tpu.memory_space<vmem>> -> memref<1x32xi32, #tpu.memory_space<vmem>>
      %dma_start3A_53 = tpu.memref_squeeze %dma_start3A_52 : memref<1x32xi32, #tpu.memory_space<vmem>> -> memref<32xi32, #tpu.memory_space<vmem>>
      %dma_start3A_54 = arith.constant 0 : i32
      %dma_start3A_55 = arith.constant 0 : i32
      %dma_start3A_56 = tpu.memref_slice %arg6[%dma_start3A_54, %dma_start3A_55] : memref<50000x384xf32, #tpu.memory_space<hbm>> -> memref<50000x384xf32, #tpu.memory_space<hbm>>
      tpu.enqueue_indirect_dma source(%dma_start3A_56 : memref<50000x384xf32, #tpu.memory_space<hbm>>) target(%arg19 : memref<32x384xf32, #tpu.memory_space<vmem>>) offsets(%dma_start3A_53 : memref<32xi32, #tpu.memory_space<vmem>>) semaphore(%arg24 : memref<!tpu.dma_semaphore, #tpu.memory_space<semaphore_mem>>)
      %dma_start3A_57 = arith.constant 0 : i32
      %dma_start3A_58 = tpu.memref_slice %arg11[%add3A_50, %dma_start3A_57] : memref<32x32xi32, #tpu.memory_space<vmem>> -> memref<1x32xi32, #tpu.memory_space<vmem>>
      %dma_start3A_59 = tpu.memref_squeeze %dma_start3A_58 : memref<1x32xi32, #tpu.memory_space<vmem>> -> memref<32xi32, #tpu.memory_space<vmem>>
      %dma_start3A_60 = arith.constant 0 : i32
      %dma_start3A_61 = arith.constant 0 : i32
      %dma_start3A_62 = tpu.memref_slice %arg6[%dma_start3A_60, %dma_start3A_61] : memref<50000x384xf32, #tpu.memory_space<hbm>> -> memref<50000x384xf32, #tpu.memory_space<hbm>>
      tpu.enqueue_indirect_dma source(%dma_start3A_62 : memref<50000x384xf32, #tpu.memory_space<hbm>>) target(%arg20 : memref<32x384xf32, #tpu.memory_space<vmem>>) offsets(%dma_start3A_59 : memref<32xi32, #tpu.memory_space<vmem>>) semaphore(%arg24 : memref<!tpu.dma_semaphore, #tpu.memory_space<semaphore_mem>>)
      %dma_start3A_63 = arith.constant 0 : i32
      %dma_start3A_64 = tpu.memref_slice %arg12[%add3A_50, %dma_start3A_63] : memref<32x32xi32, #tpu.memory_space<vmem>> -> memref<1x32xi32, #tpu.memory_space<vmem>>
      %dma_start3A_65 = tpu.memref_squeeze %dma_start3A_64 : memref<1x32xi32, #tpu.memory_space<vmem>> -> memref<32xi32, #tpu.memory_space<vmem>>
      %dma_start3A_66 = arith.constant 0 : i32
      %dma_start3A_67 = arith.constant 0 : i32
      %dma_start3A_68 = tpu.memref_slice %arg6[%dma_start3A_66, %dma_start3A_67] : memref<50000x384xf32, #tpu.memory_space<hbm>> -> memref<50000x384xf32, #tpu.memory_space<hbm>>
      tpu.enqueue_indirect_dma source(%dma_start3A_68 : memref<50000x384xf32, #tpu.memory_space<hbm>>) target(%arg21 : memref<32x384xf32, #tpu.memory_space<vmem>>) offsets(%dma_start3A_65 : memref<32xi32, #tpu.memory_space<vmem>>) semaphore(%arg24 : memref<!tpu.dma_semaphore, #tpu.memory_space<semaphore_mem>>)
      %dma_wait3A = arith.constant 0 : i32
      %dma_wait3A_69 = arith.constant 0 : i32
      %dma_wait3A_70 = tpu.memref_slice %arg10[%dma_wait3A, %dma_wait3A_69] : memref<32x32xi32, #tpu.memory_space<vmem>> -> memref<1x32xi32, #tpu.memory_space<vmem>>
      %dma_wait3A_71 = tpu.memref_squeeze %dma_wait3A_70 : memref<1x32xi32, #tpu.memory_space<vmem>> -> memref<32xi32, #tpu.memory_space<vmem>>
      %dma_wait3A_72 = arith.constant 0 : i32
      %dma_wait3A_73 = arith.constant 0 : i32
      %dma_wait3A_74 = tpu.memref_slice %arg6[%dma_wait3A_72, %dma_wait3A_73] : memref<50000x384xf32, #tpu.memory_space<hbm>> -> memref<50000x384xf32, #tpu.memory_space<hbm>>
      tpu.wait_indirect_dma semaphore(%arg23 : memref<!tpu.dma_semaphore, #tpu.memory_space<semaphore_mem>>) src(%dma_wait3A_74 : memref<50000x384xf32, #tpu.memory_space<hbm>>) dst(%arg16 : memref<32x384xf32, #tpu.memory_space<vmem>>)
      %dma_wait3A_75 = arith.constant 0 : i32
      %dma_wait3A_76 = arith.constant 0 : i32
      %dma_wait3A_77 = tpu.memref_slice %arg11[%dma_wait3A_75, %dma_wait3A_76] : memref<32x32xi32, #tpu.memory_space<vmem>> -> memref<1x32xi32, #tpu.memory_space<vmem>>
      %dma_wait3A_78 = tpu.memref_squeeze %dma_wait3A_77 : memref<1x32xi32, #tpu.memory_space<vmem>> -> memref<32xi32, #tpu.memory_space<vmem>>
      %dma_wait3A_79 = arith.constant 0 : i32
      %dma_wait3A_80 = arith.constant 0 : i32
      %dma_wait3A_81 = tpu.memref_slice %arg6[%dma_wait3A_79, %dma_wait3A_80] : memref<50000x384xf32, #tpu.memory_space<hbm>> -> memref<50000x384xf32, #tpu.memory_space<hbm>>
      tpu.wait_indirect_dma semaphore(%arg23 : memref<!tpu.dma_semaphore, #tpu.memory_space<semaphore_mem>>) src(%dma_wait3A_81 : memref<50000x384xf32, #tpu.memory_space<hbm>>) dst(%arg17 : memref<32x384xf32, #tpu.memory_space<vmem>>)
      %dma_wait3A_82 = arith.constant 0 : i32
      %dma_wait3A_83 = arith.constant 0 : i32
      %dma_wait3A_84 = tpu.memref_slice %arg12[%dma_wait3A_82, %dma_wait3A_83] : memref<32x32xi32, #tpu.memory_space<vmem>> -> memref<1x32xi32, #tpu.memory_space<vmem>>
      %dma_wait3A_85 = tpu.memref_squeeze %dma_wait3A_84 : memref<1x32xi32, #tpu.memory_space<vmem>> -> memref<32xi32, #tpu.memory_space<vmem>>
      %dma_wait3A_86 = arith.constant 0 : i32
      %dma_wait3A_87 = arith.constant 0 : i32
      %dma_wait3A_88 = tpu.memref_slice %arg6[%dma_wait3A_86, %dma_wait3A_87] : memref<50000x384xf32, #tpu.memory_space<hbm>> -> memref<50000x384xf32, #tpu.memory_space<hbm>>
      tpu.wait_indirect_dma semaphore(%arg23 : memref<!tpu.dma_semaphore, #tpu.memory_space<semaphore_mem>>) src(%dma_wait3A_88 : memref<50000x384xf32, #tpu.memory_space<hbm>>) dst(%arg18 : memref<32x384xf32, #tpu.memory_space<vmem>>)
      %scan3A_89 = arith.constant 0 : i32
      %scan3A_90 = arith.constant 0 : i32
      %scan3A_91 = arith.constant 32 : i32
      %scan3A_92 = arith.addi %scan3A_90, %scan3A_91 : i32
      %scan3A_93 = arith.constant 1 : i32
      %scan3A_94 = scf.for %scan3A_137 = %scan3A_90 to %scan3A_92 step %scan3A_93 iter_args(%scan3A_138 = %scan3A_89) -> (i32)  : i32 {
        %mul3A_139 = arith.constant 32 : i32
        %mul3A_140 = arith.muli %mul3A_48, %mul3A_139 : i32
        %add3A_141 = arith.addi %mul3A_140, %scan3A_137 : i32
        %get3A = arith.index_cast %add3A_141 : i32 to index
        %get3A_142 = tpu.vector_load %arg13[%get3A] {strides = array<i32>} : memref<1040xf32, #tpu.memory_space<vmem>>, vector<16xf32>,
        %get3A_143 = vector.shape_cast %get3A_142 : vector<16xf32> to vector<16xf32>
        %slice3A = vector.extract_strided_slice %get3A_143 {offsets = [0], sizes = [1], strides = [1]} : vector<16xf32> to vector<1xf32>
        %squeeze3A = vector.extract %slice3A[0] : f32 from vector<1xf32>
        %broadcast_in_dim3A = vector.broadcast %squeeze3A : f32 to vector<16xf32>
        %get3A_144 = arith.index_cast %add3A_141 : i32 to index
        %get3A_145 = tpu.vector_load %arg14[%get3A_144] {strides = array<i32>} : memref<1040xf32, #tpu.memory_space<vmem>>, vector<16xf32>,
        %get3A_146 = vector.shape_cast %get3A_145 : vector<16xf32> to vector<16xf32>
        %slice3A_147 = vector.extract_strided_slice %get3A_146 {offsets = [0], sizes = [1], strides = [1]} : vector<16xf32> to vector<1xf32>
        %squeeze3A_148 = vector.extract %slice3A_147[0] : f32 from vector<1xf32>
        %broadcast_in_dim3A_149 = vector.broadcast %squeeze3A_148 : f32 to vector<16xf32>
        %get3A_150 = arith.index_cast %add3A_141 : i32 to index
        %get3A_151 = tpu.vector_load %arg15[%get3A_150] {strides = array<i32>} : memref<1040xf32, #tpu.memory_space<vmem>>, vector<16xf32>,
        %get3A_152 = vector.shape_cast %get3A_151 : vector<16xf32> to vector<16xf32>
        %slice3A_153 = vector.extract_strided_slice %get3A_152 {offsets = [0], sizes = [1], strides = [1]} : vector<16xf32> to vector<1xf32>
        %squeeze3A_154 = vector.extract %slice3A_153[0] : f32 from vector<1xf32>
        %broadcast_in_dim3A_155 = vector.broadcast %squeeze3A_154 : f32 to vector<16xf32>
        %get3A_156 = arith.index_cast %scan3A_137 : i32 to index
        %get3A_157 = arith.constant 0 : index
        %get3A_158 = tpu.vector_load %arg16[%get3A_156, %get3A_157] {strides = array<i32>} : memref<32x384xf32, #tpu.memory_space<vmem>>, vector<1x16xf32>,
        %get3A_159 = vector.shape_cast %get3A_158 : vector<1x16xf32> to vector<16xf32>
        %mul3A_160 = arith.mulf %get3A_159, %broadcast_in_dim3A : vector<16xf32>
        %get3A_161 = arith.index_cast %scan3A_137 : i32 to index
        %get3A_162 = arith.constant 0 : index
        %get3A_163 = tpu.vector_load %arg17[%get3A_161, %get3A_162] {strides = array<i32>} : memref<32x384xf32, #tpu.memory_space<vmem>>, vector<1x16xf32>,
        %get3A_164 = vector.shape_cast %get3A_163 : vector<1x16xf32> to vector<16xf32>
        %mul3A_165 = arith.mulf %get3A_164, %broadcast_in_dim3A_149 : vector<16xf32>
        %add3A_166 = arith.addf %mul3A_160, %mul3A_165 : vector<16xf32>
        %get3A_167 = arith.index_cast %scan3A_137 : i32 to index
        %get3A_168 = arith.constant 0 : index
        %get3A_169 = tpu.vector_load %arg18[%get3A_167, %get3A_168] {strides = array<i32>} : memref<32x384xf32, #tpu.memory_space<vmem>>, vector<1x16xf32>,
        %get3A_170 = vector.shape_cast %get3A_169 : vector<1x16xf32> to vector<16xf32>
        %mul3A_171 = arith.mulf %get3A_170, %broadcast_in_dim3A_155 : vector<16xf32>
        %add3A_172 = arith.addf %add3A_166, %mul3A_171 : vector<16xf32>
        %swap3A = arith.index_cast %scan3A_137 : i32 to index
        %swap3A_173 = arith.constant 0 : index
        %swap3A_174 = tpu.vector_load %arg22[%swap3A, %swap3A_173] {strides = array<i32>} : memref<32x336xf32, #tpu.memory_space<vmem>>, vector<1x16xf32>,
        %swap3A_175 = vector.shape_cast %swap3A_174 : vector<1x16xf32> to vector<16xf32>
        %swap3A_176 = vector.shape_cast %add3A_172 : vector<16xf32> to vector<1x16xf32>
        tpu.vector_store %arg22[%swap3A, %swap3A_173], %swap3A_176 {strides = array<i32>} : memref<32x336xf32, #tpu.memory_space<vmem>>, vector<1x16xf32>,
        %get3A_177 = arith.index_cast %scan3A_137 : i32 to index
        %get3A_178 = arith.constant 16 : index
        %get3A_179 = tpu.vector_load %arg16[%get3A_177, %get3A_178] {strides = array<i32>} : memref<32x384xf32, #tpu.memory_space<vmem>>, vector<1x16xf32>,
        %get3A_180 = vector.shape_cast %get3A_179 : vector<1x16xf32> to vector<16xf32>
        %mul3A_181 = arith.mulf %get3A_180, %broadcast_in_dim3A : vector<16xf32>
        %get3A_182 = arith.index_cast %scan3A_137 : i32 to index
        %get3A_183 = arith.constant 16 : index
        %get3A_184 = tpu.vector_load %arg17[%get3A_182, %get3A_183] {strides = array<i32>} : memref<32x384xf32, #tpu.memory_space<vmem>>, vector<1x16xf32>,
        %get3A_185 = vector.shape_cast %get3A_184 : vector<1x16xf32> to vector<16xf32>
        %mul3A_186 = arith.mulf %get3A_185, %broadcast_in_dim3A_149 : vector<16xf32>
        %add3A_187 = arith.addf %mul3A_181, %mul3A_186 : vector<16xf32>
        %get3A_188 = arith.index_cast %scan3A_137 : i32 to index
        %get3A_189 = arith.constant 16 : index
        %get3A_190 = tpu.vector_load %arg18[%get3A_188, %get3A_189] {strides = array<i32>} : memref<32x384xf32, #tpu.memory_space<vmem>>, vector<1x16xf32>,
        %get3A_191 = vector.shape_cast %get3A_190 : vector<1x16xf32> to vector<16xf32>
        %mul3A_192 = arith.mulf %get3A_191, %broadcast_in_dim3A_155 : vector<16xf32>
        %add3A_193 = arith.addf %add3A_187, %mul3A_192 : vector<16xf32>
        %swap3A_194 = arith.index_cast %scan3A_137 : i32 to index
        %swap3A_195 = arith.constant 16 : index
        %swap3A_196 = tpu.vector_load %arg22[%swap3A_194, %swap3A_195] {strides = array<i32>} : memref<32x336xf32, #tpu.memory_space<vmem>>, vector<1x16xf32>,
        %swap3A_197 = vector.shape_cast %swap3A_196 : vector<1x16xf32> to vector<16xf32>
        %swap3A_198 = vector.shape_cast %add3A_193 : vector<16xf32> to vector<1x16xf32>
        tpu.vector_store %arg22[%swap3A_194, %swap3A_195], %swap3A_198 {strides = array<i32>} : memref<32x336xf32, #tpu.memory_space<vmem>>, vector<1x16xf32>,
        %get3A_199 = arith.index_cast %scan3A_137 : i32 to index
        %get3A_200 = arith.constant 32 : index
        %get3A_201 = tpu.vector_load %arg16[%get3A_199, %get3A_200] {strides = array<i32>} : memref<32x384xf32, #tpu.memory_space<vmem>>, vector<1x16xf32>,
        %get3A_202 = vector.shape_cast %get3A_201 : vector<1x16xf32> to vector<16xf32>
        %mul3A_203 = arith.mulf %get3A_202, %broadcast_in_dim3A : vector<16xf32>
        %get3A_204 = arith.index_cast %scan3A_137 : i32 to index
        %get3A_205 = arith.constant 32 : index
        %get3A_206 = tpu.vector_load %arg17[%get3A_204, %get3A_205] {strides = array<i32>} : memref<32x384xf32, #tpu.memory_space<vmem>>, vector<1x16xf32>,
        %get3A_207 = vector.shape_cast %get3A_206 : vector<1x16xf32> to vector<16xf32>
        %mul3A_208 = arith.mulf %get3A_207, %broadcast_in_dim3A_149 : vector<16xf32>
        %add3A_209 = arith.addf %mul3A_203, %mul3A_208 : vector<16xf32>
        %get3A_210 = arith.index_cast %scan3A_137 : i32 to index
        %get3A_211 = arith.constant 32 : index
        %get3A_212 = tpu.vector_load %arg18[%get3A_210, %get3A_211] {strides = array<i32>} : memref<32x384xf32, #tpu.memory_space<vmem>>, vector<1x16xf32>,
        %get3A_213 = vector.shape_cast %get3A_212 : vector<1x16xf32> to vector<16xf32>
        %mul3A_214 = arith.mulf %get3A_213, %broadcast_in_dim3A_155 : vector<16xf32>
        %add3A_215 = arith.addf %add3A_209, %mul3A_214 : vector<16xf32>
        %swap3A_216 = arith.index_cast %scan3A_137 : i32 to index
        %swap3A_217 = arith.constant 32 : index
        %swap3A_218 = tpu.vector_load %arg22[%swap3A_216, %swap3A_217] {strides = array<i32>} : memref<32x336xf32, #tpu.memory_space<vmem>>, vector<1x16xf32>,
        %swap3A_219 = vector.shape_cast %swap3A_218 : vector<1x16xf32> to vector<16xf32>
        %swap3A_220 = vector.shape_cast %add3A_215 : vector<16xf32> to vector<1x16xf32>
        tpu.vector_store %arg22[%swap3A_216, %swap3A_217], %swap3A_220 {strides = array<i32>} : memref<32x336xf32, #tpu.memory_space<vmem>>, vector<1x16xf32>,
        %get3A_221 = arith.index_cast %scan3A_137 : i32 to index
        %get3A_222 = arith.constant 48 : index
        %get3A_223 = tpu.vector_load %arg16[%get3A_221, %get3A_222] {strides = array<i32>} : memref<32x384xf32, #tpu.memory_space<vmem>>, vector<1x16xf32>,
        %get3A_224 = vector.shape_cast %get3A_223 : vector<1x16xf32> to vector<16xf32>
        %mul3A_225 = arith.mulf %get3A_224, %broadcast_in_dim3A : vector<16xf32>
        %get3A_226 = arith.index_cast %scan3A_137 : i32 to index
        %get3A_227 = arith.constant 48 : index
        %get3A_228 = tpu.vector_load %arg17[%get3A_226, %get3A_227] {strides = array<i32>} : memref<32x384xf32, #tpu.memory_space<vmem>>, vector<1x16xf32>,
        %get3A_229 = vector.shape_cast %get3A_228 : vector<1x16xf32> to vector<16xf32>
        %mul3A_230 = arith.mulf %get3A_229, %broadcast_in_dim3A_149 : vector<16xf32>
        %add3A_231 = arith.addf %mul3A_225, %mul3A_230 : vector<16xf32>
        %get3A_232 = arith.index_cast %scan3A_137 : i32 to index
        %get3A_233 = arith.constant 48 : index
        %get3A_234 = tpu.vector_load %arg18[%get3A_232, %get3A_233] {strides = array<i32>} : memref<32x384xf32, #tpu.memory_space<vmem>>, vector<1x16xf32>,
        %get3A_235 = vector.shape_cast %get3A_234 : vector<1x16xf32> to vector<16xf32>
        %mul3A_236 = arith.mulf %get3A_235, %broadcast_in_dim3A_155 : vector<16xf32>
        %add3A_237 = arith.addf %add3A_231, %mul3A_236 : vector<16xf32>
        %swap3A_238 = arith.index_cast %scan3A_137 : i32 to index
        %swap3A_239 = arith.constant 48 : index
        %swap3A_240 = tpu.vector_load %arg22[%swap3A_238, %swap3A_239] {strides = array<i32>} : memref<32x336xf32, #tpu.memory_space<vmem>>, vector<1x16xf32>,
        %swap3A_241 = vector.shape_cast %swap3A_240 : vector<1x16xf32> to vector<16xf32>
        %swap3A_242 = vector.shape_cast %add3A_237 : vector<16xf32> to vector<1x16xf32>
        tpu.vector_store %arg22[%swap3A_238, %swap3A_239], %swap3A_242 {strides = array<i32>} : memref<32x336xf32, #tpu.memory_space<vmem>>, vector<1x16xf32>,
        %get3A_243 = arith.index_cast %scan3A_137 : i32 to index
        %get3A_244 = arith.constant 64 : index
        %get3A_245 = tpu.vector_load %arg16[%get3A_243, %get3A_244] {strides = array<i32>} : memref<32x384xf32, #tpu.memory_space<vmem>>, vector<1x16xf32>,
        %get3A_246 = vector.shape_cast %get3A_245 : vector<1x16xf32> to vector<16xf32>
        %mul3A_247 = arith.mulf %get3A_246, %broadcast_in_dim3A : vector<16xf32>
        %get3A_248 = arith.index_cast %scan3A_137 : i32 to index
        %get3A_249 = arith.constant 64 : index
        %get3A_250 = tpu.vector_load %arg17[%get3A_248, %get3A_249] {strides = array<i32>} : memref<32x384xf32, #tpu.memory_space<vmem>>, vector<1x16xf32>,
        %get3A_251 = vector.shape_cast %get3A_250 : vector<1x16xf32> to vector<16xf32>
        %mul3A_252 = arith.mulf %get3A_251, %broadcast_in_dim3A_149 : vector<16xf32>
        %add3A_253 = arith.addf %mul3A_247, %mul3A_252 : vector<16xf32>
        %get3A_254 = arith.index_cast %scan3A_137 : i32 to index
        %get3A_255 = arith.constant 64 : index
        %get3A_256 = tpu.vector_load %arg18[%get3A_254, %get3A_255] {strides = array<i32>} : memref<32x384xf32, #tpu.memory_space<vmem>>, vector<1x16xf32>,
        %get3A_257 = vector.shape_cast %get3A_256 : vector<1x16xf32> to vector<16xf32>
        %mul3A_258 = arith.mulf %get3A_257, %broadcast_in_dim3A_155 : vector<16xf32>
        %add3A_259 = arith.addf %add3A_253, %mul3A_258 : vector<16xf32>
        %swap3A_260 = arith.index_cast %scan3A_137 : i32 to index
        %swap3A_261 = arith.constant 64 : index
        %swap3A_262 = tpu.vector_load %arg22[%swap3A_260, %swap3A_261] {strides = array<i32>} : memref<32x336xf32, #tpu.memory_space<vmem>>, vector<1x16xf32>,
        %swap3A_263 = vector.shape_cast %swap3A_262 : vector<1x16xf32> to vector<16xf32>
        %swap3A_264 = vector.shape_cast %add3A_259 : vector<16xf32> to vector<1x16xf32>
        tpu.vector_store %arg22[%swap3A_260, %swap3A_261], %swap3A_264 {strides = array<i32>} : memref<32x336xf32, #tpu.memory_space<vmem>>, vector<1x16xf32>,
        %get3A_265 = arith.index_cast %scan3A_137 : i32 to index
        %get3A_266 = arith.constant 80 : index
        %get3A_267 = tpu.vector_load %arg16[%get3A_265, %get3A_266] {strides = array<i32>} : memref<32x384xf32, #tpu.memory_space<vmem>>, vector<1x16xf32>,
        %get3A_268 = vector.shape_cast %get3A_267 : vector<1x16xf32> to vector<16xf32>
        %mul3A_269 = arith.mulf %get3A_268, %broadcast_in_dim3A : vector<16xf32>
        %get3A_270 = arith.index_cast %scan3A_137 : i32 to index
        %get3A_271 = arith.constant 80 : index
        %get3A_272 = tpu.vector_load %arg17[%get3A_270, %get3A_271] {strides = array<i32>} : memref<32x384xf32, #tpu.memory_space<vmem>>, vector<1x16xf32>,
        %get3A_273 = vector.shape_cast %get3A_272 : vector<1x16xf32> to vector<16xf32>
        %mul3A_274 = arith.mulf %get3A_273, %broadcast_in_dim3A_149 : vector<16xf32>
        %add3A_275 = arith.addf %mul3A_269, %mul3A_274 : vector<16xf32>
        %get3A_276 = arith.index_cast %scan3A_137 : i32 to index
        %get3A_277 = arith.constant 80 : index
        %get3A_278 = tpu.vector_load %arg18[%get3A_276, %get3A_277] {strides = array<i32>} : memref<32x384xf32, #tpu.memory_space<vmem>>, vector<1x16xf32>,
        %get3A_279 = vector.shape_cast %get3A_278 : vector<1x16xf32> to vector<16xf32>
        %mul3A_280 = arith.mulf %get3A_279, %broadcast_in_dim3A_155 : vector<16xf32>
        %add3A_281 = arith.addf %add3A_275, %mul3A_280 : vector<16xf32>
        %swap3A_282 = arith.index_cast %scan3A_137 : i32 to index
        %swap3A_283 = arith.constant 80 : index
        %swap3A_284 = tpu.vector_load %arg22[%swap3A_282, %swap3A_283] {strides = array<i32>} : memref<32x336xf32, #tpu.memory_space<vmem>>, vector<1x16xf32>,
        %swap3A_285 = vector.shape_cast %swap3A_284 : vector<1x16xf32> to vector<16xf32>
        %swap3A_286 = vector.shape_cast %add3A_281 : vector<16xf32> to vector<1x16xf32>
        tpu.vector_store %arg22[%swap3A_282, %swap3A_283], %swap3A_286 {strides = array<i32>} : memref<32x336xf32, #tpu.memory_space<vmem>>, vector<1x16xf32>,
        %get3A_287 = arith.index_cast %scan3A_137 : i32 to index
        %get3A_288 = arith.constant 96 : index
        %get3A_289 = tpu.vector_load %arg16[%get3A_287, %get3A_288] {strides = array<i32>} : memref<32x384xf32, #tpu.memory_space<vmem>>, vector<1x16xf32>,
        %get3A_290 = vector.shape_cast %get3A_289 : vector<1x16xf32> to vector<16xf32>
        %mul3A_291 = arith.mulf %get3A_290, %broadcast_in_dim3A : vector<16xf32>
        %get3A_292 = arith.index_cast %scan3A_137 : i32 to index
        %get3A_293 = arith.constant 96 : index
        %get3A_294 = tpu.vector_load %arg17[%get3A_292, %get3A_293] {strides = array<i32>} : memref<32x384xf32, #tpu.memory_space<vmem>>, vector<1x16xf32>,
        %get3A_295 = vector.shape_cast %get3A_294 : vector<1x16xf32> to vector<16xf32>
        %mul3A_296 = arith.mulf %get3A_295, %broadcast_in_dim3A_149 : vector<16xf32>
        %add3A_297 = arith.addf %mul3A_291, %mul3A_296 : vector<16xf32>
        %get3A_298 = arith.index_cast %scan3A_137 : i32 to index
        %get3A_299 = arith.constant 96 : index
        %get3A_300 = tpu.vector_load %arg18[%get3A_298, %get3A_299] {strides = array<i32>} : memref<32x384xf32, #tpu.memory_space<vmem>>, vector<1x16xf32>,
        %get3A_301 = vector.shape_cast %get3A_300 : vector<1x16xf32> to vector<16xf32>
        %mul3A_302 = arith.mulf %get3A_301, %broadcast_in_dim3A_155 : vector<16xf32>
        %add3A_303 = arith.addf %add3A_297, %mul3A_302 : vector<16xf32>
        %swap3A_304 = arith.index_cast %scan3A_137 : i32 to index
        %swap3A_305 = arith.constant 96 : index
        %swap3A_306 = tpu.vector_load %arg22[%swap3A_304, %swap3A_305] {strides = array<i32>} : memref<32x336xf32, #tpu.memory_space<vmem>>, vector<1x16xf32>,
        %swap3A_307 = vector.shape_cast %swap3A_306 : vector<1x16xf32> to vector<16xf32>
        %swap3A_308 = vector.shape_cast %add3A_303 : vector<16xf32> to vector<1x16xf32>
        tpu.vector_store %arg22[%swap3A_304, %swap3A_305], %swap3A_308 {strides = array<i32>} : memref<32x336xf32, #tpu.memory_space<vmem>>, vector<1x16xf32>,
        %get3A_309 = arith.index_cast %scan3A_137 : i32 to index
        %get3A_310 = arith.constant 112 : index
        %get3A_311 = tpu.vector_load %arg16[%get3A_309, %get3A_310] {strides = array<i32>} : memref<32x384xf32, #tpu.memory_space<vmem>>, vector<1x16xf32>,
        %get3A_312 = vector.shape_cast %get3A_311 : vector<1x16xf32> to vector<16xf32>
        %mul3A_313 = arith.mulf %get3A_312, %broadcast_in_dim3A : vector<16xf32>
        %get3A_314 = arith.index_cast %scan3A_137 : i32 to index
        %get3A_315 = arith.constant 112 : index
        %get3A_316 = tpu.vector_load %arg17[%get3A_314, %get3A_315] {strides = array<i32>} : memref<32x384xf32, #tpu.memory_space<vmem>>, vector<1x16xf32>,
        %get3A_317 = vector.shape_cast %get3A_316 : vector<1x16xf32> to vector<16xf32>
        %mul3A_318 = arith.mulf %get3A_317, %broadcast_in_dim3A_149 : vector<16xf32>
        %add3A_319 = arith.addf %mul3A_313, %mul3A_318 : vector<16xf32>
        %get3A_320 = arith.index_cast %scan3A_137 : i32 to index
        %get3A_321 = arith.constant 112 : index
        %get3A_322 = tpu.vector_load %arg18[%get3A_320, %get3A_321] {strides = array<i32>} : memref<32x384xf32, #tpu.memory_space<vmem>>, vector<1x16xf32>,
        %get3A_323 = vector.shape_cast %get3A_322 : vector<1x16xf32> to vector<16xf32>
        %mul3A_324 = arith.mulf %get3A_323, %broadcast_in_dim3A_155 : vector<16xf32>
        %add3A_325 = arith.addf %add3A_319, %mul3A_324 : vector<16xf32>
        %swap3A_326 = arith.index_cast %scan3A_137 : i32 to index
        %swap3A_327 = arith.constant 112 : index
        %swap3A_328 = tpu.vector_load %arg22[%swap3A_326, %swap3A_327] {strides = array<i32>} : memref<32x336xf32, #tpu.memory_space<vmem>>, vector<1x16xf32>,
        %swap3A_329 = vector.shape_cast %swap3A_328 : vector<1x16xf32> to vector<16xf32>
        %swap3A_330 = vector.shape_cast %add3A_325 : vector<16xf32> to vector<1x16xf32>
        tpu.vector_store %arg22[%swap3A_326, %swap3A_327], %swap3A_330 {strides = array<i32>} : memref<32x336xf32, #tpu.memory_space<vmem>>, vector<1x16xf32>,
        %get3A_331 = arith.index_cast %scan3A_137 : i32 to index
        %get3A_332 = arith.constant 128 : index
        %get3A_333 = tpu.vector_load %arg16[%get3A_331, %get3A_332] {strides = array<i32>} : memref<32x384xf32, #tpu.memory_space<vmem>>, vector<1x16xf32>,
        %get3A_334 = vector.shape_cast %get3A_333 : vector<1x16xf32> to vector<16xf32>
        %mul3A_335 = arith.mulf %get3A_334, %broadcast_in_dim3A : vector<16xf32>
        %get3A_336 = arith.index_cast %scan3A_137 : i32 to index
        %get3A_337 = arith.constant 128 : index
        %get3A_338 = tpu.vector_load %arg17[%get3A_336, %get3A_337] {strides = array<i32>} : memref<32x384xf32, #tpu.memory_space<vmem>>, vector<1x16xf32>,
        %get3A_339 = vector.shape_cast %get3A_338 : vector<1x16xf32> to vector<16xf32>
        %mul3A_340 = arith.mulf %get3A_339, %broadcast_in_dim3A_149 : vector<16xf32>
        %add3A_341 = arith.addf %mul3A_335, %mul3A_340 : vector<16xf32>
        %get3A_342 = arith.index_cast %scan3A_137 : i32 to index
        %get3A_343 = arith.constant 128 : index
        %get3A_344 = tpu.vector_load %arg18[%get3A_342, %get3A_343] {strides = array<i32>} : memref<32x384xf32, #tpu.memory_space<vmem>>, vector<1x16xf32>,
        %get3A_345 = vector.shape_cast %get3A_344 : vector<1x16xf32> to vector<16xf32>
        %mul3A_346 = arith.mulf %get3A_345, %broadcast_in_dim3A_155 : vector<16xf32>
        %add3A_347 = arith.addf %add3A_341, %mul3A_346 : vector<16xf32>
        %swap3A_348 = arith.index_cast %scan3A_137 : i32 to index
        %swap3A_349 = arith.constant 128 : index
        %swap3A_350 = tpu.vector_load %arg22[%swap3A_348, %swap3A_349] {strides = array<i32>} : memref<32x336xf32, #tpu.memory_space<vmem>>, vector<1x16xf32>,
        %swap3A_351 = vector.shape_cast %swap3A_350 : vector<1x16xf32> to vector<16xf32>
        %swap3A_352 = vector.shape_cast %add3A_347 : vector<16xf32> to vector<1x16xf32>
        tpu.vector_store %arg22[%swap3A_348, %swap3A_349], %swap3A_352 {strides = array<i32>} : memref<32x336xf32, #tpu.memory_space<vmem>>, vector<1x16xf32>,
        %get3A_353 = arith.index_cast %scan3A_137 : i32 to index
        %get3A_354 = arith.constant 144 : index
        %get3A_355 = tpu.vector_load %arg16[%get3A_353, %get3A_354] {strides = array<i32>} : memref<32x384xf32, #tpu.memory_space<vmem>>, vector<1x16xf32>,
        %get3A_356 = vector.shape_cast %get3A_355 : vector<1x16xf32> to vector<16xf32>
        %mul3A_357 = arith.mulf %get3A_356, %broadcast_in_dim3A : vector<16xf32>
        %get3A_358 = arith.index_cast %scan3A_137 : i32 to index
        %get3A_359 = arith.constant 144 : index
        %get3A_360 = tpu.vector_load %arg17[%get3A_358, %get3A_359] {strides = array<i32>} : memref<32x384xf32, #tpu.memory_space<vmem>>, vector<1x16xf32>,
        %get3A_361 = vector.shape_cast %get3A_360 : vector<1x16xf32> to vector<16xf32>
        %mul3A_362 = arith.mulf %get3A_361, %broadcast_in_dim3A_149 : vector<16xf32>
        %add3A_363 = arith.addf %mul3A_357, %mul3A_362 : vector<16xf32>
        %get3A_364 = arith.index_cast %scan3A_137 : i32 to index
        %get3A_365 = arith.constant 144 : index
        %get3A_366 = tpu.vector_load %arg18[%get3A_364, %get3A_365] {strides = array<i32>} : memref<32x384xf32, #tpu.memory_space<vmem>>, vector<1x16xf32>,
        %get3A_367 = vector.shape_cast %get3A_366 : vector<1x16xf32> to vector<16xf32>
        %mul3A_368 = arith.mulf %get3A_367, %broadcast_in_dim3A_155 : vector<16xf32>
        %add3A_369 = arith.addf %add3A_363, %mul3A_368 : vector<16xf32>
        %swap3A_370 = arith.index_cast %scan3A_137 : i32 to index
        %swap3A_371 = arith.constant 144 : index
        %swap3A_372 = tpu.vector_load %arg22[%swap3A_370, %swap3A_371] {strides = array<i32>} : memref<32x336xf32, #tpu.memory_space<vmem>>, vector<1x16xf32>,
        %swap3A_373 = vector.shape_cast %swap3A_372 : vector<1x16xf32> to vector<16xf32>
        %swap3A_374 = vector.shape_cast %add3A_369 : vector<16xf32> to vector<1x16xf32>
        tpu.vector_store %arg22[%swap3A_370, %swap3A_371], %swap3A_374 {strides = array<i32>} : memref<32x336xf32, #tpu.memory_space<vmem>>, vector<1x16xf32>,
        %get3A_375 = arith.index_cast %scan3A_137 : i32 to index
        %get3A_376 = arith.constant 160 : index
        %get3A_377 = tpu.vector_load %arg16[%get3A_375, %get3A_376] {strides = array<i32>} : memref<32x384xf32, #tpu.memory_space<vmem>>, vector<1x16xf32>,
        %get3A_378 = vector.shape_cast %get3A_377 : vector<1x16xf32> to vector<16xf32>
        %mul3A_379 = arith.mulf %get3A_378, %broadcast_in_dim3A : vector<16xf32>
        %get3A_380 = arith.index_cast %scan3A_137 : i32 to index
        %get3A_381 = arith.constant 160 : index
        %get3A_382 = tpu.vector_load %arg17[%get3A_380, %get3A_381] {strides = array<i32>} : memref<32x384xf32, #tpu.memory_space<vmem>>, vector<1x16xf32>,
        %get3A_383 = vector.shape_cast %get3A_382 : vector<1x16xf32> to vector<16xf32>
        %mul3A_384 = arith.mulf %get3A_383, %broadcast_in_dim3A_149 : vector<16xf32>
        %add3A_385 = arith.addf %mul3A_379, %mul3A_384 : vector<16xf32>
        %get3A_386 = arith.index_cast %scan3A_137 : i32 to index
        %get3A_387 = arith.constant 160 : index
        %get3A_388 = tpu.vector_load %arg18[%get3A_386, %get3A_387] {strides = array<i32>} : memref<32x384xf32, #tpu.memory_space<vmem>>, vector<1x16xf32>,
        %get3A_389 = vector.shape_cast %get3A_388 : vector<1x16xf32> to vector<16xf32>
        %mul3A_390 = arith.mulf %get3A_389, %broadcast_in_dim3A_155 : vector<16xf32>
        %add3A_391 = arith.addf %add3A_385, %mul3A_390 : vector<16xf32>
        %swap3A_392 = arith.index_cast %scan3A_137 : i32 to index
        %swap3A_393 = arith.constant 160 : index
        %swap3A_394 = tpu.vector_load %arg22[%swap3A_392, %swap3A_393] {strides = array<i32>} : memref<32x336xf32, #tpu.memory_space<vmem>>, vector<1x16xf32>,
        %swap3A_395 = vector.shape_cast %swap3A_394 : vector<1x16xf32> to vector<16xf32>
        %swap3A_396 = vector.shape_cast %add3A_391 : vector<16xf32> to vector<1x16xf32>
        tpu.vector_store %arg22[%swap3A_392, %swap3A_393], %swap3A_396 {strides = array<i32>} : memref<32x336xf32, #tpu.memory_space<vmem>>, vector<1x16xf32>,
        %get3A_397 = arith.index_cast %scan3A_137 : i32 to index
        %get3A_398 = arith.constant 176 : index
        %get3A_399 = tpu.vector_load %arg16[%get3A_397, %get3A_398] {strides = array<i32>} : memref<32x384xf32, #tpu.memory_space<vmem>>, vector<1x16xf32>,
        %get3A_400 = vector.shape_cast %get3A_399 : vector<1x16xf32> to vector<16xf32>
        %mul3A_401 = arith.mulf %get3A_400, %broadcast_in_dim3A : vector<16xf32>
        %get3A_402 = arith.index_cast %scan3A_137 : i32 to index
        %get3A_403 = arith.constant 176 : index
        %get3A_404 = tpu.vector_load %arg17[%get3A_402, %get3A_403] {strides = array<i32>} : memref<32x384xf32, #tpu.memory_space<vmem>>, vector<1x16xf32>,
        %get3A_405 = vector.shape_cast %get3A_404 : vector<1x16xf32> to vector<16xf32>
        %mul3A_406 = arith.mulf %get3A_405, %broadcast_in_dim3A_149 : vector<16xf32>
        %add3A_407 = arith.addf %mul3A_401, %mul3A_406 : vector<16xf32>
        %get3A_408 = arith.index_cast %scan3A_137 : i32 to index
        %get3A_409 = arith.constant 176 : index
        %get3A_410 = tpu.vector_load %arg18[%get3A_408, %get3A_409] {strides = array<i32>} : memref<32x384xf32, #tpu.memory_space<vmem>>, vector<1x16xf32>,
        %get3A_411 = vector.shape_cast %get3A_410 : vector<1x16xf32> to vector<16xf32>
        %mul3A_412 = arith.mulf %get3A_411, %broadcast_in_dim3A_155 : vector<16xf32>
        %add3A_413 = arith.addf %add3A_407, %mul3A_412 : vector<16xf32>
        %swap3A_414 = arith.index_cast %scan3A_137 : i32 to index
        %swap3A_415 = arith.constant 176 : index
        %swap3A_416 = tpu.vector_load %arg22[%swap3A_414, %swap3A_415] {strides = array<i32>} : memref<32x336xf32, #tpu.memory_space<vmem>>, vector<1x16xf32>,
        %swap3A_417 = vector.shape_cast %swap3A_416 : vector<1x16xf32> to vector<16xf32>
        %swap3A_418 = vector.shape_cast %add3A_413 : vector<16xf32> to vector<1x16xf32>
        tpu.vector_store %arg22[%swap3A_414, %swap3A_415], %swap3A_418 {strides = array<i32>} : memref<32x336xf32, #tpu.memory_space<vmem>>, vector<1x16xf32>,
        %get3A_419 = arith.index_cast %scan3A_137 : i32 to index
        %get3A_420 = arith.constant 192 : index
        %get3A_421 = tpu.vector_load %arg16[%get3A_419, %get3A_420] {strides = array<i32>} : memref<32x384xf32, #tpu.memory_space<vmem>>, vector<1x16xf32>,
        %get3A_422 = vector.shape_cast %get3A_421 : vector<1x16xf32> to vector<16xf32>
        %mul3A_423 = arith.mulf %get3A_422, %broadcast_in_dim3A : vector<16xf32>
        %get3A_424 = arith.index_cast %scan3A_137 : i32 to index
        %get3A_425 = arith.constant 192 : index
        %get3A_426 = tpu.vector_load %arg17[%get3A_424, %get3A_425] {strides = array<i32>} : memref<32x384xf32, #tpu.memory_space<vmem>>, vector<1x16xf32>,
        %get3A_427 = vector.shape_cast %get3A_426 : vector<1x16xf32> to vector<16xf32>
        %mul3A_428 = arith.mulf %get3A_427, %broadcast_in_dim3A_149 : vector<16xf32>
        %add3A_429 = arith.addf %mul3A_423, %mul3A_428 : vector<16xf32>
        %get3A_430 = arith.index_cast %scan3A_137 : i32 to index
        %get3A_431 = arith.constant 192 : index
        %get3A_432 = tpu.vector_load %arg18[%get3A_430, %get3A_431] {strides = array<i32>} : memref<32x384xf32, #tpu.memory_space<vmem>>, vector<1x16xf32>,
        %get3A_433 = vector.shape_cast %get3A_432 : vector<1x16xf32> to vector<16xf32>
        %mul3A_434 = arith.mulf %get3A_433, %broadcast_in_dim3A_155 : vector<16xf32>
        %add3A_435 = arith.addf %add3A_429, %mul3A_434 : vector<16xf32>
        %swap3A_436 = arith.index_cast %scan3A_137 : i32 to index
        %swap3A_437 = arith.constant 192 : index
        %swap3A_438 = tpu.vector_load %arg22[%swap3A_436, %swap3A_437] {strides = array<i32>} : memref<32x336xf32, #tpu.memory_space<vmem>>, vector<1x16xf32>,
        %swap3A_439 = vector.shape_cast %swap3A_438 : vector<1x16xf32> to vector<16xf32>
        %swap3A_440 = vector.shape_cast %add3A_435 : vector<16xf32> to vector<1x16xf32>
        tpu.vector_store %arg22[%swap3A_436, %swap3A_437], %swap3A_440 {strides = array<i32>} : memref<32x336xf32, #tpu.memory_space<vmem>>, vector<1x16xf32>,
        %get3A_441 = arith.index_cast %scan3A_137 : i32 to index
        %get3A_442 = arith.constant 208 : index
        %get3A_443 = tpu.vector_load %arg16[%get3A_441, %get3A_442] {strides = array<i32>} : memref<32x384xf32, #tpu.memory_space<vmem>>, vector<1x16xf32>,
        %get3A_444 = vector.shape_cast %get3A_443 : vector<1x16xf32> to vector<16xf32>
        %mul3A_445 = arith.mulf %get3A_444, %broadcast_in_dim3A : vector<16xf32>
        %get3A_446 = arith.index_cast %scan3A_137 : i32 to index
        %get3A_447 = arith.constant 208 : index
        %get3A_448 = tpu.vector_load %arg17[%get3A_446, %get3A_447] {strides = array<i32>} : memref<32x384xf32, #tpu.memory_space<vmem>>, vector<1x16xf32>,
        %get3A_449 = vector.shape_cast %get3A_448 : vector<1x16xf32> to vector<16xf32>
        %mul3A_450 = arith.mulf %get3A_449, %broadcast_in_dim3A_149 : vector<16xf32>
        %add3A_451 = arith.addf %mul3A_445, %mul3A_450 : vector<16xf32>
        %get3A_452 = arith.index_cast %scan3A_137 : i32 to index
        %get3A_453 = arith.constant 208 : index
        %get3A_454 = tpu.vector_load %arg18[%get3A_452, %get3A_453] {strides = array<i32>} : memref<32x384xf32, #tpu.memory_space<vmem>>, vector<1x16xf32>,
        %get3A_455 = vector.shape_cast %get3A_454 : vector<1x16xf32> to vector<16xf32>
        %mul3A_456 = arith.mulf %get3A_455, %broadcast_in_dim3A_155 : vector<16xf32>
        %add3A_457 = arith.addf %add3A_451, %mul3A_456 : vector<16xf32>
        %swap3A_458 = arith.index_cast %scan3A_137 : i32 to index
        %swap3A_459 = arith.constant 208 : index
        %swap3A_460 = tpu.vector_load %arg22[%swap3A_458, %swap3A_459] {strides = array<i32>} : memref<32x336xf32, #tpu.memory_space<vmem>>, vector<1x16xf32>,
        %swap3A_461 = vector.shape_cast %swap3A_460 : vector<1x16xf32> to vector<16xf32>
        %swap3A_462 = vector.shape_cast %add3A_457 : vector<16xf32> to vector<1x16xf32>
        tpu.vector_store %arg22[%swap3A_458, %swap3A_459], %swap3A_462 {strides = array<i32>} : memref<32x336xf32, #tpu.memory_space<vmem>>, vector<1x16xf32>,
        %get3A_463 = arith.index_cast %scan3A_137 : i32 to index
        %get3A_464 = arith.constant 224 : index
        %get3A_465 = tpu.vector_load %arg16[%get3A_463, %get3A_464] {strides = array<i32>} : memref<32x384xf32, #tpu.memory_space<vmem>>, vector<1x16xf32>,
        %get3A_466 = vector.shape_cast %get3A_465 : vector<1x16xf32> to vector<16xf32>
        %mul3A_467 = arith.mulf %get3A_466, %broadcast_in_dim3A : vector<16xf32>
        %get3A_468 = arith.index_cast %scan3A_137 : i32 to index
        %get3A_469 = arith.constant 224 : index
        %get3A_470 = tpu.vector_load %arg17[%get3A_468, %get3A_469] {strides = array<i32>} : memref<32x384xf32, #tpu.memory_space<vmem>>, vector<1x16xf32>,
        %get3A_471 = vector.shape_cast %get3A_470 : vector<1x16xf32> to vector<16xf32>
        %mul3A_472 = arith.mulf %get3A_471, %broadcast_in_dim3A_149 : vector<16xf32>
        %add3A_473 = arith.addf %mul3A_467, %mul3A_472 : vector<16xf32>
        %get3A_474 = arith.index_cast %scan3A_137 : i32 to index
        %get3A_475 = arith.constant 224 : index
        %get3A_476 = tpu.vector_load %arg18[%get3A_474, %get3A_475] {strides = array<i32>} : memref<32x384xf32, #tpu.memory_space<vmem>>, vector<1x16xf32>,
        %get3A_477 = vector.shape_cast %get3A_476 : vector<1x16xf32> to vector<16xf32>
        %mul3A_478 = arith.mulf %get3A_477, %broadcast_in_dim3A_155 : vector<16xf32>
        %add3A_479 = arith.addf %add3A_473, %mul3A_478 : vector<16xf32>
        %swap3A_480 = arith.index_cast %scan3A_137 : i32 to index
        %swap3A_481 = arith.constant 224 : index
        %swap3A_482 = tpu.vector_load %arg22[%swap3A_480, %swap3A_481] {strides = array<i32>} : memref<32x336xf32, #tpu.memory_space<vmem>>, vector<1x16xf32>,
        %swap3A_483 = vector.shape_cast %swap3A_482 : vector<1x16xf32> to vector<16xf32>
        %swap3A_484 = vector.shape_cast %add3A_479 : vector<16xf32> to vector<1x16xf32>
        tpu.vector_store %arg22[%swap3A_480, %swap3A_481], %swap3A_484 {strides = array<i32>} : memref<32x336xf32, #tpu.memory_space<vmem>>, vector<1x16xf32>,
        %get3A_485 = arith.index_cast %scan3A_137 : i32 to index
        %get3A_486 = arith.constant 240 : index
        %get3A_487 = tpu.vector_load %arg16[%get3A_485, %get3A_486] {strides = array<i32>} : memref<32x384xf32, #tpu.memory_space<vmem>>, vector<1x16xf32>,
        %get3A_488 = vector.shape_cast %get3A_487 : vector<1x16xf32> to vector<16xf32>
        %mul3A_489 = arith.mulf %get3A_488, %broadcast_in_dim3A : vector<16xf32>
        %get3A_490 = arith.index_cast %scan3A_137 : i32 to index
        %get3A_491 = arith.constant 240 : index
        %get3A_492 = tpu.vector_load %arg17[%get3A_490, %get3A_491] {strides = array<i32>} : memref<32x384xf32, #tpu.memory_space<vmem>>, vector<1x16xf32>,
        %get3A_493 = vector.shape_cast %get3A_492 : vector<1x16xf32> to vector<16xf32>
        %mul3A_494 = arith.mulf %get3A_493, %broadcast_in_dim3A_149 : vector<16xf32>
        %add3A_495 = arith.addf %mul3A_489, %mul3A_494 : vector<16xf32>
        %get3A_496 = arith.index_cast %scan3A_137 : i32 to index
        %get3A_497 = arith.constant 240 : index
        %get3A_498 = tpu.vector_load %arg18[%get3A_496, %get3A_497] {strides = array<i32>} : memref<32x384xf32, #tpu.memory_space<vmem>>, vector<1x16xf32>,
        %get3A_499 = vector.shape_cast %get3A_498 : vector<1x16xf32> to vector<16xf32>
        %mul3A_500 = arith.mulf %get3A_499, %broadcast_in_dim3A_155 : vector<16xf32>
        %add3A_501 = arith.addf %add3A_495, %mul3A_500 : vector<16xf32>
        %swap3A_502 = arith.index_cast %scan3A_137 : i32 to index
        %swap3A_503 = arith.constant 240 : index
        %swap3A_504 = tpu.vector_load %arg22[%swap3A_502, %swap3A_503] {strides = array<i32>} : memref<32x336xf32, #tpu.memory_space<vmem>>, vector<1x16xf32>,
        %swap3A_505 = vector.shape_cast %swap3A_504 : vector<1x16xf32> to vector<16xf32>
        %swap3A_506 = vector.shape_cast %add3A_501 : vector<16xf32> to vector<1x16xf32>
        tpu.vector_store %arg22[%swap3A_502, %swap3A_503], %swap3A_506 {strides = array<i32>} : memref<32x336xf32, #tpu.memory_space<vmem>>, vector<1x16xf32>,
        %get3A_507 = arith.index_cast %scan3A_137 : i32 to index
        %get3A_508 = arith.constant 256 : index
        %get3A_509 = tpu.vector_load %arg16[%get3A_507, %get3A_508] {strides = array<i32>} : memref<32x384xf32, #tpu.memory_space<vmem>>, vector<1x16xf32>,
        %get3A_510 = vector.shape_cast %get3A_509 : vector<1x16xf32> to vector<16xf32>
        %mul3A_511 = arith.mulf %get3A_510, %broadcast_in_dim3A : vector<16xf32>
        %get3A_512 = arith.index_cast %scan3A_137 : i32 to index
        %get3A_513 = arith.constant 256 : index
        %get3A_514 = tpu.vector_load %arg17[%get3A_512, %get3A_513] {strides = array<i32>} : memref<32x384xf32, #tpu.memory_space<vmem>>, vector<1x16xf32>,
        %get3A_515 = vector.shape_cast %get3A_514 : vector<1x16xf32> to vector<16xf32>
        %mul3A_516 = arith.mulf %get3A_515, %broadcast_in_dim3A_149 : vector<16xf32>
        %add3A_517 = arith.addf %mul3A_511, %mul3A_516 : vector<16xf32>
        %get3A_518 = arith.index_cast %scan3A_137 : i32 to index
        %get3A_519 = arith.constant 256 : index
        %get3A_520 = tpu.vector_load %arg18[%get3A_518, %get3A_519] {strides = array<i32>} : memref<32x384xf32, #tpu.memory_space<vmem>>, vector<1x16xf32>,
        %get3A_521 = vector.shape_cast %get3A_520 : vector<1x16xf32> to vector<16xf32>
        %mul3A_522 = arith.mulf %get3A_521, %broadcast_in_dim3A_155 : vector<16xf32>
        %add3A_523 = arith.addf %add3A_517, %mul3A_522 : vector<16xf32>
        %swap3A_524 = arith.index_cast %scan3A_137 : i32 to index
        %swap3A_525 = arith.constant 256 : index
        %swap3A_526 = tpu.vector_load %arg22[%swap3A_524, %swap3A_525] {strides = array<i32>} : memref<32x336xf32, #tpu.memory_space<vmem>>, vector<1x16xf32>,
        %swap3A_527 = vector.shape_cast %swap3A_526 : vector<1x16xf32> to vector<16xf32>
        %swap3A_528 = vector.shape_cast %add3A_523 : vector<16xf32> to vector<1x16xf32>
        tpu.vector_store %arg22[%swap3A_524, %swap3A_525], %swap3A_528 {strides = array<i32>} : memref<32x336xf32, #tpu.memory_space<vmem>>, vector<1x16xf32>,
        %get3A_529 = arith.index_cast %scan3A_137 : i32 to index
        %get3A_530 = arith.constant 272 : index
        %get3A_531 = tpu.vector_load %arg16[%get3A_529, %get3A_530] {strides = array<i32>} : memref<32x384xf32, #tpu.memory_space<vmem>>, vector<1x16xf32>,
        %get3A_532 = vector.shape_cast %get3A_531 : vector<1x16xf32> to vector<16xf32>
        %mul3A_533 = arith.mulf %get3A_532, %broadcast_in_dim3A : vector<16xf32>
        %get3A_534 = arith.index_cast %scan3A_137 : i32 to index
        %get3A_535 = arith.constant 272 : index
        %get3A_536 = tpu.vector_load %arg17[%get3A_534, %get3A_535] {strides = array<i32>} : memref<32x384xf32, #tpu.memory_space<vmem>>, vector<1x16xf32>,
        %get3A_537 = vector.shape_cast %get3A_536 : vector<1x16xf32> to vector<16xf32>
        %mul3A_538 = arith.mulf %get3A_537, %broadcast_in_dim3A_149 : vector<16xf32>
        %add3A_539 = arith.addf %mul3A_533, %mul3A_538 : vector<16xf32>
        %get3A_540 = arith.index_cast %scan3A_137 : i32 to index
        %get3A_541 = arith.constant 272 : index
        %get3A_542 = tpu.vector_load %arg18[%get3A_540, %get3A_541] {strides = array<i32>} : memref<32x384xf32, #tpu.memory_space<vmem>>, vector<1x16xf32>,
        %get3A_543 = vector.shape_cast %get3A_542 : vector<1x16xf32> to vector<16xf32>
        %mul3A_544 = arith.mulf %get3A_543, %broadcast_in_dim3A_155 : vector<16xf32>
        %add3A_545 = arith.addf %add3A_539, %mul3A_544 : vector<16xf32>
        %swap3A_546 = arith.index_cast %scan3A_137 : i32 to index
        %swap3A_547 = arith.constant 272 : index
        %swap3A_548 = tpu.vector_load %arg22[%swap3A_546, %swap3A_547] {strides = array<i32>} : memref<32x336xf32, #tpu.memory_space<vmem>>, vector<1x16xf32>,
        %swap3A_549 = vector.shape_cast %swap3A_548 : vector<1x16xf32> to vector<16xf32>
        %swap3A_550 = vector.shape_cast %add3A_545 : vector<16xf32> to vector<1x16xf32>
        tpu.vector_store %arg22[%swap3A_546, %swap3A_547], %swap3A_550 {strides = array<i32>} : memref<32x336xf32, #tpu.memory_space<vmem>>, vector<1x16xf32>,
        %get3A_551 = arith.index_cast %scan3A_137 : i32 to index
        %get3A_552 = arith.constant 288 : index
        %get3A_553 = tpu.vector_load %arg16[%get3A_551, %get3A_552] {strides = array<i32>} : memref<32x384xf32, #tpu.memory_space<vmem>>, vector<1x16xf32>,
        %get3A_554 = vector.shape_cast %get3A_553 : vector<1x16xf32> to vector<16xf32>
        %mul3A_555 = arith.mulf %get3A_554, %broadcast_in_dim3A : vector<16xf32>
        %get3A_556 = arith.index_cast %scan3A_137 : i32 to index
        %get3A_557 = arith.constant 288 : index
        %get3A_558 = tpu.vector_load %arg17[%get3A_556, %get3A_557] {strides = array<i32>} : memref<32x384xf32, #tpu.memory_space<vmem>>, vector<1x16xf32>,
        %get3A_559 = vector.shape_cast %get3A_558 : vector<1x16xf32> to vector<16xf32>
        %mul3A_560 = arith.mulf %get3A_559, %broadcast_in_dim3A_149 : vector<16xf32>
        %add3A_561 = arith.addf %mul3A_555, %mul3A_560 : vector<16xf32>
        %get3A_562 = arith.index_cast %scan3A_137 : i32 to index
        %get3A_563 = arith.constant 288 : index
        %get3A_564 = tpu.vector_load %arg18[%get3A_562, %get3A_563] {strides = array<i32>} : memref<32x384xf32, #tpu.memory_space<vmem>>, vector<1x16xf32>,
        %get3A_565 = vector.shape_cast %get3A_564 : vector<1x16xf32> to vector<16xf32>
        %mul3A_566 = arith.mulf %get3A_565, %broadcast_in_dim3A_155 : vector<16xf32>
        %add3A_567 = arith.addf %add3A_561, %mul3A_566 : vector<16xf32>
        %swap3A_568 = arith.index_cast %scan3A_137 : i32 to index
        %swap3A_569 = arith.constant 288 : index
        %swap3A_570 = tpu.vector_load %arg22[%swap3A_568, %swap3A_569] {strides = array<i32>} : memref<32x336xf32, #tpu.memory_space<vmem>>, vector<1x16xf32>,
        %swap3A_571 = vector.shape_cast %swap3A_570 : vector<1x16xf32> to vector<16xf32>
        %swap3A_572 = vector.shape_cast %add3A_567 : vector<16xf32> to vector<1x16xf32>
        tpu.vector_store %arg22[%swap3A_568, %swap3A_569], %swap3A_572 {strides = array<i32>} : memref<32x336xf32, #tpu.memory_space<vmem>>, vector<1x16xf32>,
        %get3A_573 = arith.index_cast %scan3A_137 : i32 to index
        %get3A_574 = arith.constant 304 : index
        %get3A_575 = tpu.vector_load %arg16[%get3A_573, %get3A_574] {strides = array<i32>} : memref<32x384xf32, #tpu.memory_space<vmem>>, vector<1x16xf32>,
        %get3A_576 = vector.shape_cast %get3A_575 : vector<1x16xf32> to vector<16xf32>
        %mul3A_577 = arith.mulf %get3A_576, %broadcast_in_dim3A : vector<16xf32>
        %get3A_578 = arith.index_cast %scan3A_137 : i32 to index
        %get3A_579 = arith.constant 304 : index
        %get3A_580 = tpu.vector_load %arg17[%get3A_578, %get3A_579] {strides = array<i32>} : memref<32x384xf32, #tpu.memory_space<vmem>>, vector<1x16xf32>,
        %get3A_581 = vector.shape_cast %get3A_580 : vector<1x16xf32> to vector<16xf32>
        %mul3A_582 = arith.mulf %get3A_581, %broadcast_in_dim3A_149 : vector<16xf32>
        %add3A_583 = arith.addf %mul3A_577, %mul3A_582 : vector<16xf32>
        %get3A_584 = arith.index_cast %scan3A_137 : i32 to index
        %get3A_585 = arith.constant 304 : index
        %get3A_586 = tpu.vector_load %arg18[%get3A_584, %get3A_585] {strides = array<i32>} : memref<32x384xf32, #tpu.memory_space<vmem>>, vector<1x16xf32>,
        %get3A_587 = vector.shape_cast %get3A_586 : vector<1x16xf32> to vector<16xf32>
        %mul3A_588 = arith.mulf %get3A_587, %broadcast_in_dim3A_155 : vector<16xf32>
        %add3A_589 = arith.addf %add3A_583, %mul3A_588 : vector<16xf32>
        %swap3A_590 = arith.index_cast %scan3A_137 : i32 to index
        %swap3A_591 = arith.constant 304 : index
        %swap3A_592 = tpu.vector_load %arg22[%swap3A_590, %swap3A_591] {strides = array<i32>} : memref<32x336xf32, #tpu.memory_space<vmem>>, vector<1x16xf32>,
        %swap3A_593 = vector.shape_cast %swap3A_592 : vector<1x16xf32> to vector<16xf32>
        %swap3A_594 = vector.shape_cast %add3A_589 : vector<16xf32> to vector<1x16xf32>
        tpu.vector_store %arg22[%swap3A_590, %swap3A_591], %swap3A_594 {strides = array<i32>} : memref<32x336xf32, #tpu.memory_space<vmem>>, vector<1x16xf32>,
        %get3A_595 = arith.index_cast %scan3A_137 : i32 to index
        %get3A_596 = arith.constant 320 : index
        %get3A_597 = tpu.vector_load %arg16[%get3A_595, %get3A_596] {strides = array<i32>} : memref<32x384xf32, #tpu.memory_space<vmem>>, vector<1x16xf32>,
        %get3A_598 = vector.shape_cast %get3A_597 : vector<1x16xf32> to vector<16xf32>
        %mul3A_599 = arith.mulf %get3A_598, %broadcast_in_dim3A : vector<16xf32>
        %get3A_600 = arith.index_cast %scan3A_137 : i32 to index
        %get3A_601 = arith.constant 320 : index
        %get3A_602 = tpu.vector_load %arg17[%get3A_600, %get3A_601] {strides = array<i32>} : memref<32x384xf32, #tpu.memory_space<vmem>>, vector<1x16xf32>,
        %get3A_603 = vector.shape_cast %get3A_602 : vector<1x16xf32> to vector<16xf32>
        %mul3A_604 = arith.mulf %get3A_603, %broadcast_in_dim3A_149 : vector<16xf32>
        %add3A_605 = arith.addf %mul3A_599, %mul3A_604 : vector<16xf32>
        %get3A_606 = arith.index_cast %scan3A_137 : i32 to index
        %get3A_607 = arith.constant 320 : index
        %get3A_608 = tpu.vector_load %arg18[%get3A_606, %get3A_607] {strides = array<i32>} : memref<32x384xf32, #tpu.memory_space<vmem>>, vector<1x16xf32>,
        %get3A_609 = vector.shape_cast %get3A_608 : vector<1x16xf32> to vector<16xf32>
        %mul3A_610 = arith.mulf %get3A_609, %broadcast_in_dim3A_155 : vector<16xf32>
        %add3A_611 = arith.addf %add3A_605, %mul3A_610 : vector<16xf32>
        %swap3A_612 = arith.index_cast %scan3A_137 : i32 to index
        %swap3A_613 = arith.constant 320 : index
        %swap3A_614 = tpu.vector_load %arg22[%swap3A_612, %swap3A_613] {strides = array<i32>} : memref<32x336xf32, #tpu.memory_space<vmem>>, vector<1x16xf32>,
        %swap3A_615 = vector.shape_cast %swap3A_614 : vector<1x16xf32> to vector<16xf32>
        %swap3A_616 = vector.shape_cast %add3A_611 : vector<16xf32> to vector<1x16xf32>
        tpu.vector_store %arg22[%swap3A_612, %swap3A_613], %swap3A_616 {strides = array<i32>} : memref<32x336xf32, #tpu.memory_space<vmem>>, vector<1x16xf32>,
        %scan3A_617 = arith.constant 0 : i32
        scf.yield %scan3A_617 : i32
      }
      %scan3A_95 = arith.constant 32 : i32
      %mul3A_96 = arith.constant 32 : i32
      %mul3A_97 = arith.muli %mul3A_48, %mul3A_96 : i32
      %add3A_98 = arith.addi %mul3A_2, %mul3A_97 : i32
      "tpu.region"() ({
        %run_scoped3A_137 = tpu.sem_alloc : memref<!tpu.dma_semaphore, #tpu.memory_space<semaphore_mem>>
        %dma_start3A_138 = arith.constant 0 : i32
        %dma_start3A_139 = tpu.memref_slice %arg8[%add3A_98, %dma_start3A_138] : memref<32768x336xf32, #tpu.memory_space<hbm>> -> memref<32x336xf32, #tpu.memory_space<hbm>>
        %dma_start3A_140 = arith.constant 0 : i32
        %dma_start3A_141 = tpu.memref_slice %arg8[%add3A_98, %dma_start3A_140] : memref<32768x336xf32, #tpu.memory_space<hbm>> -> memref<32x336xf32, #tpu.memory_space<hbm>>
        tpu.enqueue_dma source(%arg22 : memref<32x336xf32, #tpu.memory_space<vmem>>) target(%dma_start3A_141 : memref<32x336xf32, #tpu.memory_space<hbm>>) target_semaphore(%run_scoped3A_137 : memref<!tpu.dma_semaphore, #tpu.memory_space<semaphore_mem>>)
        %dma_wait3A_142 = arith.constant 0 : i32
        %dma_wait3A_143 = tpu.memref_slice %arg8[%add3A_98, %dma_wait3A_142] : memref<32768x336xf32, #tpu.memory_space<hbm>> -> memref<32x336xf32, #tpu.memory_space<hbm>>
        %dma_wait3A_144 = arith.constant 0 : i32
        %dma_wait3A_145 = tpu.memref_slice %arg8[%add3A_98, %dma_wait3A_144] : memref<32768x336xf32, #tpu.memory_space<hbm>> -> memref<32x336xf32, #tpu.memory_space<hbm>>
        tpu.wait_dma2 semaphore(%run_scoped3A_137 : memref<!tpu.dma_semaphore, #tpu.memory_space<semaphore_mem>>) src(%arg22 : memref<32x336xf32, #tpu.memory_space<vmem>>) dst(%dma_wait3A_145 : memref<32x336xf32, #tpu.memory_space<hbm>>)
        tpu.yield
      }) : () -> ()
      %add3A_99 = arith.constant 2 : i32
      %add3A_100 = arith.addi %mul3A_48, %add3A_99 : i32
      %lt3A = arith.constant 32 : i32
      %lt3A_101 = arith.cmpi slt, %add3A_100, %lt3A : i32
      %convert_element_type3A = arith.extui %lt3A_101 : i1 to i32
      %cond3A = arith.constant 0 : i32
      %cond3A_102 = arith.cmpi ne, %convert_element_type3A, %cond3A : i32
      scf.if %cond3A_102 {
        %add3A_137 = arith.constant 2 : i32
        %add3A_138 = arith.addi %mul3A_48, %add3A_137 : i32
        %dma_start3A_139 = arith.constant 0 : i32
        %dma_start3A_140 = tpu.memref_slice %arg10[%add3A_138, %dma_start3A_139] : memref<32x32xi32, #tpu.memory_space<vmem>> -> memref<1x32xi32, #tpu.memory_space<vmem>>
        %dma_start3A_141 = tpu.memref_squeeze %dma_start3A_140 : memref<1x32xi32, #tpu.memory_space<vmem>> -> memref<32xi32, #tpu.memory_space<vmem>>
        %dma_start3A_142 = arith.constant 0 : i32
        %dma_start3A_143 = arith.constant 0 : i32
        %dma_start3A_144 = tpu.memref_slice %arg6[%dma_start3A_142, %dma_start3A_143] : memref<50000x384xf32, #tpu.memory_space<hbm>> -> memref<50000x384xf32, #tpu.memory_space<hbm>>
        tpu.enqueue_indirect_dma source(%dma_start3A_144 : memref<50000x384xf32, #tpu.memory_space<hbm>>) target(%arg16 : memref<32x384xf32, #tpu.memory_space<vmem>>) offsets(%dma_start3A_141 : memref<32xi32, #tpu.memory_space<vmem>>) semaphore(%arg23 : memref<!tpu.dma_semaphore, #tpu.memory_space<semaphore_mem>>)
        %dma_start3A_145 = arith.constant 0 : i32
        %dma_start3A_146 = tpu.memref_slice %arg11[%add3A_138, %dma_start3A_145] : memref<32x32xi32, #tpu.memory_space<vmem>> -> memref<1x32xi32, #tpu.memory_space<vmem>>
        %dma_start3A_147 = tpu.memref_squeeze %dma_start3A_146 : memref<1x32xi32, #tpu.memory_space<vmem>> -> memref<32xi32, #tpu.memory_space<vmem>>
        %dma_start3A_148 = arith.constant 0 : i32
        %dma_start3A_149 = arith.constant 0 : i32
        %dma_start3A_150 = tpu.memref_slice %arg6[%dma_start3A_148, %dma_start3A_149] : memref<50000x384xf32, #tpu.memory_space<hbm>> -> memref<50000x384xf32, #tpu.memory_space<hbm>>
        tpu.enqueue_indirect_dma source(%dma_start3A_150 : memref<50000x384xf32, #tpu.memory_space<hbm>>) target(%arg17 : memref<32x384xf32, #tpu.memory_space<vmem>>) offsets(%dma_start3A_147 : memref<32xi32, #tpu.memory_space<vmem>>) semaphore(%arg23 : memref<!tpu.dma_semaphore, #tpu.memory_space<semaphore_mem>>)
        %dma_start3A_151 = arith.constant 0 : i32
        %dma_start3A_152 = tpu.memref_slice %arg12[%add3A_138, %dma_start3A_151] : memref<32x32xi32, #tpu.memory_space<vmem>> -> memref<1x32xi32, #tpu.memory_space<vmem>>
        %dma_start3A_153 = tpu.memref_squeeze %dma_start3A_152 : memref<1x32xi32, #tpu.memory_space<vmem>> -> memref<32xi32, #tpu.memory_space<vmem>>
        %dma_start3A_154 = arith.constant 0 : i32
        %dma_start3A_155 = arith.constant 0 : i32
        %dma_start3A_156 = tpu.memref_slice %arg6[%dma_start3A_154, %dma_start3A_155] : memref<50000x384xf32, #tpu.memory_space<hbm>> -> memref<50000x384xf32, #tpu.memory_space<hbm>>
        tpu.enqueue_indirect_dma source(%dma_start3A_156 : memref<50000x384xf32, #tpu.memory_space<hbm>>) target(%arg18 : memref<32x384xf32, #tpu.memory_space<vmem>>) offsets(%dma_start3A_153 : memref<32xi32, #tpu.memory_space<vmem>>) semaphore(%arg23 : memref<!tpu.dma_semaphore, #tpu.memory_space<semaphore_mem>>)
      } else {
      }
      %dma_wait3A_103 = arith.constant 0 : i32
      %dma_wait3A_104 = arith.constant 0 : i32
      %dma_wait3A_105 = tpu.memref_slice %arg10[%dma_wait3A_103, %dma_wait3A_104] : memref<32x32xi32, #tpu.memory_space<vmem>> -> memref<1x32xi32, #tpu.memory_space<vmem>>
      %dma_wait3A_106 = tpu.memref_squeeze %dma_wait3A_105 : memref<1x32xi32, #tpu.memory_space<vmem>> -> memref<32xi32, #tpu.memory_space<vmem>>
      %dma_wait3A_107 = arith.constant 0 : i32
      %dma_wait3A_108 = arith.constant 0 : i32
      %dma_wait3A_109 = tpu.memref_slice %arg6[%dma_wait3A_107, %dma_wait3A_108] : memref<50000x384xf32, #tpu.memory_space<hbm>> -> memref<50000x384xf32, #tpu.memory_space<hbm>>
      tpu.wait_indirect_dma semaphore(%arg24 : memref<!tpu.dma_semaphore, #tpu.memory_space<semaphore_mem>>) src(%dma_wait3A_109 : memref<50000x384xf32, #tpu.memory_space<hbm>>) dst(%arg19 : memref<32x384xf32, #tpu.memory_space<vmem>>)
      %dma_wait3A_110 = arith.constant 0 : i32
      %dma_wait3A_111 = arith.constant 0 : i32
      %dma_wait3A_112 = tpu.memref_slice %arg11[%dma_wait3A_110, %dma_wait3A_111] : memref<32x32xi32, #tpu.memory_space<vmem>> -> memref<1x32xi32, #tpu.memory_space<vmem>>
      %dma_wait3A_113 = tpu.memref_squeeze %dma_wait3A_112 : memref<1x32xi32, #tpu.memory_space<vmem>> -> memref<32xi32, #tpu.memory_space<vmem>>
      %dma_wait3A_114 = arith.constant 0 : i32
      %dma_wait3A_115 = arith.constant 0 : i32
      %dma_wait3A_116 = tpu.memref_slice %arg6[%dma_wait3A_114, %dma_wait3A_115] : memref<50000x384xf32, #tpu.memory_space<hbm>> -> memref<50000x384xf32, #tpu.memory_space<hbm>>
      tpu.wait_indirect_dma semaphore(%arg24 : memref<!tpu.dma_semaphore, #tpu.memory_space<semaphore_mem>>) src(%dma_wait3A_116 : memref<50000x384xf32, #tpu.memory_space<hbm>>) dst(%arg20 : memref<32x384xf32, #tpu.memory_space<vmem>>)
      %dma_wait3A_117 = arith.constant 0 : i32
      %dma_wait3A_118 = arith.constant 0 : i32
      %dma_wait3A_119 = tpu.memref_slice %arg12[%dma_wait3A_117, %dma_wait3A_118] : memref<32x32xi32, #tpu.memory_space<vmem>> -> memref<1x32xi32, #tpu.memory_space<vmem>>
      %dma_wait3A_120 = tpu.memref_squeeze %dma_wait3A_119 : memref<1x32xi32, #tpu.memory_space<vmem>> -> memref<32xi32, #tpu.memory_space<vmem>>
      %dma_wait3A_121 = arith.constant 0 : i32
      %dma_wait3A_122 = arith.constant 0 : i32
      %dma_wait3A_123 = tpu.memref_slice %arg6[%dma_wait3A_121, %dma_wait3A_122] : memref<50000x384xf32, #tpu.memory_space<hbm>> -> memref<50000x384xf32, #tpu.memory_space<hbm>>
      tpu.wait_indirect_dma semaphore(%arg24 : memref<!tpu.dma_semaphore, #tpu.memory_space<semaphore_mem>>) src(%dma_wait3A_123 : memref<50000x384xf32, #tpu.memory_space<hbm>>) dst(%arg21 : memref<32x384xf32, #tpu.memory_space<vmem>>)
      %add3A_124 = arith.constant 1 : i32
      %add3A_125 = arith.addi %mul3A_48, %add3A_124 : i32
      %scan3A_126 = arith.constant 0 : i32
      %scan3A_127 = arith.constant 0 : i32
      %scan3A_128 = arith.constant 32 : i32
      %scan3A_129 = arith.addi %scan3A_127, %scan3A_128 : i32
      %scan3A_130 = arith.constant 1 : i32
      %scan3A_131 = scf.for %scan3A_137 = %scan3A_127 to %scan3A_129 step %scan3A_130 iter_args(%scan3A_138 = %scan3A_126) -> (i32)  : i32 {
        %mul3A_139 = arith.constant 32 : i32
        %mul3A_140 = arith.muli %add3A_125, %mul3A_139 : i32
        %add3A_141 = arith.addi %mul3A_140, %scan3A_137 : i32
        %get3A = arith.index_cast %add3A_141 : i32 to index
        %get3A_142 = tpu.vector_load %arg13[%get3A] {strides = array<i32>} : memref<1040xf32, #tpu.memory_space<vmem>>, vector<16xf32>,
        %get3A_143 = vector.shape_cast %get3A_142 : vector<16xf32> to vector<16xf32>
        %slice3A = vector.extract_strided_slice %get3A_143 {offsets = [0], sizes = [1], strides = [1]} : vector<16xf32> to vector<1xf32>
        %squeeze3A = vector.extract %slice3A[0] : f32 from vector<1xf32>
        %broadcast_in_dim3A = vector.broadcast %squeeze3A : f32 to vector<16xf32>
        %get3A_144 = arith.index_cast %add3A_141 : i32 to index
        %get3A_145 = tpu.vector_load %arg14[%get3A_144] {strides = array<i32>} : memref<1040xf32, #tpu.memory_space<vmem>>, vector<16xf32>,
        %get3A_146 = vector.shape_cast %get3A_145 : vector<16xf32> to vector<16xf32>
        %slice3A_147 = vector.extract_strided_slice %get3A_146 {offsets = [0], sizes = [1], strides = [1]} : vector<16xf32> to vector<1xf32>
        %squeeze3A_148 = vector.extract %slice3A_147[0] : f32 from vector<1xf32>
        %broadcast_in_dim3A_149 = vector.broadcast %squeeze3A_148 : f32 to vector<16xf32>
        %get3A_150 = arith.index_cast %add3A_141 : i32 to index
        %get3A_151 = tpu.vector_load %arg15[%get3A_150] {strides = array<i32>} : memref<1040xf32, #tpu.memory_space<vmem>>, vector<16xf32>,
        %get3A_152 = vector.shape_cast %get3A_151 : vector<16xf32> to vector<16xf32>
        %slice3A_153 = vector.extract_strided_slice %get3A_152 {offsets = [0], sizes = [1], strides = [1]} : vector<16xf32> to vector<1xf32>
        %squeeze3A_154 = vector.extract %slice3A_153[0] : f32 from vector<1xf32>
        %broadcast_in_dim3A_155 = vector.broadcast %squeeze3A_154 : f32 to vector<16xf32>
        %get3A_156 = arith.index_cast %scan3A_137 : i32 to index
        %get3A_157 = arith.constant 0 : index
        %get3A_158 = tpu.vector_load %arg19[%get3A_156, %get3A_157] {strides = array<i32>} : memref<32x384xf32, #tpu.memory_space<vmem>>, vector<1x16xf32>,
        %get3A_159 = vector.shape_cast %get3A_158 : vector<1x16xf32> to vector<16xf32>
        %mul3A_160 = arith.mulf %get3A_159, %broadcast_in_dim3A : vector<16xf32>
        %get3A_161 = arith.index_cast %scan3A_137 : i32 to index
        %get3A_162 = arith.constant 0 : index
        %get3A_163 = tpu.vector_load %arg20[%get3A_161, %get3A_162] {strides = array<i32>} : memref<32x384xf32, #tpu.memory_space<vmem>>, vector<1x16xf32>,
        %get3A_164 = vector.shape_cast %get3A_163 : vector<1x16xf32> to vector<16xf32>
        %mul3A_165 = arith.mulf %get3A_164, %broadcast_in_dim3A_149 : vector<16xf32>
        %add3A_166 = arith.addf %mul3A_160, %mul3A_165 : vector<16xf32>
        %get3A_167 = arith.index_cast %scan3A_137 : i32 to index
        %get3A_168 = arith.constant 0 : index
        %get3A_169 = tpu.vector_load %arg21[%get3A_167, %get3A_168] {strides = array<i32>} : memref<32x384xf32, #tpu.memory_space<vmem>>, vector<1x16xf32>,
        %get3A_170 = vector.shape_cast %get3A_169 : vector<1x16xf32> to vector<16xf32>
        %mul3A_171 = arith.mulf %get3A_170, %broadcast_in_dim3A_155 : vector<16xf32>
        %add3A_172 = arith.addf %add3A_166, %mul3A_171 : vector<16xf32>
        %swap3A = arith.index_cast %scan3A_137 : i32 to index
        %swap3A_173 = arith.constant 0 : index
        %swap3A_174 = tpu.vector_load %arg22[%swap3A, %swap3A_173] {strides = array<i32>} : memref<32x336xf32, #tpu.memory_space<vmem>>, vector<1x16xf32>,
        %swap3A_175 = vector.shape_cast %swap3A_174 : vector<1x16xf32> to vector<16xf32>
        %swap3A_176 = vector.shape_cast %add3A_172 : vector<16xf32> to vector<1x16xf32>
        tpu.vector_store %arg22[%swap3A, %swap3A_173], %swap3A_176 {strides = array<i32>} : memref<32x336xf32, #tpu.memory_space<vmem>>, vector<1x16xf32>,
        %get3A_177 = arith.index_cast %scan3A_137 : i32 to index
        %get3A_178 = arith.constant 16 : index
        %get3A_179 = tpu.vector_load %arg19[%get3A_177, %get3A_178] {strides = array<i32>} : memref<32x384xf32, #tpu.memory_space<vmem>>, vector<1x16xf32>,
        %get3A_180 = vector.shape_cast %get3A_179 : vector<1x16xf32> to vector<16xf32>
        %mul3A_181 = arith.mulf %get3A_180, %broadcast_in_dim3A : vector<16xf32>
        %get3A_182 = arith.index_cast %scan3A_137 : i32 to index
        %get3A_183 = arith.constant 16 : index
        %get3A_184 = tpu.vector_load %arg20[%get3A_182, %get3A_183] {strides = array<i32>} : memref<32x384xf32, #tpu.memory_space<vmem>>, vector<1x16xf32>,
        %get3A_185 = vector.shape_cast %get3A_184 : vector<1x16xf32> to vector<16xf32>
        %mul3A_186 = arith.mulf %get3A_185, %broadcast_in_dim3A_149 : vector<16xf32>
        %add3A_187 = arith.addf %mul3A_181, %mul3A_186 : vector<16xf32>
        %get3A_188 = arith.index_cast %scan3A_137 : i32 to index
        %get3A_189 = arith.constant 16 : index
        %get3A_190 = tpu.vector_load %arg21[%get3A_188, %get3A_189] {strides = array<i32>} : memref<32x384xf32, #tpu.memory_space<vmem>>, vector<1x16xf32>,
        %get3A_191 = vector.shape_cast %get3A_190 : vector<1x16xf32> to vector<16xf32>
        %mul3A_192 = arith.mulf %get3A_191, %broadcast_in_dim3A_155 : vector<16xf32>
        %add3A_193 = arith.addf %add3A_187, %mul3A_192 : vector<16xf32>
        %swap3A_194 = arith.index_cast %scan3A_137 : i32 to index
        %swap3A_195 = arith.constant 16 : index
        %swap3A_196 = tpu.vector_load %arg22[%swap3A_194, %swap3A_195] {strides = array<i32>} : memref<32x336xf32, #tpu.memory_space<vmem>>, vector<1x16xf32>,
        %swap3A_197 = vector.shape_cast %swap3A_196 : vector<1x16xf32> to vector<16xf32>
        %swap3A_198 = vector.shape_cast %add3A_193 : vector<16xf32> to vector<1x16xf32>
        tpu.vector_store %arg22[%swap3A_194, %swap3A_195], %swap3A_198 {strides = array<i32>} : memref<32x336xf32, #tpu.memory_space<vmem>>, vector<1x16xf32>,
        %get3A_199 = arith.index_cast %scan3A_137 : i32 to index
        %get3A_200 = arith.constant 32 : index
        %get3A_201 = tpu.vector_load %arg19[%get3A_199, %get3A_200] {strides = array<i32>} : memref<32x384xf32, #tpu.memory_space<vmem>>, vector<1x16xf32>,
        %get3A_202 = vector.shape_cast %get3A_201 : vector<1x16xf32> to vector<16xf32>
        %mul3A_203 = arith.mulf %get3A_202, %broadcast_in_dim3A : vector<16xf32>
        %get3A_204 = arith.index_cast %scan3A_137 : i32 to index
        %get3A_205 = arith.constant 32 : index
        %get3A_206 = tpu.vector_load %arg20[%get3A_204, %get3A_205] {strides = array<i32>} : memref<32x384xf32, #tpu.memory_space<vmem>>, vector<1x16xf32>,
        %get3A_207 = vector.shape_cast %get3A_206 : vector<1x16xf32> to vector<16xf32>
        %mul3A_208 = arith.mulf %get3A_207, %broadcast_in_dim3A_149 : vector<16xf32>
        %add3A_209 = arith.addf %mul3A_203, %mul3A_208 : vector<16xf32>
        %get3A_210 = arith.index_cast %scan3A_137 : i32 to index
        %get3A_211 = arith.constant 32 : index
        %get3A_212 = tpu.vector_load %arg21[%get3A_210, %get3A_211] {strides = array<i32>} : memref<32x384xf32, #tpu.memory_space<vmem>>, vector<1x16xf32>,
        %get3A_213 = vector.shape_cast %get3A_212 : vector<1x16xf32> to vector<16xf32>
        %mul3A_214 = arith.mulf %get3A_213, %broadcast_in_dim3A_155 : vector<16xf32>
        %add3A_215 = arith.addf %add3A_209, %mul3A_214 : vector<16xf32>
        %swap3A_216 = arith.index_cast %scan3A_137 : i32 to index
        %swap3A_217 = arith.constant 32 : index
        %swap3A_218 = tpu.vector_load %arg22[%swap3A_216, %swap3A_217] {strides = array<i32>} : memref<32x336xf32, #tpu.memory_space<vmem>>, vector<1x16xf32>,
        %swap3A_219 = vector.shape_cast %swap3A_218 : vector<1x16xf32> to vector<16xf32>
        %swap3A_220 = vector.shape_cast %add3A_215 : vector<16xf32> to vector<1x16xf32>
        tpu.vector_store %arg22[%swap3A_216, %swap3A_217], %swap3A_220 {strides = array<i32>} : memref<32x336xf32, #tpu.memory_space<vmem>>, vector<1x16xf32>,
        %get3A_221 = arith.index_cast %scan3A_137 : i32 to index
        %get3A_222 = arith.constant 48 : index
        %get3A_223 = tpu.vector_load %arg19[%get3A_221, %get3A_222] {strides = array<i32>} : memref<32x384xf32, #tpu.memory_space<vmem>>, vector<1x16xf32>,
        %get3A_224 = vector.shape_cast %get3A_223 : vector<1x16xf32> to vector<16xf32>
        %mul3A_225 = arith.mulf %get3A_224, %broadcast_in_dim3A : vector<16xf32>
        %get3A_226 = arith.index_cast %scan3A_137 : i32 to index
        %get3A_227 = arith.constant 48 : index
        %get3A_228 = tpu.vector_load %arg20[%get3A_226, %get3A_227] {strides = array<i32>} : memref<32x384xf32, #tpu.memory_space<vmem>>, vector<1x16xf32>,
        %get3A_229 = vector.shape_cast %get3A_228 : vector<1x16xf32> to vector<16xf32>
        %mul3A_230 = arith.mulf %get3A_229, %broadcast_in_dim3A_149 : vector<16xf32>
        %add3A_231 = arith.addf %mul3A_225, %mul3A_230 : vector<16xf32>
        %get3A_232 = arith.index_cast %scan3A_137 : i32 to index
        %get3A_233 = arith.constant 48 : index
        %get3A_234 = tpu.vector_load %arg21[%get3A_232, %get3A_233] {strides = array<i32>} : memref<32x384xf32, #tpu.memory_space<vmem>>, vector<1x16xf32>,
        %get3A_235 = vector.shape_cast %get3A_234 : vector<1x16xf32> to vector<16xf32>
        %mul3A_236 = arith.mulf %get3A_235, %broadcast_in_dim3A_155 : vector<16xf32>
        %add3A_237 = arith.addf %add3A_231, %mul3A_236 : vector<16xf32>
        %swap3A_238 = arith.index_cast %scan3A_137 : i32 to index
        %swap3A_239 = arith.constant 48 : index
        %swap3A_240 = tpu.vector_load %arg22[%swap3A_238, %swap3A_239] {strides = array<i32>} : memref<32x336xf32, #tpu.memory_space<vmem>>, vector<1x16xf32>,
        %swap3A_241 = vector.shape_cast %swap3A_240 : vector<1x16xf32> to vector<16xf32>
        %swap3A_242 = vector.shape_cast %add3A_237 : vector<16xf32> to vector<1x16xf32>
        tpu.vector_store %arg22[%swap3A_238, %swap3A_239], %swap3A_242 {strides = array<i32>} : memref<32x336xf32, #tpu.memory_space<vmem>>, vector<1x16xf32>,
        %get3A_243 = arith.index_cast %scan3A_137 : i32 to index
        %get3A_244 = arith.constant 64 : index
        %get3A_245 = tpu.vector_load %arg19[%get3A_243, %get3A_244] {strides = array<i32>} : memref<32x384xf32, #tpu.memory_space<vmem>>, vector<1x16xf32>,
        %get3A_246 = vector.shape_cast %get3A_245 : vector<1x16xf32> to vector<16xf32>
        %mul3A_247 = arith.mulf %get3A_246, %broadcast_in_dim3A : vector<16xf32>
        %get3A_248 = arith.index_cast %scan3A_137 : i32 to index
        %get3A_249 = arith.constant 64 : index
        %get3A_250 = tpu.vector_load %arg20[%get3A_248, %get3A_249] {strides = array<i32>} : memref<32x384xf32, #tpu.memory_space<vmem>>, vector<1x16xf32>,
        %get3A_251 = vector.shape_cast %get3A_250 : vector<1x16xf32> to vector<16xf32>
        %mul3A_252 = arith.mulf %get3A_251, %broadcast_in_dim3A_149 : vector<16xf32>
        %add3A_253 = arith.addf %mul3A_247, %mul3A_252 : vector<16xf32>
        %get3A_254 = arith.index_cast %scan3A_137 : i32 to index
        %get3A_255 = arith.constant 64 : index
        %get3A_256 = tpu.vector_load %arg21[%get3A_254, %get3A_255] {strides = array<i32>} : memref<32x384xf32, #tpu.memory_space<vmem>>, vector<1x16xf32>,
        %get3A_257 = vector.shape_cast %get3A_256 : vector<1x16xf32> to vector<16xf32>
        %mul3A_258 = arith.mulf %get3A_257, %broadcast_in_dim3A_155 : vector<16xf32>
        %add3A_259 = arith.addf %add3A_253, %mul3A_258 : vector<16xf32>
        %swap3A_260 = arith.index_cast %scan3A_137 : i32 to index
        %swap3A_261 = arith.constant 64 : index
        %swap3A_262 = tpu.vector_load %arg22[%swap3A_260, %swap3A_261] {strides = array<i32>} : memref<32x336xf32, #tpu.memory_space<vmem>>, vector<1x16xf32>,
        %swap3A_263 = vector.shape_cast %swap3A_262 : vector<1x16xf32> to vector<16xf32>
        %swap3A_264 = vector.shape_cast %add3A_259 : vector<16xf32> to vector<1x16xf32>
        tpu.vector_store %arg22[%swap3A_260, %swap3A_261], %swap3A_264 {strides = array<i32>} : memref<32x336xf32, #tpu.memory_space<vmem>>, vector<1x16xf32>,
        %get3A_265 = arith.index_cast %scan3A_137 : i32 to index
        %get3A_266 = arith.constant 80 : index
        %get3A_267 = tpu.vector_load %arg19[%get3A_265, %get3A_266] {strides = array<i32>} : memref<32x384xf32, #tpu.memory_space<vmem>>, vector<1x16xf32>,
        %get3A_268 = vector.shape_cast %get3A_267 : vector<1x16xf32> to vector<16xf32>
        %mul3A_269 = arith.mulf %get3A_268, %broadcast_in_dim3A : vector<16xf32>
        %get3A_270 = arith.index_cast %scan3A_137 : i32 to index
        %get3A_271 = arith.constant 80 : index
        %get3A_272 = tpu.vector_load %arg20[%get3A_270, %get3A_271] {strides = array<i32>} : memref<32x384xf32, #tpu.memory_space<vmem>>, vector<1x16xf32>,
        %get3A_273 = vector.shape_cast %get3A_272 : vector<1x16xf32> to vector<16xf32>
        %mul3A_274 = arith.mulf %get3A_273, %broadcast_in_dim3A_149 : vector<16xf32>
        %add3A_275 = arith.addf %mul3A_269, %mul3A_274 : vector<16xf32>
        %get3A_276 = arith.index_cast %scan3A_137 : i32 to index
        %get3A_277 = arith.constant 80 : index
        %get3A_278 = tpu.vector_load %arg21[%get3A_276, %get3A_277] {strides = array<i32>} : memref<32x384xf32, #tpu.memory_space<vmem>>, vector<1x16xf32>,
        %get3A_279 = vector.shape_cast %get3A_278 : vector<1x16xf32> to vector<16xf32>
        %mul3A_280 = arith.mulf %get3A_279, %broadcast_in_dim3A_155 : vector<16xf32>
        %add3A_281 = arith.addf %add3A_275, %mul3A_280 : vector<16xf32>
        %swap3A_282 = arith.index_cast %scan3A_137 : i32 to index
        %swap3A_283 = arith.constant 80 : index
        %swap3A_284 = tpu.vector_load %arg22[%swap3A_282, %swap3A_283] {strides = array<i32>} : memref<32x336xf32, #tpu.memory_space<vmem>>, vector<1x16xf32>,
        %swap3A_285 = vector.shape_cast %swap3A_284 : vector<1x16xf32> to vector<16xf32>
        %swap3A_286 = vector.shape_cast %add3A_281 : vector<16xf32> to vector<1x16xf32>
        tpu.vector_store %arg22[%swap3A_282, %swap3A_283], %swap3A_286 {strides = array<i32>} : memref<32x336xf32, #tpu.memory_space<vmem>>, vector<1x16xf32>,
        %get3A_287 = arith.index_cast %scan3A_137 : i32 to index
        %get3A_288 = arith.constant 96 : index
        %get3A_289 = tpu.vector_load %arg19[%get3A_287, %get3A_288] {strides = array<i32>} : memref<32x384xf32, #tpu.memory_space<vmem>>, vector<1x16xf32>,
        %get3A_290 = vector.shape_cast %get3A_289 : vector<1x16xf32> to vector<16xf32>
        %mul3A_291 = arith.mulf %get3A_290, %broadcast_in_dim3A : vector<16xf32>
        %get3A_292 = arith.index_cast %scan3A_137 : i32 to index
        %get3A_293 = arith.constant 96 : index
        %get3A_294 = tpu.vector_load %arg20[%get3A_292, %get3A_293] {strides = array<i32>} : memref<32x384xf32, #tpu.memory_space<vmem>>, vector<1x16xf32>,
        %get3A_295 = vector.shape_cast %get3A_294 : vector<1x16xf32> to vector<16xf32>
        %mul3A_296 = arith.mulf %get3A_295, %broadcast_in_dim3A_149 : vector<16xf32>
        %add3A_297 = arith.addf %mul3A_291, %mul3A_296 : vector<16xf32>
        %get3A_298 = arith.index_cast %scan3A_137 : i32 to index
        %get3A_299 = arith.constant 96 : index
        %get3A_300 = tpu.vector_load %arg21[%get3A_298, %get3A_299] {strides = array<i32>} : memref<32x384xf32, #tpu.memory_space<vmem>>, vector<1x16xf32>,
        %get3A_301 = vector.shape_cast %get3A_300 : vector<1x16xf32> to vector<16xf32>
        %mul3A_302 = arith.mulf %get3A_301, %broadcast_in_dim3A_155 : vector<16xf32>
        %add3A_303 = arith.addf %add3A_297, %mul3A_302 : vector<16xf32>
        %swap3A_304 = arith.index_cast %scan3A_137 : i32 to index
        %swap3A_305 = arith.constant 96 : index
        %swap3A_306 = tpu.vector_load %arg22[%swap3A_304, %swap3A_305] {strides = array<i32>} : memref<32x336xf32, #tpu.memory_space<vmem>>, vector<1x16xf32>,
        %swap3A_307 = vector.shape_cast %swap3A_306 : vector<1x16xf32> to vector<16xf32>
        %swap3A_308 = vector.shape_cast %add3A_303 : vector<16xf32> to vector<1x16xf32>
        tpu.vector_store %arg22[%swap3A_304, %swap3A_305], %swap3A_308 {strides = array<i32>} : memref<32x336xf32, #tpu.memory_space<vmem>>, vector<1x16xf32>,
        %get3A_309 = arith.index_cast %scan3A_137 : i32 to index
        %get3A_310 = arith.constant 112 : index
        %get3A_311 = tpu.vector_load %arg19[%get3A_309, %get3A_310] {strides = array<i32>} : memref<32x384xf32, #tpu.memory_space<vmem>>, vector<1x16xf32>,
        %get3A_312 = vector.shape_cast %get3A_311 : vector<1x16xf32> to vector<16xf32>
        %mul3A_313 = arith.mulf %get3A_312, %broadcast_in_dim3A : vector<16xf32>
        %get3A_314 = arith.index_cast %scan3A_137 : i32 to index
        %get3A_315 = arith.constant 112 : index
        %get3A_316 = tpu.vector_load %arg20[%get3A_314, %get3A_315] {strides = array<i32>} : memref<32x384xf32, #tpu.memory_space<vmem>>, vector<1x16xf32>,
        %get3A_317 = vector.shape_cast %get3A_316 : vector<1x16xf32> to vector<16xf32>
        %mul3A_318 = arith.mulf %get3A_317, %broadcast_in_dim3A_149 : vector<16xf32>
        %add3A_319 = arith.addf %mul3A_313, %mul3A_318 : vector<16xf32>
        %get3A_320 = arith.index_cast %scan3A_137 : i32 to index
        %get3A_321 = arith.constant 112 : index
        %get3A_322 = tpu.vector_load %arg21[%get3A_320, %get3A_321] {strides = array<i32>} : memref<32x384xf32, #tpu.memory_space<vmem>>, vector<1x16xf32>,
        %get3A_323 = vector.shape_cast %get3A_322 : vector<1x16xf32> to vector<16xf32>
        %mul3A_324 = arith.mulf %get3A_323, %broadcast_in_dim3A_155 : vector<16xf32>
        %add3A_325 = arith.addf %add3A_319, %mul3A_324 : vector<16xf32>
        %swap3A_326 = arith.index_cast %scan3A_137 : i32 to index
        %swap3A_327 = arith.constant 112 : index
        %swap3A_328 = tpu.vector_load %arg22[%swap3A_326, %swap3A_327] {strides = array<i32>} : memref<32x336xf32, #tpu.memory_space<vmem>>, vector<1x16xf32>,
        %swap3A_329 = vector.shape_cast %swap3A_328 : vector<1x16xf32> to vector<16xf32>
        %swap3A_330 = vector.shape_cast %add3A_325 : vector<16xf32> to vector<1x16xf32>
        tpu.vector_store %arg22[%swap3A_326, %swap3A_327], %swap3A_330 {strides = array<i32>} : memref<32x336xf32, #tpu.memory_space<vmem>>, vector<1x16xf32>,
        %get3A_331 = arith.index_cast %scan3A_137 : i32 to index
        %get3A_332 = arith.constant 128 : index
        %get3A_333 = tpu.vector_load %arg19[%get3A_331, %get3A_332] {strides = array<i32>} : memref<32x384xf32, #tpu.memory_space<vmem>>, vector<1x16xf32>,
        %get3A_334 = vector.shape_cast %get3A_333 : vector<1x16xf32> to vector<16xf32>
        %mul3A_335 = arith.mulf %get3A_334, %broadcast_in_dim3A : vector<16xf32>
        %get3A_336 = arith.index_cast %scan3A_137 : i32 to index
        %get3A_337 = arith.constant 128 : index
        %get3A_338 = tpu.vector_load %arg20[%get3A_336, %get3A_337] {strides = array<i32>} : memref<32x384xf32, #tpu.memory_space<vmem>>, vector<1x16xf32>,
        %get3A_339 = vector.shape_cast %get3A_338 : vector<1x16xf32> to vector<16xf32>
        %mul3A_340 = arith.mulf %get3A_339, %broadcast_in_dim3A_149 : vector<16xf32>
        %add3A_341 = arith.addf %mul3A_335, %mul3A_340 : vector<16xf32>
        %get3A_342 = arith.index_cast %scan3A_137 : i32 to index
        %get3A_343 = arith.constant 128 : index
        %get3A_344 = tpu.vector_load %arg21[%get3A_342, %get3A_343] {strides = array<i32>} : memref<32x384xf32, #tpu.memory_space<vmem>>, vector<1x16xf32>,
        %get3A_345 = vector.shape_cast %get3A_344 : vector<1x16xf32> to vector<16xf32>
        %mul3A_346 = arith.mulf %get3A_345, %broadcast_in_dim3A_155 : vector<16xf32>
        %add3A_347 = arith.addf %add3A_341, %mul3A_346 : vector<16xf32>
        %swap3A_348 = arith.index_cast %scan3A_137 : i32 to index
        %swap3A_349 = arith.constant 128 : index
        %swap3A_350 = tpu.vector_load %arg22[%swap3A_348, %swap3A_349] {strides = array<i32>} : memref<32x336xf32, #tpu.memory_space<vmem>>, vector<1x16xf32>,
        %swap3A_351 = vector.shape_cast %swap3A_350 : vector<1x16xf32> to vector<16xf32>
        %swap3A_352 = vector.shape_cast %add3A_347 : vector<16xf32> to vector<1x16xf32>
        tpu.vector_store %arg22[%swap3A_348, %swap3A_349], %swap3A_352 {strides = array<i32>} : memref<32x336xf32, #tpu.memory_space<vmem>>, vector<1x16xf32>,
        %get3A_353 = arith.index_cast %scan3A_137 : i32 to index
        %get3A_354 = arith.constant 144 : index
        %get3A_355 = tpu.vector_load %arg19[%get3A_353, %get3A_354] {strides = array<i32>} : memref<32x384xf32, #tpu.memory_space<vmem>>, vector<1x16xf32>,
        %get3A_356 = vector.shape_cast %get3A_355 : vector<1x16xf32> to vector<16xf32>
        %mul3A_357 = arith.mulf %get3A_356, %broadcast_in_dim3A : vector<16xf32>
        %get3A_358 = arith.index_cast %scan3A_137 : i32 to index
        %get3A_359 = arith.constant 144 : index
        %get3A_360 = tpu.vector_load %arg20[%get3A_358, %get3A_359] {strides = array<i32>} : memref<32x384xf32, #tpu.memory_space<vmem>>, vector<1x16xf32>,
        %get3A_361 = vector.shape_cast %get3A_360 : vector<1x16xf32> to vector<16xf32>
        %mul3A_362 = arith.mulf %get3A_361, %broadcast_in_dim3A_149 : vector<16xf32>
        %add3A_363 = arith.addf %mul3A_357, %mul3A_362 : vector<16xf32>
        %get3A_364 = arith.index_cast %scan3A_137 : i32 to index
        %get3A_365 = arith.constant 144 : index
        %get3A_366 = tpu.vector_load %arg21[%get3A_364, %get3A_365] {strides = array<i32>} : memref<32x384xf32, #tpu.memory_space<vmem>>, vector<1x16xf32>,
        %get3A_367 = vector.shape_cast %get3A_366 : vector<1x16xf32> to vector<16xf32>
        %mul3A_368 = arith.mulf %get3A_367, %broadcast_in_dim3A_155 : vector<16xf32>
        %add3A_369 = arith.addf %add3A_363, %mul3A_368 : vector<16xf32>
        %swap3A_370 = arith.index_cast %scan3A_137 : i32 to index
        %swap3A_371 = arith.constant 144 : index
        %swap3A_372 = tpu.vector_load %arg22[%swap3A_370, %swap3A_371] {strides = array<i32>} : memref<32x336xf32, #tpu.memory_space<vmem>>, vector<1x16xf32>,
        %swap3A_373 = vector.shape_cast %swap3A_372 : vector<1x16xf32> to vector<16xf32>
        %swap3A_374 = vector.shape_cast %add3A_369 : vector<16xf32> to vector<1x16xf32>
        tpu.vector_store %arg22[%swap3A_370, %swap3A_371], %swap3A_374 {strides = array<i32>} : memref<32x336xf32, #tpu.memory_space<vmem>>, vector<1x16xf32>,
        %get3A_375 = arith.index_cast %scan3A_137 : i32 to index
        %get3A_376 = arith.constant 160 : index
        %get3A_377 = tpu.vector_load %arg19[%get3A_375, %get3A_376] {strides = array<i32>} : memref<32x384xf32, #tpu.memory_space<vmem>>, vector<1x16xf32>,
        %get3A_378 = vector.shape_cast %get3A_377 : vector<1x16xf32> to vector<16xf32>
        %mul3A_379 = arith.mulf %get3A_378, %broadcast_in_dim3A : vector<16xf32>
        %get3A_380 = arith.index_cast %scan3A_137 : i32 to index
        %get3A_381 = arith.constant 160 : index
        %get3A_382 = tpu.vector_load %arg20[%get3A_380, %get3A_381] {strides = array<i32>} : memref<32x384xf32, #tpu.memory_space<vmem>>, vector<1x16xf32>,
        %get3A_383 = vector.shape_cast %get3A_382 : vector<1x16xf32> to vector<16xf32>
        %mul3A_384 = arith.mulf %get3A_383, %broadcast_in_dim3A_149 : vector<16xf32>
        %add3A_385 = arith.addf %mul3A_379, %mul3A_384 : vector<16xf32>
        %get3A_386 = arith.index_cast %scan3A_137 : i32 to index
        %get3A_387 = arith.constant 160 : index
        %get3A_388 = tpu.vector_load %arg21[%get3A_386, %get3A_387] {strides = array<i32>} : memref<32x384xf32, #tpu.memory_space<vmem>>, vector<1x16xf32>,
        %get3A_389 = vector.shape_cast %get3A_388 : vector<1x16xf32> to vector<16xf32>
        %mul3A_390 = arith.mulf %get3A_389, %broadcast_in_dim3A_155 : vector<16xf32>
        %add3A_391 = arith.addf %add3A_385, %mul3A_390 : vector<16xf32>
        %swap3A_392 = arith.index_cast %scan3A_137 : i32 to index
        %swap3A_393 = arith.constant 160 : index
        %swap3A_394 = tpu.vector_load %arg22[%swap3A_392, %swap3A_393] {strides = array<i32>} : memref<32x336xf32, #tpu.memory_space<vmem>>, vector<1x16xf32>,
        %swap3A_395 = vector.shape_cast %swap3A_394 : vector<1x16xf32> to vector<16xf32>
        %swap3A_396 = vector.shape_cast %add3A_391 : vector<16xf32> to vector<1x16xf32>
        tpu.vector_store %arg22[%swap3A_392, %swap3A_393], %swap3A_396 {strides = array<i32>} : memref<32x336xf32, #tpu.memory_space<vmem>>, vector<1x16xf32>,
        %get3A_397 = arith.index_cast %scan3A_137 : i32 to index
        %get3A_398 = arith.constant 176 : index
        %get3A_399 = tpu.vector_load %arg19[%get3A_397, %get3A_398] {strides = array<i32>} : memref<32x384xf32, #tpu.memory_space<vmem>>, vector<1x16xf32>,
        %get3A_400 = vector.shape_cast %get3A_399 : vector<1x16xf32> to vector<16xf32>
        %mul3A_401 = arith.mulf %get3A_400, %broadcast_in_dim3A : vector<16xf32>
        %get3A_402 = arith.index_cast %scan3A_137 : i32 to index
        %get3A_403 = arith.constant 176 : index
        %get3A_404 = tpu.vector_load %arg20[%get3A_402, %get3A_403] {strides = array<i32>} : memref<32x384xf32, #tpu.memory_space<vmem>>, vector<1x16xf32>,
        %get3A_405 = vector.shape_cast %get3A_404 : vector<1x16xf32> to vector<16xf32>
        %mul3A_406 = arith.mulf %get3A_405, %broadcast_in_dim3A_149 : vector<16xf32>
        %add3A_407 = arith.addf %mul3A_401, %mul3A_406 : vector<16xf32>
        %get3A_408 = arith.index_cast %scan3A_137 : i32 to index
        %get3A_409 = arith.constant 176 : index
        %get3A_410 = tpu.vector_load %arg21[%get3A_408, %get3A_409] {strides = array<i32>} : memref<32x384xf32, #tpu.memory_space<vmem>>, vector<1x16xf32>,
        %get3A_411 = vector.shape_cast %get3A_410 : vector<1x16xf32> to vector<16xf32>
        %mul3A_412 = arith.mulf %get3A_411, %broadcast_in_dim3A_155 : vector<16xf32>
        %add3A_413 = arith.addf %add3A_407, %mul3A_412 : vector<16xf32>
        %swap3A_414 = arith.index_cast %scan3A_137 : i32 to index
        %swap3A_415 = arith.constant 176 : index
        %swap3A_416 = tpu.vector_load %arg22[%swap3A_414, %swap3A_415] {strides = array<i32>} : memref<32x336xf32, #tpu.memory_space<vmem>>, vector<1x16xf32>,
        %swap3A_417 = vector.shape_cast %swap3A_416 : vector<1x16xf32> to vector<16xf32>
        %swap3A_418 = vector.shape_cast %add3A_413 : vector<16xf32> to vector<1x16xf32>
        tpu.vector_store %arg22[%swap3A_414, %swap3A_415], %swap3A_418 {strides = array<i32>} : memref<32x336xf32, #tpu.memory_space<vmem>>, vector<1x16xf32>,
        %get3A_419 = arith.index_cast %scan3A_137 : i32 to index
        %get3A_420 = arith.constant 192 : index
        %get3A_421 = tpu.vector_load %arg19[%get3A_419, %get3A_420] {strides = array<i32>} : memref<32x384xf32, #tpu.memory_space<vmem>>, vector<1x16xf32>,
        %get3A_422 = vector.shape_cast %get3A_421 : vector<1x16xf32> to vector<16xf32>
        %mul3A_423 = arith.mulf %get3A_422, %broadcast_in_dim3A : vector<16xf32>
        %get3A_424 = arith.index_cast %scan3A_137 : i32 to index
        %get3A_425 = arith.constant 192 : index
        %get3A_426 = tpu.vector_load %arg20[%get3A_424, %get3A_425] {strides = array<i32>} : memref<32x384xf32, #tpu.memory_space<vmem>>, vector<1x16xf32>,
        %get3A_427 = vector.shape_cast %get3A_426 : vector<1x16xf32> to vector<16xf32>
        %mul3A_428 = arith.mulf %get3A_427, %broadcast_in_dim3A_149 : vector<16xf32>
        %add3A_429 = arith.addf %mul3A_423, %mul3A_428 : vector<16xf32>
        %get3A_430 = arith.index_cast %scan3A_137 : i32 to index
        %get3A_431 = arith.constant 192 : index
        %get3A_432 = tpu.vector_load %arg21[%get3A_430, %get3A_431] {strides = array<i32>} : memref<32x384xf32, #tpu.memory_space<vmem>>, vector<1x16xf32>,
        %get3A_433 = vector.shape_cast %get3A_432 : vector<1x16xf32> to vector<16xf32>
        %mul3A_434 = arith.mulf %get3A_433, %broadcast_in_dim3A_155 : vector<16xf32>
        %add3A_435 = arith.addf %add3A_429, %mul3A_434 : vector<16xf32>
        %swap3A_436 = arith.index_cast %scan3A_137 : i32 to index
        %swap3A_437 = arith.constant 192 : index
        %swap3A_438 = tpu.vector_load %arg22[%swap3A_436, %swap3A_437] {strides = array<i32>} : memref<32x336xf32, #tpu.memory_space<vmem>>, vector<1x16xf32>,
        %swap3A_439 = vector.shape_cast %swap3A_438 : vector<1x16xf32> to vector<16xf32>
        %swap3A_440 = vector.shape_cast %add3A_435 : vector<16xf32> to vector<1x16xf32>
        tpu.vector_store %arg22[%swap3A_436, %swap3A_437], %swap3A_440 {strides = array<i32>} : memref<32x336xf32, #tpu.memory_space<vmem>>, vector<1x16xf32>,
        %get3A_441 = arith.index_cast %scan3A_137 : i32 to index
        %get3A_442 = arith.constant 208 : index
        %get3A_443 = tpu.vector_load %arg19[%get3A_441, %get3A_442] {strides = array<i32>} : memref<32x384xf32, #tpu.memory_space<vmem>>, vector<1x16xf32>,
        %get3A_444 = vector.shape_cast %get3A_443 : vector<1x16xf32> to vector<16xf32>
        %mul3A_445 = arith.mulf %get3A_444, %broadcast_in_dim3A : vector<16xf32>
        %get3A_446 = arith.index_cast %scan3A_137 : i32 to index
        %get3A_447 = arith.constant 208 : index
        %get3A_448 = tpu.vector_load %arg20[%get3A_446, %get3A_447] {strides = array<i32>} : memref<32x384xf32, #tpu.memory_space<vmem>>, vector<1x16xf32>,
        %get3A_449 = vector.shape_cast %get3A_448 : vector<1x16xf32> to vector<16xf32>
        %mul3A_450 = arith.mulf %get3A_449, %broadcast_in_dim3A_149 : vector<16xf32>
        %add3A_451 = arith.addf %mul3A_445, %mul3A_450 : vector<16xf32>
        %get3A_452 = arith.index_cast %scan3A_137 : i32 to index
        %get3A_453 = arith.constant 208 : index
        %get3A_454 = tpu.vector_load %arg21[%get3A_452, %get3A_453] {strides = array<i32>} : memref<32x384xf32, #tpu.memory_space<vmem>>, vector<1x16xf32>,
        %get3A_455 = vector.shape_cast %get3A_454 : vector<1x16xf32> to vector<16xf32>
        %mul3A_456 = arith.mulf %get3A_455, %broadcast_in_dim3A_155 : vector<16xf32>
        %add3A_457 = arith.addf %add3A_451, %mul3A_456 : vector<16xf32>
        %swap3A_458 = arith.index_cast %scan3A_137 : i32 to index
        %swap3A_459 = arith.constant 208 : index
        %swap3A_460 = tpu.vector_load %arg22[%swap3A_458, %swap3A_459] {strides = array<i32>} : memref<32x336xf32, #tpu.memory_space<vmem>>, vector<1x16xf32>,
        %swap3A_461 = vector.shape_cast %swap3A_460 : vector<1x16xf32> to vector<16xf32>
        %swap3A_462 = vector.shape_cast %add3A_457 : vector<16xf32> to vector<1x16xf32>
        tpu.vector_store %arg22[%swap3A_458, %swap3A_459], %swap3A_462 {strides = array<i32>} : memref<32x336xf32, #tpu.memory_space<vmem>>, vector<1x16xf32>,
        %get3A_463 = arith.index_cast %scan3A_137 : i32 to index
        %get3A_464 = arith.constant 224 : index
        %get3A_465 = tpu.vector_load %arg19[%get3A_463, %get3A_464] {strides = array<i32>} : memref<32x384xf32, #tpu.memory_space<vmem>>, vector<1x16xf32>,
        %get3A_466 = vector.shape_cast %get3A_465 : vector<1x16xf32> to vector<16xf32>
        %mul3A_467 = arith.mulf %get3A_466, %broadcast_in_dim3A : vector<16xf32>
        %get3A_468 = arith.index_cast %scan3A_137 : i32 to index
        %get3A_469 = arith.constant 224 : index
        %get3A_470 = tpu.vector_load %arg20[%get3A_468, %get3A_469] {strides = array<i32>} : memref<32x384xf32, #tpu.memory_space<vmem>>, vector<1x16xf32>,
        %get3A_471 = vector.shape_cast %get3A_470 : vector<1x16xf32> to vector<16xf32>
        %mul3A_472 = arith.mulf %get3A_471, %broadcast_in_dim3A_149 : vector<16xf32>
        %add3A_473 = arith.addf %mul3A_467, %mul3A_472 : vector<16xf32>
        %get3A_474 = arith.index_cast %scan3A_137 : i32 to index
        %get3A_475 = arith.constant 224 : index
        %get3A_476 = tpu.vector_load %arg21[%get3A_474, %get3A_475] {strides = array<i32>} : memref<32x384xf32, #tpu.memory_space<vmem>>, vector<1x16xf32>,
        %get3A_477 = vector.shape_cast %get3A_476 : vector<1x16xf32> to vector<16xf32>
        %mul3A_478 = arith.mulf %get3A_477, %broadcast_in_dim3A_155 : vector<16xf32>
        %add3A_479 = arith.addf %add3A_473, %mul3A_478 : vector<16xf32>
        %swap3A_480 = arith.index_cast %scan3A_137 : i32 to index
        %swap3A_481 = arith.constant 224 : index
        %swap3A_482 = tpu.vector_load %arg22[%swap3A_480, %swap3A_481] {strides = array<i32>} : memref<32x336xf32, #tpu.memory_space<vmem>>, vector<1x16xf32>,
        %swap3A_483 = vector.shape_cast %swap3A_482 : vector<1x16xf32> to vector<16xf32>
        %swap3A_484 = vector.shape_cast %add3A_479 : vector<16xf32> to vector<1x16xf32>
        tpu.vector_store %arg22[%swap3A_480, %swap3A_481], %swap3A_484 {strides = array<i32>} : memref<32x336xf32, #tpu.memory_space<vmem>>, vector<1x16xf32>,
        %get3A_485 = arith.index_cast %scan3A_137 : i32 to index
        %get3A_486 = arith.constant 240 : index
        %get3A_487 = tpu.vector_load %arg19[%get3A_485, %get3A_486] {strides = array<i32>} : memref<32x384xf32, #tpu.memory_space<vmem>>, vector<1x16xf32>,
        %get3A_488 = vector.shape_cast %get3A_487 : vector<1x16xf32> to vector<16xf32>
        %mul3A_489 = arith.mulf %get3A_488, %broadcast_in_dim3A : vector<16xf32>
        %get3A_490 = arith.index_cast %scan3A_137 : i32 to index
        %get3A_491 = arith.constant 240 : index
        %get3A_492 = tpu.vector_load %arg20[%get3A_490, %get3A_491] {strides = array<i32>} : memref<32x384xf32, #tpu.memory_space<vmem>>, vector<1x16xf32>,
        %get3A_493 = vector.shape_cast %get3A_492 : vector<1x16xf32> to vector<16xf32>
        %mul3A_494 = arith.mulf %get3A_493, %broadcast_in_dim3A_149 : vector<16xf32>
        %add3A_495 = arith.addf %mul3A_489, %mul3A_494 : vector<16xf32>
        %get3A_496 = arith.index_cast %scan3A_137 : i32 to index
        %get3A_497 = arith.constant 240 : index
        %get3A_498 = tpu.vector_load %arg21[%get3A_496, %get3A_497] {strides = array<i32>} : memref<32x384xf32, #tpu.memory_space<vmem>>, vector<1x16xf32>,
        %get3A_499 = vector.shape_cast %get3A_498 : vector<1x16xf32> to vector<16xf32>
        %mul3A_500 = arith.mulf %get3A_499, %broadcast_in_dim3A_155 : vector<16xf32>
        %add3A_501 = arith.addf %add3A_495, %mul3A_500 : vector<16xf32>
        %swap3A_502 = arith.index_cast %scan3A_137 : i32 to index
        %swap3A_503 = arith.constant 240 : index
        %swap3A_504 = tpu.vector_load %arg22[%swap3A_502, %swap3A_503] {strides = array<i32>} : memref<32x336xf32, #tpu.memory_space<vmem>>, vector<1x16xf32>,
        %swap3A_505 = vector.shape_cast %swap3A_504 : vector<1x16xf32> to vector<16xf32>
        %swap3A_506 = vector.shape_cast %add3A_501 : vector<16xf32> to vector<1x16xf32>
        tpu.vector_store %arg22[%swap3A_502, %swap3A_503], %swap3A_506 {strides = array<i32>} : memref<32x336xf32, #tpu.memory_space<vmem>>, vector<1x16xf32>,
        %get3A_507 = arith.index_cast %scan3A_137 : i32 to index
        %get3A_508 = arith.constant 256 : index
        %get3A_509 = tpu.vector_load %arg19[%get3A_507, %get3A_508] {strides = array<i32>} : memref<32x384xf32, #tpu.memory_space<vmem>>, vector<1x16xf32>,
        %get3A_510 = vector.shape_cast %get3A_509 : vector<1x16xf32> to vector<16xf32>
        %mul3A_511 = arith.mulf %get3A_510, %broadcast_in_dim3A : vector<16xf32>
        %get3A_512 = arith.index_cast %scan3A_137 : i32 to index
        %get3A_513 = arith.constant 256 : index
        %get3A_514 = tpu.vector_load %arg20[%get3A_512, %get3A_513] {strides = array<i32>} : memref<32x384xf32, #tpu.memory_space<vmem>>, vector<1x16xf32>,
        %get3A_515 = vector.shape_cast %get3A_514 : vector<1x16xf32> to vector<16xf32>
        %mul3A_516 = arith.mulf %get3A_515, %broadcast_in_dim3A_149 : vector<16xf32>
        %add3A_517 = arith.addf %mul3A_511, %mul3A_516 : vector<16xf32>
        %get3A_518 = arith.index_cast %scan3A_137 : i32 to index
        %get3A_519 = arith.constant 256 : index
        %get3A_520 = tpu.vector_load %arg21[%get3A_518, %get3A_519] {strides = array<i32>} : memref<32x384xf32, #tpu.memory_space<vmem>>, vector<1x16xf32>,
        %get3A_521 = vector.shape_cast %get3A_520 : vector<1x16xf32> to vector<16xf32>
        %mul3A_522 = arith.mulf %get3A_521, %broadcast_in_dim3A_155 : vector<16xf32>
        %add3A_523 = arith.addf %add3A_517, %mul3A_522 : vector<16xf32>
        %swap3A_524 = arith.index_cast %scan3A_137 : i32 to index
        %swap3A_525 = arith.constant 256 : index
        %swap3A_526 = tpu.vector_load %arg22[%swap3A_524, %swap3A_525] {strides = array<i32>} : memref<32x336xf32, #tpu.memory_space<vmem>>, vector<1x16xf32>,
        %swap3A_527 = vector.shape_cast %swap3A_526 : vector<1x16xf32> to vector<16xf32>
        %swap3A_528 = vector.shape_cast %add3A_523 : vector<16xf32> to vector<1x16xf32>
        tpu.vector_store %arg22[%swap3A_524, %swap3A_525], %swap3A_528 {strides = array<i32>} : memref<32x336xf32, #tpu.memory_space<vmem>>, vector<1x16xf32>,
        %get3A_529 = arith.index_cast %scan3A_137 : i32 to index
        %get3A_530 = arith.constant 272 : index
        %get3A_531 = tpu.vector_load %arg19[%get3A_529, %get3A_530] {strides = array<i32>} : memref<32x384xf32, #tpu.memory_space<vmem>>, vector<1x16xf32>,
        %get3A_532 = vector.shape_cast %get3A_531 : vector<1x16xf32> to vector<16xf32>
        %mul3A_533 = arith.mulf %get3A_532, %broadcast_in_dim3A : vector<16xf32>
        %get3A_534 = arith.index_cast %scan3A_137 : i32 to index
        %get3A_535 = arith.constant 272 : index
        %get3A_536 = tpu.vector_load %arg20[%get3A_534, %get3A_535] {strides = array<i32>} : memref<32x384xf32, #tpu.memory_space<vmem>>, vector<1x16xf32>,
        %get3A_537 = vector.shape_cast %get3A_536 : vector<1x16xf32> to vector<16xf32>
        %mul3A_538 = arith.mulf %get3A_537, %broadcast_in_dim3A_149 : vector<16xf32>
        %add3A_539 = arith.addf %mul3A_533, %mul3A_538 : vector<16xf32>
        %get3A_540 = arith.index_cast %scan3A_137 : i32 to index
        %get3A_541 = arith.constant 272 : index
        %get3A_542 = tpu.vector_load %arg21[%get3A_540, %get3A_541] {strides = array<i32>} : memref<32x384xf32, #tpu.memory_space<vmem>>, vector<1x16xf32>,
        %get3A_543 = vector.shape_cast %get3A_542 : vector<1x16xf32> to vector<16xf32>
        %mul3A_544 = arith.mulf %get3A_543, %broadcast_in_dim3A_155 : vector<16xf32>
        %add3A_545 = arith.addf %add3A_539, %mul3A_544 : vector<16xf32>
        %swap3A_546 = arith.index_cast %scan3A_137 : i32 to index
        %swap3A_547 = arith.constant 272 : index
        %swap3A_548 = tpu.vector_load %arg22[%swap3A_546, %swap3A_547] {strides = array<i32>} : memref<32x336xf32, #tpu.memory_space<vmem>>, vector<1x16xf32>,
        %swap3A_549 = vector.shape_cast %swap3A_548 : vector<1x16xf32> to vector<16xf32>
        %swap3A_550 = vector.shape_cast %add3A_545 : vector<16xf32> to vector<1x16xf32>
        tpu.vector_store %arg22[%swap3A_546, %swap3A_547], %swap3A_550 {strides = array<i32>} : memref<32x336xf32, #tpu.memory_space<vmem>>, vector<1x16xf32>,
        %get3A_551 = arith.index_cast %scan3A_137 : i32 to index
        %get3A_552 = arith.constant 288 : index
        %get3A_553 = tpu.vector_load %arg19[%get3A_551, %get3A_552] {strides = array<i32>} : memref<32x384xf32, #tpu.memory_space<vmem>>, vector<1x16xf32>,
        %get3A_554 = vector.shape_cast %get3A_553 : vector<1x16xf32> to vector<16xf32>
        %mul3A_555 = arith.mulf %get3A_554, %broadcast_in_dim3A : vector<16xf32>
        %get3A_556 = arith.index_cast %scan3A_137 : i32 to index
        %get3A_557 = arith.constant 288 : index
        %get3A_558 = tpu.vector_load %arg20[%get3A_556, %get3A_557] {strides = array<i32>} : memref<32x384xf32, #tpu.memory_space<vmem>>, vector<1x16xf32>,
        %get3A_559 = vector.shape_cast %get3A_558 : vector<1x16xf32> to vector<16xf32>
        %mul3A_560 = arith.mulf %get3A_559, %broadcast_in_dim3A_149 : vector<16xf32>
        %add3A_561 = arith.addf %mul3A_555, %mul3A_560 : vector<16xf32>
        %get3A_562 = arith.index_cast %scan3A_137 : i32 to index
        %get3A_563 = arith.constant 288 : index
        %get3A_564 = tpu.vector_load %arg21[%get3A_562, %get3A_563] {strides = array<i32>} : memref<32x384xf32, #tpu.memory_space<vmem>>, vector<1x16xf32>,
        %get3A_565 = vector.shape_cast %get3A_564 : vector<1x16xf32> to vector<16xf32>
        %mul3A_566 = arith.mulf %get3A_565, %broadcast_in_dim3A_155 : vector<16xf32>
        %add3A_567 = arith.addf %add3A_561, %mul3A_566 : vector<16xf32>
        %swap3A_568 = arith.index_cast %scan3A_137 : i32 to index
        %swap3A_569 = arith.constant 288 : index
        %swap3A_570 = tpu.vector_load %arg22[%swap3A_568, %swap3A_569] {strides = array<i32>} : memref<32x336xf32, #tpu.memory_space<vmem>>, vector<1x16xf32>,
        %swap3A_571 = vector.shape_cast %swap3A_570 : vector<1x16xf32> to vector<16xf32>
        %swap3A_572 = vector.shape_cast %add3A_567 : vector<16xf32> to vector<1x16xf32>
        tpu.vector_store %arg22[%swap3A_568, %swap3A_569], %swap3A_572 {strides = array<i32>} : memref<32x336xf32, #tpu.memory_space<vmem>>, vector<1x16xf32>,
        %get3A_573 = arith.index_cast %scan3A_137 : i32 to index
        %get3A_574 = arith.constant 304 : index
        %get3A_575 = tpu.vector_load %arg19[%get3A_573, %get3A_574] {strides = array<i32>} : memref<32x384xf32, #tpu.memory_space<vmem>>, vector<1x16xf32>,
        %get3A_576 = vector.shape_cast %get3A_575 : vector<1x16xf32> to vector<16xf32>
        %mul3A_577 = arith.mulf %get3A_576, %broadcast_in_dim3A : vector<16xf32>
        %get3A_578 = arith.index_cast %scan3A_137 : i32 to index
        %get3A_579 = arith.constant 304 : index
        %get3A_580 = tpu.vector_load %arg20[%get3A_578, %get3A_579] {strides = array<i32>} : memref<32x384xf32, #tpu.memory_space<vmem>>, vector<1x16xf32>,
        %get3A_581 = vector.shape_cast %get3A_580 : vector<1x16xf32> to vector<16xf32>
        %mul3A_582 = arith.mulf %get3A_581, %broadcast_in_dim3A_149 : vector<16xf32>
        %add3A_583 = arith.addf %mul3A_577, %mul3A_582 : vector<16xf32>
        %get3A_584 = arith.index_cast %scan3A_137 : i32 to index
        %get3A_585 = arith.constant 304 : index
        %get3A_586 = tpu.vector_load %arg21[%get3A_584, %get3A_585] {strides = array<i32>} : memref<32x384xf32, #tpu.memory_space<vmem>>, vector<1x16xf32>,
        %get3A_587 = vector.shape_cast %get3A_586 : vector<1x16xf32> to vector<16xf32>
        %mul3A_588 = arith.mulf %get3A_587, %broadcast_in_dim3A_155 : vector<16xf32>
        %add3A_589 = arith.addf %add3A_583, %mul3A_588 : vector<16xf32>
        %swap3A_590 = arith.index_cast %scan3A_137 : i32 to index
        %swap3A_591 = arith.constant 304 : index
        %swap3A_592 = tpu.vector_load %arg22[%swap3A_590, %swap3A_591] {strides = array<i32>} : memref<32x336xf32, #tpu.memory_space<vmem>>, vector<1x16xf32>,
        %swap3A_593 = vector.shape_cast %swap3A_592 : vector<1x16xf32> to vector<16xf32>
        %swap3A_594 = vector.shape_cast %add3A_589 : vector<16xf32> to vector<1x16xf32>
        tpu.vector_store %arg22[%swap3A_590, %swap3A_591], %swap3A_594 {strides = array<i32>} : memref<32x336xf32, #tpu.memory_space<vmem>>, vector<1x16xf32>,
        %get3A_595 = arith.index_cast %scan3A_137 : i32 to index
        %get3A_596 = arith.constant 320 : index
        %get3A_597 = tpu.vector_load %arg19[%get3A_595, %get3A_596] {strides = array<i32>} : memref<32x384xf32, #tpu.memory_space<vmem>>, vector<1x16xf32>,
        %get3A_598 = vector.shape_cast %get3A_597 : vector<1x16xf32> to vector<16xf32>
        %mul3A_599 = arith.mulf %get3A_598, %broadcast_in_dim3A : vector<16xf32>
        %get3A_600 = arith.index_cast %scan3A_137 : i32 to index
        %get3A_601 = arith.constant 320 : index
        %get3A_602 = tpu.vector_load %arg20[%get3A_600, %get3A_601] {strides = array<i32>} : memref<32x384xf32, #tpu.memory_space<vmem>>, vector<1x16xf32>,
        %get3A_603 = vector.shape_cast %get3A_602 : vector<1x16xf32> to vector<16xf32>
        %mul3A_604 = arith.mulf %get3A_603, %broadcast_in_dim3A_149 : vector<16xf32>
        %add3A_605 = arith.addf %mul3A_599, %mul3A_604 : vector<16xf32>
        %get3A_606 = arith.index_cast %scan3A_137 : i32 to index
        %get3A_607 = arith.constant 320 : index
        %get3A_608 = tpu.vector_load %arg21[%get3A_606, %get3A_607] {strides = array<i32>} : memref<32x384xf32, #tpu.memory_space<vmem>>, vector<1x16xf32>,
        %get3A_609 = vector.shape_cast %get3A_608 : vector<1x16xf32> to vector<16xf32>
        %mul3A_610 = arith.mulf %get3A_609, %broadcast_in_dim3A_155 : vector<16xf32>
        %add3A_611 = arith.addf %add3A_605, %mul3A_610 : vector<16xf32>
        %swap3A_612 = arith.index_cast %scan3A_137 : i32 to index
        %swap3A_613 = arith.constant 320 : index
        %swap3A_614 = tpu.vector_load %arg22[%swap3A_612, %swap3A_613] {strides = array<i32>} : memref<32x336xf32, #tpu.memory_space<vmem>>, vector<1x16xf32>,
        %swap3A_615 = vector.shape_cast %swap3A_614 : vector<1x16xf32> to vector<16xf32>
        %swap3A_616 = vector.shape_cast %add3A_611 : vector<16xf32> to vector<1x16xf32>
        tpu.vector_store %arg22[%swap3A_612, %swap3A_613], %swap3A_616 {strides = array<i32>} : memref<32x336xf32, #tpu.memory_space<vmem>>, vector<1x16xf32>,
        %scan3A_617 = arith.constant 0 : i32
        scf.yield %scan3A_617 : i32
      }
      %scan3A_132 = arith.constant 32 : i32
      %mul3A_133 = arith.constant 32 : i32
      %mul3A_134 = arith.muli %add3A_125, %mul3A_133 : i32
      %add3A_135 = arith.addi %mul3A_2, %mul3A_134 : i32
      "tpu.region"() ({
        %run_scoped3A_137 = tpu.sem_alloc : memref<!tpu.dma_semaphore, #tpu.memory_space<semaphore_mem>>
        %dma_start3A_138 = arith.constant 0 : i32
        %dma_start3A_139 = tpu.memref_slice %arg8[%add3A_135, %dma_start3A_138] : memref<32768x336xf32, #tpu.memory_space<hbm>> -> memref<32x336xf32, #tpu.memory_space<hbm>>
        %dma_start3A_140 = arith.constant 0 : i32
        %dma_start3A_141 = tpu.memref_slice %arg8[%add3A_135, %dma_start3A_140] : memref<32768x336xf32, #tpu.memory_space<hbm>> -> memref<32x336xf32, #tpu.memory_space<hbm>>
        tpu.enqueue_dma source(%arg22 : memref<32x336xf32, #tpu.memory_space<vmem>>) target(%dma_start3A_141 : memref<32x336xf32, #tpu.memory_space<hbm>>) target_semaphore(%run_scoped3A_137 : memref<!tpu.dma_semaphore, #tpu.memory_space<semaphore_mem>>)
        %dma_wait3A_142 = arith.constant 0 : i32
        %dma_wait3A_143 = tpu.memref_slice %arg8[%add3A_135, %dma_wait3A_142] : memref<32768x336xf32, #tpu.memory_space<hbm>> -> memref<32x336xf32, #tpu.memory_space<hbm>>
        %dma_wait3A_144 = arith.constant 0 : i32
        %dma_wait3A_145 = tpu.memref_slice %arg8[%add3A_135, %dma_wait3A_144] : memref<32768x336xf32, #tpu.memory_space<hbm>> -> memref<32x336xf32, #tpu.memory_space<hbm>>
        tpu.wait_dma2 semaphore(%run_scoped3A_137 : memref<!tpu.dma_semaphore, #tpu.memory_space<semaphore_mem>>) src(%arg22 : memref<32x336xf32, #tpu.memory_space<vmem>>) dst(%dma_wait3A_145 : memref<32x336xf32, #tpu.memory_space<hbm>>)
        tpu.yield
      }) : () -> ()
      %scan3A_136 = arith.constant 0 : i32
      scf.yield %scan3A_136 : i32
    }
    %scan3A_44 = arith.constant 16 : i32
    return
  }
}

#map = affine_map<(d0, d1) -> (0, 0, 0)>
#map1 = affine_map<(d0, d1) -> (0)>
#map2 = affine_map<(d0, d1) -> (0, 0)>
module attributes {stable_mosaic.version = 14 : i64} {
  func.func @k(%arg0: i32, %arg1: i32, %arg2: memref<32x32x32xi32, #tpu.memory_space<hbm>>, %arg3: memref<100000xi32, #tpu.memory_space<hbm>>, %arg4: memref<100000xi32, #tpu.memory_space<hbm>>, %arg5: memref<100000xi32, #tpu.memory_space<hbm>>, %arg6: memref<50000x384xf32, #tpu.memory_space<hbm>>, %arg7: memref<3x32x1024xf32, #tpu.memory_space<hbm>>, %arg8: memref<32768x336xf32, #tpu.memory_space<hbm>>, %arg9: memref<32x32xi32, #tpu.memory_space<vmem>>, %arg10: memref<32x32xi32, #tpu.memory_space<vmem>>, %arg11: memref<32x32xi32, #tpu.memory_space<vmem>>, %arg12: memref<32x32xi32, #tpu.memory_space<vmem>>, %arg13: memref<1040xf32, #tpu.memory_space<vmem>>, %arg14: memref<1040xf32, #tpu.memory_space<vmem>>, %arg15: memref<1040xf32, #tpu.memory_space<vmem>>, %arg16: memref<32x384xf32, #tpu.memory_space<vmem>>, %arg17: memref<32x384xf32, #tpu.memory_space<vmem>>, %arg18: memref<32x384xf32, #tpu.memory_space<vmem>>, %arg19: memref<32x384xf32, #tpu.memory_space<vmem>>, %arg20: memref<32x384xf32, #tpu.memory_space<vmem>>, %arg21: memref<32x384xf32, #tpu.memory_space<vmem>>, %arg22: memref<32x336xf32, #tpu.memory_space<vmem>>, %arg23: memref<!tpu.dma_semaphore, #tpu.memory_space<semaphore_mem>>, %arg24: memref<!tpu.dma_semaphore, #tpu.memory_space<semaphore_mem>>, %arg25: memref<!tpu.dma_semaphore, #tpu.memory_space<semaphore_mem>>) attributes {dimension_semantics = [#tpu.dimension_semantics<core_parallel>, #tpu.dimension_semantics<subcore_parallel>], iteration_bounds = array<i64: 2, 16>, scalar_prefetch = 0 : i64, scratch_operands = 17 : i64, tpu.core_type = #tpu.core_type<sc_vector_subcore>, window_params = [{transform_indices = #map}, {transform_indices = #map1}, {transform_indices = #map1}, {transform_indices = #map1}, {transform_indices = #map2}, {transform_indices = #map}, {transform_indices = #map2}]} {
    %mul3A = arith.constant 2 : i32
    %mul3A_0 = arith.muli %arg1, %mul3A : i32
    %add3A = arith.addi %mul3A_0, %arg0 : i32
    %mul3A_1 = arith.constant 1024 : i32
    %mul3A_2 = arith.muli %add3A, %mul3A_1 : i32
    "tpu.region"() ({
      %run_scoped3A_45 = tpu.sem_alloc : memref<!tpu.dma_semaphore, #tpu.memory_space<semaphore_mem>>
      %dma_start3A_46 = arith.constant 0 : i32
      %dma_start3A_47 = arith.constant 0 : i32
      %dma_start3A_48 = tpu.memref_slice %arg2[%add3A, %dma_start3A_46, %dma_start3A_47] : memref<32x32x32xi32, #tpu.memory_space<hbm>> -> memref<1x32x32xi32, #tpu.memory_space<hbm>>
      %dma_start3A_49 = tpu.memref_squeeze %dma_start3A_48 : memref<1x32x32xi32, #tpu.memory_space<hbm>> -> memref<32x32xi32, #tpu.memory_space<hbm>>
      %dma_start3A_50 = arith.constant 0 : i32
      %dma_start3A_51 = arith.constant 0 : i32
      %dma_start3A_52 = tpu.memref_slice %arg2[%add3A, %dma_start3A_50, %dma_start3A_51] : memref<32x32x32xi32, #tpu.memory_space<hbm>> -> memref<1x32x32xi32, #tpu.memory_space<hbm>>
      %dma_start3A_53 = tpu.memref_squeeze %dma_start3A_52 : memref<1x32x32xi32, #tpu.memory_space<hbm>> -> memref<32x32xi32, #tpu.memory_space<hbm>>
      tpu.enqueue_dma source(%dma_start3A_53 : memref<32x32xi32, #tpu.memory_space<hbm>>) target(%arg9 : memref<32x32xi32, #tpu.memory_space<vmem>>) target_semaphore(%run_scoped3A_45 : memref<!tpu.dma_semaphore, #tpu.memory_space<semaphore_mem>>)
      %dma_wait3A = arith.constant 0 : i32
      %dma_wait3A_54 = arith.constant 0 : i32
      %dma_wait3A_55 = tpu.memref_slice %arg2[%add3A, %dma_wait3A, %dma_wait3A_54] : memref<32x32x32xi32, #tpu.memory_space<hbm>> -> memref<1x32x32xi32, #tpu.memory_space<hbm>>
      %dma_wait3A_56 = tpu.memref_squeeze %dma_wait3A_55 : memref<1x32x32xi32, #tpu.memory_space<hbm>> -> memref<32x32xi32, #tpu.memory_space<hbm>>
      %dma_wait3A_57 = arith.constant 0 : i32
      %dma_wait3A_58 = arith.constant 0 : i32
      %dma_wait3A_59 = tpu.memref_slice %arg2[%add3A, %dma_wait3A_57, %dma_wait3A_58] : memref<32x32x32xi32, #tpu.memory_space<hbm>> -> memref<1x32x32xi32, #tpu.memory_space<hbm>>
      %dma_wait3A_60 = tpu.memref_squeeze %dma_wait3A_59 : memref<1x32x32xi32, #tpu.memory_space<hbm>> -> memref<32x32xi32, #tpu.memory_space<hbm>>
      tpu.wait_dma2 semaphore(%run_scoped3A_45 : memref<!tpu.dma_semaphore, #tpu.memory_space<semaphore_mem>>) src(%dma_wait3A_60 : memref<32x32xi32, #tpu.memory_space<hbm>>) dst(%arg9 : memref<32x32xi32, #tpu.memory_space<vmem>>)
      tpu.yield
    }) : () -> ()
    %run_scoped3A = arith.constant 0 : i32
    "tpu.region"() ({
      %run_scoped3A_45 = tpu.sem_alloc : memref<!tpu.dma_semaphore, #tpu.memory_space<semaphore_mem>>
      %dma_start3A_46 = arith.constant 0 : i32
      %dma_start3A_47 = tpu.memref_slice %arg13[%dma_start3A_46] : memref<1040xf32, #tpu.memory_space<vmem>> -> memref<1024xf32, #tpu.memory_space<vmem>>
      %dma_start3A_48 = arith.constant 0 : i32
      %dma_start3A_49 = tpu.memref_slice %arg7[%run_scoped3A, %add3A, %dma_start3A_48] : memref<3x32x1024xf32, #tpu.memory_space<hbm>> -> memref<1x1x1024xf32, #tpu.memory_space<hbm>>
      %dma_start3A_50 = tpu.memref_squeeze %dma_start3A_49 : memref<1x1x1024xf32, #tpu.memory_space<hbm>> -> memref<1024xf32, #tpu.memory_space<hbm>>
      %dma_start3A_51 = arith.constant 0 : i32
      %dma_start3A_52 = tpu.memref_slice %arg13[%dma_start3A_51] : memref<1040xf32, #tpu.memory_space<vmem>> -> memref<1024xf32, #tpu.memory_space<vmem>>
      %dma_start3A_53 = arith.constant 0 : i32
      %dma_start3A_54 = tpu.memref_slice %arg7[%run_scoped3A, %add3A, %dma_start3A_53] : memref<3x32x1024xf32, #tpu.memory_space<hbm>> -> memref<1x1x1024xf32, #tpu.memory_space<hbm>>
      %dma_start3A_55 = tpu.memref_squeeze %dma_start3A_54 : memref<1x1x1024xf32, #tpu.memory_space<hbm>> -> memref<1024xf32, #tpu.memory_space<hbm>>
      tpu.enqueue_dma source(%dma_start3A_55 : memref<1024xf32, #tpu.memory_space<hbm>>) target(%dma_start3A_52 : memref<1024xf32, #tpu.memory_space<vmem>>) target_semaphore(%run_scoped3A_45 : memref<!tpu.dma_semaphore, #tpu.memory_space<semaphore_mem>>)
      %dma_wait3A = arith.constant 0 : i32
      %dma_wait3A_56 = tpu.memref_slice %arg13[%dma_wait3A] : memref<1040xf32, #tpu.memory_space<vmem>> -> memref<1024xf32, #tpu.memory_space<vmem>>
      %dma_wait3A_57 = arith.constant 0 : i32
      %dma_wait3A_58 = tpu.memref_slice %arg7[%run_scoped3A, %add3A, %dma_wait3A_57] : memref<3x32x1024xf32, #tpu.memory_space<hbm>> -> memref<1x1x1024xf32, #tpu.memory_space<hbm>>
      %dma_wait3A_59 = tpu.memref_squeeze %dma_wait3A_58 : memref<1x1x1024xf32, #tpu.memory_space<hbm>> -> memref<1024xf32, #tpu.memory_space<hbm>>
      %dma_wait3A_60 = arith.constant 0 : i32
      %dma_wait3A_61 = tpu.memref_slice %arg13[%dma_wait3A_60] : memref<1040xf32, #tpu.memory_space<vmem>> -> memref<1024xf32, #tpu.memory_space<vmem>>
      %dma_wait3A_62 = arith.constant 0 : i32
      %dma_wait3A_63 = tpu.memref_slice %arg7[%run_scoped3A, %add3A, %dma_wait3A_62] : memref<3x32x1024xf32, #tpu.memory_space<hbm>> -> memref<1x1x1024xf32, #tpu.memory_space<hbm>>
      %dma_wait3A_64 = tpu.memref_squeeze %dma_wait3A_63 : memref<1x1x1024xf32, #tpu.memory_space<hbm>> -> memref<1024xf32, #tpu.memory_space<hbm>>
      tpu.wait_dma2 semaphore(%run_scoped3A_45 : memref<!tpu.dma_semaphore, #tpu.memory_space<semaphore_mem>>) src(%dma_wait3A_64 : memref<1024xf32, #tpu.memory_space<hbm>>) dst(%dma_wait3A_61 : memref<1024xf32, #tpu.memory_space<vmem>>)
      tpu.yield
    }) : () -> ()
    %run_scoped3A_3 = arith.constant 1 : i32
    "tpu.region"() ({
      %run_scoped3A_45 = tpu.sem_alloc : memref<!tpu.dma_semaphore, #tpu.memory_space<semaphore_mem>>
      %dma_start3A_46 = arith.constant 0 : i32
      %dma_start3A_47 = tpu.memref_slice %arg14[%dma_start3A_46] : memref<1040xf32, #tpu.memory_space<vmem>> -> memref<1024xf32, #tpu.memory_space<vmem>>
      %dma_start3A_48 = arith.constant 0 : i32
      %dma_start3A_49 = tpu.memref_slice %arg7[%run_scoped3A_3, %add3A, %dma_start3A_48] : memref<3x32x1024xf32, #tpu.memory_space<hbm>> -> memref<1x1x1024xf32, #tpu.memory_space<hbm>>
      %dma_start3A_50 = tpu.memref_squeeze %dma_start3A_49 : memref<1x1x1024xf32, #tpu.memory_space<hbm>> -> memref<1024xf32, #tpu.memory_space<hbm>>
      %dma_start3A_51 = arith.constant 0 : i32
      %dma_start3A_52 = tpu.memref_slice %arg14[%dma_start3A_51] : memref<1040xf32, #tpu.memory_space<vmem>> -> memref<1024xf32, #tpu.memory_space<vmem>>
      %dma_start3A_53 = arith.constant 0 : i32
      %dma_start3A_54 = tpu.memref_slice %arg7[%run_scoped3A_3, %add3A, %dma_start3A_53] : memref<3x32x1024xf32, #tpu.memory_space<hbm>> -> memref<1x1x1024xf32, #tpu.memory_space<hbm>>
      %dma_start3A_55 = tpu.memref_squeeze %dma_start3A_54 : memref<1x1x1024xf32, #tpu.memory_space<hbm>> -> memref<1024xf32, #tpu.memory_space<hbm>>
      tpu.enqueue_dma source(%dma_start3A_55 : memref<1024xf32, #tpu.memory_space<hbm>>) target(%dma_start3A_52 : memref<1024xf32, #tpu.memory_space<vmem>>) target_semaphore(%run_scoped3A_45 : memref<!tpu.dma_semaphore, #tpu.memory_space<semaphore_mem>>)
      %dma_wait3A = arith.constant 0 : i32
      %dma_wait3A_56 = tpu.memref_slice %arg14[%dma_wait3A] : memref<1040xf32, #tpu.memory_space<vmem>> -> memref<1024xf32, #tpu.memory_space<vmem>>
      %dma_wait3A_57 = arith.constant 0 : i32
      %dma_wait3A_58 = tpu.memref_slice %arg7[%run_scoped3A_3, %add3A, %dma_wait3A_57] : memref<3x32x1024xf32, #tpu.memory_space<hbm>> -> memref<1x1x1024xf32, #tpu.memory_space<hbm>>
      %dma_wait3A_59 = tpu.memref_squeeze %dma_wait3A_58 : memref<1x1x1024xf32, #tpu.memory_space<hbm>> -> memref<1024xf32, #tpu.memory_space<hbm>>
      %dma_wait3A_60 = arith.constant 0 : i32
      %dma_wait3A_61 = tpu.memref_slice %arg14[%dma_wait3A_60] : memref<1040xf32, #tpu.memory_space<vmem>> -> memref<1024xf32, #tpu.memory_space<vmem>>
      %dma_wait3A_62 = arith.constant 0 : i32
      %dma_wait3A_63 = tpu.memref_slice %arg7[%run_scoped3A_3, %add3A, %dma_wait3A_62] : memref<3x32x1024xf32, #tpu.memory_space<hbm>> -> memref<1x1x1024xf32, #tpu.memory_space<hbm>>
      %dma_wait3A_64 = tpu.memref_squeeze %dma_wait3A_63 : memref<1x1x1024xf32, #tpu.memory_space<hbm>> -> memref<1024xf32, #tpu.memory_space<hbm>>
      tpu.wait_dma2 semaphore(%run_scoped3A_45 : memref<!tpu.dma_semaphore, #tpu.memory_space<semaphore_mem>>) src(%dma_wait3A_64 : memref<1024xf32, #tpu.memory_space<hbm>>) dst(%dma_wait3A_61 : memref<1024xf32, #tpu.memory_space<vmem>>)
      tpu.yield
    }) : () -> ()
    %run_scoped3A_4 = arith.constant 2 : i32
    "tpu.region"() ({
      %run_scoped3A_45 = tpu.sem_alloc : memref<!tpu.dma_semaphore, #tpu.memory_space<semaphore_mem>>
      %dma_start3A_46 = arith.constant 0 : i32
      %dma_start3A_47 = tpu.memref_slice %arg15[%dma_start3A_46] : memref<1040xf32, #tpu.memory_space<vmem>> -> memref<1024xf32, #tpu.memory_space<vmem>>
      %dma_start3A_48 = arith.constant 0 : i32
      %dma_start3A_49 = tpu.memref_slice %arg7[%run_scoped3A_4, %add3A, %dma_start3A_48] : memref<3x32x1024xf32, #tpu.memory_space<hbm>> -> memref<1x1x1024xf32, #tpu.memory_space<hbm>>
      %dma_start3A_50 = tpu.memref_squeeze %dma_start3A_49 : memref<1x1x1024xf32, #tpu.memory_space<hbm>> -> memref<1024xf32, #tpu.memory_space<hbm>>
      %dma_start3A_51 = arith.constant 0 : i32
      %dma_start3A_52 = tpu.memref_slice %arg15[%dma_start3A_51] : memref<1040xf32, #tpu.memory_space<vmem>> -> memref<1024xf32, #tpu.memory_space<vmem>>
      %dma_start3A_53 = arith.constant 0 : i32
      %dma_start3A_54 = tpu.memref_slice %arg7[%run_scoped3A_4, %add3A, %dma_start3A_53] : memref<3x32x1024xf32, #tpu.memory_space<hbm>> -> memref<1x1x1024xf32, #tpu.memory_space<hbm>>
      %dma_start3A_55 = tpu.memref_squeeze %dma_start3A_54 : memref<1x1x1024xf32, #tpu.memory_space<hbm>> -> memref<1024xf32, #tpu.memory_space<hbm>>
      tpu.enqueue_dma source(%dma_start3A_55 : memref<1024xf32, #tpu.memory_space<hbm>>) target(%dma_start3A_52 : memref<1024xf32, #tpu.memory_space<vmem>>) target_semaphore(%run_scoped3A_45 : memref<!tpu.dma_semaphore, #tpu.memory_space<semaphore_mem>>)
      %dma_wait3A = arith.constant 0 : i32
      %dma_wait3A_56 = tpu.memref_slice %arg15[%dma_wait3A] : memref<1040xf32, #tpu.memory_space<vmem>> -> memref<1024xf32, #tpu.memory_space<vmem>>
      %dma_wait3A_57 = arith.constant 0 : i32
      %dma_wait3A_58 = tpu.memref_slice %arg7[%run_scoped3A_4, %add3A, %dma_wait3A_57] : memref<3x32x1024xf32, #tpu.memory_space<hbm>> -> memref<1x1x1024xf32, #tpu.memory_space<hbm>>
      %dma_wait3A_59 = tpu.memref_squeeze %dma_wait3A_58 : memref<1x1x1024xf32, #tpu.memory_space<hbm>> -> memref<1024xf32, #tpu.memory_space<hbm>>
      %dma_wait3A_60 = arith.constant 0 : i32
      %dma_wait3A_61 = tpu.memref_slice %arg15[%dma_wait3A_60] : memref<1040xf32, #tpu.memory_space<vmem>> -> memref<1024xf32, #tpu.memory_space<vmem>>
      %dma_wait3A_62 = arith.constant 0 : i32
      %dma_wait3A_63 = tpu.memref_slice %arg7[%run_scoped3A_4, %add3A, %dma_wait3A_62] : memref<3x32x1024xf32, #tpu.memory_space<hbm>> -> memref<1x1x1024xf32, #tpu.memory_space<hbm>>
      %dma_wait3A_64 = tpu.memref_squeeze %dma_wait3A_63 : memref<1x1x1024xf32, #tpu.memory_space<hbm>> -> memref<1024xf32, #tpu.memory_space<hbm>>
      tpu.wait_dma2 semaphore(%run_scoped3A_45 : memref<!tpu.dma_semaphore, #tpu.memory_space<semaphore_mem>>) src(%dma_wait3A_64 : memref<1024xf32, #tpu.memory_space<hbm>>) dst(%dma_wait3A_61 : memref<1024xf32, #tpu.memory_space<vmem>>)
      tpu.yield
    }) : () -> ()
    %scan3A = arith.constant 0 : i32
    %scan3A_5 = arith.constant 0 : i32
    %scan3A_6 = arith.constant 32 : i32
    %scan3A_7 = arith.addi %scan3A_5, %scan3A_6 : i32
    %scan3A_8 = arith.constant 1 : i32
    %scan3A_9 = scf.for %scan3A_45 = %scan3A_5 to %scan3A_7 step %scan3A_8 iter_args(%scan3A_46 = %scan3A) -> (i32)  : i32 {
      %dma_start3A_47 = arith.constant 0 : i32
      %dma_start3A_48 = tpu.memref_slice %arg10[%scan3A_45, %dma_start3A_47] : memref<32x32xi32, #tpu.memory_space<vmem>> -> memref<1x32xi32, #tpu.memory_space<vmem>>
      %dma_start3A_49 = tpu.memref_squeeze %dma_start3A_48 : memref<1x32xi32, #tpu.memory_space<vmem>> -> memref<32xi32, #tpu.memory_space<vmem>>
      %dma_start3A_50 = arith.constant 0 : i32
      %dma_start3A_51 = tpu.memref_slice %arg9[%scan3A_45, %dma_start3A_50] : memref<32x32xi32, #tpu.memory_space<vmem>> -> memref<1x32xi32, #tpu.memory_space<vmem>>
      %dma_start3A_52 = tpu.memref_squeeze %dma_start3A_51 : memref<1x32xi32, #tpu.memory_space<vmem>> -> memref<32xi32, #tpu.memory_space<vmem>>
      %dma_start3A_53 = arith.constant 0 : i32
      %dma_start3A_54 = tpu.memref_slice %arg3[%dma_start3A_53] : memref<100000xi32, #tpu.memory_space<hbm>> -> memref<100000xi32, #tpu.memory_space<hbm>>
      tpu.enqueue_indirect_dma source(%dma_start3A_54 : memref<100000xi32, #tpu.memory_space<hbm>>) target(%dma_start3A_49 : memref<32xi32, #tpu.memory_space<vmem>>) offsets(%dma_start3A_52 : memref<32xi32, #tpu.memory_space<vmem>>) semaphore(%arg25 : memref<!tpu.dma_semaphore, #tpu.memory_space<semaphore_mem>>)
      %dma_start3A_55 = arith.constant 0 : i32
      %dma_start3A_56 = tpu.memref_slice %arg11[%scan3A_45, %dma_start3A_55] : memref<32x32xi32, #tpu.memory_space<vmem>> -> memref<1x32xi32, #tpu.memory_space<vmem>>
      %dma_start3A_57 = tpu.memref_squeeze %dma_start3A_56 : memref<1x32xi32, #tpu.memory_space<vmem>> -> memref<32xi32, #tpu.memory_space<vmem>>
      %dma_start3A_58 = arith.constant 0 : i32
      %dma_start3A_59 = tpu.memref_slice %arg9[%scan3A_45, %dma_start3A_58] : memref<32x32xi32, #tpu.memory_space<vmem>> -> memref<1x32xi32, #tpu.memory_space<vmem>>
      %dma_start3A_60 = tpu.memref_squeeze %dma_start3A_59 : memref<1x32xi32, #tpu.memory_space<vmem>> -> memref<32xi32, #tpu.memory_space<vmem>>
      %dma_start3A_61 = arith.constant 0 : i32
      %dma_start3A_62 = tpu.memref_slice %arg4[%dma_start3A_61] : memref<100000xi32, #tpu.memory_space<hbm>> -> memref<100000xi32, #tpu.memory_space<hbm>>
      tpu.enqueue_indirect_dma source(%dma_start3A_62 : memref<100000xi32, #tpu.memory_space<hbm>>) target(%dma_start3A_57 : memref<32xi32, #tpu.memory_space<vmem>>) offsets(%dma_start3A_60 : memref<32xi32, #tpu.memory_space<vmem>>) semaphore(%arg25 : memref<!tpu.dma_semaphore, #tpu.memory_space<semaphore_mem>>)
      %dma_start3A_63 = arith.constant 0 : i32
      %dma_start3A_64 = tpu.memref_slice %arg12[%scan3A_45, %dma_start3A_63] : memref<32x32xi32, #tpu.memory_space<vmem>> -> memref<1x32xi32, #tpu.memory_space<vmem>>
      %dma_start3A_65 = tpu.memref_squeeze %dma_start3A_64 : memref<1x32xi32, #tpu.memory_space<vmem>> -> memref<32xi32, #tpu.memory_space<vmem>>
      %dma_start3A_66 = arith.constant 0 : i32
      %dma_start3A_67 = tpu.memref_slice %arg9[%scan3A_45, %dma_start3A_66] : memref<32x32xi32, #tpu.memory_space<vmem>> -> memref<1x32xi32, #tpu.memory_space<vmem>>
      %dma_start3A_68 = tpu.memref_squeeze %dma_start3A_67 : memref<1x32xi32, #tpu.memory_space<vmem>> -> memref<32xi32, #tpu.memory_space<vmem>>
      %dma_start3A_69 = arith.constant 0 : i32
      %dma_start3A_70 = tpu.memref_slice %arg5[%dma_start3A_69] : memref<100000xi32, #tpu.memory_space<hbm>> -> memref<100000xi32, #tpu.memory_space<hbm>>
      tpu.enqueue_indirect_dma source(%dma_start3A_70 : memref<100000xi32, #tpu.memory_space<hbm>>) target(%dma_start3A_65 : memref<32xi32, #tpu.memory_space<vmem>>) offsets(%dma_start3A_68 : memref<32xi32, #tpu.memory_space<vmem>>) semaphore(%arg25 : memref<!tpu.dma_semaphore, #tpu.memory_space<semaphore_mem>>)
      %scan3A_71 = arith.constant 0 : i32
      scf.yield %scan3A_71 : i32
    }
    %scan3A_10 = arith.constant 32 : i32
    %scan3A_11 = arith.constant 0 : i32
    %scan3A_12 = arith.constant 0 : i32
    %scan3A_13 = arith.constant 32 : i32
    %scan3A_14 = arith.addi %scan3A_12, %scan3A_13 : i32
    %scan3A_15 = arith.constant 1 : i32
    %scan3A_16 = scf.for %scan3A_45 = %scan3A_12 to %scan3A_14 step %scan3A_15 iter_args(%scan3A_46 = %scan3A_11) -> (i32)  : i32 {
      %dma_wait3A = arith.constant 0 : i32
      %dma_wait3A_47 = arith.constant 0 : i32
      %dma_wait3A_48 = arith.constant 0 : i32
      %dma_wait3A_49 = tpu.memref_slice %arg10[%dma_wait3A_47, %dma_wait3A_48] : memref<32x32xi32, #tpu.memory_space<vmem>> -> memref<1x32xi32, #tpu.memory_space<vmem>>
      %dma_wait3A_50 = tpu.memref_squeeze %dma_wait3A_49 : memref<1x32xi32, #tpu.memory_space<vmem>> -> memref<32xi32, #tpu.memory_space<vmem>>
      %dma_wait3A_51 = arith.constant 0 : i32
      %dma_wait3A_52 = tpu.memref_slice %arg9[%dma_wait3A, %dma_wait3A_51] : memref<32x32xi32, #tpu.memory_space<vmem>> -> memref<1x32xi32, #tpu.memory_space<vmem>>
      %dma_wait3A_53 = tpu.memref_squeeze %dma_wait3A_52 : memref<1x32xi32, #tpu.memory_space<vmem>> -> memref<32xi32, #tpu.memory_space<vmem>>
      %dma_wait3A_54 = arith.constant 0 : i32
      %dma_wait3A_55 = tpu.memref_slice %arg3[%dma_wait3A_54] : memref<100000xi32, #tpu.memory_space<hbm>> -> memref<100000xi32, #tpu.memory_space<hbm>>
      tpu.wait_indirect_dma semaphore(%arg25 : memref<!tpu.dma_semaphore, #tpu.memory_space<semaphore_mem>>) src(%dma_wait3A_55 : memref<100000xi32, #tpu.memory_space<hbm>>) dst(%dma_wait3A_50 : memref<32xi32, #tpu.memory_space<vmem>>)
      %dma_wait3A_56 = arith.constant 0 : i32
      %dma_wait3A_57 = arith.constant 0 : i32
      %dma_wait3A_58 = arith.constant 0 : i32
      %dma_wait3A_59 = tpu.memref_slice %arg11[%dma_wait3A_57, %dma_wait3A_58] : memref<32x32xi32, #tpu.memory_space<vmem>> -> memref<1x32xi32, #tpu.memory_space<vmem>>
      %dma_wait3A_60 = tpu.memref_squeeze %dma_wait3A_59 : memref<1x32xi32, #tpu.memory_space<vmem>> -> memref<32xi32, #tpu.memory_space<vmem>>
      %dma_wait3A_61 = arith.constant 0 : i32
      %dma_wait3A_62 = tpu.memref_slice %arg9[%dma_wait3A_56, %dma_wait3A_61] : memref<32x32xi32, #tpu.memory_space<vmem>> -> memref<1x32xi32, #tpu.memory_space<vmem>>
      %dma_wait3A_63 = tpu.memref_squeeze %dma_wait3A_62 : memref<1x32xi32, #tpu.memory_space<vmem>> -> memref<32xi32, #tpu.memory_space<vmem>>
      %dma_wait3A_64 = arith.constant 0 : i32
      %dma_wait3A_65 = tpu.memref_slice %arg4[%dma_wait3A_64] : memref<100000xi32, #tpu.memory_space<hbm>> -> memref<100000xi32, #tpu.memory_space<hbm>>
      tpu.wait_indirect_dma semaphore(%arg25 : memref<!tpu.dma_semaphore, #tpu.memory_space<semaphore_mem>>) src(%dma_wait3A_65 : memref<100000xi32, #tpu.memory_space<hbm>>) dst(%dma_wait3A_60 : memref<32xi32, #tpu.memory_space<vmem>>)
      %dma_wait3A_66 = arith.constant 0 : i32
      %dma_wait3A_67 = arith.constant 0 : i32
      %dma_wait3A_68 = arith.constant 0 : i32
      %dma_wait3A_69 = tpu.memref_slice %arg12[%dma_wait3A_67, %dma_wait3A_68] : memref<32x32xi32, #tpu.memory_space<vmem>> -> memref<1x32xi32, #tpu.memory_space<vmem>>
      %dma_wait3A_70 = tpu.memref_squeeze %dma_wait3A_69 : memref<1x32xi32, #tpu.memory_space<vmem>> -> memref<32xi32, #tpu.memory_space<vmem>>
      %dma_wait3A_71 = arith.constant 0 : i32
      %dma_wait3A_72 = tpu.memref_slice %arg9[%dma_wait3A_66, %dma_wait3A_71] : memref<32x32xi32, #tpu.memory_space<vmem>> -> memref<1x32xi32, #tpu.memory_space<vmem>>
      %dma_wait3A_73 = tpu.memref_squeeze %dma_wait3A_72 : memref<1x32xi32, #tpu.memory_space<vmem>> -> memref<32xi32, #tpu.memory_space<vmem>>
      %dma_wait3A_74 = arith.constant 0 : i32
      %dma_wait3A_75 = tpu.memref_slice %arg5[%dma_wait3A_74] : memref<100000xi32, #tpu.memory_space<hbm>> -> memref<100000xi32, #tpu.memory_space<hbm>>
      tpu.wait_indirect_dma semaphore(%arg25 : memref<!tpu.dma_semaphore, #tpu.memory_space<semaphore_mem>>) src(%dma_wait3A_75 : memref<100000xi32, #tpu.memory_space<hbm>>) dst(%dma_wait3A_70 : memref<32xi32, #tpu.memory_space<vmem>>)
      %scan3A_76 = arith.constant 0 : i32
      scf.yield %scan3A_76 : i32
    }
    %scan3A_17 = arith.constant 32 : i32
    %dma_start3A = arith.constant 0 : i32
    %dma_start3A_18 = arith.constant 0 : i32
    %dma_start3A_19 = tpu.memref_slice %arg10[%dma_start3A, %dma_start3A_18] : memref<32x32xi32, #tpu.memory_space<vmem>> -> memref<1x32xi32, #tpu.memory_space<vmem>>
    %dma_start3A_20 = tpu.memref_squeeze %dma_start3A_19 : memref<1x32xi32, #tpu.memory_space<vmem>> -> memref<32xi32, #tpu.memory_space<vmem>>
    %dma_start3A_21 = arith.constant 0 : i32
    %dma_start3A_22 = arith.constant 0 : i32
    %dma_start3A_23 = tpu.memref_slice %arg6[%dma_start3A_21, %dma_start3A_22] : memref<50000x384xf32, #tpu.memory_space<hbm>> -> memref<50000x384xf32, #tpu.memory_space<hbm>>
    tpu.enqueue_indirect_dma source(%dma_start3A_23 : memref<50000x384xf32, #tpu.memory_space<hbm>>) target(%arg16 : memref<32x384xf32, #tpu.memory_space<vmem>>) offsets(%dma_start3A_20 : memref<32xi32, #tpu.memory_space<vmem>>) semaphore(%arg23 : memref<!tpu.dma_semaphore, #tpu.memory_space<semaphore_mem>>)
    %dma_start3A_24 = arith.constant 0 : i32
    %dma_start3A_25 = arith.constant 0 : i32
    %dma_start3A_26 = tpu.memref_slice %arg11[%dma_start3A_24, %dma_start3A_25] : memref<32x32xi32, #tpu.memory_space<vmem>> -> memref<1x32xi32, #tpu.memory_space<vmem>>
    %dma_start3A_27 = tpu.memref_squeeze %dma_start3A_26 : memref<1x32xi32, #tpu.memory_space<vmem>> -> memref<32xi32, #tpu.memory_space<vmem>>
    %dma_start3A_28 = arith.constant 0 : i32
    %dma_start3A_29 = arith.constant 0 : i32
    %dma_start3A_30 = tpu.memref_slice %arg6[%dma_start3A_28, %dma_start3A_29] : memref<50000x384xf32, #tpu.memory_space<hbm>> -> memref<50000x384xf32, #tpu.memory_space<hbm>>
    tpu.enqueue_indirect_dma source(%dma_start3A_30 : memref<50000x384xf32, #tpu.memory_space<hbm>>) target(%arg17 : memref<32x384xf32, #tpu.memory_space<vmem>>) offsets(%dma_start3A_27 : memref<32xi32, #tpu.memory_space<vmem>>) semaphore(%arg23 : memref<!tpu.dma_semaphore, #tpu.memory_space<semaphore_mem>>)
    %dma_start3A_31 = arith.constant 0 : i32
    %dma_start3A_32 = arith.constant 0 : i32
    %dma_start3A_33 = tpu.memref_slice %arg12[%dma_start3A_31, %dma_start3A_32] : memref<32x32xi32, #tpu.memory_space<vmem>> -> memref<1x32xi32, #tpu.memory_space<vmem>>
    %dma_start3A_34 = tpu.memref_squeeze %dma_start3A_33 : memref<1x32xi32, #tpu.memory_space<vmem>> -> memref<32xi32, #tpu.memory_space<vmem>>
    %dma_start3A_35 = arith.constant 0 : i32
    %dma_start3A_36 = arith.constant 0 : i32
    %dma_start3A_37 = tpu.memref_slice %arg6[%dma_start3A_35, %dma_start3A_36] : memref<50000x384xf32, #tpu.memory_space<hbm>> -> memref<50000x384xf32, #tpu.memory_space<hbm>>
    tpu.enqueue_indirect_dma source(%dma_start3A_37 : memref<50000x384xf32, #tpu.memory_space<hbm>>) target(%arg18 : memref<32x384xf32, #tpu.memory_space<vmem>>) offsets(%dma_start3A_34 : memref<32xi32, #tpu.memory_space<vmem>>) semaphore(%arg23 : memref<!tpu.dma_semaphore, #tpu.memory_space<semaphore_mem>>)
    %scan3A_38 = arith.constant 0 : i32
    %scan3A_39 = arith.constant 0 : i32
    %scan3A_40 = arith.constant 16 : i32
    %scan3A_41 = arith.addi %scan3A_39, %scan3A_40 : i32
    %scan3A_42 = arith.constant 1 : i32
    %scan3A_43 = scf.for %scan3A_45 = %scan3A_39 to %scan3A_41 step %scan3A_42 iter_args(%scan3A_46 = %scan3A_38) -> (i32)  : i32 {
      %mul3A_47 = arith.constant 2 : i32
      %mul3A_48 = arith.muli %mul3A_47, %scan3A_45 : i32
      %add3A_49 = arith.constant 1 : i32
      %add3A_50 = arith.addi %mul3A_48, %add3A_49 : i32
      %dma_start3A_51 = arith.constant 0 : i32
      %dma_start3A_52 = tpu.memref_slice %arg10[%add3A_50, %dma_start3A_51] : memref<32x32xi32, #tpu.memory_space<vmem>> -> memref<1x32xi32, #tpu.memory_space<vmem>>
      %dma_start3A_53 = tpu.memref_squeeze %dma_start3A_52 : memref<1x32xi32, #tpu.memory_space<vmem>> -> memref<32xi32, #tpu.memory_space<vmem>>
      %dma_start3A_54 = arith.constant 0 : i32
      %dma_start3A_55 = arith.constant 0 : i32
      %dma_start3A_56 = tpu.memref_slice %arg6[%dma_start3A_54, %dma_start3A_55] : memref<50000x384xf32, #tpu.memory_space<hbm>> -> memref<50000x384xf32, #tpu.memory_space<hbm>>
      tpu.enqueue_indirect_dma source(%dma_start3A_56 : memref<50000x384xf32, #tpu.memory_space<hbm>>) target(%arg19 : memref<32x384xf32, #tpu.memory_space<vmem>>) offsets(%dma_start3A_53 : memref<32xi32, #tpu.memory_space<vmem>>) semaphore(%arg24 : memref<!tpu.dma_semaphore, #tpu.memory_space<semaphore_mem>>)
      %dma_start3A_57 = arith.constant 0 : i32
      %dma_start3A_58 = tpu.memref_slice %arg11[%add3A_50, %dma_start3A_57] : memref<32x32xi32, #tpu.memory_space<vmem>> -> memref<1x32xi32, #tpu.memory_space<vmem>>
      %dma_start3A_59 = tpu.memref_squeeze %dma_start3A_58 : memref<1x32xi32, #tpu.memory_space<vmem>> -> memref<32xi32, #tpu.memory_space<vmem>>
      %dma_start3A_60 = arith.constant 0 : i32
      %dma_start3A_61 = arith.constant 0 : i32
      %dma_start3A_62 = tpu.memref_slice %arg6[%dma_start3A_60, %dma_start3A_61] : memref<50000x384xf32, #tpu.memory_space<hbm>> -> memref<50000x384xf32, #tpu.memory_space<hbm>>
      tpu.enqueue_indirect_dma source(%dma_start3A_62 : memref<50000x384xf32, #tpu.memory_space<hbm>>) target(%arg20 : memref<32x384xf32, #tpu.memory_space<vmem>>) offsets(%dma_start3A_59 : memref<32xi32, #tpu.memory_space<vmem>>) semaphore(%arg24 : memref<!tpu.dma_semaphore, #tpu.memory_space<semaphore_mem>>)
      %dma_start3A_63 = arith.constant 0 : i32
      %dma_start3A_64 = tpu.memref_slice %arg12[%add3A_50, %dma_start3A_63] : memref<32x32xi32, #tpu.memory_space<vmem>> -> memref<1x32xi32, #tpu.memory_space<vmem>>
      %dma_start3A_65 = tpu.memref_squeeze %dma_start3A_64 : memref<1x32xi32, #tpu.memory_space<vmem>> -> memref<32xi32, #tpu.memory_space<vmem>>
      %dma_start3A_66 = arith.constant 0 : i32
      %dma_start3A_67 = arith.constant 0 : i32
      %dma_start3A_68 = tpu.memref_slice %arg6[%dma_start3A_66, %dma_start3A_67] : memref<50000x384xf32, #tpu.memory_space<hbm>> -> memref<50000x384xf32, #tpu.memory_space<hbm>>
      tpu.enqueue_indirect_dma source(%dma_start3A_68 : memref<50000x384xf32, #tpu.memory_space<hbm>>) target(%arg21 : memref<32x384xf32, #tpu.memory_space<vmem>>) offsets(%dma_start3A_65 : memref<32xi32, #tpu.memory_space<vmem>>) semaphore(%arg24 : memref<!tpu.dma_semaphore, #tpu.memory_space<semaphore_mem>>)
      %dma_wait3A = arith.constant 0 : i32
      %dma_wait3A_69 = arith.constant 0 : i32
      %dma_wait3A_70 = tpu.memref_slice %arg10[%dma_wait3A, %dma_wait3A_69] : memref<32x32xi32, #tpu.memory_space<vmem>> -> memref<1x32xi32, #tpu.memory_space<vmem>>
      %dma_wait3A_71 = tpu.memref_squeeze %dma_wait3A_70 : memref<1x32xi32, #tpu.memory_space<vmem>> -> memref<32xi32, #tpu.memory_space<vmem>>
      %dma_wait3A_72 = arith.constant 0 : i32
      %dma_wait3A_73 = arith.constant 0 : i32
      %dma_wait3A_74 = tpu.memref_slice %arg6[%dma_wait3A_72, %dma_wait3A_73] : memref<50000x384xf32, #tpu.memory_space<hbm>> -> memref<50000x384xf32, #tpu.memory_space<hbm>>
      tpu.wait_indirect_dma semaphore(%arg23 : memref<!tpu.dma_semaphore, #tpu.memory_space<semaphore_mem>>) src(%dma_wait3A_74 : memref<50000x384xf32, #tpu.memory_space<hbm>>) dst(%arg16 : memref<32x384xf32, #tpu.memory_space<vmem>>)
      %dma_wait3A_75 = arith.constant 0 : i32
      %dma_wait3A_76 = arith.constant 0 : i32
      %dma_wait3A_77 = tpu.memref_slice %arg11[%dma_wait3A_75, %dma_wait3A_76] : memref<32x32xi32, #tpu.memory_space<vmem>> -> memref<1x32xi32, #tpu.memory_space<vmem>>
      %dma_wait3A_78 = tpu.memref_squeeze %dma_wait3A_77 : memref<1x32xi32, #tpu.memory_space<vmem>> -> memref<32xi32, #tpu.memory_space<vmem>>
      %dma_wait3A_79 = arith.constant 0 : i32
      %dma_wait3A_80 = arith.constant 0 : i32
      %dma_wait3A_81 = tpu.memref_slice %arg6[%dma_wait3A_79, %dma_wait3A_80] : memref<50000x384xf32, #tpu.memory_space<hbm>> -> memref<50000x384xf32, #tpu.memory_space<hbm>>
      tpu.wait_indirect_dma semaphore(%arg23 : memref<!tpu.dma_semaphore, #tpu.memory_space<semaphore_mem>>) src(%dma_wait3A_81 : memref<50000x384xf32, #tpu.memory_space<hbm>>) dst(%arg17 : memref<32x384xf32, #tpu.memory_space<vmem>>)
      %dma_wait3A_82 = arith.constant 0 : i32
      %dma_wait3A_83 = arith.constant 0 : i32
      %dma_wait3A_84 = tpu.memref_slice %arg12[%dma_wait3A_82, %dma_wait3A_83] : memref<32x32xi32, #tpu.memory_space<vmem>> -> memref<1x32xi32, #tpu.memory_space<vmem>>
      %dma_wait3A_85 = tpu.memref_squeeze %dma_wait3A_84 : memref<1x32xi32, #tpu.memory_space<vmem>> -> memref<32xi32, #tpu.memory_space<vmem>>
      %dma_wait3A_86 = arith.constant 0 : i32
      %dma_wait3A_87 = arith.constant 0 : i32
      %dma_wait3A_88 = tpu.memref_slice %arg6[%dma_wait3A_86, %dma_wait3A_87] : memref<50000x384xf32, #tpu.memory_space<hbm>> -> memref<50000x384xf32, #tpu.memory_space<hbm>>
      tpu.wait_indirect_dma semaphore(%arg23 : memref<!tpu.dma_semaphore, #tpu.memory_space<semaphore_mem>>) src(%dma_wait3A_88 : memref<50000x384xf32, #tpu.memory_space<hbm>>) dst(%arg18 : memref<32x384xf32, #tpu.memory_space<vmem>>)
      %scan3A_89 = arith.constant 0 : i32
      %scan3A_90 = arith.constant 0 : i32
      %scan3A_91 = arith.constant 32 : i32
      %scan3A_92 = arith.addi %scan3A_90, %scan3A_91 : i32
      %scan3A_93 = arith.constant 1 : i32
      %scan3A_94 = scf.for %scan3A_137 = %scan3A_90 to %scan3A_92 step %scan3A_93 iter_args(%scan3A_138 = %scan3A_89) -> (i32)  : i32 {
        %mul3A_139 = arith.constant 32 : i32
        %mul3A_140 = arith.muli %mul3A_48, %mul3A_139 : i32
        %add3A_141 = arith.addi %mul3A_140, %scan3A_137 : i32
        %get3A = arith.index_cast %add3A_141 : i32 to index
        %get3A_142 = tpu.vector_load %arg13[%get3A] {strides = array<i32>} : memref<1040xf32, #tpu.memory_space<vmem>>, vector<16xf32>,
        %get3A_143 = vector.shape_cast %get3A_142 : vector<16xf32> to vector<16xf32>
        %slice3A = vector.extract_strided_slice %get3A_143 {offsets = [0], sizes = [1], strides = [1]} : vector<16xf32> to vector<1xf32>
        %squeeze3A = vector.extract %slice3A[0] : f32 from vector<1xf32>
        %broadcast_in_dim3A = vector.broadcast %squeeze3A : f32 to vector<16xf32>
        %get3A_144 = arith.index_cast %add3A_141 : i32 to index
        %get3A_145 = tpu.vector_load %arg14[%get3A_144] {strides = array<i32>} : memref<1040xf32, #tpu.memory_space<vmem>>, vector<16xf32>,
        %get3A_146 = vector.shape_cast %get3A_145 : vector<16xf32> to vector<16xf32>
        %slice3A_147 = vector.extract_strided_slice %get3A_146 {offsets = [0], sizes = [1], strides = [1]} : vector<16xf32> to vector<1xf32>
        %squeeze3A_148 = vector.extract %slice3A_147[0] : f32 from vector<1xf32>
        %broadcast_in_dim3A_149 = vector.broadcast %squeeze3A_148 : f32 to vector<16xf32>
        %get3A_150 = arith.index_cast %add3A_141 : i32 to index
        %get3A_151 = tpu.vector_load %arg15[%get3A_150] {strides = array<i32>} : memref<1040xf32, #tpu.memory_space<vmem>>, vector<16xf32>,
        %get3A_152 = vector.shape_cast %get3A_151 : vector<16xf32> to vector<16xf32>
        %slice3A_153 = vector.extract_strided_slice %get3A_152 {offsets = [0], sizes = [1], strides = [1]} : vector<16xf32> to vector<1xf32>
        %squeeze3A_154 = vector.extract %slice3A_153[0] : f32 from vector<1xf32>
        %broadcast_in_dim3A_155 = vector.broadcast %squeeze3A_154 : f32 to vector<16xf32>
        %get3A_156 = arith.index_cast %scan3A_137 : i32 to index
        %get3A_157 = arith.constant 0 : index
        %get3A_158 = tpu.vector_load %arg16[%get3A_156, %get3A_157] {strides = array<i32>} : memref<32x384xf32, #tpu.memory_space<vmem>>, vector<1x16xf32>,
        %get3A_159 = vector.shape_cast %get3A_158 : vector<1x16xf32> to vector<16xf32>
        %mul3A_160 = arith.mulf %get3A_159, %broadcast_in_dim3A : vector<16xf32>
        %get3A_161 = arith.index_cast %scan3A_137 : i32 to index
        %get3A_162 = arith.constant 0 : index
        %get3A_163 = tpu.vector_load %arg17[%get3A_161, %get3A_162] {strides = array<i32>} : memref<32x384xf32, #tpu.memory_space<vmem>>, vector<1x16xf32>,
        %get3A_164 = vector.shape_cast %get3A_163 : vector<1x16xf32> to vector<16xf32>
        %mul3A_165 = arith.mulf %get3A_164, %broadcast_in_dim3A_149 : vector<16xf32>
        %add3A_166 = arith.addf %mul3A_160, %mul3A_165 : vector<16xf32>
        %get3A_167 = arith.index_cast %scan3A_137 : i32 to index
        %get3A_168 = arith.constant 0 : index
        %get3A_169 = tpu.vector_load %arg18[%get3A_167, %get3A_168] {strides = array<i32>} : memref<32x384xf32, #tpu.memory_space<vmem>>, vector<1x16xf32>,
        %get3A_170 = vector.shape_cast %get3A_169 : vector<1x16xf32> to vector<16xf32>
        %mul3A_171 = arith.mulf %get3A_170, %broadcast_in_dim3A_155 : vector<16xf32>
        %add3A_172 = arith.addf %add3A_166, %mul3A_171 : vector<16xf32>
        %swap3A = arith.index_cast %scan3A_137 : i32 to index
        %swap3A_173 = arith.constant 0 : index
        %swap3A_174 = tpu.vector_load %arg22[%swap3A, %swap3A_173] {strides = array<i32>} : memref<32x336xf32, #tpu.memory_space<vmem>>, vector<1x16xf32>,
        %swap3A_175 = vector.shape_cast %swap3A_174 : vector<1x16xf32> to vector<16xf32>
        %swap3A_176 = vector.shape_cast %add3A_172 : vector<16xf32> to vector<1x16xf32>
        tpu.vector_store %arg22[%swap3A, %swap3A_173], %swap3A_176 {strides = array<i32>} : memref<32x336xf32, #tpu.memory_space<vmem>>, vector<1x16xf32>,
        %get3A_177 = arith.index_cast %scan3A_137 : i32 to index
        %get3A_178 = arith.constant 16 : index
        %get3A_179 = tpu.vector_load %arg16[%get3A_177, %get3A_178] {strides = array<i32>} : memref<32x384xf32, #tpu.memory_space<vmem>>, vector<1x16xf32>,
        %get3A_180 = vector.shape_cast %get3A_179 : vector<1x16xf32> to vector<16xf32>
        %mul3A_181 = arith.mulf %get3A_180, %broadcast_in_dim3A : vector<16xf32>
        %get3A_182 = arith.index_cast %scan3A_137 : i32 to index
        %get3A_183 = arith.constant 16 : index
        %get3A_184 = tpu.vector_load %arg17[%get3A_182, %get3A_183] {strides = array<i32>} : memref<32x384xf32, #tpu.memory_space<vmem>>, vector<1x16xf32>,
        %get3A_185 = vector.shape_cast %get3A_184 : vector<1x16xf32> to vector<16xf32>
        %mul3A_186 = arith.mulf %get3A_185, %broadcast_in_dim3A_149 : vector<16xf32>
        %add3A_187 = arith.addf %mul3A_181, %mul3A_186 : vector<16xf32>
        %get3A_188 = arith.index_cast %scan3A_137 : i32 to index
        %get3A_189 = arith.constant 16 : index
        %get3A_190 = tpu.vector_load %arg18[%get3A_188, %get3A_189] {strides = array<i32>} : memref<32x384xf32, #tpu.memory_space<vmem>>, vector<1x16xf32>,
        %get3A_191 = vector.shape_cast %get3A_190 : vector<1x16xf32> to vector<16xf32>
        %mul3A_192 = arith.mulf %get3A_191, %broadcast_in_dim3A_155 : vector<16xf32>
        %add3A_193 = arith.addf %add3A_187, %mul3A_192 : vector<16xf32>
        %swap3A_194 = arith.index_cast %scan3A_137 : i32 to index
        %swap3A_195 = arith.constant 16 : index
        %swap3A_196 = tpu.vector_load %arg22[%swap3A_194, %swap3A_195] {strides = array<i32>} : memref<32x336xf32, #tpu.memory_space<vmem>>, vector<1x16xf32>,
        %swap3A_197 = vector.shape_cast %swap3A_196 : vector<1x16xf32> to vector<16xf32>
        %swap3A_198 = vector.shape_cast %add3A_193 : vector<16xf32> to vector<1x16xf32>
        tpu.vector_store %arg22[%swap3A_194, %swap3A_195], %swap3A_198 {strides = array<i32>} : memref<32x336xf32, #tpu.memory_space<vmem>>, vector<1x16xf32>,
        %get3A_199 = arith.index_cast %scan3A_137 : i32 to index
        %get3A_200 = arith.constant 32 : index
        %get3A_201 = tpu.vector_load %arg16[%get3A_199, %get3A_200] {strides = array<i32>} : memref<32x384xf32, #tpu.memory_space<vmem>>, vector<1x16xf32>,
        %get3A_202 = vector.shape_cast %get3A_201 : vector<1x16xf32> to vector<16xf32>
        %mul3A_203 = arith.mulf %get3A_202, %broadcast_in_dim3A : vector<16xf32>
        %get3A_204 = arith.index_cast %scan3A_137 : i32 to index
        %get3A_205 = arith.constant 32 : index
        %get3A_206 = tpu.vector_load %arg17[%get3A_204, %get3A_205] {strides = array<i32>} : memref<32x384xf32, #tpu.memory_space<vmem>>, vector<1x16xf32>,
        %get3A_207 = vector.shape_cast %get3A_206 : vector<1x16xf32> to vector<16xf32>
        %mul3A_208 = arith.mulf %get3A_207, %broadcast_in_dim3A_149 : vector<16xf32>
        %add3A_209 = arith.addf %mul3A_203, %mul3A_208 : vector<16xf32>
        %get3A_210 = arith.index_cast %scan3A_137 : i32 to index
        %get3A_211 = arith.constant 32 : index
        %get3A_212 = tpu.vector_load %arg18[%get3A_210, %get3A_211] {strides = array<i32>} : memref<32x384xf32, #tpu.memory_space<vmem>>, vector<1x16xf32>,
        %get3A_213 = vector.shape_cast %get3A_212 : vector<1x16xf32> to vector<16xf32>
        %mul3A_214 = arith.mulf %get3A_213, %broadcast_in_dim3A_155 : vector<16xf32>
        %add3A_215 = arith.addf %add3A_209, %mul3A_214 : vector<16xf32>
        %swap3A_216 = arith.index_cast %scan3A_137 : i32 to index
        %swap3A_217 = arith.constant 32 : index
        %swap3A_218 = tpu.vector_load %arg22[%swap3A_216, %swap3A_217] {strides = array<i32>} : memref<32x336xf32, #tpu.memory_space<vmem>>, vector<1x16xf32>,
        %swap3A_219 = vector.shape_cast %swap3A_218 : vector<1x16xf32> to vector<16xf32>
        %swap3A_220 = vector.shape_cast %add3A_215 : vector<16xf32> to vector<1x16xf32>
        tpu.vector_store %arg22[%swap3A_216, %swap3A_217], %swap3A_220 {strides = array<i32>} : memref<32x336xf32, #tpu.memory_space<vmem>>, vector<1x16xf32>,
        %get3A_221 = arith.index_cast %scan3A_137 : i32 to index
        %get3A_222 = arith.constant 48 : index
        %get3A_223 = tpu.vector_load %arg16[%get3A_221, %get3A_222] {strides = array<i32>} : memref<32x384xf32, #tpu.memory_space<vmem>>, vector<1x16xf32>,
        %get3A_224 = vector.shape_cast %get3A_223 : vector<1x16xf32> to vector<16xf32>
        %mul3A_225 = arith.mulf %get3A_224, %broadcast_in_dim3A : vector<16xf32>
        %get3A_226 = arith.index_cast %scan3A_137 : i32 to index
        %get3A_227 = arith.constant 48 : index
        %get3A_228 = tpu.vector_load %arg17[%get3A_226, %get3A_227] {strides = array<i32>} : memref<32x384xf32, #tpu.memory_space<vmem>>, vector<1x16xf32>,
        %get3A_229 = vector.shape_cast %get3A_228 : vector<1x16xf32> to vector<16xf32>
        %mul3A_230 = arith.mulf %get3A_229, %broadcast_in_dim3A_149 : vector<16xf32>
        %add3A_231 = arith.addf %mul3A_225, %mul3A_230 : vector<16xf32>
        %get3A_232 = arith.index_cast %scan3A_137 : i32 to index
        %get3A_233 = arith.constant 48 : index
        %get3A_234 = tpu.vector_load %arg18[%get3A_232, %get3A_233] {strides = array<i32>} : memref<32x384xf32, #tpu.memory_space<vmem>>, vector<1x16xf32>,
        %get3A_235 = vector.shape_cast %get3A_234 : vector<1x16xf32> to vector<16xf32>
        %mul3A_236 = arith.mulf %get3A_235, %broadcast_in_dim3A_155 : vector<16xf32>
        %add3A_237 = arith.addf %add3A_231, %mul3A_236 : vector<16xf32>
        %swap3A_238 = arith.index_cast %scan3A_137 : i32 to index
        %swap3A_239 = arith.constant 48 : index
        %swap3A_240 = tpu.vector_load %arg22[%swap3A_238, %swap3A_239] {strides = array<i32>} : memref<32x336xf32, #tpu.memory_space<vmem>>, vector<1x16xf32>,
        %swap3A_241 = vector.shape_cast %swap3A_240 : vector<1x16xf32> to vector<16xf32>
        %swap3A_242 = vector.shape_cast %add3A_237 : vector<16xf32> to vector<1x16xf32>
        tpu.vector_store %arg22[%swap3A_238, %swap3A_239], %swap3A_242 {strides = array<i32>} : memref<32x336xf32, #tpu.memory_space<vmem>>, vector<1x16xf32>,
        %get3A_243 = arith.index_cast %scan3A_137 : i32 to index
        %get3A_244 = arith.constant 64 : index
        %get3A_245 = tpu.vector_load %arg16[%get3A_243, %get3A_244] {strides = array<i32>} : memref<32x384xf32, #tpu.memory_space<vmem>>, vector<1x16xf32>,
        %get3A_246 = vector.shape_cast %get3A_245 : vector<1x16xf32> to vector<16xf32>
        %mul3A_247 = arith.mulf %get3A_246, %broadcast_in_dim3A : vector<16xf32>
        %get3A_248 = arith.index_cast %scan3A_137 : i32 to index
        %get3A_249 = arith.constant 64 : index
        %get3A_250 = tpu.vector_load %arg17[%get3A_248, %get3A_249] {strides = array<i32>} : memref<32x384xf32, #tpu.memory_space<vmem>>, vector<1x16xf32>,
        %get3A_251 = vector.shape_cast %get3A_250 : vector<1x16xf32> to vector<16xf32>
        %mul3A_252 = arith.mulf %get3A_251, %broadcast_in_dim3A_149 : vector<16xf32>
        %add3A_253 = arith.addf %mul3A_247, %mul3A_252 : vector<16xf32>
        %get3A_254 = arith.index_cast %scan3A_137 : i32 to index
        %get3A_255 = arith.constant 64 : index
        %get3A_256 = tpu.vector_load %arg18[%get3A_254, %get3A_255] {strides = array<i32>} : memref<32x384xf32, #tpu.memory_space<vmem>>, vector<1x16xf32>,
        %get3A_257 = vector.shape_cast %get3A_256 : vector<1x16xf32> to vector<16xf32>
        %mul3A_258 = arith.mulf %get3A_257, %broadcast_in_dim3A_155 : vector<16xf32>
        %add3A_259 = arith.addf %add3A_253, %mul3A_258 : vector<16xf32>
        %swap3A_260 = arith.index_cast %scan3A_137 : i32 to index
        %swap3A_261 = arith.constant 64 : index
        %swap3A_262 = tpu.vector_load %arg22[%swap3A_260, %swap3A_261] {strides = array<i32>} : memref<32x336xf32, #tpu.memory_space<vmem>>, vector<1x16xf32>,
        %swap3A_263 = vector.shape_cast %swap3A_262 : vector<1x16xf32> to vector<16xf32>
        %swap3A_264 = vector.shape_cast %add3A_259 : vector<16xf32> to vector<1x16xf32>
        tpu.vector_store %arg22[%swap3A_260, %swap3A_261], %swap3A_264 {strides = array<i32>} : memref<32x336xf32, #tpu.memory_space<vmem>>, vector<1x16xf32>,
        %get3A_265 = arith.index_cast %scan3A_137 : i32 to index
        %get3A_266 = arith.constant 80 : index
        %get3A_267 = tpu.vector_load %arg16[%get3A_265, %get3A_266] {strides = array<i32>} : memref<32x384xf32, #tpu.memory_space<vmem>>, vector<1x16xf32>,
        %get3A_268 = vector.shape_cast %get3A_267 : vector<1x16xf32> to vector<16xf32>
        %mul3A_269 = arith.mulf %get3A_268, %broadcast_in_dim3A : vector<16xf32>
        %get3A_270 = arith.index_cast %scan3A_137 : i32 to index
        %get3A_271 = arith.constant 80 : index
        %get3A_272 = tpu.vector_load %arg17[%get3A_270, %get3A_271] {strides = array<i32>} : memref<32x384xf32, #tpu.memory_space<vmem>>, vector<1x16xf32>,
        %get3A_273 = vector.shape_cast %get3A_272 : vector<1x16xf32> to vector<16xf32>
        %mul3A_274 = arith.mulf %get3A_273, %broadcast_in_dim3A_149 : vector<16xf32>
        %add3A_275 = arith.addf %mul3A_269, %mul3A_274 : vector<16xf32>
        %get3A_276 = arith.index_cast %scan3A_137 : i32 to index
        %get3A_277 = arith.constant 80 : index
        %get3A_278 = tpu.vector_load %arg18[%get3A_276, %get3A_277] {strides = array<i32>} : memref<32x384xf32, #tpu.memory_space<vmem>>, vector<1x16xf32>,
        %get3A_279 = vector.shape_cast %get3A_278 : vector<1x16xf32> to vector<16xf32>
        %mul3A_280 = arith.mulf %get3A_279, %broadcast_in_dim3A_155 : vector<16xf32>
        %add3A_281 = arith.addf %add3A_275, %mul3A_280 : vector<16xf32>
        %swap3A_282 = arith.index_cast %scan3A_137 : i32 to index
        %swap3A_283 = arith.constant 80 : index
        %swap3A_284 = tpu.vector_load %arg22[%swap3A_282, %swap3A_283] {strides = array<i32>} : memref<32x336xf32, #tpu.memory_space<vmem>>, vector<1x16xf32>,
        %swap3A_285 = vector.shape_cast %swap3A_284 : vector<1x16xf32> to vector<16xf32>
        %swap3A_286 = vector.shape_cast %add3A_281 : vector<16xf32> to vector<1x16xf32>
        tpu.vector_store %arg22[%swap3A_282, %swap3A_283], %swap3A_286 {strides = array<i32>} : memref<32x336xf32, #tpu.memory_space<vmem>>, vector<1x16xf32>,
        %get3A_287 = arith.index_cast %scan3A_137 : i32 to index
        %get3A_288 = arith.constant 96 : index
        %get3A_289 = tpu.vector_load %arg16[%get3A_287, %get3A_288] {strides = array<i32>} : memref<32x384xf32, #tpu.memory_space<vmem>>, vector<1x16xf32>,
        %get3A_290 = vector.shape_cast %get3A_289 : vector<1x16xf32> to vector<16xf32>
        %mul3A_291 = arith.mulf %get3A_290, %broadcast_in_dim3A : vector<16xf32>
        %get3A_292 = arith.index_cast %scan3A_137 : i32 to index
        %get3A_293 = arith.constant 96 : index
        %get3A_294 = tpu.vector_load %arg17[%get3A_292, %get3A_293] {strides = array<i32>} : memref<32x384xf32, #tpu.memory_space<vmem>>, vector<1x16xf32>,
        %get3A_295 = vector.shape_cast %get3A_294 : vector<1x16xf32> to vector<16xf32>
        %mul3A_296 = arith.mulf %get3A_295, %broadcast_in_dim3A_149 : vector<16xf32>
        %add3A_297 = arith.addf %mul3A_291, %mul3A_296 : vector<16xf32>
        %get3A_298 = arith.index_cast %scan3A_137 : i32 to index
        %get3A_299 = arith.constant 96 : index
        %get3A_300 = tpu.vector_load %arg18[%get3A_298, %get3A_299] {strides = array<i32>} : memref<32x384xf32, #tpu.memory_space<vmem>>, vector<1x16xf32>,
        %get3A_301 = vector.shape_cast %get3A_300 : vector<1x16xf32> to vector<16xf32>
        %mul3A_302 = arith.mulf %get3A_301, %broadcast_in_dim3A_155 : vector<16xf32>
        %add3A_303 = arith.addf %add3A_297, %mul3A_302 : vector<16xf32>
        %swap3A_304 = arith.index_cast %scan3A_137 : i32 to index
        %swap3A_305 = arith.constant 96 : index
        %swap3A_306 = tpu.vector_load %arg22[%swap3A_304, %swap3A_305] {strides = array<i32>} : memref<32x336xf32, #tpu.memory_space<vmem>>, vector<1x16xf32>,
        %swap3A_307 = vector.shape_cast %swap3A_306 : vector<1x16xf32> to vector<16xf32>
        %swap3A_308 = vector.shape_cast %add3A_303 : vector<16xf32> to vector<1x16xf32>
        tpu.vector_store %arg22[%swap3A_304, %swap3A_305], %swap3A_308 {strides = array<i32>} : memref<32x336xf32, #tpu.memory_space<vmem>>, vector<1x16xf32>,
        %get3A_309 = arith.index_cast %scan3A_137 : i32 to index
        %get3A_310 = arith.constant 112 : index
        %get3A_311 = tpu.vector_load %arg16[%get3A_309, %get3A_310] {strides = array<i32>} : memref<32x384xf32, #tpu.memory_space<vmem>>, vector<1x16xf32>,
        %get3A_312 = vector.shape_cast %get3A_311 : vector<1x16xf32> to vector<16xf32>
        %mul3A_313 = arith.mulf %get3A_312, %broadcast_in_dim3A : vector<16xf32>
        %get3A_314 = arith.index_cast %scan3A_137 : i32 to index
        %get3A_315 = arith.constant 112 : index
        %get3A_316 = tpu.vector_load %arg17[%get3A_314, %get3A_315] {strides = array<i32>} : memref<32x384xf32, #tpu.memory_space<vmem>>, vector<1x16xf32>,
        %get3A_317 = vector.shape_cast %get3A_316 : vector<1x16xf32> to vector<16xf32>
        %mul3A_318 = arith.mulf %get3A_317, %broadcast_in_dim3A_149 : vector<16xf32>
        %add3A_319 = arith.addf %mul3A_313, %mul3A_318 : vector<16xf32>
        %get3A_320 = arith.index_cast %scan3A_137 : i32 to index
        %get3A_321 = arith.constant 112 : index
        %get3A_322 = tpu.vector_load %arg18[%get3A_320, %get3A_321] {strides = array<i32>} : memref<32x384xf32, #tpu.memory_space<vmem>>, vector<1x16xf32>,
        %get3A_323 = vector.shape_cast %get3A_322 : vector<1x16xf32> to vector<16xf32>
        %mul3A_324 = arith.mulf %get3A_323, %broadcast_in_dim3A_155 : vector<16xf32>
        %add3A_325 = arith.addf %add3A_319, %mul3A_324 : vector<16xf32>
        %swap3A_326 = arith.index_cast %scan3A_137 : i32 to index
        %swap3A_327 = arith.constant 112 : index
        %swap3A_328 = tpu.vector_load %arg22[%swap3A_326, %swap3A_327] {strides = array<i32>} : memref<32x336xf32, #tpu.memory_space<vmem>>, vector<1x16xf32>,
        %swap3A_329 = vector.shape_cast %swap3A_328 : vector<1x16xf32> to vector<16xf32>
        %swap3A_330 = vector.shape_cast %add3A_325 : vector<16xf32> to vector<1x16xf32>
        tpu.vector_store %arg22[%swap3A_326, %swap3A_327], %swap3A_330 {strides = array<i32>} : memref<32x336xf32, #tpu.memory_space<vmem>>, vector<1x16xf32>,
        %get3A_331 = arith.index_cast %scan3A_137 : i32 to index
        %get3A_332 = arith.constant 128 : index
        %get3A_333 = tpu.vector_load %arg16[%get3A_331, %get3A_332] {strides = array<i32>} : memref<32x384xf32, #tpu.memory_space<vmem>>, vector<1x16xf32>,
        %get3A_334 = vector.shape_cast %get3A_333 : vector<1x16xf32> to vector<16xf32>
        %mul3A_335 = arith.mulf %get3A_334, %broadcast_in_dim3A : vector<16xf32>
        %get3A_336 = arith.index_cast %scan3A_137 : i32 to index
        %get3A_337 = arith.constant 128 : index
        %get3A_338 = tpu.vector_load %arg17[%get3A_336, %get3A_337] {strides = array<i32>} : memref<32x384xf32, #tpu.memory_space<vmem>>, vector<1x16xf32>,
        %get3A_339 = vector.shape_cast %get3A_338 : vector<1x16xf32> to vector<16xf32>
        %mul3A_340 = arith.mulf %get3A_339, %broadcast_in_dim3A_149 : vector<16xf32>
        %add3A_341 = arith.addf %mul3A_335, %mul3A_340 : vector<16xf32>
        %get3A_342 = arith.index_cast %scan3A_137 : i32 to index
        %get3A_343 = arith.constant 128 : index
        %get3A_344 = tpu.vector_load %arg18[%get3A_342, %get3A_343] {strides = array<i32>} : memref<32x384xf32, #tpu.memory_space<vmem>>, vector<1x16xf32>,
        %get3A_345 = vector.shape_cast %get3A_344 : vector<1x16xf32> to vector<16xf32>
        %mul3A_346 = arith.mulf %get3A_345, %broadcast_in_dim3A_155 : vector<16xf32>
        %add3A_347 = arith.addf %add3A_341, %mul3A_346 : vector<16xf32>
        %swap3A_348 = arith.index_cast %scan3A_137 : i32 to index
        %swap3A_349 = arith.constant 128 : index
        %swap3A_350 = tpu.vector_load %arg22[%swap3A_348, %swap3A_349] {strides = array<i32>} : memref<32x336xf32, #tpu.memory_space<vmem>>, vector<1x16xf32>,
        %swap3A_351 = vector.shape_cast %swap3A_350 : vector<1x16xf32> to vector<16xf32>
        %swap3A_352 = vector.shape_cast %add3A_347 : vector<16xf32> to vector<1x16xf32>
        tpu.vector_store %arg22[%swap3A_348, %swap3A_349], %swap3A_352 {strides = array<i32>} : memref<32x336xf32, #tpu.memory_space<vmem>>, vector<1x16xf32>,
        %get3A_353 = arith.index_cast %scan3A_137 : i32 to index
        %get3A_354 = arith.constant 144 : index
        %get3A_355 = tpu.vector_load %arg16[%get3A_353, %get3A_354] {strides = array<i32>} : memref<32x384xf32, #tpu.memory_space<vmem>>, vector<1x16xf32>,
        %get3A_356 = vector.shape_cast %get3A_355 : vector<1x16xf32> to vector<16xf32>
        %mul3A_357 = arith.mulf %get3A_356, %broadcast_in_dim3A : vector<16xf32>
        %get3A_358 = arith.index_cast %scan3A_137 : i32 to index
        %get3A_359 = arith.constant 144 : index
        %get3A_360 = tpu.vector_load %arg17[%get3A_358, %get3A_359] {strides = array<i32>} : memref<32x384xf32, #tpu.memory_space<vmem>>, vector<1x16xf32>,
        %get3A_361 = vector.shape_cast %get3A_360 : vector<1x16xf32> to vector<16xf32>
        %mul3A_362 = arith.mulf %get3A_361, %broadcast_in_dim3A_149 : vector<16xf32>
        %add3A_363 = arith.addf %mul3A_357, %mul3A_362 : vector<16xf32>
        %get3A_364 = arith.index_cast %scan3A_137 : i32 to index
        %get3A_365 = arith.constant 144 : index
        %get3A_366 = tpu.vector_load %arg18[%get3A_364, %get3A_365] {strides = array<i32>} : memref<32x384xf32, #tpu.memory_space<vmem>>, vector<1x16xf32>,
        %get3A_367 = vector.shape_cast %get3A_366 : vector<1x16xf32> to vector<16xf32>
        %mul3A_368 = arith.mulf %get3A_367, %broadcast_in_dim3A_155 : vector<16xf32>
        %add3A_369 = arith.addf %add3A_363, %mul3A_368 : vector<16xf32>
        %swap3A_370 = arith.index_cast %scan3A_137 : i32 to index
        %swap3A_371 = arith.constant 144 : index
        %swap3A_372 = tpu.vector_load %arg22[%swap3A_370, %swap3A_371] {strides = array<i32>} : memref<32x336xf32, #tpu.memory_space<vmem>>, vector<1x16xf32>,
        %swap3A_373 = vector.shape_cast %swap3A_372 : vector<1x16xf32> to vector<16xf32>
        %swap3A_374 = vector.shape_cast %add3A_369 : vector<16xf32> to vector<1x16xf32>
        tpu.vector_store %arg22[%swap3A_370, %swap3A_371], %swap3A_374 {strides = array<i32>} : memref<32x336xf32, #tpu.memory_space<vmem>>, vector<1x16xf32>,
        %get3A_375 = arith.index_cast %scan3A_137 : i32 to index
        %get3A_376 = arith.constant 160 : index
        %get3A_377 = tpu.vector_load %arg16[%get3A_375, %get3A_376] {strides = array<i32>} : memref<32x384xf32, #tpu.memory_space<vmem>>, vector<1x16xf32>,
        %get3A_378 = vector.shape_cast %get3A_377 : vector<1x16xf32> to vector<16xf32>
        %mul3A_379 = arith.mulf %get3A_378, %broadcast_in_dim3A : vector<16xf32>
        %get3A_380 = arith.index_cast %scan3A_137 : i32 to index
        %get3A_381 = arith.constant 160 : index
        %get3A_382 = tpu.vector_load %arg17[%get3A_380, %get3A_381] {strides = array<i32>} : memref<32x384xf32, #tpu.memory_space<vmem>>, vector<1x16xf32>,
        %get3A_383 = vector.shape_cast %get3A_382 : vector<1x16xf32> to vector<16xf32>
        %mul3A_384 = arith.mulf %get3A_383, %broadcast_in_dim3A_149 : vector<16xf32>
        %add3A_385 = arith.addf %mul3A_379, %mul3A_384 : vector<16xf32>
        %get3A_386 = arith.index_cast %scan3A_137 : i32 to index
        %get3A_387 = arith.constant 160 : index
        %get3A_388 = tpu.vector_load %arg18[%get3A_386, %get3A_387] {strides = array<i32>} : memref<32x384xf32, #tpu.memory_space<vmem>>, vector<1x16xf32>,
        %get3A_389 = vector.shape_cast %get3A_388 : vector<1x16xf32> to vector<16xf32>
        %mul3A_390 = arith.mulf %get3A_389, %broadcast_in_dim3A_155 : vector<16xf32>
        %add3A_391 = arith.addf %add3A_385, %mul3A_390 : vector<16xf32>
        %swap3A_392 = arith.index_cast %scan3A_137 : i32 to index
        %swap3A_393 = arith.constant 160 : index
        %swap3A_394 = tpu.vector_load %arg22[%swap3A_392, %swap3A_393] {strides = array<i32>} : memref<32x336xf32, #tpu.memory_space<vmem>>, vector<1x16xf32>,
        %swap3A_395 = vector.shape_cast %swap3A_394 : vector<1x16xf32> to vector<16xf32>
        %swap3A_396 = vector.shape_cast %add3A_391 : vector<16xf32> to vector<1x16xf32>
        tpu.vector_store %arg22[%swap3A_392, %swap3A_393], %swap3A_396 {strides = array<i32>} : memref<32x336xf32, #tpu.memory_space<vmem>>, vector<1x16xf32>,
        %get3A_397 = arith.index_cast %scan3A_137 : i32 to index
        %get3A_398 = arith.constant 176 : index
        %get3A_399 = tpu.vector_load %arg16[%get3A_397, %get3A_398] {strides = array<i32>} : memref<32x384xf32, #tpu.memory_space<vmem>>, vector<1x16xf32>,
        %get3A_400 = vector.shape_cast %get3A_399 : vector<1x16xf32> to vector<16xf32>
        %mul3A_401 = arith.mulf %get3A_400, %broadcast_in_dim3A : vector<16xf32>
        %get3A_402 = arith.index_cast %scan3A_137 : i32 to index
        %get3A_403 = arith.constant 176 : index
        %get3A_404 = tpu.vector_load %arg17[%get3A_402, %get3A_403] {strides = array<i32>} : memref<32x384xf32, #tpu.memory_space<vmem>>, vector<1x16xf32>,
        %get3A_405 = vector.shape_cast %get3A_404 : vector<1x16xf32> to vector<16xf32>
        %mul3A_406 = arith.mulf %get3A_405, %broadcast_in_dim3A_149 : vector<16xf32>
        %add3A_407 = arith.addf %mul3A_401, %mul3A_406 : vector<16xf32>
        %get3A_408 = arith.index_cast %scan3A_137 : i32 to index
        %get3A_409 = arith.constant 176 : index
        %get3A_410 = tpu.vector_load %arg18[%get3A_408, %get3A_409] {strides = array<i32>} : memref<32x384xf32, #tpu.memory_space<vmem>>, vector<1x16xf32>,
        %get3A_411 = vector.shape_cast %get3A_410 : vector<1x16xf32> to vector<16xf32>
        %mul3A_412 = arith.mulf %get3A_411, %broadcast_in_dim3A_155 : vector<16xf32>
        %add3A_413 = arith.addf %add3A_407, %mul3A_412 : vector<16xf32>
        %swap3A_414 = arith.index_cast %scan3A_137 : i32 to index
        %swap3A_415 = arith.constant 176 : index
        %swap3A_416 = tpu.vector_load %arg22[%swap3A_414, %swap3A_415] {strides = array<i32>} : memref<32x336xf32, #tpu.memory_space<vmem>>, vector<1x16xf32>,
        %swap3A_417 = vector.shape_cast %swap3A_416 : vector<1x16xf32> to vector<16xf32>
        %swap3A_418 = vector.shape_cast %add3A_413 : vector<16xf32> to vector<1x16xf32>
        tpu.vector_store %arg22[%swap3A_414, %swap3A_415], %swap3A_418 {strides = array<i32>} : memref<32x336xf32, #tpu.memory_space<vmem>>, vector<1x16xf32>,
        %get3A_419 = arith.index_cast %scan3A_137 : i32 to index
        %get3A_420 = arith.constant 192 : index
        %get3A_421 = tpu.vector_load %arg16[%get3A_419, %get3A_420] {strides = array<i32>} : memref<32x384xf32, #tpu.memory_space<vmem>>, vector<1x16xf32>,
        %get3A_422 = vector.shape_cast %get3A_421 : vector<1x16xf32> to vector<16xf32>
        %mul3A_423 = arith.mulf %get3A_422, %broadcast_in_dim3A : vector<16xf32>
        %get3A_424 = arith.index_cast %scan3A_137 : i32 to index
        %get3A_425 = arith.constant 192 : index
        %get3A_426 = tpu.vector_load %arg17[%get3A_424, %get3A_425] {strides = array<i32>} : memref<32x384xf32, #tpu.memory_space<vmem>>, vector<1x16xf32>,
        %get3A_427 = vector.shape_cast %get3A_426 : vector<1x16xf32> to vector<16xf32>
        %mul3A_428 = arith.mulf %get3A_427, %broadcast_in_dim3A_149 : vector<16xf32>
        %add3A_429 = arith.addf %mul3A_423, %mul3A_428 : vector<16xf32>
        %get3A_430 = arith.index_cast %scan3A_137 : i32 to index
        %get3A_431 = arith.constant 192 : index
        %get3A_432 = tpu.vector_load %arg18[%get3A_430, %get3A_431] {strides = array<i32>} : memref<32x384xf32, #tpu.memory_space<vmem>>, vector<1x16xf32>,
        %get3A_433 = vector.shape_cast %get3A_432 : vector<1x16xf32> to vector<16xf32>
        %mul3A_434 = arith.mulf %get3A_433, %broadcast_in_dim3A_155 : vector<16xf32>
        %add3A_435 = arith.addf %add3A_429, %mul3A_434 : vector<16xf32>
        %swap3A_436 = arith.index_cast %scan3A_137 : i32 to index
        %swap3A_437 = arith.constant 192 : index
        %swap3A_438 = tpu.vector_load %arg22[%swap3A_436, %swap3A_437] {strides = array<i32>} : memref<32x336xf32, #tpu.memory_space<vmem>>, vector<1x16xf32>,
        %swap3A_439 = vector.shape_cast %swap3A_438 : vector<1x16xf32> to vector<16xf32>
        %swap3A_440 = vector.shape_cast %add3A_435 : vector<16xf32> to vector<1x16xf32>
        tpu.vector_store %arg22[%swap3A_436, %swap3A_437], %swap3A_440 {strides = array<i32>} : memref<32x336xf32, #tpu.memory_space<vmem>>, vector<1x16xf32>,
        %get3A_441 = arith.index_cast %scan3A_137 : i32 to index
        %get3A_442 = arith.constant 208 : index
        %get3A_443 = tpu.vector_load %arg16[%get3A_441, %get3A_442] {strides = array<i32>} : memref<32x384xf32, #tpu.memory_space<vmem>>, vector<1x16xf32>,
        %get3A_444 = vector.shape_cast %get3A_443 : vector<1x16xf32> to vector<16xf32>
        %mul3A_445 = arith.mulf %get3A_444, %broadcast_in_dim3A : vector<16xf32>
        %get3A_446 = arith.index_cast %scan3A_137 : i32 to index
        %get3A_447 = arith.constant 208 : index
        %get3A_448 = tpu.vector_load %arg17[%get3A_446, %get3A_447] {strides = array<i32>} : memref<32x384xf32, #tpu.memory_space<vmem>>, vector<1x16xf32>,
        %get3A_449 = vector.shape_cast %get3A_448 : vector<1x16xf32> to vector<16xf32>
        %mul3A_450 = arith.mulf %get3A_449, %broadcast_in_dim3A_149 : vector<16xf32>
        %add3A_451 = arith.addf %mul3A_445, %mul3A_450 : vector<16xf32>
        %get3A_452 = arith.index_cast %scan3A_137 : i32 to index
        %get3A_453 = arith.constant 208 : index
        %get3A_454 = tpu.vector_load %arg18[%get3A_452, %get3A_453] {strides = array<i32>} : memref<32x384xf32, #tpu.memory_space<vmem>>, vector<1x16xf32>,
        %get3A_455 = vector.shape_cast %get3A_454 : vector<1x16xf32> to vector<16xf32>
        %mul3A_456 = arith.mulf %get3A_455, %broadcast_in_dim3A_155 : vector<16xf32>
        %add3A_457 = arith.addf %add3A_451, %mul3A_456 : vector<16xf32>
        %swap3A_458 = arith.index_cast %scan3A_137 : i32 to index
        %swap3A_459 = arith.constant 208 : index
        %swap3A_460 = tpu.vector_load %arg22[%swap3A_458, %swap3A_459] {strides = array<i32>} : memref<32x336xf32, #tpu.memory_space<vmem>>, vector<1x16xf32>,
        %swap3A_461 = vector.shape_cast %swap3A_460 : vector<1x16xf32> to vector<16xf32>
        %swap3A_462 = vector.shape_cast %add3A_457 : vector<16xf32> to vector<1x16xf32>
        tpu.vector_store %arg22[%swap3A_458, %swap3A_459], %swap3A_462 {strides = array<i32>} : memref<32x336xf32, #tpu.memory_space<vmem>>, vector<1x16xf32>,
        %get3A_463 = arith.index_cast %scan3A_137 : i32 to index
        %get3A_464 = arith.constant 224 : index
        %get3A_465 = tpu.vector_load %arg16[%get3A_463, %get3A_464] {strides = array<i32>} : memref<32x384xf32, #tpu.memory_space<vmem>>, vector<1x16xf32>,
        %get3A_466 = vector.shape_cast %get3A_465 : vector<1x16xf32> to vector<16xf32>
        %mul3A_467 = arith.mulf %get3A_466, %broadcast_in_dim3A : vector<16xf32>
        %get3A_468 = arith.index_cast %scan3A_137 : i32 to index
        %get3A_469 = arith.constant 224 : index
        %get3A_470 = tpu.vector_load %arg17[%get3A_468, %get3A_469] {strides = array<i32>} : memref<32x384xf32, #tpu.memory_space<vmem>>, vector<1x16xf32>,
        %get3A_471 = vector.shape_cast %get3A_470 : vector<1x16xf32> to vector<16xf32>
        %mul3A_472 = arith.mulf %get3A_471, %broadcast_in_dim3A_149 : vector<16xf32>
        %add3A_473 = arith.addf %mul3A_467, %mul3A_472 : vector<16xf32>
        %get3A_474 = arith.index_cast %scan3A_137 : i32 to index
        %get3A_475 = arith.constant 224 : index
        %get3A_476 = tpu.vector_load %arg18[%get3A_474, %get3A_475] {strides = array<i32>} : memref<32x384xf32, #tpu.memory_space<vmem>>, vector<1x16xf32>,
        %get3A_477 = vector.shape_cast %get3A_476 : vector<1x16xf32> to vector<16xf32>
        %mul3A_478 = arith.mulf %get3A_477, %broadcast_in_dim3A_155 : vector<16xf32>
        %add3A_479 = arith.addf %add3A_473, %mul3A_478 : vector<16xf32>
        %swap3A_480 = arith.index_cast %scan3A_137 : i32 to index
        %swap3A_481 = arith.constant 224 : index
        %swap3A_482 = tpu.vector_load %arg22[%swap3A_480, %swap3A_481] {strides = array<i32>} : memref<32x336xf32, #tpu.memory_space<vmem>>, vector<1x16xf32>,
        %swap3A_483 = vector.shape_cast %swap3A_482 : vector<1x16xf32> to vector<16xf32>
        %swap3A_484 = vector.shape_cast %add3A_479 : vector<16xf32> to vector<1x16xf32>
        tpu.vector_store %arg22[%swap3A_480, %swap3A_481], %swap3A_484 {strides = array<i32>} : memref<32x336xf32, #tpu.memory_space<vmem>>, vector<1x16xf32>,
        %get3A_485 = arith.index_cast %scan3A_137 : i32 to index
        %get3A_486 = arith.constant 240 : index
        %get3A_487 = tpu.vector_load %arg16[%get3A_485, %get3A_486] {strides = array<i32>} : memref<32x384xf32, #tpu.memory_space<vmem>>, vector<1x16xf32>,
        %get3A_488 = vector.shape_cast %get3A_487 : vector<1x16xf32> to vector<16xf32>
        %mul3A_489 = arith.mulf %get3A_488, %broadcast_in_dim3A : vector<16xf32>
        %get3A_490 = arith.index_cast %scan3A_137 : i32 to index
        %get3A_491 = arith.constant 240 : index
        %get3A_492 = tpu.vector_load %arg17[%get3A_490, %get3A_491] {strides = array<i32>} : memref<32x384xf32, #tpu.memory_space<vmem>>, vector<1x16xf32>,
        %get3A_493 = vector.shape_cast %get3A_492 : vector<1x16xf32> to vector<16xf32>
        %mul3A_494 = arith.mulf %get3A_493, %broadcast_in_dim3A_149 : vector<16xf32>
        %add3A_495 = arith.addf %mul3A_489, %mul3A_494 : vector<16xf32>
        %get3A_496 = arith.index_cast %scan3A_137 : i32 to index
        %get3A_497 = arith.constant 240 : index
        %get3A_498 = tpu.vector_load %arg18[%get3A_496, %get3A_497] {strides = array<i32>} : memref<32x384xf32, #tpu.memory_space<vmem>>, vector<1x16xf32>,
        %get3A_499 = vector.shape_cast %get3A_498 : vector<1x16xf32> to vector<16xf32>
        %mul3A_500 = arith.mulf %get3A_499, %broadcast_in_dim3A_155 : vector<16xf32>
        %add3A_501 = arith.addf %add3A_495, %mul3A_500 : vector<16xf32>
        %swap3A_502 = arith.index_cast %scan3A_137 : i32 to index
        %swap3A_503 = arith.constant 240 : index
        %swap3A_504 = tpu.vector_load %arg22[%swap3A_502, %swap3A_503] {strides = array<i32>} : memref<32x336xf32, #tpu.memory_space<vmem>>, vector<1x16xf32>,
        %swap3A_505 = vector.shape_cast %swap3A_504 : vector<1x16xf32> to vector<16xf32>
        %swap3A_506 = vector.shape_cast %add3A_501 : vector<16xf32> to vector<1x16xf32>
        tpu.vector_store %arg22[%swap3A_502, %swap3A_503], %swap3A_506 {strides = array<i32>} : memref<32x336xf32, #tpu.memory_space<vmem>>, vector<1x16xf32>,
        %get3A_507 = arith.index_cast %scan3A_137 : i32 to index
        %get3A_508 = arith.constant 256 : index
        %get3A_509 = tpu.vector_load %arg16[%get3A_507, %get3A_508] {strides = array<i32>} : memref<32x384xf32, #tpu.memory_space<vmem>>, vector<1x16xf32>,
        %get3A_510 = vector.shape_cast %get3A_509 : vector<1x16xf32> to vector<16xf32>
        %mul3A_511 = arith.mulf %get3A_510, %broadcast_in_dim3A : vector<16xf32>
        %get3A_512 = arith.index_cast %scan3A_137 : i32 to index
        %get3A_513 = arith.constant 256 : index
        %get3A_514 = tpu.vector_load %arg17[%get3A_512, %get3A_513] {strides = array<i32>} : memref<32x384xf32, #tpu.memory_space<vmem>>, vector<1x16xf32>,
        %get3A_515 = vector.shape_cast %get3A_514 : vector<1x16xf32> to vector<16xf32>
        %mul3A_516 = arith.mulf %get3A_515, %broadcast_in_dim3A_149 : vector<16xf32>
        %add3A_517 = arith.addf %mul3A_511, %mul3A_516 : vector<16xf32>
        %get3A_518 = arith.index_cast %scan3A_137 : i32 to index
        %get3A_519 = arith.constant 256 : index
        %get3A_520 = tpu.vector_load %arg18[%get3A_518, %get3A_519] {strides = array<i32>} : memref<32x384xf32, #tpu.memory_space<vmem>>, vector<1x16xf32>,
        %get3A_521 = vector.shape_cast %get3A_520 : vector<1x16xf32> to vector<16xf32>
        %mul3A_522 = arith.mulf %get3A_521, %broadcast_in_dim3A_155 : vector<16xf32>
        %add3A_523 = arith.addf %add3A_517, %mul3A_522 : vector<16xf32>
        %swap3A_524 = arith.index_cast %scan3A_137 : i32 to index
        %swap3A_525 = arith.constant 256 : index
        %swap3A_526 = tpu.vector_load %arg22[%swap3A_524, %swap3A_525] {strides = array<i32>} : memref<32x336xf32, #tpu.memory_space<vmem>>, vector<1x16xf32>,
        %swap3A_527 = vector.shape_cast %swap3A_526 : vector<1x16xf32> to vector<16xf32>
        %swap3A_528 = vector.shape_cast %add3A_523 : vector<16xf32> to vector<1x16xf32>
        tpu.vector_store %arg22[%swap3A_524, %swap3A_525], %swap3A_528 {strides = array<i32>} : memref<32x336xf32, #tpu.memory_space<vmem>>, vector<1x16xf32>,
        %get3A_529 = arith.index_cast %scan3A_137 : i32 to index
        %get3A_530 = arith.constant 272 : index
        %get3A_531 = tpu.vector_load %arg16[%get3A_529, %get3A_530] {strides = array<i32>} : memref<32x384xf32, #tpu.memory_space<vmem>>, vector<1x16xf32>,
        %get3A_532 = vector.shape_cast %get3A_531 : vector<1x16xf32> to vector<16xf32>
        %mul3A_533 = arith.mulf %get3A_532, %broadcast_in_dim3A : vector<16xf32>
        %get3A_534 = arith.index_cast %scan3A_137 : i32 to index
        %get3A_535 = arith.constant 272 : index
        %get3A_536 = tpu.vector_load %arg17[%get3A_534, %get3A_535] {strides = array<i32>} : memref<32x384xf32, #tpu.memory_space<vmem>>, vector<1x16xf32>,
        %get3A_537 = vector.shape_cast %get3A_536 : vector<1x16xf32> to vector<16xf32>
        %mul3A_538 = arith.mulf %get3A_537, %broadcast_in_dim3A_149 : vector<16xf32>
        %add3A_539 = arith.addf %mul3A_533, %mul3A_538 : vector<16xf32>
        %get3A_540 = arith.index_cast %scan3A_137 : i32 to index
        %get3A_541 = arith.constant 272 : index
        %get3A_542 = tpu.vector_load %arg18[%get3A_540, %get3A_541] {strides = array<i32>} : memref<32x384xf32, #tpu.memory_space<vmem>>, vector<1x16xf32>,
        %get3A_543 = vector.shape_cast %get3A_542 : vector<1x16xf32> to vector<16xf32>
        %mul3A_544 = arith.mulf %get3A_543, %broadcast_in_dim3A_155 : vector<16xf32>
        %add3A_545 = arith.addf %add3A_539, %mul3A_544 : vector<16xf32>
        %swap3A_546 = arith.index_cast %scan3A_137 : i32 to index
        %swap3A_547 = arith.constant 272 : index
        %swap3A_548 = tpu.vector_load %arg22[%swap3A_546, %swap3A_547] {strides = array<i32>} : memref<32x336xf32, #tpu.memory_space<vmem>>, vector<1x16xf32>,
        %swap3A_549 = vector.shape_cast %swap3A_548 : vector<1x16xf32> to vector<16xf32>
        %swap3A_550 = vector.shape_cast %add3A_545 : vector<16xf32> to vector<1x16xf32>
        tpu.vector_store %arg22[%swap3A_546, %swap3A_547], %swap3A_550 {strides = array<i32>} : memref<32x336xf32, #tpu.memory_space<vmem>>, vector<1x16xf32>,
        %get3A_551 = arith.index_cast %scan3A_137 : i32 to index
        %get3A_552 = arith.constant 288 : index
        %get3A_553 = tpu.vector_load %arg16[%get3A_551, %get3A_552] {strides = array<i32>} : memref<32x384xf32, #tpu.memory_space<vmem>>, vector<1x16xf32>,
        %get3A_554 = vector.shape_cast %get3A_553 : vector<1x16xf32> to vector<16xf32>
        %mul3A_555 = arith.mulf %get3A_554, %broadcast_in_dim3A : vector<16xf32>
        %get3A_556 = arith.index_cast %scan3A_137 : i32 to index
        %get3A_557 = arith.constant 288 : index
        %get3A_558 = tpu.vector_load %arg17[%get3A_556, %get3A_557] {strides = array<i32>} : memref<32x384xf32, #tpu.memory_space<vmem>>, vector<1x16xf32>,
        %get3A_559 = vector.shape_cast %get3A_558 : vector<1x16xf32> to vector<16xf32>
        %mul3A_560 = arith.mulf %get3A_559, %broadcast_in_dim3A_149 : vector<16xf32>
        %add3A_561 = arith.addf %mul3A_555, %mul3A_560 : vector<16xf32>
        %get3A_562 = arith.index_cast %scan3A_137 : i32 to index
        %get3A_563 = arith.constant 288 : index
        %get3A_564 = tpu.vector_load %arg18[%get3A_562, %get3A_563] {strides = array<i32>} : memref<32x384xf32, #tpu.memory_space<vmem>>, vector<1x16xf32>,
        %get3A_565 = vector.shape_cast %get3A_564 : vector<1x16xf32> to vector<16xf32>
        %mul3A_566 = arith.mulf %get3A_565, %broadcast_in_dim3A_155 : vector<16xf32>
        %add3A_567 = arith.addf %add3A_561, %mul3A_566 : vector<16xf32>
        %swap3A_568 = arith.index_cast %scan3A_137 : i32 to index
        %swap3A_569 = arith.constant 288 : index
        %swap3A_570 = tpu.vector_load %arg22[%swap3A_568, %swap3A_569] {strides = array<i32>} : memref<32x336xf32, #tpu.memory_space<vmem>>, vector<1x16xf32>,
        %swap3A_571 = vector.shape_cast %swap3A_570 : vector<1x16xf32> to vector<16xf32>
        %swap3A_572 = vector.shape_cast %add3A_567 : vector<16xf32> to vector<1x16xf32>
        tpu.vector_store %arg22[%swap3A_568, %swap3A_569], %swap3A_572 {strides = array<i32>} : memref<32x336xf32, #tpu.memory_space<vmem>>, vector<1x16xf32>,
        %get3A_573 = arith.index_cast %scan3A_137 : i32 to index
        %get3A_574 = arith.constant 304 : index
        %get3A_575 = tpu.vector_load %arg16[%get3A_573, %get3A_574] {strides = array<i32>} : memref<32x384xf32, #tpu.memory_space<vmem>>, vector<1x16xf32>,
        %get3A_576 = vector.shape_cast %get3A_575 : vector<1x16xf32> to vector<16xf32>
        %mul3A_577 = arith.mulf %get3A_576, %broadcast_in_dim3A : vector<16xf32>
        %get3A_578 = arith.index_cast %scan3A_137 : i32 to index
        %get3A_579 = arith.constant 304 : index
        %get3A_580 = tpu.vector_load %arg17[%get3A_578, %get3A_579] {strides = array<i32>} : memref<32x384xf32, #tpu.memory_space<vmem>>, vector<1x16xf32>,
        %get3A_581 = vector.shape_cast %get3A_580 : vector<1x16xf32> to vector<16xf32>
        %mul3A_582 = arith.mulf %get3A_581, %broadcast_in_dim3A_149 : vector<16xf32>
        %add3A_583 = arith.addf %mul3A_577, %mul3A_582 : vector<16xf32>
        %get3A_584 = arith.index_cast %scan3A_137 : i32 to index
        %get3A_585 = arith.constant 304 : index
        %get3A_586 = tpu.vector_load %arg18[%get3A_584, %get3A_585] {strides = array<i32>} : memref<32x384xf32, #tpu.memory_space<vmem>>, vector<1x16xf32>,
        %get3A_587 = vector.shape_cast %get3A_586 : vector<1x16xf32> to vector<16xf32>
        %mul3A_588 = arith.mulf %get3A_587, %broadcast_in_dim3A_155 : vector<16xf32>
        %add3A_589 = arith.addf %add3A_583, %mul3A_588 : vector<16xf32>
        %swap3A_590 = arith.index_cast %scan3A_137 : i32 to index
        %swap3A_591 = arith.constant 304 : index
        %swap3A_592 = tpu.vector_load %arg22[%swap3A_590, %swap3A_591] {strides = array<i32>} : memref<32x336xf32, #tpu.memory_space<vmem>>, vector<1x16xf32>,
        %swap3A_593 = vector.shape_cast %swap3A_592 : vector<1x16xf32> to vector<16xf32>
        %swap3A_594 = vector.shape_cast %add3A_589 : vector<16xf32> to vector<1x16xf32>
        tpu.vector_store %arg22[%swap3A_590, %swap3A_591], %swap3A_594 {strides = array<i32>} : memref<32x336xf32, #tpu.memory_space<vmem>>, vector<1x16xf32>,
        %get3A_595 = arith.index_cast %scan3A_137 : i32 to index
        %get3A_596 = arith.constant 320 : index
        %get3A_597 = tpu.vector_load %arg16[%get3A_595, %get3A_596] {strides = array<i32>} : memref<32x384xf32, #tpu.memory_space<vmem>>, vector<1x16xf32>,
        %get3A_598 = vector.shape_cast %get3A_597 : vector<1x16xf32> to vector<16xf32>
        %mul3A_599 = arith.mulf %get3A_598, %broadcast_in_dim3A : vector<16xf32>
        %get3A_600 = arith.index_cast %scan3A_137 : i32 to index
        %get3A_601 = arith.constant 320 : index
        %get3A_602 = tpu.vector_load %arg17[%get3A_600, %get3A_601] {strides = array<i32>} : memref<32x384xf32, #tpu.memory_space<vmem>>, vector<1x16xf32>,
        %get3A_603 = vector.shape_cast %get3A_602 : vector<1x16xf32> to vector<16xf32>
        %mul3A_604 = arith.mulf %get3A_603, %broadcast_in_dim3A_149 : vector<16xf32>
        %add3A_605 = arith.addf %mul3A_599, %mul3A_604 : vector<16xf32>
        %get3A_606 = arith.index_cast %scan3A_137 : i32 to index
        %get3A_607 = arith.constant 320 : index
        %get3A_608 = tpu.vector_load %arg18[%get3A_606, %get3A_607] {strides = array<i32>} : memref<32x384xf32, #tpu.memory_space<vmem>>, vector<1x16xf32>,
        %get3A_609 = vector.shape_cast %get3A_608 : vector<1x16xf32> to vector<16xf32>
        %mul3A_610 = arith.mulf %get3A_609, %broadcast_in_dim3A_155 : vector<16xf32>
        %add3A_611 = arith.addf %add3A_605, %mul3A_610 : vector<16xf32>
        %swap3A_612 = arith.index_cast %scan3A_137 : i32 to index
        %swap3A_613 = arith.constant 320 : index
        %swap3A_614 = tpu.vector_load %arg22[%swap3A_612, %swap3A_613] {strides = array<i32>} : memref<32x336xf32, #tpu.memory_space<vmem>>, vector<1x16xf32>,
        %swap3A_615 = vector.shape_cast %swap3A_614 : vector<1x16xf32> to vector<16xf32>
        %swap3A_616 = vector.shape_cast %add3A_611 : vector<16xf32> to vector<1x16xf32>
        tpu.vector_store %arg22[%swap3A_612, %swap3A_613], %swap3A_616 {strides = array<i32>} : memref<32x336xf32, #tpu.memory_space<vmem>>, vector<1x16xf32>,
        %scan3A_617 = arith.constant 0 : i32
        scf.yield %scan3A_617 : i32
      }
      %scan3A_95 = arith.constant 32 : i32
      %mul3A_96 = arith.constant 32 : i32
      %mul3A_97 = arith.muli %mul3A_48, %mul3A_96 : i32
      %add3A_98 = arith.addi %mul3A_2, %mul3A_97 : i32
      "tpu.region"() ({
        %run_scoped3A_137 = tpu.sem_alloc : memref<!tpu.dma_semaphore, #tpu.memory_space<semaphore_mem>>
        %dma_start3A_138 = arith.constant 0 : i32
        %dma_start3A_139 = tpu.memref_slice %arg8[%add3A_98, %dma_start3A_138] : memref<32768x336xf32, #tpu.memory_space<hbm>> -> memref<32x336xf32, #tpu.memory_space<hbm>>
        %dma_start3A_140 = arith.constant 0 : i32
        %dma_start3A_141 = tpu.memref_slice %arg8[%add3A_98, %dma_start3A_140] : memref<32768x336xf32, #tpu.memory_space<hbm>> -> memref<32x336xf32, #tpu.memory_space<hbm>>
        tpu.enqueue_dma source(%arg22 : memref<32x336xf32, #tpu.memory_space<vmem>>) target(%dma_start3A_141 : memref<32x336xf32, #tpu.memory_space<hbm>>) target_semaphore(%run_scoped3A_137 : memref<!tpu.dma_semaphore, #tpu.memory_space<semaphore_mem>>)
        %dma_wait3A_142 = arith.constant 0 : i32
        %dma_wait3A_143 = tpu.memref_slice %arg8[%add3A_98, %dma_wait3A_142] : memref<32768x336xf32, #tpu.memory_space<hbm>> -> memref<32x336xf32, #tpu.memory_space<hbm>>
        %dma_wait3A_144 = arith.constant 0 : i32
        %dma_wait3A_145 = tpu.memref_slice %arg8[%add3A_98, %dma_wait3A_144] : memref<32768x336xf32, #tpu.memory_space<hbm>> -> memref<32x336xf32, #tpu.memory_space<hbm>>
        tpu.wait_dma2 semaphore(%run_scoped3A_137 : memref<!tpu.dma_semaphore, #tpu.memory_space<semaphore_mem>>) src(%arg22 : memref<32x336xf32, #tpu.memory_space<vmem>>) dst(%dma_wait3A_145 : memref<32x336xf32, #tpu.memory_space<hbm>>)
        tpu.yield
      }) : () -> ()
      %add3A_99 = arith.constant 2 : i32
      %add3A_100 = arith.addi %mul3A_48, %add3A_99 : i32
      %lt3A = arith.constant 32 : i32
      %lt3A_101 = arith.cmpi slt, %add3A_100, %lt3A : i32
      %convert_element_type3A = arith.extui %lt3A_101 : i1 to i32
      %cond3A = arith.constant 0 : i32
      %cond3A_102 = arith.cmpi ne, %convert_element_type3A, %cond3A : i32
      scf.if %cond3A_102 {
        %add3A_137 = arith.constant 2 : i32
        %add3A_138 = arith.addi %mul3A_48, %add3A_137 : i32
        %dma_start3A_139 = arith.constant 0 : i32
        %dma_start3A_140 = tpu.memref_slice %arg10[%add3A_138, %dma_start3A_139] : memref<32x32xi32, #tpu.memory_space<vmem>> -> memref<1x32xi32, #tpu.memory_space<vmem>>
        %dma_start3A_141 = tpu.memref_squeeze %dma_start3A_140 : memref<1x32xi32, #tpu.memory_space<vmem>> -> memref<32xi32, #tpu.memory_space<vmem>>
        %dma_start3A_142 = arith.constant 0 : i32
        %dma_start3A_143 = arith.constant 0 : i32
        %dma_start3A_144 = tpu.memref_slice %arg6[%dma_start3A_142, %dma_start3A_143] : memref<50000x384xf32, #tpu.memory_space<hbm>> -> memref<50000x384xf32, #tpu.memory_space<hbm>>
        tpu.enqueue_indirect_dma source(%dma_start3A_144 : memref<50000x384xf32, #tpu.memory_space<hbm>>) target(%arg16 : memref<32x384xf32, #tpu.memory_space<vmem>>) offsets(%dma_start3A_141 : memref<32xi32, #tpu.memory_space<vmem>>) semaphore(%arg23 : memref<!tpu.dma_semaphore, #tpu.memory_space<semaphore_mem>>)
        %dma_start3A_145 = arith.constant 0 : i32
        %dma_start3A_146 = tpu.memref_slice %arg11[%add3A_138, %dma_start3A_145] : memref<32x32xi32, #tpu.memory_space<vmem>> -> memref<1x32xi32, #tpu.memory_space<vmem>>
        %dma_start3A_147 = tpu.memref_squeeze %dma_start3A_146 : memref<1x32xi32, #tpu.memory_space<vmem>> -> memref<32xi32, #tpu.memory_space<vmem>>
        %dma_start3A_148 = arith.constant 0 : i32
        %dma_start3A_149 = arith.constant 0 : i32
        %dma_start3A_150 = tpu.memref_slice %arg6[%dma_start3A_148, %dma_start3A_149] : memref<50000x384xf32, #tpu.memory_space<hbm>> -> memref<50000x384xf32, #tpu.memory_space<hbm>>
        tpu.enqueue_indirect_dma source(%dma_start3A_150 : memref<50000x384xf32, #tpu.memory_space<hbm>>) target(%arg17 : memref<32x384xf32, #tpu.memory_space<vmem>>) offsets(%dma_start3A_147 : memref<32xi32, #tpu.memory_space<vmem>>) semaphore(%arg23 : memref<!tpu.dma_semaphore, #tpu.memory_space<semaphore_mem>>)
        %dma_start3A_151 = arith.constant 0 : i32
        %dma_start3A_152 = tpu.memref_slice %arg12[%add3A_138, %dma_start3A_151] : memref<32x32xi32, #tpu.memory_space<vmem>> -> memref<1x32xi32, #tpu.memory_space<vmem>>
        %dma_start3A_153 = tpu.memref_squeeze %dma_start3A_152 : memref<1x32xi32, #tpu.memory_space<vmem>> -> memref<32xi32, #tpu.memory_space<vmem>>
        %dma_start3A_154 = arith.constant 0 : i32
        %dma_start3A_155 = arith.constant 0 : i32
        %dma_start3A_156 = tpu.memref_slice %arg6[%dma_start3A_154, %dma_start3A_155] : memref<50000x384xf32, #tpu.memory_space<hbm>> -> memref<50000x384xf32, #tpu.memory_space<hbm>>
        tpu.enqueue_indirect_dma source(%dma_start3A_156 : memref<50000x384xf32, #tpu.memory_space<hbm>>) target(%arg18 : memref<32x384xf32, #tpu.memory_space<vmem>>) offsets(%dma_start3A_153 : memref<32xi32, #tpu.memory_space<vmem>>) semaphore(%arg23 : memref<!tpu.dma_semaphore, #tpu.memory_space<semaphore_mem>>)
      } else {
      }
      %dma_wait3A_103 = arith.constant 0 : i32
      %dma_wait3A_104 = arith.constant 0 : i32
      %dma_wait3A_105 = tpu.memref_slice %arg10[%dma_wait3A_103, %dma_wait3A_104] : memref<32x32xi32, #tpu.memory_space<vmem>> -> memref<1x32xi32, #tpu.memory_space<vmem>>
      %dma_wait3A_106 = tpu.memref_squeeze %dma_wait3A_105 : memref<1x32xi32, #tpu.memory_space<vmem>> -> memref<32xi32, #tpu.memory_space<vmem>>
      %dma_wait3A_107 = arith.constant 0 : i32
      %dma_wait3A_108 = arith.constant 0 : i32
      %dma_wait3A_109 = tpu.memref_slice %arg6[%dma_wait3A_107, %dma_wait3A_108] : memref<50000x384xf32, #tpu.memory_space<hbm>> -> memref<50000x384xf32, #tpu.memory_space<hbm>>
      tpu.wait_indirect_dma semaphore(%arg24 : memref<!tpu.dma_semaphore, #tpu.memory_space<semaphore_mem>>) src(%dma_wait3A_109 : memref<50000x384xf32, #tpu.memory_space<hbm>>) dst(%arg19 : memref<32x384xf32, #tpu.memory_space<vmem>>)
      %dma_wait3A_110 = arith.constant 0 : i32
      %dma_wait3A_111 = arith.constant 0 : i32
      %dma_wait3A_112 = tpu.memref_slice %arg11[%dma_wait3A_110, %dma_wait3A_111] : memref<32x32xi32, #tpu.memory_space<vmem>> -> memref<1x32xi32, #tpu.memory_space<vmem>>
      %dma_wait3A_113 = tpu.memref_squeeze %dma_wait3A_112 : memref<1x32xi32, #tpu.memory_space<vmem>> -> memref<32xi32, #tpu.memory_space<vmem>>
      %dma_wait3A_114 = arith.constant 0 : i32
      %dma_wait3A_115 = arith.constant 0 : i32
      %dma_wait3A_116 = tpu.memref_slice %arg6[%dma_wait3A_114, %dma_wait3A_115] : memref<50000x384xf32, #tpu.memory_space<hbm>> -> memref<50000x384xf32, #tpu.memory_space<hbm>>
      tpu.wait_indirect_dma semaphore(%arg24 : memref<!tpu.dma_semaphore, #tpu.memory_space<semaphore_mem>>) src(%dma_wait3A_116 : memref<50000x384xf32, #tpu.memory_space<hbm>>) dst(%arg20 : memref<32x384xf32, #tpu.memory_space<vmem>>)
      %dma_wait3A_117 = arith.constant 0 : i32
      %dma_wait3A_118 = arith.constant 0 : i32
      %dma_wait3A_119 = tpu.memref_slice %arg12[%dma_wait3A_117, %dma_wait3A_118] : memref<32x32xi32, #tpu.memory_space<vmem>> -> memref<1x32xi32, #tpu.memory_space<vmem>>
      %dma_wait3A_120 = tpu.memref_squeeze %dma_wait3A_119 : memref<1x32xi32, #tpu.memory_space<vmem>> -> memref<32xi32, #tpu.memory_space<vmem>>
      %dma_wait3A_121 = arith.constant 0 : i32
      %dma_wait3A_122 = arith.constant 0 : i32
      %dma_wait3A_123 = tpu.memref_slice %arg6[%dma_wait3A_121, %dma_wait3A_122] : memref<50000x384xf32, #tpu.memory_space<hbm>> -> memref<50000x384xf32, #tpu.memory_space<hbm>>
      tpu.wait_indirect_dma semaphore(%arg24 : memref<!tpu.dma_semaphore, #tpu.memory_space<semaphore_mem>>) src(%dma_wait3A_123 : memref<50000x384xf32, #tpu.memory_space<hbm>>) dst(%arg21 : memref<32x384xf32, #tpu.memory_space<vmem>>)
      %add3A_124 = arith.constant 1 : i32
      %add3A_125 = arith.addi %mul3A_48, %add3A_124 : i32
      %scan3A_126 = arith.constant 0 : i32
      %scan3A_127 = arith.constant 0 : i32
      %scan3A_128 = arith.constant 32 : i32
      %scan3A_129 = arith.addi %scan3A_127, %scan3A_128 : i32
      %scan3A_130 = arith.constant 1 : i32
      %scan3A_131 = scf.for %scan3A_137 = %scan3A_127 to %scan3A_129 step %scan3A_130 iter_args(%scan3A_138 = %scan3A_126) -> (i32)  : i32 {
        %mul3A_139 = arith.constant 32 : i32
        %mul3A_140 = arith.muli %add3A_125, %mul3A_139 : i32
        %add3A_141 = arith.addi %mul3A_140, %scan3A_137 : i32
        %get3A = arith.index_cast %add3A_141 : i32 to index
        %get3A_142 = tpu.vector_load %arg13[%get3A] {strides = array<i32>} : memref<1040xf32, #tpu.memory_space<vmem>>, vector<16xf32>,
        %get3A_143 = vector.shape_cast %get3A_142 : vector<16xf32> to vector<16xf32>
        %slice3A = vector.extract_strided_slice %get3A_143 {offsets = [0], sizes = [1], strides = [1]} : vector<16xf32> to vector<1xf32>
        %squeeze3A = vector.extract %slice3A[0] : f32 from vector<1xf32>
        %broadcast_in_dim3A = vector.broadcast %squeeze3A : f32 to vector<16xf32>
        %get3A_144 = arith.index_cast %add3A_141 : i32 to index
        %get3A_145 = tpu.vector_load %arg14[%get3A_144] {strides = array<i32>} : memref<1040xf32, #tpu.memory_space<vmem>>, vector<16xf32>,
        %get3A_146 = vector.shape_cast %get3A_145 : vector<16xf32> to vector<16xf32>
        %slice3A_147 = vector.extract_strided_slice %get3A_146 {offsets = [0], sizes = [1], strides = [1]} : vector<16xf32> to vector<1xf32>
        %squeeze3A_148 = vector.extract %slice3A_147[0] : f32 from vector<1xf32>
        %broadcast_in_dim3A_149 = vector.broadcast %squeeze3A_148 : f32 to vector<16xf32>
        %get3A_150 = arith.index_cast %add3A_141 : i32 to index
        %get3A_151 = tpu.vector_load %arg15[%get3A_150] {strides = array<i32>} : memref<1040xf32, #tpu.memory_space<vmem>>, vector<16xf32>,
        %get3A_152 = vector.shape_cast %get3A_151 : vector<16xf32> to vector<16xf32>
        %slice3A_153 = vector.extract_strided_slice %get3A_152 {offsets = [0], sizes = [1], strides = [1]} : vector<16xf32> to vector<1xf32>
        %squeeze3A_154 = vector.extract %slice3A_153[0] : f32 from vector<1xf32>
        %broadcast_in_dim3A_155 = vector.broadcast %squeeze3A_154 : f32 to vector<16xf32>
        %get3A_156 = arith.index_cast %scan3A_137 : i32 to index
        %get3A_157 = arith.constant 0 : index
        %get3A_158 = tpu.vector_load %arg19[%get3A_156, %get3A_157] {strides = array<i32>} : memref<32x384xf32, #tpu.memory_space<vmem>>, vector<1x16xf32>,
        %get3A_159 = vector.shape_cast %get3A_158 : vector<1x16xf32> to vector<16xf32>
        %mul3A_160 = arith.mulf %get3A_159, %broadcast_in_dim3A : vector<16xf32>
        %get3A_161 = arith.index_cast %scan3A_137 : i32 to index
        %get3A_162 = arith.constant 0 : index
        %get3A_163 = tpu.vector_load %arg20[%get3A_161, %get3A_162] {strides = array<i32>} : memref<32x384xf32, #tpu.memory_space<vmem>>, vector<1x16xf32>,
        %get3A_164 = vector.shape_cast %get3A_163 : vector<1x16xf32> to vector<16xf32>
        %mul3A_165 = arith.mulf %get3A_164, %broadcast_in_dim3A_149 : vector<16xf32>
        %add3A_166 = arith.addf %mul3A_160, %mul3A_165 : vector<16xf32>
        %get3A_167 = arith.index_cast %scan3A_137 : i32 to index
        %get3A_168 = arith.constant 0 : index
        %get3A_169 = tpu.vector_load %arg21[%get3A_167, %get3A_168] {strides = array<i32>} : memref<32x384xf32, #tpu.memory_space<vmem>>, vector<1x16xf32>,
        %get3A_170 = vector.shape_cast %get3A_169 : vector<1x16xf32> to vector<16xf32>
        %mul3A_171 = arith.mulf %get3A_170, %broadcast_in_dim3A_155 : vector<16xf32>
        %add3A_172 = arith.addf %add3A_166, %mul3A_171 : vector<16xf32>
        %swap3A = arith.index_cast %scan3A_137 : i32 to index
        %swap3A_173 = arith.constant 0 : index
        %swap3A_174 = tpu.vector_load %arg22[%swap3A, %swap3A_173] {strides = array<i32>} : memref<32x336xf32, #tpu.memory_space<vmem>>, vector<1x16xf32>,
        %swap3A_175 = vector.shape_cast %swap3A_174 : vector<1x16xf32> to vector<16xf32>
        %swap3A_176 = vector.shape_cast %add3A_172 : vector<16xf32> to vector<1x16xf32>
        tpu.vector_store %arg22[%swap3A, %swap3A_173], %swap3A_176 {strides = array<i32>} : memref<32x336xf32, #tpu.memory_space<vmem>>, vector<1x16xf32>,
        %get3A_177 = arith.index_cast %scan3A_137 : i32 to index
        %get3A_178 = arith.constant 16 : index
        %get3A_179 = tpu.vector_load %arg19[%get3A_177, %get3A_178] {strides = array<i32>} : memref<32x384xf32, #tpu.memory_space<vmem>>, vector<1x16xf32>,
        %get3A_180 = vector.shape_cast %get3A_179 : vector<1x16xf32> to vector<16xf32>
        %mul3A_181 = arith.mulf %get3A_180, %broadcast_in_dim3A : vector<16xf32>
        %get3A_182 = arith.index_cast %scan3A_137 : i32 to index
        %get3A_183 = arith.constant 16 : index
        %get3A_184 = tpu.vector_load %arg20[%get3A_182, %get3A_183] {strides = array<i32>} : memref<32x384xf32, #tpu.memory_space<vmem>>, vector<1x16xf32>,
        %get3A_185 = vector.shape_cast %get3A_184 : vector<1x16xf32> to vector<16xf32>
        %mul3A_186 = arith.mulf %get3A_185, %broadcast_in_dim3A_149 : vector<16xf32>
        %add3A_187 = arith.addf %mul3A_181, %mul3A_186 : vector<16xf32>
        %get3A_188 = arith.index_cast %scan3A_137 : i32 to index
        %get3A_189 = arith.constant 16 : index
        %get3A_190 = tpu.vector_load %arg21[%get3A_188, %get3A_189] {strides = array<i32>} : memref<32x384xf32, #tpu.memory_space<vmem>>, vector<1x16xf32>,
        %get3A_191 = vector.shape_cast %get3A_190 : vector<1x16xf32> to vector<16xf32>
        %mul3A_192 = arith.mulf %get3A_191, %broadcast_in_dim3A_155 : vector<16xf32>
        %add3A_193 = arith.addf %add3A_187, %mul3A_192 : vector<16xf32>
        %swap3A_194 = arith.index_cast %scan3A_137 : i32 to index
        %swap3A_195 = arith.constant 16 : index
        %swap3A_196 = tpu.vector_load %arg22[%swap3A_194, %swap3A_195] {strides = array<i32>} : memref<32x336xf32, #tpu.memory_space<vmem>>, vector<1x16xf32>,
        %swap3A_197 = vector.shape_cast %swap3A_196 : vector<1x16xf32> to vector<16xf32>
        %swap3A_198 = vector.shape_cast %add3A_193 : vector<16xf32> to vector<1x16xf32>
        tpu.vector_store %arg22[%swap3A_194, %swap3A_195], %swap3A_198 {strides = array<i32>} : memref<32x336xf32, #tpu.memory_space<vmem>>, vector<1x16xf32>,
        %get3A_199 = arith.index_cast %scan3A_137 : i32 to index
        %get3A_200 = arith.constant 32 : index
        %get3A_201 = tpu.vector_load %arg19[%get3A_199, %get3A_200] {strides = array<i32>} : memref<32x384xf32, #tpu.memory_space<vmem>>, vector<1x16xf32>,
        %get3A_202 = vector.shape_cast %get3A_201 : vector<1x16xf32> to vector<16xf32>
        %mul3A_203 = arith.mulf %get3A_202, %broadcast_in_dim3A : vector<16xf32>
        %get3A_204 = arith.index_cast %scan3A_137 : i32 to index
        %get3A_205 = arith.constant 32 : index
        %get3A_206 = tpu.vector_load %arg20[%get3A_204, %get3A_205] {strides = array<i32>} : memref<32x384xf32, #tpu.memory_space<vmem>>, vector<1x16xf32>,
        %get3A_207 = vector.shape_cast %get3A_206 : vector<1x16xf32> to vector<16xf32>
        %mul3A_208 = arith.mulf %get3A_207, %broadcast_in_dim3A_149 : vector<16xf32>
        %add3A_209 = arith.addf %mul3A_203, %mul3A_208 : vector<16xf32>
        %get3A_210 = arith.index_cast %scan3A_137 : i32 to index
        %get3A_211 = arith.constant 32 : index
        %get3A_212 = tpu.vector_load %arg21[%get3A_210, %get3A_211] {strides = array<i32>} : memref<32x384xf32, #tpu.memory_space<vmem>>, vector<1x16xf32>,
        %get3A_213 = vector.shape_cast %get3A_212 : vector<1x16xf32> to vector<16xf32>
        %mul3A_214 = arith.mulf %get3A_213, %broadcast_in_dim3A_155 : vector<16xf32>
        %add3A_215 = arith.addf %add3A_209, %mul3A_214 : vector<16xf32>
        %swap3A_216 = arith.index_cast %scan3A_137 : i32 to index
        %swap3A_217 = arith.constant 32 : index
        %swap3A_218 = tpu.vector_load %arg22[%swap3A_216, %swap3A_217] {strides = array<i32>} : memref<32x336xf32, #tpu.memory_space<vmem>>, vector<1x16xf32>,
        %swap3A_219 = vector.shape_cast %swap3A_218 : vector<1x16xf32> to vector<16xf32>
        %swap3A_220 = vector.shape_cast %add3A_215 : vector<16xf32> to vector<1x16xf32>
        tpu.vector_store %arg22[%swap3A_216, %swap3A_217], %swap3A_220 {strides = array<i32>} : memref<32x336xf32, #tpu.memory_space<vmem>>, vector<1x16xf32>,
        %get3A_221 = arith.index_cast %scan3A_137 : i32 to index
        %get3A_222 = arith.constant 48 : index
        %get3A_223 = tpu.vector_load %arg19[%get3A_221, %get3A_222] {strides = array<i32>} : memref<32x384xf32, #tpu.memory_space<vmem>>, vector<1x16xf32>,
        %get3A_224 = vector.shape_cast %get3A_223 : vector<1x16xf32> to vector<16xf32>
        %mul3A_225 = arith.mulf %get3A_224, %broadcast_in_dim3A : vector<16xf32>
        %get3A_226 = arith.index_cast %scan3A_137 : i32 to index
        %get3A_227 = arith.constant 48 : index
        %get3A_228 = tpu.vector_load %arg20[%get3A_226, %get3A_227] {strides = array<i32>} : memref<32x384xf32, #tpu.memory_space<vmem>>, vector<1x16xf32>,
        %get3A_229 = vector.shape_cast %get3A_228 : vector<1x16xf32> to vector<16xf32>
        %mul3A_230 = arith.mulf %get3A_229, %broadcast_in_dim3A_149 : vector<16xf32>
        %add3A_231 = arith.addf %mul3A_225, %mul3A_230 : vector<16xf32>
        %get3A_232 = arith.index_cast %scan3A_137 : i32 to index
        %get3A_233 = arith.constant 48 : index
        %get3A_234 = tpu.vector_load %arg21[%get3A_232, %get3A_233] {strides = array<i32>} : memref<32x384xf32, #tpu.memory_space<vmem>>, vector<1x16xf32>,
        %get3A_235 = vector.shape_cast %get3A_234 : vector<1x16xf32> to vector<16xf32>
        %mul3A_236 = arith.mulf %get3A_235, %broadcast_in_dim3A_155 : vector<16xf32>
        %add3A_237 = arith.addf %add3A_231, %mul3A_236 : vector<16xf32>
        %swap3A_238 = arith.index_cast %scan3A_137 : i32 to index
        %swap3A_239 = arith.constant 48 : index
        %swap3A_240 = tpu.vector_load %arg22[%swap3A_238, %swap3A_239] {strides = array<i32>} : memref<32x336xf32, #tpu.memory_space<vmem>>, vector<1x16xf32>,
        %swap3A_241 = vector.shape_cast %swap3A_240 : vector<1x16xf32> to vector<16xf32>
        %swap3A_242 = vector.shape_cast %add3A_237 : vector<16xf32> to vector<1x16xf32>
        tpu.vector_store %arg22[%swap3A_238, %swap3A_239], %swap3A_242 {strides = array<i32>} : memref<32x336xf32, #tpu.memory_space<vmem>>, vector<1x16xf32>,
        %get3A_243 = arith.index_cast %scan3A_137 : i32 to index
        %get3A_244 = arith.constant 64 : index
        %get3A_245 = tpu.vector_load %arg19[%get3A_243, %get3A_244] {strides = array<i32>} : memref<32x384xf32, #tpu.memory_space<vmem>>, vector<1x16xf32>,
        %get3A_246 = vector.shape_cast %get3A_245 : vector<1x16xf32> to vector<16xf32>
        %mul3A_247 = arith.mulf %get3A_246, %broadcast_in_dim3A : vector<16xf32>
        %get3A_248 = arith.index_cast %scan3A_137 : i32 to index
        %get3A_249 = arith.constant 64 : index
        %get3A_250 = tpu.vector_load %arg20[%get3A_248, %get3A_249] {strides = array<i32>} : memref<32x384xf32, #tpu.memory_space<vmem>>, vector<1x16xf32>,
        %get3A_251 = vector.shape_cast %get3A_250 : vector<1x16xf32> to vector<16xf32>
        %mul3A_252 = arith.mulf %get3A_251, %broadcast_in_dim3A_149 : vector<16xf32>
        %add3A_253 = arith.addf %mul3A_247, %mul3A_252 : vector<16xf32>
        %get3A_254 = arith.index_cast %scan3A_137 : i32 to index
        %get3A_255 = arith.constant 64 : index
        %get3A_256 = tpu.vector_load %arg21[%get3A_254, %get3A_255] {strides = array<i32>} : memref<32x384xf32, #tpu.memory_space<vmem>>, vector<1x16xf32>,
        %get3A_257 = vector.shape_cast %get3A_256 : vector<1x16xf32> to vector<16xf32>
        %mul3A_258 = arith.mulf %get3A_257, %broadcast_in_dim3A_155 : vector<16xf32>
        %add3A_259 = arith.addf %add3A_253, %mul3A_258 : vector<16xf32>
        %swap3A_260 = arith.index_cast %scan3A_137 : i32 to index
        %swap3A_261 = arith.constant 64 : index
        %swap3A_262 = tpu.vector_load %arg22[%swap3A_260, %swap3A_261] {strides = array<i32>} : memref<32x336xf32, #tpu.memory_space<vmem>>, vector<1x16xf32>,
        %swap3A_263 = vector.shape_cast %swap3A_262 : vector<1x16xf32> to vector<16xf32>
        %swap3A_264 = vector.shape_cast %add3A_259 : vector<16xf32> to vector<1x16xf32>
        tpu.vector_store %arg22[%swap3A_260, %swap3A_261], %swap3A_264 {strides = array<i32>} : memref<32x336xf32, #tpu.memory_space<vmem>>, vector<1x16xf32>,
        %get3A_265 = arith.index_cast %scan3A_137 : i32 to index
        %get3A_266 = arith.constant 80 : index
        %get3A_267 = tpu.vector_load %arg19[%get3A_265, %get3A_266] {strides = array<i32>} : memref<32x384xf32, #tpu.memory_space<vmem>>, vector<1x16xf32>,
        %get3A_268 = vector.shape_cast %get3A_267 : vector<1x16xf32> to vector<16xf32>
        %mul3A_269 = arith.mulf %get3A_268, %broadcast_in_dim3A : vector<16xf32>
        %get3A_270 = arith.index_cast %scan3A_137 : i32 to index
        %get3A_271 = arith.constant 80 : index
        %get3A_272 = tpu.vector_load %arg20[%get3A_270, %get3A_271] {strides = array<i32>} : memref<32x384xf32, #tpu.memory_space<vmem>>, vector<1x16xf32>,
        %get3A_273 = vector.shape_cast %get3A_272 : vector<1x16xf32> to vector<16xf32>
        %mul3A_274 = arith.mulf %get3A_273, %broadcast_in_dim3A_149 : vector<16xf32>
        %add3A_275 = arith.addf %mul3A_269, %mul3A_274 : vector<16xf32>
        %get3A_276 = arith.index_cast %scan3A_137 : i32 to index
        %get3A_277 = arith.constant 80 : index
        %get3A_278 = tpu.vector_load %arg21[%get3A_276, %get3A_277] {strides = array<i32>} : memref<32x384xf32, #tpu.memory_space<vmem>>, vector<1x16xf32>,
        %get3A_279 = vector.shape_cast %get3A_278 : vector<1x16xf32> to vector<16xf32>
        %mul3A_280 = arith.mulf %get3A_279, %broadcast_in_dim3A_155 : vector<16xf32>
        %add3A_281 = arith.addf %add3A_275, %mul3A_280 : vector<16xf32>
        %swap3A_282 = arith.index_cast %scan3A_137 : i32 to index
        %swap3A_283 = arith.constant 80 : index
        %swap3A_284 = tpu.vector_load %arg22[%swap3A_282, %swap3A_283] {strides = array<i32>} : memref<32x336xf32, #tpu.memory_space<vmem>>, vector<1x16xf32>,
        %swap3A_285 = vector.shape_cast %swap3A_284 : vector<1x16xf32> to vector<16xf32>
        %swap3A_286 = vector.shape_cast %add3A_281 : vector<16xf32> to vector<1x16xf32>
        tpu.vector_store %arg22[%swap3A_282, %swap3A_283], %swap3A_286 {strides = array<i32>} : memref<32x336xf32, #tpu.memory_space<vmem>>, vector<1x16xf32>,
        %get3A_287 = arith.index_cast %scan3A_137 : i32 to index
        %get3A_288 = arith.constant 96 : index
        %get3A_289 = tpu.vector_load %arg19[%get3A_287, %get3A_288] {strides = array<i32>} : memref<32x384xf32, #tpu.memory_space<vmem>>, vector<1x16xf32>,
        %get3A_290 = vector.shape_cast %get3A_289 : vector<1x16xf32> to vector<16xf32>
        %mul3A_291 = arith.mulf %get3A_290, %broadcast_in_dim3A : vector<16xf32>
        %get3A_292 = arith.index_cast %scan3A_137 : i32 to index
        %get3A_293 = arith.constant 96 : index
        %get3A_294 = tpu.vector_load %arg20[%get3A_292, %get3A_293] {strides = array<i32>} : memref<32x384xf32, #tpu.memory_space<vmem>>, vector<1x16xf32>,
        %get3A_295 = vector.shape_cast %get3A_294 : vector<1x16xf32> to vector<16xf32>
        %mul3A_296 = arith.mulf %get3A_295, %broadcast_in_dim3A_149 : vector<16xf32>
        %add3A_297 = arith.addf %mul3A_291, %mul3A_296 : vector<16xf32>
        %get3A_298 = arith.index_cast %scan3A_137 : i32 to index
        %get3A_299 = arith.constant 96 : index
        %get3A_300 = tpu.vector_load %arg21[%get3A_298, %get3A_299] {strides = array<i32>} : memref<32x384xf32, #tpu.memory_space<vmem>>, vector<1x16xf32>,
        %get3A_301 = vector.shape_cast %get3A_300 : vector<1x16xf32> to vector<16xf32>
        %mul3A_302 = arith.mulf %get3A_301, %broadcast_in_dim3A_155 : vector<16xf32>
        %add3A_303 = arith.addf %add3A_297, %mul3A_302 : vector<16xf32>
        %swap3A_304 = arith.index_cast %scan3A_137 : i32 to index
        %swap3A_305 = arith.constant 96 : index
        %swap3A_306 = tpu.vector_load %arg22[%swap3A_304, %swap3A_305] {strides = array<i32>} : memref<32x336xf32, #tpu.memory_space<vmem>>, vector<1x16xf32>,
        %swap3A_307 = vector.shape_cast %swap3A_306 : vector<1x16xf32> to vector<16xf32>
        %swap3A_308 = vector.shape_cast %add3A_303 : vector<16xf32> to vector<1x16xf32>
        tpu.vector_store %arg22[%swap3A_304, %swap3A_305], %swap3A_308 {strides = array<i32>} : memref<32x336xf32, #tpu.memory_space<vmem>>, vector<1x16xf32>,
        %get3A_309 = arith.index_cast %scan3A_137 : i32 to index
        %get3A_310 = arith.constant 112 : index
        %get3A_311 = tpu.vector_load %arg19[%get3A_309, %get3A_310] {strides = array<i32>} : memref<32x384xf32, #tpu.memory_space<vmem>>, vector<1x16xf32>,
        %get3A_312 = vector.shape_cast %get3A_311 : vector<1x16xf32> to vector<16xf32>
        %mul3A_313 = arith.mulf %get3A_312, %broadcast_in_dim3A : vector<16xf32>
        %get3A_314 = arith.index_cast %scan3A_137 : i32 to index
        %get3A_315 = arith.constant 112 : index
        %get3A_316 = tpu.vector_load %arg20[%get3A_314, %get3A_315] {strides = array<i32>} : memref<32x384xf32, #tpu.memory_space<vmem>>, vector<1x16xf32>,
        %get3A_317 = vector.shape_cast %get3A_316 : vector<1x16xf32> to vector<16xf32>
        %mul3A_318 = arith.mulf %get3A_317, %broadcast_in_dim3A_149 : vector<16xf32>
        %add3A_319 = arith.addf %mul3A_313, %mul3A_318 : vector<16xf32>
        %get3A_320 = arith.index_cast %scan3A_137 : i32 to index
        %get3A_321 = arith.constant 112 : index
        %get3A_322 = tpu.vector_load %arg21[%get3A_320, %get3A_321] {strides = array<i32>} : memref<32x384xf32, #tpu.memory_space<vmem>>, vector<1x16xf32>,
        %get3A_323 = vector.shape_cast %get3A_322 : vector<1x16xf32> to vector<16xf32>
        %mul3A_324 = arith.mulf %get3A_323, %broadcast_in_dim3A_155 : vector<16xf32>
        %add3A_325 = arith.addf %add3A_319, %mul3A_324 : vector<16xf32>
        %swap3A_326 = arith.index_cast %scan3A_137 : i32 to index
        %swap3A_327 = arith.constant 112 : index
        %swap3A_328 = tpu.vector_load %arg22[%swap3A_326, %swap3A_327] {strides = array<i32>} : memref<32x336xf32, #tpu.memory_space<vmem>>, vector<1x16xf32>,
        %swap3A_329 = vector.shape_cast %swap3A_328 : vector<1x16xf32> to vector<16xf32>
        %swap3A_330 = vector.shape_cast %add3A_325 : vector<16xf32> to vector<1x16xf32>
        tpu.vector_store %arg22[%swap3A_326, %swap3A_327], %swap3A_330 {strides = array<i32>} : memref<32x336xf32, #tpu.memory_space<vmem>>, vector<1x16xf32>,
        %get3A_331 = arith.index_cast %scan3A_137 : i32 to index
        %get3A_332 = arith.constant 128 : index
        %get3A_333 = tpu.vector_load %arg19[%get3A_331, %get3A_332] {strides = array<i32>} : memref<32x384xf32, #tpu.memory_space<vmem>>, vector<1x16xf32>,
        %get3A_334 = vector.shape_cast %get3A_333 : vector<1x16xf32> to vector<16xf32>
        %mul3A_335 = arith.mulf %get3A_334, %broadcast_in_dim3A : vector<16xf32>
        %get3A_336 = arith.index_cast %scan3A_137 : i32 to index
        %get3A_337 = arith.constant 128 : index
        %get3A_338 = tpu.vector_load %arg20[%get3A_336, %get3A_337] {strides = array<i32>} : memref<32x384xf32, #tpu.memory_space<vmem>>, vector<1x16xf32>,
        %get3A_339 = vector.shape_cast %get3A_338 : vector<1x16xf32> to vector<16xf32>
        %mul3A_340 = arith.mulf %get3A_339, %broadcast_in_dim3A_149 : vector<16xf32>
        %add3A_341 = arith.addf %mul3A_335, %mul3A_340 : vector<16xf32>
        %get3A_342 = arith.index_cast %scan3A_137 : i32 to index
        %get3A_343 = arith.constant 128 : index
        %get3A_344 = tpu.vector_load %arg21[%get3A_342, %get3A_343] {strides = array<i32>} : memref<32x384xf32, #tpu.memory_space<vmem>>, vector<1x16xf32>,
        %get3A_345 = vector.shape_cast %get3A_344 : vector<1x16xf32> to vector<16xf32>
        %mul3A_346 = arith.mulf %get3A_345, %broadcast_in_dim3A_155 : vector<16xf32>
        %add3A_347 = arith.addf %add3A_341, %mul3A_346 : vector<16xf32>
        %swap3A_348 = arith.index_cast %scan3A_137 : i32 to index
        %swap3A_349 = arith.constant 128 : index
        %swap3A_350 = tpu.vector_load %arg22[%swap3A_348, %swap3A_349] {strides = array<i32>} : memref<32x336xf32, #tpu.memory_space<vmem>>, vector<1x16xf32>,
        %swap3A_351 = vector.shape_cast %swap3A_350 : vector<1x16xf32> to vector<16xf32>
        %swap3A_352 = vector.shape_cast %add3A_347 : vector<16xf32> to vector<1x16xf32>
        tpu.vector_store %arg22[%swap3A_348, %swap3A_349], %swap3A_352 {strides = array<i32>} : memref<32x336xf32, #tpu.memory_space<vmem>>, vector<1x16xf32>,
        %get3A_353 = arith.index_cast %scan3A_137 : i32 to index
        %get3A_354 = arith.constant 144 : index
        %get3A_355 = tpu.vector_load %arg19[%get3A_353, %get3A_354] {strides = array<i32>} : memref<32x384xf32, #tpu.memory_space<vmem>>, vector<1x16xf32>,
        %get3A_356 = vector.shape_cast %get3A_355 : vector<1x16xf32> to vector<16xf32>
        %mul3A_357 = arith.mulf %get3A_356, %broadcast_in_dim3A : vector<16xf32>
        %get3A_358 = arith.index_cast %scan3A_137 : i32 to index
        %get3A_359 = arith.constant 144 : index
        %get3A_360 = tpu.vector_load %arg20[%get3A_358, %get3A_359] {strides = array<i32>} : memref<32x384xf32, #tpu.memory_space<vmem>>, vector<1x16xf32>,
        %get3A_361 = vector.shape_cast %get3A_360 : vector<1x16xf32> to vector<16xf32>
        %mul3A_362 = arith.mulf %get3A_361, %broadcast_in_dim3A_149 : vector<16xf32>
        %add3A_363 = arith.addf %mul3A_357, %mul3A_362 : vector<16xf32>
        %get3A_364 = arith.index_cast %scan3A_137 : i32 to index
        %get3A_365 = arith.constant 144 : index
        %get3A_366 = tpu.vector_load %arg21[%get3A_364, %get3A_365] {strides = array<i32>} : memref<32x384xf32, #tpu.memory_space<vmem>>, vector<1x16xf32>,
        %get3A_367 = vector.shape_cast %get3A_366 : vector<1x16xf32> to vector<16xf32>
        %mul3A_368 = arith.mulf %get3A_367, %broadcast_in_dim3A_155 : vector<16xf32>
        %add3A_369 = arith.addf %add3A_363, %mul3A_368 : vector<16xf32>
        %swap3A_370 = arith.index_cast %scan3A_137 : i32 to index
        %swap3A_371 = arith.constant 144 : index
        %swap3A_372 = tpu.vector_load %arg22[%swap3A_370, %swap3A_371] {strides = array<i32>} : memref<32x336xf32, #tpu.memory_space<vmem>>, vector<1x16xf32>,
        %swap3A_373 = vector.shape_cast %swap3A_372 : vector<1x16xf32> to vector<16xf32>
        %swap3A_374 = vector.shape_cast %add3A_369 : vector<16xf32> to vector<1x16xf32>
        tpu.vector_store %arg22[%swap3A_370, %swap3A_371], %swap3A_374 {strides = array<i32>} : memref<32x336xf32, #tpu.memory_space<vmem>>, vector<1x16xf32>,
        %get3A_375 = arith.index_cast %scan3A_137 : i32 to index
        %get3A_376 = arith.constant 160 : index
        %get3A_377 = tpu.vector_load %arg19[%get3A_375, %get3A_376] {strides = array<i32>} : memref<32x384xf32, #tpu.memory_space<vmem>>, vector<1x16xf32>,
        %get3A_378 = vector.shape_cast %get3A_377 : vector<1x16xf32> to vector<16xf32>
        %mul3A_379 = arith.mulf %get3A_378, %broadcast_in_dim3A : vector<16xf32>
        %get3A_380 = arith.index_cast %scan3A_137 : i32 to index
        %get3A_381 = arith.constant 160 : index
        %get3A_382 = tpu.vector_load %arg20[%get3A_380, %get3A_381] {strides = array<i32>} : memref<32x384xf32, #tpu.memory_space<vmem>>, vector<1x16xf32>,
        %get3A_383 = vector.shape_cast %get3A_382 : vector<1x16xf32> to vector<16xf32>
        %mul3A_384 = arith.mulf %get3A_383, %broadcast_in_dim3A_149 : vector<16xf32>
        %add3A_385 = arith.addf %mul3A_379, %mul3A_384 : vector<16xf32>
        %get3A_386 = arith.index_cast %scan3A_137 : i32 to index
        %get3A_387 = arith.constant 160 : index
        %get3A_388 = tpu.vector_load %arg21[%get3A_386, %get3A_387] {strides = array<i32>} : memref<32x384xf32, #tpu.memory_space<vmem>>, vector<1x16xf32>,
        %get3A_389 = vector.shape_cast %get3A_388 : vector<1x16xf32> to vector<16xf32>
        %mul3A_390 = arith.mulf %get3A_389, %broadcast_in_dim3A_155 : vector<16xf32>
        %add3A_391 = arith.addf %add3A_385, %mul3A_390 : vector<16xf32>
        %swap3A_392 = arith.index_cast %scan3A_137 : i32 to index
        %swap3A_393 = arith.constant 160 : index
        %swap3A_394 = tpu.vector_load %arg22[%swap3A_392, %swap3A_393] {strides = array<i32>} : memref<32x336xf32, #tpu.memory_space<vmem>>, vector<1x16xf32>,
        %swap3A_395 = vector.shape_cast %swap3A_394 : vector<1x16xf32> to vector<16xf32>
        %swap3A_396 = vector.shape_cast %add3A_391 : vector<16xf32> to vector<1x16xf32>
        tpu.vector_store %arg22[%swap3A_392, %swap3A_393], %swap3A_396 {strides = array<i32>} : memref<32x336xf32, #tpu.memory_space<vmem>>, vector<1x16xf32>,
        %get3A_397 = arith.index_cast %scan3A_137 : i32 to index
        %get3A_398 = arith.constant 176 : index
        %get3A_399 = tpu.vector_load %arg19[%get3A_397, %get3A_398] {strides = array<i32>} : memref<32x384xf32, #tpu.memory_space<vmem>>, vector<1x16xf32>,
        %get3A_400 = vector.shape_cast %get3A_399 : vector<1x16xf32> to vector<16xf32>
        %mul3A_401 = arith.mulf %get3A_400, %broadcast_in_dim3A : vector<16xf32>
        %get3A_402 = arith.index_cast %scan3A_137 : i32 to index
        %get3A_403 = arith.constant 176 : index
        %get3A_404 = tpu.vector_load %arg20[%get3A_402, %get3A_403] {strides = array<i32>} : memref<32x384xf32, #tpu.memory_space<vmem>>, vector<1x16xf32>,
        %get3A_405 = vector.shape_cast %get3A_404 : vector<1x16xf32> to vector<16xf32>
        %mul3A_406 = arith.mulf %get3A_405, %broadcast_in_dim3A_149 : vector<16xf32>
        %add3A_407 = arith.addf %mul3A_401, %mul3A_406 : vector<16xf32>
        %get3A_408 = arith.index_cast %scan3A_137 : i32 to index
        %get3A_409 = arith.constant 176 : index
        %get3A_410 = tpu.vector_load %arg21[%get3A_408, %get3A_409] {strides = array<i32>} : memref<32x384xf32, #tpu.memory_space<vmem>>, vector<1x16xf32>,
        %get3A_411 = vector.shape_cast %get3A_410 : vector<1x16xf32> to vector<16xf32>
        %mul3A_412 = arith.mulf %get3A_411, %broadcast_in_dim3A_155 : vector<16xf32>
        %add3A_413 = arith.addf %add3A_407, %mul3A_412 : vector<16xf32>
        %swap3A_414 = arith.index_cast %scan3A_137 : i32 to index
        %swap3A_415 = arith.constant 176 : index
        %swap3A_416 = tpu.vector_load %arg22[%swap3A_414, %swap3A_415] {strides = array<i32>} : memref<32x336xf32, #tpu.memory_space<vmem>>, vector<1x16xf32>,
        %swap3A_417 = vector.shape_cast %swap3A_416 : vector<1x16xf32> to vector<16xf32>
        %swap3A_418 = vector.shape_cast %add3A_413 : vector<16xf32> to vector<1x16xf32>
        tpu.vector_store %arg22[%swap3A_414, %swap3A_415], %swap3A_418 {strides = array<i32>} : memref<32x336xf32, #tpu.memory_space<vmem>>, vector<1x16xf32>,
        %get3A_419 = arith.index_cast %scan3A_137 : i32 to index
        %get3A_420 = arith.constant 192 : index
        %get3A_421 = tpu.vector_load %arg19[%get3A_419, %get3A_420] {strides = array<i32>} : memref<32x384xf32, #tpu.memory_space<vmem>>, vector<1x16xf32>,
        %get3A_422 = vector.shape_cast %get3A_421 : vector<1x16xf32> to vector<16xf32>
        %mul3A_423 = arith.mulf %get3A_422, %broadcast_in_dim3A : vector<16xf32>
        %get3A_424 = arith.index_cast %scan3A_137 : i32 to index
        %get3A_425 = arith.constant 192 : index
        %get3A_426 = tpu.vector_load %arg20[%get3A_424, %get3A_425] {strides = array<i32>} : memref<32x384xf32, #tpu.memory_space<vmem>>, vector<1x16xf32>,
        %get3A_427 = vector.shape_cast %get3A_426 : vector<1x16xf32> to vector<16xf32>
        %mul3A_428 = arith.mulf %get3A_427, %broadcast_in_dim3A_149 : vector<16xf32>
        %add3A_429 = arith.addf %mul3A_423, %mul3A_428 : vector<16xf32>
        %get3A_430 = arith.index_cast %scan3A_137 : i32 to index
        %get3A_431 = arith.constant 192 : index
        %get3A_432 = tpu.vector_load %arg21[%get3A_430, %get3A_431] {strides = array<i32>} : memref<32x384xf32, #tpu.memory_space<vmem>>, vector<1x16xf32>,
        %get3A_433 = vector.shape_cast %get3A_432 : vector<1x16xf32> to vector<16xf32>
        %mul3A_434 = arith.mulf %get3A_433, %broadcast_in_dim3A_155 : vector<16xf32>
        %add3A_435 = arith.addf %add3A_429, %mul3A_434 : vector<16xf32>
        %swap3A_436 = arith.index_cast %scan3A_137 : i32 to index
        %swap3A_437 = arith.constant 192 : index
        %swap3A_438 = tpu.vector_load %arg22[%swap3A_436, %swap3A_437] {strides = array<i32>} : memref<32x336xf32, #tpu.memory_space<vmem>>, vector<1x16xf32>,
        %swap3A_439 = vector.shape_cast %swap3A_438 : vector<1x16xf32> to vector<16xf32>
        %swap3A_440 = vector.shape_cast %add3A_435 : vector<16xf32> to vector<1x16xf32>
        tpu.vector_store %arg22[%swap3A_436, %swap3A_437], %swap3A_440 {strides = array<i32>} : memref<32x336xf32, #tpu.memory_space<vmem>>, vector<1x16xf32>,
        %get3A_441 = arith.index_cast %scan3A_137 : i32 to index
        %get3A_442 = arith.constant 208 : index
        %get3A_443 = tpu.vector_load %arg19[%get3A_441, %get3A_442] {strides = array<i32>} : memref<32x384xf32, #tpu.memory_space<vmem>>, vector<1x16xf32>,
        %get3A_444 = vector.shape_cast %get3A_443 : vector<1x16xf32> to vector<16xf32>
        %mul3A_445 = arith.mulf %get3A_444, %broadcast_in_dim3A : vector<16xf32>
        %get3A_446 = arith.index_cast %scan3A_137 : i32 to index
        %get3A_447 = arith.constant 208 : index
        %get3A_448 = tpu.vector_load %arg20[%get3A_446, %get3A_447] {strides = array<i32>} : memref<32x384xf32, #tpu.memory_space<vmem>>, vector<1x16xf32>,
        %get3A_449 = vector.shape_cast %get3A_448 : vector<1x16xf32> to vector<16xf32>
        %mul3A_450 = arith.mulf %get3A_449, %broadcast_in_dim3A_149 : vector<16xf32>
        %add3A_451 = arith.addf %mul3A_445, %mul3A_450 : vector<16xf32>
        %get3A_452 = arith.index_cast %scan3A_137 : i32 to index
        %get3A_453 = arith.constant 208 : index
        %get3A_454 = tpu.vector_load %arg21[%get3A_452, %get3A_453] {strides = array<i32>} : memref<32x384xf32, #tpu.memory_space<vmem>>, vector<1x16xf32>,
        %get3A_455 = vector.shape_cast %get3A_454 : vector<1x16xf32> to vector<16xf32>
        %mul3A_456 = arith.mulf %get3A_455, %broadcast_in_dim3A_155 : vector<16xf32>
        %add3A_457 = arith.addf %add3A_451, %mul3A_456 : vector<16xf32>
        %swap3A_458 = arith.index_cast %scan3A_137 : i32 to index
        %swap3A_459 = arith.constant 208 : index
        %swap3A_460 = tpu.vector_load %arg22[%swap3A_458, %swap3A_459] {strides = array<i32>} : memref<32x336xf32, #tpu.memory_space<vmem>>, vector<1x16xf32>,
        %swap3A_461 = vector.shape_cast %swap3A_460 : vector<1x16xf32> to vector<16xf32>
        %swap3A_462 = vector.shape_cast %add3A_457 : vector<16xf32> to vector<1x16xf32>
        tpu.vector_store %arg22[%swap3A_458, %swap3A_459], %swap3A_462 {strides = array<i32>} : memref<32x336xf32, #tpu.memory_space<vmem>>, vector<1x16xf32>,
        %get3A_463 = arith.index_cast %scan3A_137 : i32 to index
        %get3A_464 = arith.constant 224 : index
        %get3A_465 = tpu.vector_load %arg19[%get3A_463, %get3A_464] {strides = array<i32>} : memref<32x384xf32, #tpu.memory_space<vmem>>, vector<1x16xf32>,
        %get3A_466 = vector.shape_cast %get3A_465 : vector<1x16xf32> to vector<16xf32>
        %mul3A_467 = arith.mulf %get3A_466, %broadcast_in_dim3A : vector<16xf32>
        %get3A_468 = arith.index_cast %scan3A_137 : i32 to index
        %get3A_469 = arith.constant 224 : index
        %get3A_470 = tpu.vector_load %arg20[%get3A_468, %get3A_469] {strides = array<i32>} : memref<32x384xf32, #tpu.memory_space<vmem>>, vector<1x16xf32>,
        %get3A_471 = vector.shape_cast %get3A_470 : vector<1x16xf32> to vector<16xf32>
        %mul3A_472 = arith.mulf %get3A_471, %broadcast_in_dim3A_149 : vector<16xf32>
        %add3A_473 = arith.addf %mul3A_467, %mul3A_472 : vector<16xf32>
        %get3A_474 = arith.index_cast %scan3A_137 : i32 to index
        %get3A_475 = arith.constant 224 : index
        %get3A_476 = tpu.vector_load %arg21[%get3A_474, %get3A_475] {strides = array<i32>} : memref<32x384xf32, #tpu.memory_space<vmem>>, vector<1x16xf32>,
        %get3A_477 = vector.shape_cast %get3A_476 : vector<1x16xf32> to vector<16xf32>
        %mul3A_478 = arith.mulf %get3A_477, %broadcast_in_dim3A_155 : vector<16xf32>
        %add3A_479 = arith.addf %add3A_473, %mul3A_478 : vector<16xf32>
        %swap3A_480 = arith.index_cast %scan3A_137 : i32 to index
        %swap3A_481 = arith.constant 224 : index
        %swap3A_482 = tpu.vector_load %arg22[%swap3A_480, %swap3A_481] {strides = array<i32>} : memref<32x336xf32, #tpu.memory_space<vmem>>, vector<1x16xf32>,
        %swap3A_483 = vector.shape_cast %swap3A_482 : vector<1x16xf32> to vector<16xf32>
        %swap3A_484 = vector.shape_cast %add3A_479 : vector<16xf32> to vector<1x16xf32>
        tpu.vector_store %arg22[%swap3A_480, %swap3A_481], %swap3A_484 {strides = array<i32>} : memref<32x336xf32, #tpu.memory_space<vmem>>, vector<1x16xf32>,
        %get3A_485 = arith.index_cast %scan3A_137 : i32 to index
        %get3A_486 = arith.constant 240 : index
        %get3A_487 = tpu.vector_load %arg19[%get3A_485, %get3A_486] {strides = array<i32>} : memref<32x384xf32, #tpu.memory_space<vmem>>, vector<1x16xf32>,
        %get3A_488 = vector.shape_cast %get3A_487 : vector<1x16xf32> to vector<16xf32>
        %mul3A_489 = arith.mulf %get3A_488, %broadcast_in_dim3A : vector<16xf32>
        %get3A_490 = arith.index_cast %scan3A_137 : i32 to index
        %get3A_491 = arith.constant 240 : index
        %get3A_492 = tpu.vector_load %arg20[%get3A_490, %get3A_491] {strides = array<i32>} : memref<32x384xf32, #tpu.memory_space<vmem>>, vector<1x16xf32>,
        %get3A_493 = vector.shape_cast %get3A_492 : vector<1x16xf32> to vector<16xf32>
        %mul3A_494 = arith.mulf %get3A_493, %broadcast_in_dim3A_149 : vector<16xf32>
        %add3A_495 = arith.addf %mul3A_489, %mul3A_494 : vector<16xf32>
        %get3A_496 = arith.index_cast %scan3A_137 : i32 to index
        %get3A_497 = arith.constant 240 : index
        %get3A_498 = tpu.vector_load %arg21[%get3A_496, %get3A_497] {strides = array<i32>} : memref<32x384xf32, #tpu.memory_space<vmem>>, vector<1x16xf32>,
        %get3A_499 = vector.shape_cast %get3A_498 : vector<1x16xf32> to vector<16xf32>
        %mul3A_500 = arith.mulf %get3A_499, %broadcast_in_dim3A_155 : vector<16xf32>
        %add3A_501 = arith.addf %add3A_495, %mul3A_500 : vector<16xf32>
        %swap3A_502 = arith.index_cast %scan3A_137 : i32 to index
        %swap3A_503 = arith.constant 240 : index
        %swap3A_504 = tpu.vector_load %arg22[%swap3A_502, %swap3A_503] {strides = array<i32>} : memref<32x336xf32, #tpu.memory_space<vmem>>, vector<1x16xf32>,
        %swap3A_505 = vector.shape_cast %swap3A_504 : vector<1x16xf32> to vector<16xf32>
        %swap3A_506 = vector.shape_cast %add3A_501 : vector<16xf32> to vector<1x16xf32>
        tpu.vector_store %arg22[%swap3A_502, %swap3A_503], %swap3A_506 {strides = array<i32>} : memref<32x336xf32, #tpu.memory_space<vmem>>, vector<1x16xf32>,
        %get3A_507 = arith.index_cast %scan3A_137 : i32 to index
        %get3A_508 = arith.constant 256 : index
        %get3A_509 = tpu.vector_load %arg19[%get3A_507, %get3A_508] {strides = array<i32>} : memref<32x384xf32, #tpu.memory_space<vmem>>, vector<1x16xf32>,
        %get3A_510 = vector.shape_cast %get3A_509 : vector<1x16xf32> to vector<16xf32>
        %mul3A_511 = arith.mulf %get3A_510, %broadcast_in_dim3A : vector<16xf32>
        %get3A_512 = arith.index_cast %scan3A_137 : i32 to index
        %get3A_513 = arith.constant 256 : index
        %get3A_514 = tpu.vector_load %arg20[%get3A_512, %get3A_513] {strides = array<i32>} : memref<32x384xf32, #tpu.memory_space<vmem>>, vector<1x16xf32>,
        %get3A_515 = vector.shape_cast %get3A_514 : vector<1x16xf32> to vector<16xf32>
        %mul3A_516 = arith.mulf %get3A_515, %broadcast_in_dim3A_149 : vector<16xf32>
        %add3A_517 = arith.addf %mul3A_511, %mul3A_516 : vector<16xf32>
        %get3A_518 = arith.index_cast %scan3A_137 : i32 to index
        %get3A_519 = arith.constant 256 : index
        %get3A_520 = tpu.vector_load %arg21[%get3A_518, %get3A_519] {strides = array<i32>} : memref<32x384xf32, #tpu.memory_space<vmem>>, vector<1x16xf32>,
        %get3A_521 = vector.shape_cast %get3A_520 : vector<1x16xf32> to vector<16xf32>
        %mul3A_522 = arith.mulf %get3A_521, %broadcast_in_dim3A_155 : vector<16xf32>
        %add3A_523 = arith.addf %add3A_517, %mul3A_522 : vector<16xf32>
        %swap3A_524 = arith.index_cast %scan3A_137 : i32 to index
        %swap3A_525 = arith.constant 256 : index
        %swap3A_526 = tpu.vector_load %arg22[%swap3A_524, %swap3A_525] {strides = array<i32>} : memref<32x336xf32, #tpu.memory_space<vmem>>, vector<1x16xf32>,
        %swap3A_527 = vector.shape_cast %swap3A_526 : vector<1x16xf32> to vector<16xf32>
        %swap3A_528 = vector.shape_cast %add3A_523 : vector<16xf32> to vector<1x16xf32>
        tpu.vector_store %arg22[%swap3A_524, %swap3A_525], %swap3A_528 {strides = array<i32>} : memref<32x336xf32, #tpu.memory_space<vmem>>, vector<1x16xf32>,
        %get3A_529 = arith.index_cast %scan3A_137 : i32 to index
        %get3A_530 = arith.constant 272 : index
        %get3A_531 = tpu.vector_load %arg19[%get3A_529, %get3A_530] {strides = array<i32>} : memref<32x384xf32, #tpu.memory_space<vmem>>, vector<1x16xf32>,
        %get3A_532 = vector.shape_cast %get3A_531 : vector<1x16xf32> to vector<16xf32>
        %mul3A_533 = arith.mulf %get3A_532, %broadcast_in_dim3A : vector<16xf32>
        %get3A_534 = arith.index_cast %scan3A_137 : i32 to index
        %get3A_535 = arith.constant 272 : index
        %get3A_536 = tpu.vector_load %arg20[%get3A_534, %get3A_535] {strides = array<i32>} : memref<32x384xf32, #tpu.memory_space<vmem>>, vector<1x16xf32>,
        %get3A_537 = vector.shape_cast %get3A_536 : vector<1x16xf32> to vector<16xf32>
        %mul3A_538 = arith.mulf %get3A_537, %broadcast_in_dim3A_149 : vector<16xf32>
        %add3A_539 = arith.addf %mul3A_533, %mul3A_538 : vector<16xf32>
        %get3A_540 = arith.index_cast %scan3A_137 : i32 to index
        %get3A_541 = arith.constant 272 : index
        %get3A_542 = tpu.vector_load %arg21[%get3A_540, %get3A_541] {strides = array<i32>} : memref<32x384xf32, #tpu.memory_space<vmem>>, vector<1x16xf32>,
        %get3A_543 = vector.shape_cast %get3A_542 : vector<1x16xf32> to vector<16xf32>
        %mul3A_544 = arith.mulf %get3A_543, %broadcast_in_dim3A_155 : vector<16xf32>
        %add3A_545 = arith.addf %add3A_539, %mul3A_544 : vector<16xf32>
        %swap3A_546 = arith.index_cast %scan3A_137 : i32 to index
        %swap3A_547 = arith.constant 272 : index
        %swap3A_548 = tpu.vector_load %arg22[%swap3A_546, %swap3A_547] {strides = array<i32>} : memref<32x336xf32, #tpu.memory_space<vmem>>, vector<1x16xf32>,
        %swap3A_549 = vector.shape_cast %swap3A_548 : vector<1x16xf32> to vector<16xf32>
        %swap3A_550 = vector.shape_cast %add3A_545 : vector<16xf32> to vector<1x16xf32>
        tpu.vector_store %arg22[%swap3A_546, %swap3A_547], %swap3A_550 {strides = array<i32>} : memref<32x336xf32, #tpu.memory_space<vmem>>, vector<1x16xf32>,
        %get3A_551 = arith.index_cast %scan3A_137 : i32 to index
        %get3A_552 = arith.constant 288 : index
        %get3A_553 = tpu.vector_load %arg19[%get3A_551, %get3A_552] {strides = array<i32>} : memref<32x384xf32, #tpu.memory_space<vmem>>, vector<1x16xf32>,
        %get3A_554 = vector.shape_cast %get3A_553 : vector<1x16xf32> to vector<16xf32>
        %mul3A_555 = arith.mulf %get3A_554, %broadcast_in_dim3A : vector<16xf32>
        %get3A_556 = arith.index_cast %scan3A_137 : i32 to index
        %get3A_557 = arith.constant 288 : index
        %get3A_558 = tpu.vector_load %arg20[%get3A_556, %get3A_557] {strides = array<i32>} : memref<32x384xf32, #tpu.memory_space<vmem>>, vector<1x16xf32>,
        %get3A_559 = vector.shape_cast %get3A_558 : vector<1x16xf32> to vector<16xf32>
        %mul3A_560 = arith.mulf %get3A_559, %broadcast_in_dim3A_149 : vector<16xf32>
        %add3A_561 = arith.addf %mul3A_555, %mul3A_560 : vector<16xf32>
        %get3A_562 = arith.index_cast %scan3A_137 : i32 to index
        %get3A_563 = arith.constant 288 : index
        %get3A_564 = tpu.vector_load %arg21[%get3A_562, %get3A_563] {strides = array<i32>} : memref<32x384xf32, #tpu.memory_space<vmem>>, vector<1x16xf32>,
        %get3A_565 = vector.shape_cast %get3A_564 : vector<1x16xf32> to vector<16xf32>
        %mul3A_566 = arith.mulf %get3A_565, %broadcast_in_dim3A_155 : vector<16xf32>
        %add3A_567 = arith.addf %add3A_561, %mul3A_566 : vector<16xf32>
        %swap3A_568 = arith.index_cast %scan3A_137 : i32 to index
        %swap3A_569 = arith.constant 288 : index
        %swap3A_570 = tpu.vector_load %arg22[%swap3A_568, %swap3A_569] {strides = array<i32>} : memref<32x336xf32, #tpu.memory_space<vmem>>, vector<1x16xf32>,
        %swap3A_571 = vector.shape_cast %swap3A_570 : vector<1x16xf32> to vector<16xf32>
        %swap3A_572 = vector.shape_cast %add3A_567 : vector<16xf32> to vector<1x16xf32>
        tpu.vector_store %arg22[%swap3A_568, %swap3A_569], %swap3A_572 {strides = array<i32>} : memref<32x336xf32, #tpu.memory_space<vmem>>, vector<1x16xf32>,
        %get3A_573 = arith.index_cast %scan3A_137 : i32 to index
        %get3A_574 = arith.constant 304 : index
        %get3A_575 = tpu.vector_load %arg19[%get3A_573, %get3A_574] {strides = array<i32>} : memref<32x384xf32, #tpu.memory_space<vmem>>, vector<1x16xf32>,
        %get3A_576 = vector.shape_cast %get3A_575 : vector<1x16xf32> to vector<16xf32>
        %mul3A_577 = arith.mulf %get3A_576, %broadcast_in_dim3A : vector<16xf32>
        %get3A_578 = arith.index_cast %scan3A_137 : i32 to index
        %get3A_579 = arith.constant 304 : index
        %get3A_580 = tpu.vector_load %arg20[%get3A_578, %get3A_579] {strides = array<i32>} : memref<32x384xf32, #tpu.memory_space<vmem>>, vector<1x16xf32>,
        %get3A_581 = vector.shape_cast %get3A_580 : vector<1x16xf32> to vector<16xf32>
        %mul3A_582 = arith.mulf %get3A_581, %broadcast_in_dim3A_149 : vector<16xf32>
        %add3A_583 = arith.addf %mul3A_577, %mul3A_582 : vector<16xf32>
        %get3A_584 = arith.index_cast %scan3A_137 : i32 to index
        %get3A_585 = arith.constant 304 : index
        %get3A_586 = tpu.vector_load %arg21[%get3A_584, %get3A_585] {strides = array<i32>} : memref<32x384xf32, #tpu.memory_space<vmem>>, vector<1x16xf32>,
        %get3A_587 = vector.shape_cast %get3A_586 : vector<1x16xf32> to vector<16xf32>
        %mul3A_588 = arith.mulf %get3A_587, %broadcast_in_dim3A_155 : vector<16xf32>
        %add3A_589 = arith.addf %add3A_583, %mul3A_588 : vector<16xf32>
        %swap3A_590 = arith.index_cast %scan3A_137 : i32 to index
        %swap3A_591 = arith.constant 304 : index
        %swap3A_592 = tpu.vector_load %arg22[%swap3A_590, %swap3A_591] {strides = array<i32>} : memref<32x336xf32, #tpu.memory_space<vmem>>, vector<1x16xf32>,
        %swap3A_593 = vector.shape_cast %swap3A_592 : vector<1x16xf32> to vector<16xf32>
        %swap3A_594 = vector.shape_cast %add3A_589 : vector<16xf32> to vector<1x16xf32>
        tpu.vector_store %arg22[%swap3A_590, %swap3A_591], %swap3A_594 {strides = array<i32>} : memref<32x336xf32, #tpu.memory_space<vmem>>, vector<1x16xf32>,
        %get3A_595 = arith.index_cast %scan3A_137 : i32 to index
        %get3A_596 = arith.constant 320 : index
        %get3A_597 = tpu.vector_load %arg19[%get3A_595, %get3A_596] {strides = array<i32>} : memref<32x384xf32, #tpu.memory_space<vmem>>, vector<1x16xf32>,
        %get3A_598 = vector.shape_cast %get3A_597 : vector<1x16xf32> to vector<16xf32>
        %mul3A_599 = arith.mulf %get3A_598, %broadcast_in_dim3A : vector<16xf32>
        %get3A_600 = arith.index_cast %scan3A_137 : i32 to index
        %get3A_601 = arith.constant 320 : index
        %get3A_602 = tpu.vector_load %arg20[%get3A_600, %get3A_601] {strides = array<i32>} : memref<32x384xf32, #tpu.memory_space<vmem>>, vector<1x16xf32>,
        %get3A_603 = vector.shape_cast %get3A_602 : vector<1x16xf32> to vector<16xf32>
        %mul3A_604 = arith.mulf %get3A_603, %broadcast_in_dim3A_149 : vector<16xf32>
        %add3A_605 = arith.addf %mul3A_599, %mul3A_604 : vector<16xf32>
        %get3A_606 = arith.index_cast %scan3A_137 : i32 to index
        %get3A_607 = arith.constant 320 : index
        %get3A_608 = tpu.vector_load %arg21[%get3A_606, %get3A_607] {strides = array<i32>} : memref<32x384xf32, #tpu.memory_space<vmem>>, vector<1x16xf32>,
        %get3A_609 = vector.shape_cast %get3A_608 : vector<1x16xf32> to vector<16xf32>
        %mul3A_610 = arith.mulf %get3A_609, %broadcast_in_dim3A_155 : vector<16xf32>
        %add3A_611 = arith.addf %add3A_605, %mul3A_610 : vector<16xf32>
        %swap3A_612 = arith.index_cast %scan3A_137 : i32 to index
        %swap3A_613 = arith.constant 320 : index
        %swap3A_614 = tpu.vector_load %arg22[%swap3A_612, %swap3A_613] {strides = array<i32>} : memref<32x336xf32, #tpu.memory_space<vmem>>, vector<1x16xf32>,
        %swap3A_615 = vector.shape_cast %swap3A_614 : vector<1x16xf32> to vector<16xf32>
        %swap3A_616 = vector.shape_cast %add3A_611 : vector<16xf32> to vector<1x16xf32>
        tpu.vector_store %arg22[%swap3A_612, %swap3A_613], %swap3A_616 {strides = array<i32>} : memref<32x336xf32, #tpu.memory_space<vmem>>, vector<1x16xf32>,
        %scan3A_617 = arith.constant 0 : i32
        scf.yield %scan3A_617 : i32
      }
      %scan3A_132 = arith.constant 32 : i32
      %mul3A_133 = arith.constant 32 : i32
      %mul3A_134 = arith.muli %add3A_125, %mul3A_133 : i32
      %add3A_135 = arith.addi %mul3A_2, %mul3A_134 : i32
      "tpu.region"() ({
        %run_scoped3A_137 = tpu.sem_alloc : memref<!tpu.dma_semaphore, #tpu.memory_space<semaphore_mem>>
        %dma_start3A_138 = arith.constant 0 : i32
        %dma_start3A_139 = tpu.memref_slice %arg8[%add3A_135, %dma_start3A_138] : memref<32768x336xf32, #tpu.memory_space<hbm>> -> memref<32x336xf32, #tpu.memory_space<hbm>>
        %dma_start3A_140 = arith.constant 0 : i32
        %dma_start3A_141 = tpu.memref_slice %arg8[%add3A_135, %dma_start3A_140] : memref<32768x336xf32, #tpu.memory_space<hbm>> -> memref<32x336xf32, #tpu.memory_space<hbm>>
        tpu.enqueue_dma source(%arg22 : memref<32x336xf32, #tpu.memory_space<vmem>>) target(%dma_start3A_141 : memref<32x336xf32, #tpu.memory_space<hbm>>) target_semaphore(%run_scoped3A_137 : memref<!tpu.dma_semaphore, #tpu.memory_space<semaphore_mem>>)
        %dma_wait3A_142 = arith.constant 0 : i32
        %dma_wait3A_143 = tpu.memref_slice %arg8[%add3A_135, %dma_wait3A_142] : memref<32768x336xf32, #tpu.memory_space<hbm>> -> memref<32x336xf32, #tpu.memory_space<hbm>>
        %dma_wait3A_144 = arith.constant 0 : i32
        %dma_wait3A_145 = tpu.memref_slice %arg8[%add3A_135, %dma_wait3A_144] : memref<32768x336xf32, #tpu.memory_space<hbm>> -> memref<32x336xf32, #tpu.memory_space<hbm>>
        tpu.wait_dma2 semaphore(%run_scoped3A_137 : memref<!tpu.dma_semaphore, #tpu.memory_space<semaphore_mem>>) src(%arg22 : memref<32x336xf32, #tpu.memory_space<vmem>>) dst(%dma_wait3A_145 : memref<32x336xf32, #tpu.memory_space<hbm>>)
        tpu.yield
      }) : () -> ()
      %scan3A_136 = arith.constant 0 : i32
      scf.yield %scan3A_136 : i32
    }
    %scan3A_44 = arith.constant 16 : i32
    return
  }
}

module attributes {stable_mosaic.version = 14 : i64} {
  func.func @_tc_body(%arg0: i32, %arg1: memref<2048x1xi32, #tpu.memory_space<vmem>>, %arg2: memref<2048x336xf32, #tpu.memory_space<vmem>>, %arg3: memref<384x512xbf16, #tpu.memory_space<vmem>>, %arg4: memref<1x512xf32, #tpu.memory_space<vmem>>, %arg5: memref<512x512xbf16, #tpu.memory_space<vmem>>, %arg6: memref<1x512xf32, #tpu.memory_space<vmem>>, %arg7: memref<512x3xbf16, #tpu.memory_space<vmem>>, %arg8: memref<1x3xf32, #tpu.memory_space<vmem>>, %arg9: memref<1x64xbf16, #tpu.memory_space<vmem>>, %arg10: memref<1x3xf32, #tpu.memory_space<vmem>>, %arg11: memref<2048x4xf32, #tpu.memory_space<vmem>>) attributes {dimension_semantics = [#tpu.dimension_semantics<arbitrary>], iteration_bounds = array<i64: 16>, scalar_prefetch = 0 : i64, scratch_operands = 0 : i64, tpu.core_type = #tpu.core_type<tc>, window_params = [{transform_indices = @transform_0, window_bounds = array<i64: 2048, 1>}, {transform_indices = @transform_1, window_bounds = array<i64: 2048, 336>}, {pipeline_mode = #tpu.pipeline_mode<synchronous>, transform_indices = @transform_2, window_bounds = array<i64: 384, 512>}, {pipeline_mode = #tpu.pipeline_mode<synchronous>, transform_indices = @transform_3, window_bounds = array<i64: 1, 512>}, {pipeline_mode = #tpu.pipeline_mode<synchronous>, transform_indices = @transform_4, window_bounds = array<i64: 512, 512>}, {pipeline_mode = #tpu.pipeline_mode<synchronous>, transform_indices = @transform_5, window_bounds = array<i64: 1, 512>}, {pipeline_mode = #tpu.pipeline_mode<synchronous>, transform_indices = @transform_6, window_bounds = array<i64: 512, 3>}, {pipeline_mode = #tpu.pipeline_mode<synchronous>, transform_indices = @transform_7, window_bounds = array<i64: 1, 3>}, {pipeline_mode = #tpu.pipeline_mode<synchronous>, transform_indices = @transform_8, window_bounds = array<i64: 1, 64>}, {pipeline_mode = #tpu.pipeline_mode<synchronous>, transform_indices = @transform_9, window_bounds = array<i64: 1, 3>}, {transform_indices = @transform_10, window_bounds = array<i64: 2048, 4>}]} {
    %get3A = arith.constant 0 : index
    %get3A_0 = arith.constant 0 : index
    %get3A_1 = vector.load %arg2[%get3A, %get3A_0] : memref<2048x336xf32, #tpu.memory_space<vmem>>, vector<2048x320xf32>
    %convert_element_type3A = arith.truncf %get3A_1 : vector<2048x320xf32> to vector<2048x320xbf16>
    %get3A_2 = arith.constant 0 : index
    %get3A_3 = arith.constant 320 : index
    %get3A_4 = vector.load %arg2[%get3A_2, %get3A_3] : memref<2048x336xf32, #tpu.memory_space<vmem>>, vector<2048x3xf32>
    %get3A_5 = arith.constant 0 : index
    %get3A_6 = arith.constant 0 : index
    %get3A_7 = vector.load %arg3[%get3A_5, %get3A_6] : memref<384x512xbf16, #tpu.memory_space<vmem>>, vector<320x512xbf16>
    %get3A_8 = arith.constant 320 : index
    %get3A_9 = arith.constant 0 : index
    %get3A_10 = vector.load %arg3[%get3A_8, %get3A_9] : memref<384x512xbf16, #tpu.memory_space<vmem>>, vector<64x512xbf16>
    %get3A_11 = arith.constant 0 : index
    %get3A_12 = arith.constant 0 : index
    %get3A_13 = vector.load %arg9[%get3A_11, %get3A_12] : memref<1x64xbf16, #tpu.memory_space<vmem>>, vector<1x64xbf16>
    %dot_general3A = arith.constant dense<0.000000e+00> : vector<1x512xf32>
    %dot_general3A_14 = tpu.matmul %get3A_13, %get3A_10, %dot_general3A {dimension_numbers = #tpu.dot_dimension_numbers<[1], [0], [0], [1], [0, 0, 1, 1], [], []>, transpose_lhs_hint = false} : vector<1x64xbf16>, vector<64x512xbf16>, vector<1x512xf32> -> vector<1x512xf32>
    %dot_general3A_15 = arith.constant dense<0.000000e+00> : vector<2048x512xf32>
    %dot_general3A_16 = tpu.matmul %convert_element_type3A, %get3A_7, %dot_general3A_15 {dimension_numbers = #tpu.dot_dimension_numbers<[1], [0], [0], [1], [0, 0, 1, 1], [], []>, transpose_lhs_hint = false} : vector<2048x320xbf16>, vector<320x512xbf16>, vector<2048x512xf32> -> vector<2048x512xf32>
    %get3A_17 = arith.constant 0 : index
    %get3A_18 = arith.constant 0 : index
    %get3A_19 = vector.load %arg4[%get3A_17, %get3A_18] : memref<1x512xf32, #tpu.memory_space<vmem>>, vector<1x512xf32>
    %add3A = vector.broadcast %get3A_19 : vector<1x512xf32> to vector<2048x512xf32>
    %add3A_20 = arith.addf %dot_general3A_16, %add3A : vector<2048x512xf32>
    %add3A_21 = vector.broadcast %dot_general3A_14 : vector<1x512xf32> to vector<2048x512xf32>
    %add3A_22 = arith.addf %add3A_20, %add3A_21 : vector<2048x512xf32>
    %max3A = arith.constant 0.000000e+00 : f32
    %max3A_23 = vector.broadcast %max3A : f32 to vector<2048x512xf32>
    %max3A_24 = arith.maximumf %add3A_22, %max3A_23 : vector<2048x512xf32>
    %convert_element_type3A_25 = arith.truncf %max3A_24 : vector<2048x512xf32> to vector<2048x512xbf16>
    %get3A_26 = arith.constant 0 : index
    %get3A_27 = arith.constant 0 : index
    %get3A_28 = vector.load %arg5[%get3A_26, %get3A_27] : memref<512x512xbf16, #tpu.memory_space<vmem>>, vector<512x512xbf16>
    %dot_general3A_29 = arith.constant dense<0.000000e+00> : vector<2048x512xf32>
    %dot_general3A_30 = tpu.matmul %convert_element_type3A_25, %get3A_28, %dot_general3A_29 {dimension_numbers = #tpu.dot_dimension_numbers<[1], [0], [0], [1], [0, 0, 1, 1], [], []>, transpose_lhs_hint = false} : vector<2048x512xbf16>, vector<512x512xbf16>, vector<2048x512xf32> -> vector<2048x512xf32>
    %get3A_31 = arith.constant 0 : index
    %get3A_32 = arith.constant 0 : index
    %get3A_33 = vector.load %arg6[%get3A_31, %get3A_32] : memref<1x512xf32, #tpu.memory_space<vmem>>, vector<1x512xf32>
    %add3A_34 = vector.broadcast %get3A_33 : vector<1x512xf32> to vector<2048x512xf32>
    %add3A_35 = arith.addf %dot_general3A_30, %add3A_34 : vector<2048x512xf32>
    %max3A_36 = arith.constant 0.000000e+00 : f32
    %max3A_37 = vector.broadcast %max3A_36 : f32 to vector<2048x512xf32>
    %max3A_38 = arith.maximumf %add3A_35, %max3A_37 : vector<2048x512xf32>
    %convert_element_type3A_39 = arith.truncf %max3A_38 : vector<2048x512xf32> to vector<2048x512xbf16>
    %get3A_40 = arith.constant 0 : index
    %get3A_41 = arith.constant 0 : index
    %get3A_42 = vector.load %arg7[%get3A_40, %get3A_41] : memref<512x3xbf16, #tpu.memory_space<vmem>>, vector<512x3xbf16>
    %dot_general3A_43 = arith.constant dense<0.000000e+00> : vector<2048x3xf32>
    %dot_general3A_44 = tpu.matmul %convert_element_type3A_39, %get3A_42, %dot_general3A_43 {dimension_numbers = #tpu.dot_dimension_numbers<[1], [0], [0], [1], [0, 0, 1, 1], [], []>, transpose_lhs_hint = false} : vector<2048x512xbf16>, vector<512x3xbf16>, vector<2048x3xf32> -> vector<2048x3xf32>
    %get3A_45 = arith.constant 0 : index
    %get3A_46 = arith.constant 0 : index
    %get3A_47 = vector.load %arg8[%get3A_45, %get3A_46] : memref<1x3xf32, #tpu.memory_space<vmem>>, vector<1x3xf32>
    %add3A_48 = vector.broadcast %get3A_47 : vector<1x3xf32> to vector<2048x3xf32>
    %add3A_49 = arith.addf %dot_general3A_44, %add3A_48 : vector<2048x3xf32>
    %logistic3A = arith.negf %add3A_49 : vector<2048x3xf32>
    %logistic3A_50 = math.exp %logistic3A : vector<2048x3xf32>
    %logistic3A_51 = arith.constant 1.000000e+00 : f32
    %logistic3A_52 = vector.broadcast %logistic3A_51 : f32 to vector<2048x3xf32>
    %logistic3A_53 = arith.addf %logistic3A_52, %logistic3A_50 : vector<2048x3xf32>
    %logistic3A_54 = arith.divf %logistic3A_52, %logistic3A_53 : vector<2048x3xf32>
    %sub3A = arith.constant 1.000000e+00 : f32
    %sub3A_55 = vector.broadcast %sub3A : f32 to vector<2048x3xf32>
    %sub3A_56 = arith.subf %logistic3A_54, %sub3A_55 : vector<2048x3xf32>
    %add3A_57 = arith.addf %sub3A_56, %get3A_4 : vector<2048x3xf32>
    %jit3A = arith.constant -1.000000e+00 : f32
    %jit3A_58 = arith.constant 1.000000e+00 : f32
    %max3A_59 = vector.broadcast %jit3A : f32 to vector<2048x3xf32>
    %max3A_60 = arith.maximumf %max3A_59, %add3A_57 : vector<2048x3xf32>
    %min3A = vector.broadcast %jit3A_58 : f32 to vector<2048x3xf32>
    %min3A_61 = arith.minimumf %min3A, %max3A_60 : vector<2048x3xf32>
    %get3A_62 = arith.constant 0 : index
    %get3A_63 = arith.constant 0 : index
    %get3A_64 = vector.load %arg1[%get3A_62, %get3A_63] : memref<2048x1xi32, #tpu.memory_space<vmem>>, vector<2048x1xi32>
    %gt3A = arith.constant 0 : i32
    %gt3A_65 = vector.broadcast %gt3A : i32 to vector<2048x1xi32>
    %gt3A_66 = arith.cmpi sgt, %get3A_64, %gt3A_65 : vector<2048x1xi32>
    %get3A_67 = arith.constant 0 : index
    %get3A_68 = arith.constant 0 : index
    %get3A_69 = vector.load %arg10[%get3A_67, %get3A_68] : memref<1x3xf32, #tpu.memory_space<vmem>>, vector<1x3xf32>
    %broadcast_in_dim3A = vector.shape_cast %gt3A_66 : vector<2048x1xi1> to vector<2048x1xi1>
    %broadcast_in_dim3A_70 = vector.broadcast %broadcast_in_dim3A : vector<2048x1xi1> to vector<2048x3xi1>
    %broadcast_in_dim3A_71 = vector.shape_cast %get3A_69 : vector<1x3xf32> to vector<1x3xf32>
    %broadcast_in_dim3A_72 = vector.broadcast %broadcast_in_dim3A_71 : vector<1x3xf32> to vector<2048x3xf32>
    %select_n3A = arith.select %broadcast_in_dim3A_70, %min3A_61, %broadcast_in_dim3A_72 : vector<2048x3xi1>, vector<2048x3xf32>
    %convert_element_type3A_73 = arith.extui %gt3A_66 : vector<2048x1xi1> to vector<2048x1xi32>
    %convert_element_type3A_74 = arith.sitofp %convert_element_type3A_73 : vector<2048x1xi32> to vector<2048x1xf32>
    %concatenate3A = tpu.concatenate %select_n3A, %convert_element_type3A_74 in 1 : vector<2048x3xf32>, vector<2048x1xf32> -> vector<2048x4xf32>
    %swap3A = arith.constant 0 : index
    %swap3A_75 = arith.constant 0 : index
    %swap3A_76 = vector.load %arg11[%swap3A, %swap3A_75] : memref<2048x4xf32, #tpu.memory_space<vmem>>, vector<2048x4xf32>
    tpu.vector_store %arg11[%swap3A, %swap3A_75], %concatenate3A {strides = array<i32>} : memref<2048x4xf32, #tpu.memory_space<vmem>>, vector<2048x4xf32>,
    return
  }
  func.func @transform_0(%arg0: i32) -> (i32, i32) {
    %c0_i32 = arith.constant 0 : i32
    %c0_i32_0 = arith.constant 0 : i32
    return %arg0, %c0_i32 : i32, i32
  }
  func.func @transform_1(%arg0: i32) -> (i32, i32) {
    %c0_i32 = arith.constant 0 : i32
    %c0_i32_0 = arith.constant 0 : i32
    return %arg0, %c0_i32 : i32, i32
  }
  func.func @transform_2(%arg0: i32) -> (i32, i32) {
    %c0_i32 = arith.constant 0 : i32
    %c0_i32_0 = arith.constant 0 : i32
    %c0_i32_1 = arith.constant 0 : i32
    return %c0_i32, %c0_i32_0 : i32, i32
  }
  func.func @transform_3(%arg0: i32) -> (i32, i32) {
    %c0_i32 = arith.constant 0 : i32
    %c0_i32_0 = arith.constant 0 : i32
    %c0_i32_1 = arith.constant 0 : i32
    return %c0_i32, %c0_i32_0 : i32, i32
  }
  func.func @transform_4(%arg0: i32) -> (i32, i32) {
    %c0_i32 = arith.constant 0 : i32
    %c0_i32_0 = arith.constant 0 : i32
    %c0_i32_1 = arith.constant 0 : i32
    return %c0_i32, %c0_i32_0 : i32, i32
  }
  func.func @transform_5(%arg0: i32) -> (i32, i32) {
    %c0_i32 = arith.constant 0 : i32
    %c0_i32_0 = arith.constant 0 : i32
    %c0_i32_1 = arith.constant 0 : i32
    return %c0_i32, %c0_i32_0 : i32, i32
  }
  func.func @transform_6(%arg0: i32) -> (i32, i32) {
    %c0_i32 = arith.constant 0 : i32
    %c0_i32_0 = arith.constant 0 : i32
    %c0_i32_1 = arith.constant 0 : i32
    return %c0_i32, %c0_i32_0 : i32, i32
  }
  func.func @transform_7(%arg0: i32) -> (i32, i32) {
    %c0_i32 = arith.constant 0 : i32
    %c0_i32_0 = arith.constant 0 : i32
    %c0_i32_1 = arith.constant 0 : i32
    return %c0_i32, %c0_i32_0 : i32, i32
  }
  func.func @transform_8(%arg0: i32) -> (i32, i32) {
    %c0_i32 = arith.constant 0 : i32
    %c0_i32_0 = arith.constant 0 : i32
    %c0_i32_1 = arith.constant 0 : i32
    return %c0_i32, %c0_i32_0 : i32, i32
  }
  func.func @transform_9(%arg0: i32) -> (i32, i32) {
    %c0_i32 = arith.constant 0 : i32
    %c0_i32_0 = arith.constant 0 : i32
    %c0_i32_1 = arith.constant 0 : i32
    return %c0_i32, %c0_i32_0 : i32, i32
  }
  func.func @transform_10(%arg0: i32) -> (i32, i32) {
    %c0_i32 = arith.constant 0 : i32
    %c0_i32_0 = arith.constant 0 : i32
    return %arg0, %c0_i32 : i32, i32
  }
}

</mosaic_0001>

<sc_bundles>
// kernel: kernel.6.cloned.1.call-start
scs
__scs_entry_jumppad:
0x0: {  	(pc) =	sbr.rel $0x88, $3  }
0x1: {  	(tag) =	ssettag $0x0;
	lr =	simm.s32 $0x1  }
0x2: {  	[smem:$0x3F93] =	sst lr;
	_ =	strace $0xD0000000  }
0x3: {  	_ = 	snop  }
0x4: {  	_ = 	snop  }
0x5: {  	_ = 	snop  }
0x6: {  	_ = 	snop  }
0x7: {  	_ = 	snop  }
__scs_overlays_trampoline_lowered:
0x8: {  	[smem:$0x3FA2] =	sst s0  }
0x9: {  	[smem:$0x3FA3] =	sst s1  }
0xa: {  	[smem:$0x3FA4] =	sst s2  }
0xb: {  	[smem:$0x3FA5] =	sst s3  }
0xc: {  	[smem:$0x3FA6] =	sst s4  }
0xd: {  	[smem:$0x3FA7] =	sst s5  }
0xe: {  	[smem:$0x3FA8] =	sst s6  }
0xf: {  	[smem:$0x3FA9] =	sst s7  }
0x10: {  	[smem:$0x3FAA] =	sst s8  }
0x11: {  	[smem:$0x3FAB] =	sst s9;
	s0 =	simm.s32 @!p0 $0x0  }
0x12: {  	s1 =	sld [smem:$0x3F91];
	s0 =	simm.s32 @p0 $0x1  }
0x13: {  	[smem:$0x3FAC] =	sst s0;
	s0 =	simm.s32 @!p1 $0x0  }
0x14: {  	s2 =	sld [smem:$0x3F90];
	s0 =	simm.s32 @p1 $0x1  }
0x15: {  	[smem:$0x3FAD] =	sst s0;
	s0 =	simm.s32 @!p2 $0x0  }
0x16: {  	s3 =	sld [smem:$0x3FDB];
	s0 =	simm.s32 @p2 $0x1  }
0x17: {  	s4 =	simm.s32 $0x1BF5;
	[smem:$0x3FAF] =	sst s0  }
0x18: {  	s0 =	sld [smem:$0x3F92];
	_ =	swait.ge [sflag:s4], $0x0  }
0x19: {  	s7 =	sld [smem:$0x3F93]  }
0x1a: {  	s8 =	sadd.s32 $0xFFFFE003, lr  }
0x1b: {  	s9 =	sadd.s32 $0xFFFFFEF7, lr;
	s5 =	simm.s32 $0xFFFFFFFF;
	p2 =	slt.u32 s8, $0xFFFFF086  }
0x1c: {  	p1 =	slt.u32 s9, $0xF7A;
	s5 =	simm.s32 @!p2 $0x0  }
0x1d: {  	s5 =	simm.s32 @p1 $0x1;
	p0 =	seq.s32 s7, s2  }
0x1e: {  	s7 =	smul.u32 @!p0 $0xF7A, s2;
	p2 =	seq.s32 @!p0 s5, $0x0  }
0x1f: {  	s9 =	smul.u32 $0xF7A, s1;
	s8 =	simm.s32 @!p0 $0x1BF5;
	p2 =	por !p2, p0  }
0x20: {  	[sflag:s8] =	ssyncset.s32 @!p0 $0xFFFFF086;
	s6 =	sadd.s32 @!p0 s3, s7;
	s7 =	simm.s32 @!p0 $0x108  }
0x21: {  	s3 =	sadd.s32 s3, s9;
	s6 =	sadd.s32 @!p0 $0x88, s6;
	s7 =	simm.s32 @p2 $0x1082  }
0x22: {  	[simem:s7], [sflag:s8] =	dma.local @!p0 [hbm:s6], $0xF7A  }
0x23: {  	s9 =	sor.u32 $0xD0000000, s2;
	s6 =	simm.s32 $0x108;
	_ =	swait.ge @!p0 [sflag:s8], $0x0  }
0x24: {  	s3 =	sadd.s32 $0x88, s3;
	s6 =	simm.s32 @!p1 $0x1082;
	[sflag:s4] =	ssyncset.s32 $0xFFFFF086  }
0x25: {  	[simem:s6], [sflag:s4] =	dma.local [hbm:s3], $0xF7A  }
0x26: {  	[smem:$0x3F93] =	sst s1;
	(tag) =	ssettag s2;
	_ =	strace s9  }
0x27: {  	s1 =	sld [smem:$0x3FA3]  }
0x28: {  	s2 =	sld [smem:$0x3FA4]  }
0x29: {  	s4 =	sld [smem:$0x3FA6]  }
0x2a: {  	p0 =	seq.s32 s5, $0x0;
	s5 =	sld [smem:$0x3FA7]  }
0x2b: {  	s6 =	sld [smem:$0x3FA8]  }
0x2c: {  	s7 =	sld [smem:$0x3FA9]  }
0x2d: {  	s3 =	simm.s32 $0x108;
	s8 =	sld [smem:$0x3FAA]  }
0x2e: {  	s3 =	simm.s32 @!p0 $0x1082;
	s9 =	sld [smem:$0x3FAB]  }
0x2f: {  	lr =	sadd.s32 s0, s3;
	s0 =	sld [smem:$0x3FA2]  }
0x30: {  	s3 =	sld [smem:$0x3FA5]  }
0x31: {  	[smem:$0x3FAE] =	sst s10  }
0x32: {  	s10 =	sld [smem:$0x3FAC];
	_ =	sdelay $0x3  }
0x33: {  	p0 =	seq.s32 s10, $0x1;
	s10 =	sld [smem:$0x3FAE];
	_ =	sdelay $0x3  }
0x34: {  	[smem:$0x3FAE] =	sst s10  }
0x35: {  	s10 =	sld [smem:$0x3FAD];
	_ =	sdelay $0x3  }
0x36: {  	p1 =	seq.s32 s10, $0x1;
	s10 =	sld [smem:$0x3FAE];
	_ =	sdelay $0x3  }
0x37: {  	[smem:$0x3FAE] =	sst s10  }
0x38: {  	s10 =	sld [smem:$0x3FAF]  }
0x39: {  	_ = 	snop;
	(pc) =	sbr.ind lr, $3  }
0x3a: {  	_ = 	snop  }
0x3b: {  	_ = 	snop  }
0x3c: {  	p2 =	seq.s32 s10, $0x1;
	s10 =	sld [smem:$0x3FAE]  }
0x3d: {  	_ =	shalt  }
0x3e: {  	_ =	shalt  }
0x3f: {  	_ =	shalt  }
0x40: {  	_ =	shalt  }
0x41: {  	_ =	shalt  }
0x42: {  	_ =	shalt  }
0x43: {  	_ =	shalt  }
0x44: {  	_ =	shalt  }
0x45: {  	_ =	shalt  }
0x46: {  	_ =	shalt  }
0x47: {  	_ =	shalt  }
0x48: {  	_ =	shalt  }
0x49: {  	_ =	shalt  }
0x4a: {  	_ =	shalt  }
0x4b: {  	_ =	shalt  }
0x4c: {  	_ =	shalt  }
0x4d: {  	_ =	shalt  }
0x4e: {  	_ =	shalt  }
0x4f: {  	_ =	shalt  }
0x50: {  	_ =	shalt  }
0x51: {  	_ =	shalt  }
0x52: {  	_ =	shalt  }
0x53: {  	_ =	shalt  }
0x54: {  	_ =	shalt  }
0x55: {  	_ =	shalt  }
0x56: {  	_ =	shalt  }
0x57: {  	_ =	shalt  }
0x58: {  	_ =	shalt  }
0x59: {  	_ =	shalt  }
0x5a: {  	_ =	shalt  }
0x5b: {  	_ =	shalt  }
0x5c: {  	_ =	shalt  }
0x5d: {  	_ =	shalt  }
0x5e: {  	_ =	shalt  }
0x5f: {  	_ =	shalt  }
0x60: {  	_ =	shalt  }
0x61: {  	_ =	shalt  }
0x62: {  	_ =	shalt  }
0x63: {  	_ =	shalt  }
0x64: {  	_ =	shalt  }
0x65: {  	_ =	shalt  }
0x66: {  	_ =	shalt  }
0x67: {  	_ =	shalt  }
0x68: {  	_ =	shalt  }
0x69: {  	_ =	shalt  }
0x6a: {  	_ =	shalt  }
0x6b: {  	_ =	shalt  }
0x6c: {  	_ =	shalt  }
0x6d: {  	_ =	shalt  }
0x6e: {  	_ =	shalt  }
0x6f: {  	_ =	shalt  }
0x70: {  	_ =	shalt  }
0x71: {  	_ =	shalt  }
0x72: {  	_ =	shalt  }
0x73: {  	_ =	shalt  }
0x74: {  	_ =	shalt  }
0x75: {  	_ =	shalt  }
0x76: {  	_ =	shalt  }
0x77: {  	_ =	shalt  }
0x78: {  	_ =	shalt  }
0x79: {  	_ =	shalt  }
0x7a: {  	_ =	shalt  }
0x7b: {  	_ =	shalt  }
0x7c: {  	_ =	shalt  }
0x7d: {  	_ =	shalt  }
0x7e: {  	_ =	shalt  }
0x7f: {  	_ =	shalt  }
0x80: {  	_ =	shalt  }
0x81: {  	_ =	shalt  }
0x82: {  	_ =	shalt  }
0x83: {  	_ =	shalt  }
0x84: {  	_ =	shalt  }
0x85: {  	_ =	shalt  }
0x86: {  	_ =	shalt  }
0x87: {  	_ =	shalt  }
.Lfunc_end0:
.L_simem_size_0:
called_computation_lowered:
.L_overlay_start_0:
0x88: {  	s2 =	sld [smem:$0x3FD9]  }
0x89: {  	s3 =	sld [smem:$0x3FFE];
	_ =	sdelay $0x1  }
0x8a: {  	s1 =	srdreg.scid  }
0x8b: {  	s0 =	sand.u32 $0x1, s1  }
0x8c: {  	s16 =	sshll.u32 s0, $0xA;
	s2 =	sadd.s32 s3, s2  }
0x8d: {  	s2 =	sadd.s32 s2, s16  }
0x8e: {  	[smem:$0x3FBA] =	sst s2  }
0x8f: {  	_ = 	snop  }
0x90: {  	(tm) =	ssettm $0x1  }
0x91: {  	s17 =	sld [smem:$0x3FFB];
	_ =	sdelay $0x3  }
0x92: {  	_ =	strace s17  }
0x93: {  	s2 =	sld [smem:$0x3FFC];
	_ =	sdelay $0x3  }
0x94: {  	_ =	strace s2  }
0x95: {  	s2 =	sld [smem:$0x3FFD];
	_ =	sdelay $0x3  }
0x96: {  	_ =	strace s2  }
0x97: {  	_ =	strace $0x8FFFFFFF  }
0x98: {  	s18 =	sld [smem:$0x3FDB];
	_ =	sdelay $0x1  }
0x99: {  	s19 =	simm.s32 $_scs_section_size  }
0x9a: {  	s4 =	simm.s32 $_size__tile_overlayer_lowered;
	s5 =	simm.s32 $_tile_overlayer_lowered  }
0x9b: {  	s22 =	simm.s32 $0x1BFF;
	s21 =	sshll.u32 s5, $0x1;
	s2 =	sadd.s32 s19, s18  }
0x9c: {  	s6 =	simm.s32 $0x0;
	s20 =	sshll.u32 s4, $0x1;
	s4 =	sadd.s32 s21, s2  }
0x9d: {  	[timem:s6], [sflag:s22] =	dma.local [hbm:s4], s20  }
0x9e: {  	_ =	swait.ge [sflag:s22], s20  }
0x9f: {  	s3 =	ssub.s32 $0x0, s20;
	[sflag:s22] =	ssyncset.done $0x0  }
0xa0: {  	[sflag:s22] =	ssyncadd.s32 s3;
	_ =	sdelay $0x1  }
0xa1: {  	s23 =	simm.s32 $0x1B8B  }
0xa2: {  	_ =	swait.ge [sflag:s23], $0x1  }
0xa3: {  	[sflag:s23] =	ssyncset.done $0x0  }
0xa4: {  	s25 =	simm.s32 $0x1B8E;
	s24 =	sld [smem:$0x3FFE];
	[sflag:s23] =	ssyncadd.s32 $0xFFFFFFFF  }
0xa5: {  	s26 =	simm.s32 $execute0_lowered;
	[smem:$0x3FD2] =	sst s25  }
0xa6: {  	s4 =	sshll.u32 s26, $0x1;
	_ =	strace $0x80000046;
	[dreg:$0x1] =	wrdreg $0xFFFFFFFF  }
0xa7: {  	s28 =	simm.s32 $_size_execute0_lowered;
	s2 =	sadd.s32 s2, s4;
	[dreg:$0x0] =	wrdreg $0x0  }
0xa8: {  	s4 =	sshll.u32 s28, $0x1;
	[dreg:$0x2] =	wrdreg s2  }
0xa9: {  	[dreg:$0x3] =	wrdreg s4  }
0xaa: {  	[dreg:$0x4] =	wrdreg $0xC0  }
0xab: {  	_ =	task [dreg:s6], $0x5FFFF  }
0xac: {  	[dreg:$0x1] =	wrdreg $0xFFFFFFFF  }
0xad: {  	[dreg:$0x0] =	wrdreg $0x60  }
0xae: {  	[dreg:$0x2] =	wrdreg s24  }
0xaf: {  	[dreg:$0x3] =	wrdreg $0x9  }
0xb0: {  	_ =	task.clear_ibuf [dreg:s6], $0x4FFFF;
	_ =	strace $0x90000046  }
0xb1: {  	s29 =	simm.s32 $0x9;
	_ =	strace $0x80000048  }
0xb2: {  	_ =	swait.ge [sflag:s29], $0x1  }
0xb3: {  	[sflag:s29] =	ssyncadd.s32 $0xFFFFFFFF  }
0xb4: {  	_ =	strace $0x90000048  }
0xb5: {  	_ =	sfence  }
0xb6: {  	s30 =	sld [smem:$0x0];
	_ =	sdelay $0x2  }
0xb7: {  	s31 =	sshll.u32 s1, $0xD;
	s1 =	sshrl.u32 s1, $0x2  }
0xb8: {  	s3 =	sand.u32 $0x4000, s31;
	s1 =	sadd.s32 s1, s30  }
0xb9: {  	s0 =	sor.u32 s3, s0;
	s1 =	sshll.u32 s1, $0x11  }
0xba: {  	s0 =	sor.u32 s1, s0  }
0xbb: {  	s0 =	sadd.s32 $0x8F2B, s0  }
0xbc: {  	[sflag:s0] =	ssyncadd.remote.s32 $0x1  }
0xbd: {  	_ =	sfence.sel $0xFFFF  }
0xbe: {  	[dreg:$0x0] =	wrdreg $0xFFFFFFFF;
	(pc) =	sbr.abs _section_cstart, $3  }
0xbf: {  	[dreg:$0x1] =	wrdreg $0xFFFFFFFF  }
0xc0: {  	_ =	task.clear_ibuf [dreg:s6], $0x2FFFF;
	_ =	strace $0x9FFFFFFF  }
0xc1: {  	(tm) =	ssettm $0x7FFFFFFF  }
tec
execute0_lowered:
.L_overlay_start_1:
0x0: {  	(tag) =	ssettag $0x1  }
0x1: {  	s0 =	rddreg [dreg:$0x0]  }
0x2: {  	s2 =	simm.s32 $0x0;
	s1 =	srdreg.scid;
	s3 =	stileid.u32  }
0x3: {  	s15 =	simm.s32 $0x4;
	s21 =	simm.s32 $0x3;
	s28 =	simm.s32 $0x16980  }
0x4: {  	s29 =	simm.s32 $0x1;
	s30 =	simm.s32 $0x16D80;
	s31 =	simm.s32 $0x2  }
0x5: {  	[smem:$0x7FF] =	sst s2;
	s1 =	sand.u32 $0x1, s1;
	s3 =	sshll.u32 s3, $0x1  }
0x6: {  	s13 =	sadd.s32 $0xD5900, s0;
	_ =	strace $0x80000047;
	s4 =	sor.u32 s1, s3  }
0x7: {  	s1 =	ssub.s32 $0x2, s1;
	s3 =	sshll.u32 s4, $0xA;
	s6 =	sshll.u32 s4, $0x7  }
0x8: {  	s5 =	sshll.u32 s4, $0x9;
	s4 =	sadd.s32 $0x7000, s0;
	s7 =	sor.u32 s6, s3  }
0x9: {  	s11 =	sshrl.u32 s1, $0x1;
	s9 =	sadd.s32 s5, s0;
	s8 =	sand.u32 $0x6380, s7  }
0xa: {  	s1 =	ssub.s32 s1, s11;
	s9 =	sadd.s32 $0xD1800, s9;
	s8 =	sshrl.u32 s8, $0x3  }
0xb: {  	s26 =	smax.u32 s1, $0x1;
	[dreg:$0x2] =	wrdreg s9;
	s10 =	sadd.s32 s8, s0  }
0xc: {  	s5 =	sadd.s32 $0x3E00, s0;
	[dreg:$0x6] =	wrdreg s26;
	s23 =	sadd.s32 $0xCD800, s10  }
0xd: {  	v2 =	vlaneseq.u32;
	s6 =	sadd.s32 $0xC00, s0;
	s24 =	sadd.s32 $0xCE800, s10;
	[dreg:$0x3] =	wrdreg s23  }
0xe: {  	vm0 =	vmmov $0xffff;
	vm1 =	vmmov $0xff;
	v1 =	vshrl.u32 v2, $0x3;
	s7 =	sadd.s32 $0xD5800, s0;
	s25 =	sadd.s32 $0xCF800, s10;
	[dreg:$0x4] =	wrdreg s24  }
0xf: {  	v0 =	vand.u32 $0x7, v2;
	v2 =	vor.u32 $0x8, v2;
	v1 =	vmul.u32 $0x8, v1;
	s1 =	simm.s32 $0x0;
	s8 =	sadd.s32 $0x31F800, s0;
	[dreg:$0x5] =	wrdreg s25  }
.LBB2_1:
0x10: {  	[dreg:$0x7] =	wrdreg s1  }
0x11: {  	s0 =	rddreg [dreg:$0x2]  }
0x12: {  	[tilespmem:s2], [sflag:$0x4] =	stream.linear.gather [hbm4b:s0+s2], $0x1000, $0x38;
	[tilespmem:$0x19D80] =	vst v63  }
0x13: {  	_ =	swait.ge [sflag:s15], $0x1000  }
0x14: {  	s19 =	simm.s32 $0x80;
	s9 =	simm.s32 $0x400;
	[sflag:s15] =	ssyncset.done $0x0  }
0x15: {  	s10 =	simm.s32 $0x4000;
	s18 =	rddreg [dreg:$0x3];
	[sflag:s15] =	ssyncadd.s32 $0xFFFFF000  }
0x16: {  	[tilespmem:s10], [sflag:$0x4] =	stream.strided.gather [hbm4b:s18+s19], $0x400, s9, s19, $0x38;
	[tilespmem:$0x19D80] =	vst v63  }
0x17: {  	_ =	swait.ge [sflag:s15], $0x400  }
0x18: {  	[sflag:s15] =	ssyncset.done $0x0  }
0x19: {  	s22 =	simm.s32 $0x4480;
	s20 =	rddreg [dreg:$0x4];
	[sflag:s15] =	ssyncadd.s32 $0xFFFFFC00  }
0x1a: {  	[tilespmem:s22], [sflag:$0x4] =	stream.strided.gather [hbm4b:s20+s19], $0x400, s9, s19, $0x38;
	[tilespmem:$0x19D80] =	vst v63  }
0x1b: {  	_ =	swait.ge [sflag:s15], $0x400  }
0x1c: {  	[sflag:s15] =	ssyncset.done $0x0  }
0x1d: {  	s24 =	simm.s32 $0x4900;
	s23 =	rddreg [dreg:$0x5];
	[sflag:s15] =	ssyncadd.s32 $0xFFFFFC00  }
0x1e: {  	[tilespmem:s24], [sflag:$0x4] =	stream.strided.gather [hbm4b:s23+s19], $0x400, s9, s19, $0x38;
	[tilespmem:$0x19D80] =	vst v63  }
0x1f: {  	_ =	swait.ge [sflag:s15], $0x400  }
0x20: {  	s25 =	simm.s32 $0x1000;
	[sflag:s15] =	ssyncset.done $0x0  }
0x21: {  	s0 =	simm.s32 $0x20;
	s9 =	simm.s32 $0x0;
	[sflag:s15] =	ssyncadd.s32 $0xFFFFFC00  }
0x22: {  	[tilespmem:s25], [sflag:$0x3] =	stream.indirect.gather [hbm4b:s4+s0], $0x1, s9, s0, $0xb8;
	[tilespmem:$0x19D80] =	vst v63  }
0x23: {  	s26 =	simm.s32 $0x2000;
	s1 =	simm.s32 $0x200;
	s10 =	simm.s32 $0x20  }
0x24: {  	[tilespmem:s26], [sflag:$0x3] =	stream.indirect.gather [hbm4b:s5+s0], $0x1, s9, s0, $0xb8;
	[tilespmem:$0x19D80] =	vst v63  }
.LBB2_2:
0x25: {  	s11 =	sshra.s32 s1, $0x2;
	s12 =	sadd.s32 $0x3000, s9;
	p0 =	sne.s32 s1, $0x3E00  }
0x26: {  	[tilespmem:s12], [sflag:$0x3] =	stream.indirect.gather [hbm4b:s6+s10], $0x1, s9, s10, $0xb8;
	[tilespmem:$0x19D80] =	vst v63  }
.Ltmp0:
0x27: {  	_ = 	snop;
	(pc) =	sbr.rel @p0 .LBB2_2-.Ltmp0, $4  }
0x28: {  	s1 =	sadd.s32 $0x200, s1;
	s9 =	sadd.s32 $0x1000, s11  }
0x29: {  	[tilespmem:s9], [sflag:$0x3] =	stream.indirect.gather [hbm4b:s4+s0], $0x1, s11, s0, $0xb8;
	[tilespmem:$0x19D80] =	vst v63  }
0x2a: {  	s12 =	sadd.s32 $0x2000, s11;
	s10 =	smov.u32 s0;
	s9 =	smov.u32 s11  }
0x2b: {  	[tilespmem:s12], [sflag:$0x3] =	stream.indirect.gather [hbm4b:s5+s10], $0x1, s9, s10, $0xb8;
	[tilespmem:$0x19D80] =	vst v63  }
0x2c: {  	s0 =	sadd.s32 $0x3000, s9  }
0x2d: {  	[tilespmem:s0], [sflag:$0x3] =	stream.indirect.gather [hbm4b:s6+s10], $0x1, s9, s10, $0xb8;
	[tilespmem:$0x19D80] =	vst v63  }
0x2e: {  	_ =	swait.ge [sflag:s21], $0x20  }
0x2f: {  	[sflag:s21] =	ssyncset.done $0x0  }
0x30: {  	[sflag:s21] =	ssyncadd.s32 $0xFFFFFFE0  }
0x31: {  	_ =	swait.ge [sflag:s21], $0x20  }
0x32: {  	[sflag:s21] =	ssyncset.done $0x0  }
0x33: {  	[sflag:s21] =	ssyncadd.s32 $0xFFFFFFE0  }
0x34: {  	_ =	swait.ge [sflag:s21], $0x20  }
0x35: {  	s0 =	simm.s32 $0x1F;
	[sflag:s21] =	ssyncset.done $0x0  }
.LBB2_4:
0x36: {  	p0 =	sne.s32 s0, $0x1;
	s0 =	sadd.s32 $0xFFFFFFFF, s0;
	[sflag:s21] =	ssyncadd.s32 $0xFFFFFFE0  }
0x37: {  	_ =	swait.ge [sflag:s21], $0x20  }
0x38: {  	[sflag:s21] =	ssyncset.done $0x0  }
0x39: {  	[sflag:s21] =	ssyncadd.s32 $0xFFFFFFE0  }
.Ltmp1:
0x3a: {  	_ =	swait.ge [sflag:s21], $0x20;
	(pc) =	sbr.rel @p0 .LBB2_4-.Ltmp1, $4  }
0x3b: {  	[sflag:s21] =	ssyncset.done $0x0  }
0x3c: {  	[sflag:s21] =	ssyncadd.s32 $0xFFFFFFE0  }
0x3d: {  	_ =	swait.ge [sflag:s21], $0x20  }
0x3e: {  	[sflag:s21] =	ssyncset.done $0x0  }
0x3f: {  	[sflag:s21] =	ssyncadd.s32 $0xFFFFFFE0  }
0x40: {  	v3 =	vld [tilespmem:$0x1000];
	_ =	sdelay $0x4  }
0x41: {  	v4 =	vshrl.u32 v3, $0x3  }
0x42: {  	v4 =	vmul.u32 $0x18, v4  }
0x43: {  	v3 =	vand.u32 $0x7, v3  }
0x44: {  	v3 =	vor.u32 v3, v4  }
0x45: {  	v4 =	vperm.xlane v3, v0;
	_ =	sdelay $0x1  }
0x46: {  	v4 =	vadd.s32 v1, v4;
	_ =	sdelay $0x1  }
0x47: {  	v3 =	vperm.xlane v3, v2;
	_ =	sdelay $0x1  }
0x48: {  	s0 =	simm.s32 $0x0;
	s1 =	simm.s32 $0x4D80;
	v3 =	vadd.s32 v1, v3  }
0x49: {  	[tilespmem:s1], [sflag:$0x1] =	stream.indirect_vreg.gather [hbm4b:s7+s0], $0x80, v4, vm0, $0xb8;
	[tilespmem:$0x19D80] =	vst v63  }
0x4a: {  	s18 =	simm.s32 $0x5580  }
0x4b: {  	[tilespmem:s18], [sflag:$0x1] =	stream.indirect_vreg.gather [hbm4b:s13+s0], $0x80, v4, vm1, $0xb8;
	[tilespmem:$0x19D80] =	vst v63  }
0x4c: {  	s19 =	simm.s32 $0x5980  }
0x4d: {  	[tilespmem:s19], [sflag:$0x1] =	stream.indirect_vreg.gather [hbm4b:s7+s0], $0x80, v3, vm0, $0xb8;
	[tilespmem:$0x19D80] =	vst v63  }
0x4e: {  	s20 =	simm.s32 $0x6180  }
0x4f: {  	[tilespmem:s20], [sflag:$0x1] =	stream.indirect_vreg.gather [hbm4b:s13+s0], $0x80, v3, vm1, $0xb8;
	[tilespmem:$0x19D80] =	vst v63  }
0x50: {  	v3 =	vld [tilespmem:$0x1010];
	_ =	sdelay $0x4  }
0x51: {  	v59 =	vshrl.u32 v3, $0x3  }
0x52: {  	v4 =	vmul.u32 $0x18, v59  }
0x53: {  	v3 =	vand.u32 $0x7, v3  }
0x54: {  	v3 =	vor.u32 v3, v4  }
0x55: {  	v4 =	vperm.xlane v3, v0;
	_ =	sdelay $0x1  }
0x56: {  	v4 =	vadd.s32 v1, v4;
	_ =	sdelay $0x1  }
0x57: {  	v3 =	vperm.xlane v3, v2;
	_ =	sdelay $0x1  }
0x58: {  	s22 =	simm.s32 $0x6580;
	v3 =	vadd.s32 v1, v3  }
0x59: {  	[tilespmem:s22], [sflag:$0x1] =	stream.indirect_vreg.gather [hbm4b:s7+s0], $0x80, v4, vm0, $0xb8;
	[tilespmem:$0x19D80] =	vst v63  }
0x5a: {  	s23 =	simm.s32 $0x6D80  }
0x5b: {  	[tilespmem:s23], [sflag:$0x1] =	stream.indirect_vreg.gather [hbm4b:s13+s0], $0x80, v4, vm1, $0xb8;
	[tilespmem:$0x19D80] =	vst v63  }
0x5c: {  	s24 =	simm.s32 $0x7180  }
0x5d: {  	[tilespmem:s24], [sflag:$0x1] =	stream.indirect_vreg.gather [hbm4b:s7+s0], $0x80, v3, vm0, $0xb8;
	[tilespmem:$0x19D80] =	vst v63  }
0x5e: {  	s25 =	simm.s32 $0x7980  }
0x5f: {  	[tilespmem:s25], [sflag:$0x1] =	stream.indirect_vreg.gather [hbm4b:s13+s0], $0x80, v3, vm1, $0xb8;
	[tilespmem:$0x19D80] =	vst v63  }
0x60: {  	v3 =	vld [tilespmem:$0x2000];
	_ =	sdelay $0x4  }
0x61: {  	v60 =	vshrl.u32 v3, $0x3  }
0x62: {  	v4 =	vmul.u32 $0x18, v60  }
0x63: {  	v3 =	vand.u32 $0x7, v3  }
0x64: {  	v3 =	vor.u32 v3, v4  }
0x65: {  	v4 =	vperm.xlane v3, v0;
	_ =	sdelay $0x1  }
0x66: {  	v4 =	vadd.s32 v1, v4;
	_ =	sdelay $0x1  }
0x67: {  	v3 =	vperm.xlane v3, v2;
	_ =	sdelay $0x1  }
0x68: {  	s26 =	simm.s32 $0x7D80;
	v3 =	vadd.s32 v1, v3  }
0x69: {  	[tilespmem:s26], [sflag:$0x1] =	stream.indirect_vreg.gather [hbm4b:s7+s0], $0x80, v4, vm0, $0xb8;
	[tilespmem:$0x19D80] =	vst v63  }
0x6a: {  	s9 =	simm.s32 $0x8580  }
0x6b: {  	[tilespmem:s9], [sflag:$0x1] =	stream.indirect_vreg.gather [hbm4b:s13+s0], $0x80, v4, vm1, $0xb8;
	[tilespmem:$0x19D80] =	vst v63  }
0x6c: {  	s10 =	simm.s32 $0x8980  }
0x6d: {  	[tilespmem:s10], [sflag:$0x1] =	stream.indirect_vreg.gather [hbm4b:s7+s0], $0x80, v3, vm0, $0xb8;
	[tilespmem:$0x19D80] =	vst v63  }
0x6e: {  	s11 =	simm.s32 $0x9180  }
0x6f: {  	[tilespmem:s11], [sflag:$0x1] =	stream.indirect_vreg.gather [hbm4b:s13+s0], $0x80, v3, vm1, $0xb8;
	[tilespmem:$0x19D80] =	vst v63  }
0x70: {  	v3 =	vld [tilespmem:$0x2010];
	_ =	sdelay $0x4  }
0x71: {  	v61 =	vshrl.u32 v3, $0x3  }
0x72: {  	v4 =	vmul.u32 $0x18, v61  }
0x73: {  	v3 =	vand.u32 $0x7, v3  }
0x74: {  	v3 =	vor.u32 v3, v4  }
0x75: {  	v4 =	vperm.xlane v3, v0;
	_ =	sdelay $0x1  }
0x76: {  	v4 =	vadd.s32 v1, v4;
	_ =	sdelay $0x1  }
0x77: {  	v3 =	vperm.xlane v3, v2;
	_ =	sdelay $0x1  }
0x78: {  	s12 =	simm.s32 $0x9580;
	v3 =	vadd.s32 v1, v3  }
0x79: {  	[tilespmem:s12], [sflag:$0x1] =	stream.indirect_vreg.gather [hbm4b:s7+s0], $0x80, v4, vm0, $0xb8;
	[tilespmem:$0x19D80] =	vst v63  }
0x7a: {  	s14 =	simm.s32 $0x9D80  }
0x7b: {  	[tilespmem:s14], [sflag:$0x1] =	stream.indirect_vreg.gather [hbm4b:s13+s0], $0x80, v4, vm1, $0xb8;
	[tilespmem:$0x19D80] =	vst v63  }
0x7c: {  	s16 =	simm.s32 $0xA180  }
0x7d: {  	[tilespmem:s16], [sflag:$0x1] =	stream.indirect_vreg.gather [hbm4b:s7+s0], $0x80, v3, vm0, $0xb8;
	[tilespmem:$0x19D80] =	vst v63  }
0x7e: {  	s17 =	simm.s32 $0xA980  }
0x7f: {  	[tilespmem:s17], [sflag:$0x1] =	stream.indirect_vreg.gather [hbm4b:s13+s0], $0x80, v3, vm1, $0xb8;
	[tilespmem:$0x19D80] =	vst v63  }
0x80: {  	v3 =	vld [tilespmem:$0x3000];
	_ =	sdelay $0x4  }
0x81: {  	v62 =	vshrl.u32 v3, $0x3  }
0x82: {  	v4 =	vmul.u32 $0x18, v62  }
0x83: {  	v3 =	vand.u32 $0x7, v3  }
0x84: {  	v3 =	vor.u32 v3, v4  }
0x85: {  	v4 =	vperm.xlane v3, v0;
	_ =	sdelay $0x1  }
0x86: {  	v4 =	vadd.s32 v1, v4;
	_ =	sdelay $0x1  }
0x87: {  	v3 =	vperm.xlane v3, v2;
	_ =	sdelay $0x1  }
0x88: {  	s18 =	simm.s32 $0xAD80;
	v3 =	vadd.s32 v1, v3  }
0x89: {  	[tilespmem:s18], [sflag:$0x1] =	stream.indirect_vreg.gather [hbm4b:s7+s0], $0x80, v4, vm0, $0xb8;
	[tilespmem:$0x19D80] =	vst v63  }
0x8a: {  	s19 =	simm.s32 $0xB580  }
0x8b: {  	[tilespmem:s19], [sflag:$0x1] =	stream.indirect_vreg.gather [hbm4b:s13+s0], $0x80, v4, vm1, $0xb8;
	[tilespmem:$0x19D80] =	vst v63  }
0x8c: {  	s20 =	simm.s32 $0xB980  }
0x8d: {  	[tilespmem:s20], [sflag:$0x1] =	stream.indirect_vreg.gather [hbm4b:s7+s0], $0x80, v3, vm0, $0xb8;
	[tilespmem:$0x19D80] =	vst v63  }
0x8e: {  	s22 =	simm.s32 $0xC180  }
0x8f: {  	[tilespmem:s22], [sflag:$0x1] =	stream.indirect_vreg.gather [hbm4b:s13+s0], $0x80, v3, vm1, $0xb8;
	[tilespmem:$0x19D80] =	vst v63  }
0x90: {  	v3 =	vld [tilespmem:$0x3010];
	_ =	sdelay $0x4  }
0x91: {  	v63 =	vshrl.u32 v3, $0x3  }
0x92: {  	v4 =	vmul.u32 $0x18, v63  }
0x93: {  	v3 =	vand.u32 $0x7, v3  }
0x94: {  	v3 =	vor.u32 v3, v4  }
0x95: {  	v4 =	vperm.xlane v3, v0;
	_ =	sdelay $0x1  }
0x96: {  	v4 =	vadd.s32 v1, v4;
	_ =	sdelay $0x1  }
0x97: {  	v3 =	vperm.xlane v3, v2;
	_ =	sdelay $0x1  }
0x98: {  	s23 =	simm.s32 $0xC580;
	s24 =	simm.s32 $0xCD80;
	v3 =	vadd.s32 v1, v3  }
0x99: {  	[tilespmem:s23], [sflag:$0x1] =	stream.indirect_vreg.gather [hbm4b:s7+s0], $0x80, v4, vm0, $0xb8;
	[tilespmem:$0x19D80] =	vst v63  }
0x9a: {  	s25 =	simm.s32 $0xD180;
	s26 =	simm.s32 $0xD980;
	s9 =	simm.s32 $0x44A0  }
0x9b: {  	[tilespmem:s24], [sflag:$0x1] =	stream.indirect_vreg.gather [hbm4b:s13+s0], $0x80, v4, vm1, $0xb8;
	[tilespmem:$0x19D80] =	vst v63  }
0x9c: {  	s10 =	simm.s32 $0x4920;
	s11 =	simm.s32 $0x0;
	s16 =	simm.s32 $0x4900  }
0x9d: {  	[tilespmem:s25], [sflag:$0x1] =	stream.indirect_vreg.gather [hbm4b:s7+s0], $0x80, v3, vm0, $0xb8;
	[tilespmem:$0x19D80] =	vst v63  }
0x9e: {  	s17 =	simm.s32 $0x4480;
	s20 =	simm.s32 $0x4020;
	s22 =	simm.s32 $0x4000  }
0x9f: {  	[tilespmem:s26], [sflag:$0x1] =	stream.indirect_vreg.gather [hbm4b:s13+s0], $0x80, v3, vm1, $0xb8;
	[tilespmem:$0x19D80] =	vst v63  }
.LBB2_6:
0xa0: {  	s12 =	sshllo.u32 s11, $0x1  }
0xa1: {  	s1 =	sshll.u32 s12, $0x7  }
0xa2: {  	v3 =	vld [tilespmem:s1+$0x1000];
	_ =	sdelay $0x4  }
0xa3: {  	v4 =	vshrl.u32 v3, $0x3  }
0xa4: {  	v4 =	vmul.u32 $0x18, v4  }
0xa5: {  	v3 =	vand.u32 $0x7, v3  }
0xa6: {  	v3 =	vor.u32 v3, v4  }
0xa7: {  	v4 =	vperm.xlane v3, v0;
	_ =	sdelay $0x1  }
0xa8: {  	v4 =	vadd.s32 v1, v4;
	_ =	sdelay $0x1  }
0xa9: {  	v3 =	vperm.xlane v3, v2;
	_ =	sdelay $0x1  }
0xaa: {  	s14 =	simm.s32 $0xDD80;
	v3 =	vadd.s32 v1, v3  }
0xab: {  	[tilespmem:s14], [sflag:$0x2] =	stream.indirect_vreg.gather [hbm4b:s7+s0], $0x80, v4, vm0, $0xb8;
	[tilespmem:$0x19D80] =	vst v63  }
0xac: {  	s23 =	simm.s32 $0xE580  }
0xad: {  	[tilespmem:s23], [sflag:$0x2] =	stream.indirect_vreg.gather [hbm4b:s13+s0], $0x80, v4, vm1, $0xb8;
	[tilespmem:$0x19D80] =	vst v63  }
0xae: {  	s24 =	simm.s32 $0xE980  }
0xaf: {  	[tilespmem:s24], [sflag:$0x2] =	stream.indirect_vreg.gather [hbm4b:s7+s0], $0x80, v3, vm0, $0xb8;
	[tilespmem:$0x19D80] =	vst v63  }
0xb0: {  	s25 =	simm.s32 $0xF180  }
0xb1: {  	[tilespmem:s25], [sflag:$0x2] =	stream.indirect_vreg.gather [hbm4b:s13+s0], $0x80, v3, vm1, $0xb8;
	[tilespmem:$0x19D80] =	vst v63  }
0xb2: {  	v3 =	vld [tilespmem:s1+$0x1010];
	_ =	sdelay $0x4  }
0xb3: {  	v59 =	vshrl.u32 v3, $0x3  }
0xb4: {  	v4 =	vmul.u32 $0x18, v59  }
0xb5: {  	v3 =	vand.u32 $0x7, v3  }
0xb6: {  	v3 =	vor.u32 v3, v4  }
0xb7: {  	v4 =	vperm.xlane v3, v0;
	_ =	sdelay $0x1  }
0xb8: {  	v4 =	vadd.s32 v1, v4;
	_ =	sdelay $0x1  }
0xb9: {  	v3 =	vperm.xlane v3, v2;
	_ =	sdelay $0x1  }
0xba: {  	s26 =	simm.s32 $0xF580;
	v3 =	vadd.s32 v1, v3  }
0xbb: {  	[tilespmem:s26], [sflag:$0x2] =	stream.indirect_vreg.gather [hbm4b:s7+s0], $0x80, v4, vm0, $0xb8;
	[tilespmem:$0x19D80] =	vst v63  }
0xbc: {  	s18 =	simm.s32 $0xFD80  }
0xbd: {  	[tilespmem:s18], [sflag:$0x2] =	stream.indirect_vreg.gather [hbm4b:s13+s0], $0x80, v4, vm1, $0xb8;
	[tilespmem:$0x19D80] =	vst v63  }
0xbe: {  	s19 =	simm.s32 $0x10180  }
0xbf: {  	[tilespmem:s19], [sflag:$0x2] =	stream.indirect_vreg.gather [hbm4b:s7+s0], $0x80, v3, vm0, $0xb8;
	[tilespmem:$0x19D80] =	vst v63  }
0xc0: {  	s23 =	simm.s32 $0x10980  }
0xc1: {  	[tilespmem:s23], [sflag:$0x2] =	stream.indirect_vreg.gather [hbm4b:s13+s0], $0x80, v3, vm1, $0xb8;
	[tilespmem:$0x19D80] =	vst v63  }
0xc2: {  	v3 =	vld [tilespmem:s1+$0x2000];
	_ =	sdelay $0x4  }
0xc3: {  	v60 =	vshrl.u32 v3, $0x3  }
0xc4: {  	v4 =	vmul.u32 $0x18, v60  }
0xc5: {  	v3 =	vand.u32 $0x7, v3  }
0xc6: {  	v3 =	vor.u32 v3, v4  }
0xc7: {  	v4 =	vperm.xlane v3, v0;
	_ =	sdelay $0x1  }
0xc8: {  	v4 =	vadd.s32 v1, v4;
	_ =	sdelay $0x1  }
0xc9: {  	v3 =	vperm.xlane v3, v2;
	_ =	sdelay $0x1  }
0xca: {  	s24 =	simm.s32 $0x10D80;
	v3 =	vadd.s32 v1, v3  }
0xcb: {  	[tilespmem:s24], [sflag:$0x2] =	stream.indirect_vreg.gather [hbm4b:s7+s0], $0x80, v4, vm0, $0xb8;
	[tilespmem:$0x19D80] =	vst v63  }
0xcc: {  	s25 =	simm.s32 $0x11580  }
0xcd: {  	[tilespmem:s25], [sflag:$0x2] =	stream.indirect_vreg.gather [hbm4b:s13+s0], $0x80, v4, vm1, $0xb8;
	[tilespmem:$0x19D80] =	vst v63  }
0xce: {  	s26 =	simm.s32 $0x11980  }
0xcf: {  	[tilespmem:s26], [sflag:$0x2] =	stream.indirect_vreg.gather [hbm4b:s7+s0], $0x80, v3, vm0, $0xb8;
	[tilespmem:$0x19D80] =	vst v63  }
0xd0: {  	s18 =	simm.s32 $0x12180  }
0xd1: {  	[tilespmem:s18], [sflag:$0x2] =	stream.indirect_vreg.gather [hbm4b:s13+s0], $0x80, v3, vm1, $0xb8;
	[tilespmem:$0x19D80] =	vst v63  }
0xd2: {  	v3 =	vld [tilespmem:s1+$0x2010];
	_ =	sdelay $0x4  }
0xd3: {  	v61 =	vshrl.u32 v3, $0x3  }
0xd4: {  	v4 =	vmul.u32 $0x18, v61  }
0xd5: {  	v3 =	vand.u32 $0x7, v3  }
0xd6: {  	v3 =	vor.u32 v3, v4  }
0xd7: {  	v4 =	vperm.xlane v3, v0;
	_ =	sdelay $0x1  }
0xd8: {  	v4 =	vadd.s32 v1, v4;
	_ =	sdelay $0x1  }
0xd9: {  	v3 =	vperm.xlane v3, v2;
	_ =	sdelay $0x1  }
0xda: {  	s19 =	simm.s32 $0x12580;
	v3 =	vadd.s32 v1, v3  }
0xdb: {  	[tilespmem:s19], [sflag:$0x2] =	stream.indirect_vreg.gather [hbm4b:s7+s0], $0x80, v4, vm0, $0xb8;
	[tilespmem:$0x19D80] =	vst v63  }
0xdc: {  	s23 =	simm.s32 $0x12D80  }
0xdd: {  	[tilespmem:s23], [sflag:$0x2] =	stream.indirect_vreg.gather [hbm4b:s13+s0], $0x80, v4, vm1, $0xb8;
	[tilespmem:$0x19D80] =	vst v63  }
0xde: {  	s24 =	simm.s32 $0x13180  }
0xdf: {  	[tilespmem:s24], [sflag:$0x2] =	stream.indirect_vreg.gather [hbm4b:s7+s0], $0x80, v3, vm0, $0xb8;
	[tilespmem:$0x19D80] =	vst v63  }
0xe0: {  	s25 =	simm.s32 $0x13980  }
0xe1: {  	[tilespmem:s25], [sflag:$0x2] =	stream.indirect_vreg.gather [hbm4b:s13+s0], $0x80, v3, vm1, $0xb8;
	[tilespmem:$0x19D80] =	vst v63  }
0xe2: {  	v3 =	vld [tilespmem:s1+$0x3000];
	_ =	sdelay $0x4  }
0xe3: {  	v62 =	vshrl.u32 v3, $0x3  }
0xe4: {  	v4 =	vmul.u32 $0x18, v62  }
0xe5: {  	v3 =	vand.u32 $0x7, v3  }
0xe6: {  	v3 =	vor.u32 v3, v4  }
0xe7: {  	v4 =	vperm.xlane v3, v0;
	_ =	sdelay $0x1  }
0xe8: {  	v4 =	vadd.s32 v1, v4;
	_ =	sdelay $0x1  }
0xe9: {  	v3 =	vperm.xlane v3, v2;
	_ =	sdelay $0x1  }
0xea: {  	s26 =	simm.s32 $0x13D80;
	v3 =	vadd.s32 v1, v3  }
0xeb: {  	[tilespmem:s26], [sflag:$0x2] =	stream.indirect_vreg.gather [hbm4b:s7+s0], $0x80, v4, vm0, $0xb8;
	[tilespmem:$0x19D80] =	vst v63  }
0xec: {  	s18 =	simm.s32 $0x14580  }
0xed: {  	[tilespmem:s18], [sflag:$0x2] =	stream.indirect_vreg.gather [hbm4b:s13+s0], $0x80, v4, vm1, $0xb8;
	[tilespmem:$0x19D80] =	vst v63  }
0xee: {  	s19 =	simm.s32 $0x14980  }
0xef: {  	[tilespmem:s19], [sflag:$0x2] =	stream.indirect_vreg.gather [hbm4b:s7+s0], $0x80, v3, vm0, $0xb8;
	[tilespmem:$0x19D80] =	vst v63  }
0xf0: {  	s23 =	simm.s32 $0x15180  }
0xf1: {  	[tilespmem:s23], [sflag:$0x2] =	stream.indirect_vreg.gather [hbm4b:s13+s0], $0x80, v3, vm1, $0xb8;
	[tilespmem:$0x19D80] =	vst v63  }
0xf2: {  	v3 =	vld [tilespmem:s1+$0x3010];
	_ =	sdelay $0x4  }
0xf3: {  	v63 =	vshrl.u32 v3, $0x3  }
0xf4: {  	v4 =	vmul.u32 $0x18, v63  }
0xf5: {  	v3 =	vand.u32 $0x7, v3  }
0xf6: {  	v3 =	vor.u32 v3, v4  }
0xf7: {  	v4 =	vperm.xlane v3, v0;
	_ =	sdelay $0x1  }
0xf8: {  	v4 =	vadd.s32 v1, v4;
	_ =	sdelay $0x1  }
0xf9: {  	v3 =	vperm.xlane v3, v2;
	_ =	sdelay $0x1  }
0xfa: {  	s24 =	simm.s32 $0x15580;
	v3 =	vadd.s32 v1, v3  }
0xfb: {  	[tilespmem:s24], [sflag:$0x2] =	stream.indirect_vreg.gather [hbm4b:s7+s0], $0x80, v4, vm0, $0xb8;
	[tilespmem:$0x19D80] =	vst v63  }
0xfc: {  	s25 =	simm.s32 $0x15D80  }
0xfd: {  	[tilespmem:s25], [sflag:$0x2] =	stream.indirect_vreg.gather [hbm4b:s13+s0], $0x80, v4, vm1, $0xb8;
	[tilespmem:$0x19D80] =	vst v63  }
0xfe: {  	s26 =	simm.s32 $0x16180  }
0xff: {  	[tilespmem:s26], [sflag:$0x2] =	stream.indirect_vreg.gather [hbm4b:s7+s0], $0x80, v3, vm0, $0xb8;
	[tilespmem:$0x19D80] =	vst v63  }
0x100: {  	_ = 	snop  }
0x101: {  	[tilespmem:s28], [sflag:$0x2] =	stream.indirect_vreg.gather [hbm4b:s13+s0], $0x80, v3, vm1, $0xb8;
	[tilespmem:$0x19D80] =	vst v63  }
0x102: {  	_ =	swait.ge [sflag:s29], $0x3000  }
0x103: {  	[sflag:s29] =	ssyncset.done $0x0  }
0x104: {  	[sflag:s29] =	ssyncadd.s32 $0xFFFFD000  }
0x105: {  	_ =	swait.ge [sflag:s29], $0x3000  }
0x106: {  	[sflag:s29] =	ssyncset.done $0x0  }
0x107: {  	[sflag:s29] =	ssyncadd.s32 $0xFFFFD000  }
0x108: {  	s14 =	sshll.u32 s11, $0x6;
	s18 =	smov.u32 s17;
	_ =	swait.ge [sflag:s29], $0x3000  }
0x109: {  	s19 =	smov.u32 s16;
	s23 =	simm.s32 $0x0;
	[sflag:s29] =	ssyncset.done $0x0  }
0x10a: {  	s1 =	smov.u32 s22;
	s24 =	simm.s32 $0x0;
	[sflag:s29] =	ssyncadd.s32 $0xFFFFD000  }
.LBB2_7:
0x10b: {  	s25 =	sshrl.u32 s24, $0x3  }
0x10c: {  	v5 =	vld.msk [tilespmem:s1+$0x0 ss:$0x0], $0xffff;
	s25 =	smul.u32 $0xC00, s25  }
0x10d: {  	v4 =	vld.msk [tilespmem:s18+$0x0 ss:$0x0], $0xffff;
	s26 =	sand.u32 $0x380, s23  }
0x10e: {  	v3 =	vld.msk [tilespmem:s19+$0x0 ss:$0x0], $0xffff;
	s25 =	sor.u32 s26, s25  }
0x10f: {  	v6 =	vld [tilespmem:s25+$0x4D80]  }
0x110: {  	v7 =	vld [tilespmem:s25+$0x7D80]  }
0x111: {  	v8 =	vld [tilespmem:s25+$0xAD80]  }
0x112: {  	v9 =	vld [tilespmem:s25+$0x4D90]  }
0x113: {  	v10 =	vld [tilespmem:s25+$0x7D90]  }
0x114: {  	v11 =	vld [tilespmem:s25+$0xAD90]  }
0x115: {  	v12 =	vld [tilespmem:s25+$0x4DA0]  }
0x116: {  	v13 =	vld [tilespmem:s25+$0x7DA0]  }
0x117: {  	v14 =	vld [tilespmem:s25+$0xADA0]  }
0x118: {  	v15 =	vld [tilespmem:s25+$0x4DB0]  }
0x119: {  	v16 =	vld [tilespmem:s25+$0x7DB0]  }
0x11a: {  	v17 =	vld [tilespmem:s25+$0xADB0]  }
0x11b: {  	v18 =	vld [tilespmem:s25+$0x4DC0]  }
0x11c: {  	v19 =	vld [tilespmem:s25+$0x7DC0]  }
0x11d: {  	v20 =	vld [tilespmem:s25+$0xADC0]  }
0x11e: {  	v21 =	vld [tilespmem:s25+$0x4DD0]  }
0x11f: {  	v22 =	vld [tilespmem:s25+$0x7DD0]  }
0x120: {  	v23 =	vld [tilespmem:s25+$0xADD0]  }
0x121: {  	v24 =	vld [tilespmem:s25+$0x4DE0]  }
0x122: {  	v25 =	vld [tilespmem:s25+$0x7DE0]  }
0x123: {  	v26 =	vld [tilespmem:s25+$0xADE0]  }
0x124: {  	v27 =	vld [tilespmem:s25+$0x4DF0]  }
0x125: {  	v28 =	vld [tilespmem:s25+$0x7DF0]  }
0x126: {  	v29 =	vld [tilespmem:s25+$0xADF0]  }
0x127: {  	v30 =	vld [tilespmem:s25+$0x5180]  }
0x128: {  	v31 =	vld [tilespmem:s25+$0x8180]  }
0x129: {  	v32 =	vld [tilespmem:s25+$0xB180]  }
0x12a: {  	v33 =	vld [tilespmem:s25+$0x5190]  }
0x12b: {  	v34 =	vld [tilespmem:s25+$0x8190]  }
0x12c: {  	v35 =	vld [tilespmem:s25+$0xB190]  }
0x12d: {  	v36 =	vld [tilespmem:s25+$0x51A0];
	v6 =	vmul.f32 v6, v5;
	v7 =	vmul.f32 v7, v4  }
0x12e: {  	v37 =	vld [tilespmem:s25+$0x81A0];
	v8 =	vmul.f32 v8, v3;
	v9 =	vmul.f32 v9, v5  }
0x12f: {  	v38 =	vld [tilespmem:s25+$0xB1A0];
	v10 =	vmul.f32 v10, v4;
	v42 =	vmul.f32 v12, v5  }
0x130: {  	v39 =	vld [tilespmem:s25+$0x51B0];
	v43 =	vmul.f32 v13, v4;
	v44 =	vmul.f32 v11, v3  }
0x131: {  	v40 =	vld [tilespmem:s25+$0x81B0];
	v45 =	vmul.f32 v14, v3;
	v46 =	vmul.f32 v15, v5  }
0x132: {  	v13 =	vld [tilespmem:s25+$0xB1B0];
	v47 =	vmul.f32 v16, v4;
	v48 =	vmul.f32 v18, v5  }
0x133: {  	v11 =	vld [tilespmem:s25+$0x51C0];
	v49 =	vmul.f32 v19, v4;
	v50 =	vmul.f32 v17, v3  }
0x134: {  	v12 =	vld [tilespmem:s25+$0x81C0];
	v51 =	vmul.f32 v20, v3;
	v52 =	vmul.f32 v21, v5  }
0x135: {  	v15 =	vld [tilespmem:s25+$0xB1C0];
	v53 =	vmul.f32 v22, v4;
	v54 =	vmul.f32 v23, v3  }
0x136: {  	v18 =	vld [tilespmem:s25+$0x51D0];
	v55 =	vmul.f32 v24, v5;
	v56 =	vmul.f32 v25, v4  }
0x137: {  	v19 =	vld [tilespmem:s25+$0x81D0];
	v57 =	vmul.f32 v26, v3;
	v58 =	vmul.f32 v27, v5  }
0x138: {  	v21 =	vld [tilespmem:s25+$0xB1D0];
	v59 =	vmul.f32 v28, v4;
	v60 =	vmul.f32 v30, v5;
	v6 =	vadd.f32 v7, v6  }
0x139: {  	v23 =	vld [tilespmem:s25+$0x51E0];
	v61 =	vmul.f32 v31, v4;
	v9 =	vadd.f32 v10, v9;
	v7 =	vadd.f32 v43, v42  }
0x13a: {  	v25 =	vld [tilespmem:s25+$0x81E0];
	v63 =	vmul.f32 v29, v3;
	v10 =	vadd.f32 v47, v46;
	v16 =	vadd.f32 v53, v52  }
0x13b: {  	v27 =	vld [tilespmem:s25+$0xB1E0];
	v41 =	vmul.f32 v32, v3;
	v17 =	vadd.f32 v56, v55;
	v62 =	vadd.f32 v59, v58  }
0x13c: {  	v30 =	vld [tilespmem:s25+$0x51F0];
	v22 =	vadd.f32 v61, v60;
	v42 =	vmul.f32 v33, v5;
	v43 =	vmul.f32 v34, v4  }
0x13d: {  	v26 =	vld [tilespmem:s25+$0x81F0];
	v46 =	vmul.f32 v37, v4;
	v52 =	vmul.f32 v39, v5;
	v6 =	vadd.f32 v8, v6  }
0x13e: {  	v28 =	vld [tilespmem:s25+$0xB1F0];
	v53 =	vmul.f32 v40, v4;
	v9 =	vadd.f32 v44, v9;
	v7 =	vadd.f32 v45, v7  }
0x13f: {  	v47 =	vld [tilespmem:s25+$0x8580];
	v8 =	vadd.f32 v49, v48;
	v10 =	vadd.f32 v50, v10;
	v45 =	vmul.f32 v36, v5  }
0x140: {  	v56 =	vld [tilespmem:s25+$0x8590];
	v14 =	vadd.f32 v54, v16;
	v48 =	vmul.f32 v35, v3;
	v49 =	vmul.f32 v38, v3  }
0x141: {  	v59 =	vld [tilespmem:s25+$0xB590];
	v17 =	vadd.f32 v57, v17;
	v13 =	vmul.f32 v13, v3;
	v11 =	vmul.f32 v11, v5  }
0x142: {  	v61 =	vld [tilespmem:s25+$0x55A0];
	v16 =	vadd.f32 v63, v62;
	v57 =	vmul.f32 v12, v4;
	v58 =	vmul.f32 v15, v3;
	[tilespmem:s25+$0x16D80] =	vst v6  }
0x143: {  	v34 =	vld [tilespmem:s25+$0xB5A0];
	v22 =	vadd.f32 v41, v22;
	v18 =	vmul.f32 v18, v5;
	v19 =	vmul.f32 v19, v4;
	[tilespmem:s25+$0x16D90] =	vst v9  }
0x144: {  	v44 =	vld [tilespmem:s25+$0x5580];
	v20 =	vadd.f32 v43, v42;
	v62 =	vmul.f32 v23, v5;
	v63 =	vmul.f32 v25, v4;
	[tilespmem:s25+$0x16DA0] =	vst v7  }
0x145: {  	v50 =	vld [tilespmem:s25+$0xB580];
	v60 =	vadd.f32 v53, v52;
	v32 =	vmul.f32 v21, v3;
	v37 =	vmul.f32 v27, v3;
	[tilespmem:s25+$0x16DB0] =	vst v10  }
0x146: {  	v54 =	vld [tilespmem:s25+$0x5590];
	v39 =	vmul.f32 v30, v5;
	v8 =	vadd.f32 v51, v8;
	v51 =	vadd.f32 v46, v45;
	[tilespmem:s25+$0x16DD0] =	vst v14  }
0x147: {  	v38 =	vld [tilespmem:s25+$0x55B0];
	v40 =	vmul.f32 v26, v4;
	v55 =	vadd.f32 v48, v20;
	[tilespmem:s25+$0x16DE0] =	vst v17;
	v7 =	vadd.f32 v57, v11  }
0x148: {  	v41 =	vld [tilespmem:s25+$0x55C0];
	[tilespmem:s25+$0x16DF0] =	vst v16;
	v46 =	vmul.f32 v28, v3;
	v10 =	vadd.f32 v13, v60;
	v29 =	vadd.f32 v19, v18  }
0x149: {  	v25 =	vld [tilespmem:s25+$0x85A0];
	[tilespmem:s25+$0x17180] =	vst v22;
	v43 =	vmul.f32 v47, v4;
	v45 =	vadd.f32 v40, v39;
	v53 =	vmul.f32 v61, v5  }
0x14a: {  	v6 =	vadd.f32 v49, v51;
	[tilespmem:s25+$0x16DC0] =	vst v8;
	v8 =	vadd.f32 v63, v62;
	v42 =	vmul.f32 v44, v5;
	v44 =	vld [tilespmem:s25+$0x85B0]  }
0x14b: {  	v48 =	vld [tilespmem:s25+$0x85C0];
	[tilespmem:s25+$0x17190] =	vst v55;
	v51 =	vmul.f32 v56, v4;
	v56 =	vmul.f32 v59, v3;
	v7 =	vadd.f32 v58, v7  }
0x14c: {  	v52 =	vld [tilespmem:s25+$0xB5B0];
	v13 =	vadd.f32 v32, v29;
	v47 =	vmul.f32 v50, v3;
	v50 =	vmul.f32 v54, v5;
	[tilespmem:s25+$0x171B0] =	vst v10  }
0x14d: {  	v9 =	vadd.f32 v46, v45;
	v12 =	vmul.f32 v38, v5;
	v54 =	vld [tilespmem:s25+$0xB5C0];
	v5 =	vmul.f32 v41, v5;
	[tilespmem:s25+$0x171A0] =	vst v6  }
0x14e: {  	v58 =	vmul.f32 v34, v3;
	v55 =	vmul.f32 v25, v4;
	v49 =	vadd.f32 v43, v42;
	[tilespmem:s25+$0x171C0] =	vst v7  }
0x14f: {  	v8 =	vadd.f32 v37, v8;
	[tilespmem:s25+$0x171D0] =	vst v13;
	v11 =	vadd.f32 v51, v50;
	v57 =	vmul.f32 v44, v4  }
0x150: {  	[tilespmem:s25+$0x171F0] =	vst v9;
	v7 =	vadd.f32 v55, v53;
	v6 =	vadd.f32 v47, v49;
	v4 =	vmul.f32 v48, v4  }
0x151: {  	p0 =	sne.s32 s24, $0x1F;
	v61 =	vmul.f32 v52, v3;
	[tilespmem:s25+$0x171E0] =	vst v8;
	v59 =	vadd.f32 v56, v11;
	v60 =	vadd.f32 v57, v12  }
.Ltmp2:
0x152: {  	v62 =	vadd.f32 v58, v7;
	v3 =	vmul.f32 v54, v3;
	[tilespmem:s25+$0x17580] =	vst v6;
	v4 =	vadd.f32 v4, v5;
	(pc) =	sbr.rel @p0 .LBB2_7-.Ltmp2, $4  }
0x153: {  	[tilespmem:s25+$0x17590] =	vst v59;
	v63 =	vadd.f32 v61, v60  }
0x154: {  	[tilespmem:s25+$0x175A0] =	vst v62;
	v3 =	vadd.f32 v3, v4  }
0x155: {  	s23 =	sadd.s32 $0x80, s23;
	s1 =	sadd.s32 $0x1, s1;
	[tilespmem:s25+$0x175B0] =	vst v63  }
0x156: {  	s18 =	sadd.s32 $0x1, s18;
	s19 =	sadd.s32 $0x1, s19;
	s24 =	sadd.s32 $0x1, s24;
	[tilespmem:s25+$0x175C0] =	vst v3  }
0x157: {  	s1 =	sadd.s32 s3, s14  }
0x158: {  	s1 =	sshrl.u32 s1, $0x3  }
0x159: {  	s1 =	smul.u32 $0x180, s1  }
0x15a: {  	p0 =	seq.s32 s11, $0xF  }
.Ltmp3:
0x15b: {  	s1 =	sadd.s32 s8, s1;
	(pc) =	sbr.rel @p0 .LBB2_10-.Ltmp3, $4  }
0x15c: {  	[hbm4b:s1+s2] =	stream.linear.scatter [tilespmem:s30], [sflag:$0x4], $0x3000, $0x38;
	[tilespmem:$0x19D80] =	vst v63  }
0x15d: {  	_ =	swait.ge [sflag:s15], $0x3000  }
0x15e: {  	[sflag:s15] =	ssyncset.done $0x0  }
0x15f: {  	[sflag:s15] =	ssyncadd.s32 $0xFFFFD000  }
0x160: {  	s1 =	sshll.u32 s11, $0x8  }
0x161: {  	v3 =	vld [tilespmem:s1+$0x1100];
	_ =	sdelay $0x4  }
0x162: {  	v4 =	vshrl.u32 v3, $0x3  }
0x163: {  	v4 =	vmul.u32 $0x18, v4  }
0x164: {  	v3 =	vand.u32 $0x7, v3  }
0x165: {  	v3 =	vor.u32 v3, v4  }
0x166: {  	v4 =	vperm.xlane v3, v0;
	_ =	sdelay $0x1  }
0x167: {  	v4 =	vadd.s32 v1, v4;
	_ =	sdelay $0x1  }
0x168: {  	v3 =	vperm.xlane v3, v2;
	_ =	sdelay $0x1  }
0x169: {  	s14 =	simm.s32 $0x4D80;
	v3 =	vadd.s32 v1, v3  }
0x16a: {  	[tilespmem:s14], [sflag:$0x1] =	stream.indirect_vreg.gather [hbm4b:s7+s2], $0x80, v4, vm0, $0xb8;
	[tilespmem:$0x19D80] =	vst v63  }
0x16b: {  	s19 =	simm.s32 $0x5580  }
0x16c: {  	[tilespmem:s19], [sflag:$0x1] =	stream.indirect_vreg.gather [hbm4b:s13+s2], $0x80, v4, vm1, $0xb8;
	[tilespmem:$0x19D80] =	vst v63  }
0x16d: {  	s23 =	simm.s32 $0x5980  }
0x16e: {  	[tilespmem:s23], [sflag:$0x1] =	stream.indirect_vreg.gather [hbm4b:s7+s2], $0x80, v3, vm0, $0xb8;
	[tilespmem:$0x19D80] =	vst v63  }
0x16f: {  	s24 =	simm.s32 $0x6180  }
0x170: {  	[tilespmem:s24], [sflag:$0x1] =	stream.indirect_vreg.gather [hbm4b:s13+s2], $0x80, v3, vm1, $0xb8;
	[tilespmem:$0x19D80] =	vst v63  }
0x171: {  	v3 =	vld [tilespmem:s1+$0x1110];
	_ =	sdelay $0x4  }
0x172: {  	v59 =	vshrl.u32 v3, $0x3  }
0x173: {  	v4 =	vmul.u32 $0x18, v59  }
0x174: {  	v3 =	vand.u32 $0x7, v3  }
0x175: {  	v3 =	vor.u32 v3, v4  }
0x176: {  	v4 =	vperm.xlane v3, v0;
	_ =	sdelay $0x1  }
0x177: {  	v4 =	vadd.s32 v1, v4;
	_ =	sdelay $0x1  }
0x178: {  	v3 =	vperm.xlane v3, v2;
	_ =	sdelay $0x1  }
0x179: {  	s25 =	simm.s32 $0x6580;
	v3 =	vadd.s32 v1, v3  }
0x17a: {  	[tilespmem:s25], [sflag:$0x1] =	stream.indirect_vreg.gather [hbm4b:s7+s2], $0x80, v4, vm0, $0xb8;
	[tilespmem:$0x19D80] =	vst v63  }
0x17b: {  	s26 =	simm.s32 $0x6D80  }
0x17c: {  	[tilespmem:s26], [sflag:$0x1] =	stream.indirect_vreg.gather [hbm4b:s13+s2], $0x80, v4, vm1, $0xb8;
	[tilespmem:$0x19D80] =	vst v63  }
0x17d: {  	s18 =	simm.s32 $0x7180  }
0x17e: {  	[tilespmem:s18], [sflag:$0x1] =	stream.indirect_vreg.gather [hbm4b:s7+s2], $0x80, v3, vm0, $0xb8;
	[tilespmem:$0x19D80] =	vst v63  }
0x17f: {  	s19 =	simm.s32 $0x7980  }
0x180: {  	[tilespmem:s19], [sflag:$0x1] =	stream.indirect_vreg.gather [hbm4b:s13+s2], $0x80, v3, vm1, $0xb8;
	[tilespmem:$0x19D80] =	vst v63  }
0x181: {  	v3 =	vld [tilespmem:s1+$0x2100];
	_ =	sdelay $0x4  }
0x182: {  	v60 =	vshrl.u32 v3, $0x3  }
0x183: {  	v4 =	vmul.u32 $0x18, v60  }
0x184: {  	v3 =	vand.u32 $0x7, v3  }
0x185: {  	v3 =	vor.u32 v3, v4  }
0x186: {  	v4 =	vperm.xlane v3, v0;
	_ =	sdelay $0x1  }
0x187: {  	v4 =	vadd.s32 v1, v4;
	_ =	sdelay $0x1  }
0x188: {  	v3 =	vperm.xlane v3, v2;
	_ =	sdelay $0x1  }
0x189: {  	s23 =	simm.s32 $0x7D80;
	v3 =	vadd.s32 v1, v3  }
0x18a: {  	[tilespmem:s23], [sflag:$0x1] =	stream.indirect_vreg.gather [hbm4b:s7+s2], $0x80, v4, vm0, $0xb8;
	[tilespmem:$0x19D80] =	vst v63  }
0x18b: {  	s24 =	simm.s32 $0x8580  }
0x18c: {  	[tilespmem:s24], [sflag:$0x1] =	stream.indirect_vreg.gather [hbm4b:s13+s2], $0x80, v4, vm1, $0xb8;
	[tilespmem:$0x19D80] =	vst v63  }
0x18d: {  	s25 =	simm.s32 $0x8980  }
0x18e: {  	[tilespmem:s25], [sflag:$0x1] =	stream.indirect_vreg.gather [hbm4b:s7+s2], $0x80, v3, vm0, $0xb8;
	[tilespmem:$0x19D80] =	vst v63  }
0x18f: {  	s26 =	simm.s32 $0x9180  }
0x190: {  	[tilespmem:s26], [sflag:$0x1] =	stream.indirect_vreg.gather [hbm4b:s13+s2], $0x80, v3, vm1, $0xb8;
	[tilespmem:$0x19D80] =	vst v63  }
0x191: {  	v3 =	vld [tilespmem:s1+$0x2110];
	_ =	sdelay $0x4  }
0x192: {  	v61 =	vshrl.u32 v3, $0x3  }
0x193: {  	v4 =	vmul.u32 $0x18, v61  }
0x194: {  	v3 =	vand.u32 $0x7, v3  }
0x195: {  	v3 =	vor.u32 v3, v4  }
0x196: {  	v4 =	vperm.xlane v3, v0;
	_ =	sdelay $0x1  }
0x197: {  	v4 =	vadd.s32 v1, v4;
	_ =	sdelay $0x1  }
0x198: {  	v3 =	vperm.xlane v3, v2;
	_ =	sdelay $0x1  }
0x199: {  	s18 =	simm.s32 $0x9580;
	v3 =	vadd.s32 v1, v3  }
0x19a: {  	[tilespmem:s18], [sflag:$0x1] =	stream.indirect_vreg.gather [hbm4b:s7+s2], $0x80, v4, vm0, $0xb8;
	[tilespmem:$0x19D80] =	vst v63  }
0x19b: {  	s19 =	simm.s32 $0x9D80  }
0x19c: {  	[tilespmem:s19], [sflag:$0x1] =	stream.indirect_vreg.gather [hbm4b:s13+s2], $0x80, v4, vm1, $0xb8;
	[tilespmem:$0x19D80] =	vst v63  }
0x19d: {  	s23 =	simm.s32 $0xA180  }
0x19e: {  	[tilespmem:s23], [sflag:$0x1] =	stream.indirect_vreg.gather [hbm4b:s7+s2], $0x80, v3, vm0, $0xb8;
	[tilespmem:$0x19D80] =	vst v63  }
0x19f: {  	s24 =	simm.s32 $0xA980  }
0x1a0: {  	[tilespmem:s24], [sflag:$0x1] =	stream.indirect_vreg.gather [hbm4b:s13+s2], $0x80, v3, vm1, $0xb8;
	[tilespmem:$0x19D80] =	vst v63  }
0x1a1: {  	v3 =	vld [tilespmem:s1+$0x3100];
	_ =	sdelay $0x4  }
0x1a2: {  	v62 =	vshrl.u32 v3, $0x3  }
0x1a3: {  	v4 =	vmul.u32 $0x18, v62  }
0x1a4: {  	v3 =	vand.u32 $0x7, v3  }
0x1a5: {  	v3 =	vor.u32 v3, v4  }
0x1a6: {  	v4 =	vperm.xlane v3, v0;
	_ =	sdelay $0x1  }
0x1a7: {  	v4 =	vadd.s32 v1, v4;
	_ =	sdelay $0x1  }
0x1a8: {  	v3 =	vperm.xlane v3, v2;
	_ =	sdelay $0x1  }
0x1a9: {  	s25 =	simm.s32 $0xAD80;
	v3 =	vadd.s32 v1, v3  }
0x1aa: {  	[tilespmem:s25], [sflag:$0x1] =	stream.indirect_vreg.gather [hbm4b:s7+s2], $0x80, v4, vm0, $0xb8;
	[tilespmem:$0x19D80] =	vst v63  }
0x1ab: {  	s26 =	simm.s32 $0xB580  }
0x1ac: {  	[tilespmem:s26], [sflag:$0x1] =	stream.indirect_vreg.gather [hbm4b:s13+s2], $0x80, v4, vm1, $0xb8;
	[tilespmem:$0x19D80] =	vst v63  }
0x1ad: {  	s18 =	simm.s32 $0xB980  }
0x1ae: {  	[tilespmem:s18], [sflag:$0x1] =	stream.indirect_vreg.gather [hbm4b:s7+s2], $0x80, v3, vm0, $0xb8;
	[tilespmem:$0x19D80] =	vst v63  }
0x1af: {  	s19 =	simm.s32 $0xC180  }
0x1b0: {  	[tilespmem:s19], [sflag:$0x1] =	stream.indirect_vreg.gather [hbm4b:s13+s2], $0x80, v3, vm1, $0xb8;
	[tilespmem:$0x19D80] =	vst v63  }
0x1b1: {  	v3 =	vld [tilespmem:s1+$0x3110];
	_ =	sdelay $0x4  }
0x1b2: {  	v63 =	vshrl.u32 v3, $0x3  }
0x1b3: {  	v4 =	vmul.u32 $0x18, v63  }
0x1b4: {  	v3 =	vand.u32 $0x7, v3  }
0x1b5: {  	v3 =	vor.u32 v3, v4  }
0x1b6: {  	v4 =	vperm.xlane v3, v0;
	_ =	sdelay $0x1  }
0x1b7: {  	v4 =	vadd.s32 v1, v4;
	_ =	sdelay $0x1  }
0x1b8: {  	v3 =	vperm.xlane v3, v2;
	_ =	sdelay $0x1  }
0x1b9: {  	s23 =	simm.s32 $0xC580;
	v3 =	vadd.s32 v1, v3  }
0x1ba: {  	[tilespmem:s23], [sflag:$0x1] =	stream.indirect_vreg.gather [hbm4b:s7+s2], $0x80, v4, vm0, $0xb8;
	[tilespmem:$0x19D80] =	vst v63  }
0x1bb: {  	s24 =	simm.s32 $0xCD80  }
0x1bc: {  	[tilespmem:s24], [sflag:$0x1] =	stream.indirect_vreg.gather [hbm4b:s13+s2], $0x80, v4, vm1, $0xb8;
	[tilespmem:$0x19D80] =	vst v63  }
0x1bd: {  	s25 =	simm.s32 $0xD180  }
0x1be: {  	[tilespmem:s25], [sflag:$0x1] =	stream.indirect_vreg.gather [hbm4b:s7+s2], $0x80, v3, vm0, $0xb8;
	[tilespmem:$0x19D80] =	vst v63  }
0x1bf: {  	s26 =	simm.s32 $0xD980  }
0x1c0: {  	[tilespmem:s26], [sflag:$0x1] =	stream.indirect_vreg.gather [hbm4b:s13+s2], $0x80, v3, vm1, $0xb8;
	[tilespmem:$0x19D80] =	vst v63  }
.LBB2_10:
0x1c1: {  	_ =	swait.ge [sflag:s31], $0x3000  }
0x1c2: {  	[sflag:s31] =	ssyncset.done $0x0  }
0x1c3: {  	[sflag:s31] =	ssyncadd.s32 $0xFFFFD000  }
0x1c4: {  	_ =	swait.ge [sflag:s31], $0x3000  }
0x1c5: {  	[sflag:s31] =	ssyncset.done $0x0  }
0x1c6: {  	[sflag:s31] =	ssyncadd.s32 $0xFFFFD000  }
0x1c7: {  	s12 =	sshll.u32 s12, $0x5;
	s14 =	simm.s32 $0x0;
	_ =	swait.ge [sflag:s31], $0x3000  }
0x1c8: {  	s18 =	smov.u32 s10;
	s1 =	smov.u32 s9;
	[sflag:s31] =	ssyncset.done $0x0  }
0x1c9: {  	s19 =	smov.u32 s20;
	s23 =	simm.s32 $0x0;
	[sflag:s31] =	ssyncadd.s32 $0xFFFFD000  }
.LBB2_11:
0x1ca: {  	s24 =	sshrl.u32 s23, $0x3  }
0x1cb: {  	v5 =	vld.msk [tilespmem:s19+$0x0 ss:$0x0], $0xffff;
	s24 =	smul.u32 $0xC00, s24  }
0x1cc: {  	v4 =	vld.msk [tilespmem:s1+$0x0 ss:$0x0], $0xffff;
	s25 =	sand.u32 $0x380, s14  }
0x1cd: {  	v3 =	vld.msk [tilespmem:s18+$0x0 ss:$0x0], $0xffff;
	s24 =	sor.u32 s25, s24  }
0x1ce: {  	v6 =	vld [tilespmem:s24+$0xDD80]  }
0x1cf: {  	v7 =	vld [tilespmem:s24+$0x10D80]  }
0x1d0: {  	v8 =	vld [tilespmem:s24+$0x13D80]  }
0x1d1: {  	v9 =	vld [tilespmem:s24+$0xDD90]  }
0x1d2: {  	v10 =	vld [tilespmem:s24+$0x10D90]  }
0x1d3: {  	v11 =	vld [tilespmem:s24+$0x13D90]  }
0x1d4: {  	v12 =	vld [tilespmem:s24+$0xDDA0]  }
0x1d5: {  	v13 =	vld [tilespmem:s24+$0x10DA0]  }
0x1d6: {  	v14 =	vld [tilespmem:s24+$0x13DA0]  }
0x1d7: {  	v15 =	vld [tilespmem:s24+$0xDDB0]  }
0x1d8: {  	v16 =	vld [tilespmem:s24+$0x10DB0]  }
0x1d9: {  	v17 =	vld [tilespmem:s24+$0x13DB0]  }
0x1da: {  	v18 =	vld [tilespmem:s24+$0xDDC0]  }
0x1db: {  	v19 =	vld [tilespmem:s24+$0x10DC0]  }
0x1dc: {  	v20 =	vld [tilespmem:s24+$0x13DC0]  }
0x1dd: {  	v21 =	vld [tilespmem:s24+$0xDDD0]  }
0x1de: {  	v22 =	vld [tilespmem:s24+$0x10DD0]  }
0x1df: {  	v23 =	vld [tilespmem:s24+$0x13DD0]  }
0x1e0: {  	v24 =	vld [tilespmem:s24+$0xDDE0]  }
0x1e1: {  	v25 =	vld [tilespmem:s24+$0x10DE0]  }
0x1e2: {  	v26 =	vld [tilespmem:s24+$0x13DE0]  }
0x1e3: {  	v27 =	vld [tilespmem:s24+$0xDDF0]  }
0x1e4: {  	v28 =	vld [tilespmem:s24+$0x10DF0]  }
0x1e5: {  	v29 =	vld [tilespmem:s24+$0x13DF0]  }
0x1e6: {  	v30 =	vld [tilespmem:s24+$0xE180]  }
0x1e7: {  	v31 =	vld [tilespmem:s24+$0x11180]  }
0x1e8: {  	v32 =	vld [tilespmem:s24+$0x14180]  }
0x1e9: {  	v33 =	vld [tilespmem:s24+$0xE190]  }
0x1ea: {  	v34 =	vld [tilespmem:s24+$0x11190]  }
0x1eb: {  	v35 =	vld [tilespmem:s24+$0x14190]  }
0x1ec: {  	v36 =	vld [tilespmem:s24+$0xE1A0];
	v6 =	vmul.f32 v6, v5;
	v7 =	vmul.f32 v7, v4  }
0x1ed: {  	v37 =	vld [tilespmem:s24+$0x111A0];
	v8 =	vmul.f32 v8, v3;
	v9 =	vmul.f32 v9, v5  }
0x1ee: {  	v38 =	vld [tilespmem:s24+$0x141A0];
	v10 =	vmul.f32 v10, v4;
	v42 =	vmul.f32 v12, v5  }
0x1ef: {  	v39 =	vld [tilespmem:s24+$0xE1B0];
	v43 =	vmul.f32 v13, v4;
	v44 =	vmul.f32 v11, v3  }
0x1f0: {  	v40 =	vld [tilespmem:s24+$0x111B0];
	v45 =	vmul.f32 v14, v3;
	v46 =	vmul.f32 v15, v5  }
0x1f1: {  	v13 =	vld [tilespmem:s24+$0x141B0];
	v47 =	vmul.f32 v16, v4;
	v48 =	vmul.f32 v18, v5  }
0x1f2: {  	v11 =	vld [tilespmem:s24+$0xE1C0];
	v49 =	vmul.f32 v19, v4;
	v50 =	vmul.f32 v17, v3  }
0x1f3: {  	v12 =	vld [tilespmem:s24+$0x111C0];
	v51 =	vmul.f32 v20, v3;
	v52 =	vmul.f32 v21, v5  }
0x1f4: {  	v15 =	vld [tilespmem:s24+$0x141C0];
	v53 =	vmul.f32 v22, v4;
	v54 =	vmul.f32 v23, v3  }
0x1f5: {  	v18 =	vld [tilespmem:s24+$0xE1D0];
	v55 =	vmul.f32 v24, v5;
	v56 =	vmul.f32 v25, v4  }
0x1f6: {  	v19 =	vld [tilespmem:s24+$0x111D0];
	v57 =	vmul.f32 v26, v3;
	v58 =	vmul.f32 v27, v5  }
0x1f7: {  	v21 =	vld [tilespmem:s24+$0x141D0];
	v59 =	vmul.f32 v28, v4;
	v60 =	vmul.f32 v30, v5;
	v6 =	vadd.f32 v7, v6  }
0x1f8: {  	v23 =	vld [tilespmem:s24+$0xE1E0];
	v61 =	vmul.f32 v31, v4;
	v9 =	vadd.f32 v10, v9;
	v7 =	vadd.f32 v43, v42  }
0x1f9: {  	v25 =	vld [tilespmem:s24+$0x111E0];
	v63 =	vmul.f32 v29, v3;
	v10 =	vadd.f32 v47, v46;
	v16 =	vadd.f32 v53, v52  }
0x1fa: {  	v27 =	vld [tilespmem:s24+$0x141E0];
	v41 =	vmul.f32 v32, v3;
	v17 =	vadd.f32 v56, v55;
	v62 =	vadd.f32 v59, v58  }
0x1fb: {  	v30 =	vld [tilespmem:s24+$0xE1F0];
	v22 =	vadd.f32 v61, v60;
	v42 =	vmul.f32 v33, v5;
	v43 =	vmul.f32 v34, v4  }
0x1fc: {  	v26 =	vld [tilespmem:s24+$0x111F0];
	v46 =	vmul.f32 v37, v4;
	v52 =	vmul.f32 v39, v5;
	v6 =	vadd.f32 v8, v6  }
0x1fd: {  	v28 =	vld [tilespmem:s24+$0x141F0];
	v53 =	vmul.f32 v40, v4;
	v9 =	vadd.f32 v44, v9;
	v7 =	vadd.f32 v45, v7  }
0x1fe: {  	v47 =	vld [tilespmem:s24+$0x11580];
	v8 =	vadd.f32 v49, v48;
	v10 =	vadd.f32 v50, v10;
	v45 =	vmul.f32 v36, v5  }
0x1ff: {  	v56 =	vld [tilespmem:s24+$0x11590];
	v14 =	vadd.f32 v54, v16;
	v48 =	vmul.f32 v35, v3;
	v49 =	vmul.f32 v38, v3  }
0x200: {  	v59 =	vld [tilespmem:s24+$0x14590];
	v17 =	vadd.f32 v57, v17;
	v13 =	vmul.f32 v13, v3;
	v11 =	vmul.f32 v11, v5  }
0x201: {  	v61 =	vld [tilespmem:s24+$0xE5A0];
	v16 =	vadd.f32 v63, v62;
	v57 =	vmul.f32 v12, v4;
	v58 =	vmul.f32 v15, v3;
	[tilespmem:s24+$0x16D80] =	vst v6  }
0x202: {  	v34 =	vld [tilespmem:s24+$0x145A0];
	v22 =	vadd.f32 v41, v22;
	v18 =	vmul.f32 v18, v5;
	v19 =	vmul.f32 v19, v4;
	[tilespmem:s24+$0x16D90] =	vst v9  }
0x203: {  	v44 =	vld [tilespmem:s24+$0xE580];
	v20 =	vadd.f32 v43, v42;
	v62 =	vmul.f32 v23, v5;
	v63 =	vmul.f32 v25, v4;
	[tilespmem:s24+$0x16DA0] =	vst v7  }
0x204: {  	v50 =	vld [tilespmem:s24+$0x14580];
	v60 =	vadd.f32 v53, v52;
	v32 =	vmul.f32 v21, v3;
	v37 =	vmul.f32 v27, v3;
	[tilespmem:s24+$0x16DB0] =	vst v10  }
0x205: {  	v54 =	vld [tilespmem:s24+$0xE590];
	v39 =	vmul.f32 v30, v5;
	v8 =	vadd.f32 v51, v8;
	v51 =	vadd.f32 v46, v45;
	[tilespmem:s24+$0x16DD0] =	vst v14  }
0x206: {  	v38 =	vld [tilespmem:s24+$0xE5B0];
	v40 =	vmul.f32 v26, v4;
	v55 =	vadd.f32 v48, v20;
	[tilespmem:s24+$0x16DE0] =	vst v17;
	v7 =	vadd.f32 v57, v11  }
0x207: {  	v41 =	vld [tilespmem:s24+$0xE5C0];
	[tilespmem:s24+$0x16DF0] =	vst v16;
	v46 =	vmul.f32 v28, v3;
	v10 =	vadd.f32 v13, v60;
	v29 =	vadd.f32 v19, v18  }
0x208: {  	v25 =	vld [tilespmem:s24+$0x115A0];
	[tilespmem:s24+$0x17180] =	vst v22;
	v43 =	vmul.f32 v47, v4;
	v45 =	vadd.f32 v40, v39;
	v53 =	vmul.f32 v61, v5  }
0x209: {  	v6 =	vadd.f32 v49, v51;
	[tilespmem:s24+$0x16DC0] =	vst v8;
	v8 =	vadd.f32 v63, v62;
	v42 =	vmul.f32 v44, v5;
	v44 =	vld [tilespmem:s24+$0x115B0]  }
0x20a: {  	v48 =	vld [tilespmem:s24+$0x115C0];
	[tilespmem:s24+$0x17190] =	vst v55;
	v51 =	vmul.f32 v56, v4;
	v56 =	vmul.f32 v59, v3;
	v7 =	vadd.f32 v58, v7  }
0x20b: {  	v52 =	vld [tilespmem:s24+$0x145B0];
	v13 =	vadd.f32 v32, v29;
	v47 =	vmul.f32 v50, v3;
	v50 =	vmul.f32 v54, v5;
	[tilespmem:s24+$0x171B0] =	vst v10  }
0x20c: {  	v9 =	vadd.f32 v46, v45;
	v12 =	vmul.f32 v38, v5;
	v54 =	vld [tilespmem:s24+$0x145C0];
	v5 =	vmul.f32 v41, v5;
	[tilespmem:s24+$0x171A0] =	vst v6  }
0x20d: {  	v58 =	vmul.f32 v34, v3;
	v55 =	vmul.f32 v25, v4;
	v49 =	vadd.f32 v43, v42;
	[tilespmem:s24+$0x171C0] =	vst v7  }
0x20e: {  	v8 =	vadd.f32 v37, v8;
	[tilespmem:s24+$0x171D0] =	vst v13;
	v11 =	vadd.f32 v51, v50;
	v57 =	vmul.f32 v44, v4  }
0x20f: {  	[tilespmem:s24+$0x171F0] =	vst v9;
	v7 =	vadd.f32 v55, v53;
	v6 =	vadd.f32 v47, v49;
	v4 =	vmul.f32 v48, v4  }
0x210: {  	p0 =	sne.s32 s23, $0x1F;
	v61 =	vmul.f32 v52, v3;
	[tilespmem:s24+$0x171E0] =	vst v8;
	v59 =	vadd.f32 v56, v11;
	v60 =	vadd.f32 v57, v12  }
.Ltmp4:
0x211: {  	v62 =	vadd.f32 v58, v7;
	v3 =	vmul.f32 v54, v3;
	[tilespmem:s24+$0x17580] =	vst v6;
	v4 =	vadd.f32 v4, v5;
	(pc) =	sbr.rel @p0 .LBB2_11-.Ltmp4, $4  }
0x212: {  	[tilespmem:s24+$0x17590] =	vst v59;
	v63 =	vadd.f32 v61, v60  }
0x213: {  	[tilespmem:s24+$0x175A0] =	vst v62;
	v3 =	vadd.f32 v3, v4  }
0x214: {  	s14 =	sadd.s32 $0x80, s14;
	s19 =	sadd.s32 $0x1, s19;
	[tilespmem:s24+$0x175B0] =	vst v63  }
0x215: {  	s1 =	sadd.s32 $0x1, s1;
	s18 =	sadd.s32 $0x1, s18;
	s23 =	sadd.s32 $0x1, s23;
	[tilespmem:s24+$0x175C0] =	vst v3  }
0x216: {  	s1 =	sadd.s32 s3, s12  }
0x217: {  	s1 =	sshrl.u32 s1, $0x3  }
0x218: {  	s11 =	sadd.s32 $0x1, s11;
	s1 =	smul.u32 $0x180, s1  }
0x219: {  	p0 =	sne.s32 s11, $0x10  }
.Ltmp5:
0x21a: {  	s1 =	sadd.s32 s8, s1;
	(pc) =	sbr.rel @p0 .LBB2_6-.Ltmp5, $4  }
0x21b: {  	[hbm4b:s1+s2] =	stream.linear.scatter [tilespmem:s30], [sflag:$0x4], $0x3000, $0x38;
	[tilespmem:$0x19D80] =	vst v63  }
0x21c: {  	s22 =	sadd.s32 $0x40, s22;
	s17 =	sadd.s32 $0x40, s17;
	_ =	swait.ge [sflag:s15], $0x3000  }
0x21d: {  	s16 =	sadd.s32 $0x40, s16;
	s20 =	sadd.s32 $0x40, s20;
	[sflag:s15] =	ssyncset.done $0x0  }
0x21e: {  	s9 =	sadd.s32 $0x40, s9;
	s10 =	sadd.s32 $0x40, s10;
	[sflag:s15] =	ssyncadd.s32 $0xFFFFD000  }
0x21f: {  	s1 =	rddreg [dreg:$0x7]  }
0x220: {  	s0 =	rddreg [dreg:$0x6];
	s1 =	sadd.s32 $0x1, s1  }
0x221: {  	p0 =	sne.s32 s1, s0  }
.Ltmp6:
0x222: {  	_ = 	snop;
	(pc) =	sbr.rel @p0 .LBB2_1-.Ltmp6, $1  }
0x223: {  	_ =	sdelay $0x3  }
0x224: {  	_ =	sfence.sel $0x180000  }
0x225: {  	[bflag:$0x0] =	sbarrier.arrive $0xFFFF  }
0x226: {  	_ =	strace $0x90000047  }
0x227: {  	s0 =	stileid.u32;
	[bflag:$0x2] =	sbarrier.arrive $0xFFFF  }
0x228: {  	p0 =	sne.s32 s0, $0x0;
	s0 =	rddreg [dreg:$0x1]  }
0x229: {  	s0 =	sadd.s32 @!p0 $0x100000, s0  }
0x22a: {  	[sflag:s0] =	ssyncadd.tile.s32 @!p0 $0x1;
	_ =	shalt  }
.Lfunc_end2:
_tile_overlayer_lowered:
.L_overlay_start_2:
0x22b: {  	(tag) =	ssettag $0x2  }
0x22c: {  	s0 =	rddreg [dreg:$0x0];
	s2 =	stileid.u32  }
0x22d: {  	s1 =	rddreg [dreg:$0x1];
	p0 =	sne.s32 s2, $0x0  }
0x22e: {  	s3 =	rddreg [dreg:$0x2];
	[bflag:$0x3] =	sbarrier.arrive $0xFFFF;
	s2 =	simm.s32 @!p0 $0x1C04  }
0x22f: {  	[timem:s3], [sflag:s2] =	dma.local @!p0 [hbm:s0], s1  }
0x230: {  	s0 =	simm.s32 @!p0 $0x4  }
0x231: {  	_ =	swait.ge @!p0 [sflag:s0], s1  }
0x232: {  	s1 =	ssub.s32 @!p0 $0x0, s1;
	[sflag:s0] =	ssyncset.done @!p0 $0x0  }
0x233: {  	[sflag:s0] =	ssyncadd.s32 @!p0 s1  }
0x234: {  	[bflag:$0x3] =	sbarrier.arrive $0xFFFF  }
0x235: {  	_ =	shalt  }

// kernel: kernel.9.cloned.1.call-start
scs
__scs_entry_jumppad:
0x0: {  	(pc) =	sbr.rel $0x88, $3  }
0x1: {  	(tag) =	ssettag $0x0;
	lr =	simm.s32 $0x1  }
0x2: {  	[smem:$0x3F93] =	sst lr;
	_ =	strace $0xD0000000  }
0x3: {  	_ = 	snop  }
0x4: {  	_ = 	snop  }
0x5: {  	_ = 	snop  }
0x6: {  	_ = 	snop  }
0x7: {  	_ = 	snop  }
__scs_overlays_trampoline_lowered:
0x8: {  	[smem:$0x3FA2] =	sst s0  }
0x9: {  	[smem:$0x3FA3] =	sst s1  }
0xa: {  	[smem:$0x3FA4] =	sst s2  }
0xb: {  	[smem:$0x3FA5] =	sst s3  }
0xc: {  	[smem:$0x3FA6] =	sst s4  }
0xd: {  	[smem:$0x3FA7] =	sst s5  }
0xe: {  	[smem:$0x3FA8] =	sst s6  }
0xf: {  	[smem:$0x3FA9] =	sst s7  }
0x10: {  	[smem:$0x3FAA] =	sst s8  }
0x11: {  	[smem:$0x3FAB] =	sst s9;
	s0 =	simm.s32 @!p0 $0x0  }
0x12: {  	s1 =	sld [smem:$0x3F91];
	s0 =	simm.s32 @p0 $0x1  }
0x13: {  	[smem:$0x3FAC] =	sst s0;
	s0 =	simm.s32 @!p1 $0x0  }
0x14: {  	s2 =	sld [smem:$0x3F90];
	s0 =	simm.s32 @p1 $0x1  }
0x15: {  	[smem:$0x3FAD] =	sst s0;
	s0 =	simm.s32 @!p2 $0x0  }
0x16: {  	s3 =	sld [smem:$0x3FDB];
	s0 =	simm.s32 @p2 $0x1  }
0x17: {  	s4 =	simm.s32 $0x1BF5;
	[smem:$0x3FAF] =	sst s0  }
0x18: {  	s0 =	sld [smem:$0x3F92];
	_ =	swait.ge [sflag:s4], $0x0  }
0x19: {  	s7 =	sld [smem:$0x3F93]  }
0x1a: {  	s8 =	sadd.s32 $0xFFFFE003, lr  }
0x1b: {  	s9 =	sadd.s32 $0xFFFFFEF7, lr;
	s5 =	simm.s32 $0xFFFFFFFF;
	p2 =	slt.u32 s8, $0xFFFFF086  }
0x1c: {  	p1 =	slt.u32 s9, $0xF7A;
	s5 =	simm.s32 @!p2 $0x0  }
0x1d: {  	s5 =	simm.s32 @p1 $0x1;
	p0 =	seq.s32 s7, s2  }
0x1e: {  	s7 =	smul.u32 @!p0 $0xF7A, s2;
	p2 =	seq.s32 @!p0 s5, $0x0  }
0x1f: {  	s9 =	smul.u32 $0xF7A, s1;
	s8 =	simm.s32 @!p0 $0x1BF5;
	p2 =	por !p2, p0  }
0x20: {  	[sflag:s8] =	ssyncset.s32 @!p0 $0xFFFFF086;
	s6 =	sadd.s32 @!p0 s3, s7;
	s7 =	simm.s32 @!p0 $0x108  }
0x21: {  	s3 =	sadd.s32 s3, s9;
	s6 =	sadd.s32 @!p0 $0x88, s6;
	s7 =	simm.s32 @p2 $0x1082  }
0x22: {  	[simem:s7], [sflag:s8] =	dma.local @!p0 [hbm:s6], $0xF7A  }
0x23: {  	s9 =	sor.u32 $0xD0000000, s2;
	s6 =	simm.s32 $0x108;
	_ =	swait.ge @!p0 [sflag:s8], $0x0  }
0x24: {  	s3 =	sadd.s32 $0x88, s3;
	s6 =	simm.s32 @!p1 $0x1082;
	[sflag:s4] =	ssyncset.s32 $0xFFFFF086  }
0x25: {  	[simem:s6], [sflag:s4] =	dma.local [hbm:s3], $0xF7A  }
0x26: {  	[smem:$0x3F93] =	sst s1;
	(tag) =	ssettag s2;
	_ =	strace s9  }
0x27: {  	s1 =	sld [smem:$0x3FA3]  }
0x28: {  	s2 =	sld [smem:$0x3FA4]  }
0x29: {  	s4 =	sld [smem:$0x3FA6]  }
0x2a: {  	p0 =	seq.s32 s5, $0x0;
	s5 =	sld [smem:$0x3FA7]  }
0x2b: {  	s6 =	sld [smem:$0x3FA8]  }
0x2c: {  	s7 =	sld [smem:$0x3FA9]  }
0x2d: {  	s3 =	simm.s32 $0x108;
	s8 =	sld [smem:$0x3FAA]  }
0x2e: {  	s3 =	simm.s32 @!p0 $0x1082;
	s9 =	sld [smem:$0x3FAB]  }
0x2f: {  	lr =	sadd.s32 s0, s3;
	s0 =	sld [smem:$0x3FA2]  }
0x30: {  	s3 =	sld [smem:$0x3FA5]  }
0x31: {  	[smem:$0x3FAE] =	sst s10  }
0x32: {  	s10 =	sld [smem:$0x3FAC];
	_ =	sdelay $0x3  }
0x33: {  	p0 =	seq.s32 s10, $0x1;
	s10 =	sld [smem:$0x3FAE];
	_ =	sdelay $0x3  }
0x34: {  	[smem:$0x3FAE] =	sst s10  }
0x35: {  	s10 =	sld [smem:$0x3FAD];
	_ =	sdelay $0x3  }
0x36: {  	p1 =	seq.s32 s10, $0x1;
	s10 =	sld [smem:$0x3FAE];
	_ =	sdelay $0x3  }
0x37: {  	[smem:$0x3FAE] =	sst s10  }
0x38: {  	s10 =	sld [smem:$0x3FAF]  }
0x39: {  	_ = 	snop;
	(pc) =	sbr.ind lr, $3  }
0x3a: {  	_ = 	snop  }
0x3b: {  	_ = 	snop  }
0x3c: {  	p2 =	seq.s32 s10, $0x1;
	s10 =	sld [smem:$0x3FAE]  }
0x3d: {  	_ =	shalt  }
0x3e: {  	_ =	shalt  }
0x3f: {  	_ =	shalt  }
0x40: {  	_ =	shalt  }
0x41: {  	_ =	shalt  }
0x42: {  	_ =	shalt  }
0x43: {  	_ =	shalt  }
0x44: {  	_ =	shalt  }
0x45: {  	_ =	shalt  }
0x46: {  	_ =	shalt  }
0x47: {  	_ =	shalt  }
0x48: {  	_ =	shalt  }
0x49: {  	_ =	shalt  }
0x4a: {  	_ =	shalt  }
0x4b: {  	_ =	shalt  }
0x4c: {  	_ =	shalt  }
0x4d: {  	_ =	shalt  }
0x4e: {  	_ =	shalt  }
0x4f: {  	_ =	shalt  }
0x50: {  	_ =	shalt  }
0x51: {  	_ =	shalt  }
0x52: {  	_ =	shalt  }
0x53: {  	_ =	shalt  }
0x54: {  	_ =	shalt  }
0x55: {  	_ =	shalt  }
0x56: {  	_ =	shalt  }
0x57: {  	_ =	shalt  }
0x58: {  	_ =	shalt  }
0x59: {  	_ =	shalt  }
0x5a: {  	_ =	shalt  }
0x5b: {  	_ =	shalt  }
0x5c: {  	_ =	shalt  }
0x5d: {  	_ =	shalt  }
0x5e: {  	_ =	shalt  }
0x5f: {  	_ =	shalt  }
0x60: {  	_ =	shalt  }
0x61: {  	_ =	shalt  }
0x62: {  	_ =	shalt  }
0x63: {  	_ =	shalt  }
0x64: {  	_ =	shalt  }
0x65: {  	_ =	shalt  }
0x66: {  	_ =	shalt  }
0x67: {  	_ =	shalt  }
0x68: {  	_ =	shalt  }
0x69: {  	_ =	shalt  }
0x6a: {  	_ =	shalt  }
0x6b: {  	_ =	shalt  }
0x6c: {  	_ =	shalt  }
0x6d: {  	_ =	shalt  }
0x6e: {  	_ =	shalt  }
0x6f: {  	_ =	shalt  }
0x70: {  	_ =	shalt  }
0x71: {  	_ =	shalt  }
0x72: {  	_ =	shalt  }
0x73: {  	_ =	shalt  }
0x74: {  	_ =	shalt  }
0x75: {  	_ =	shalt  }
0x76: {  	_ =	shalt  }
0x77: {  	_ =	shalt  }
0x78: {  	_ =	shalt  }
0x79: {  	_ =	shalt  }
0x7a: {  	_ =	shalt  }
0x7b: {  	_ =	shalt  }
0x7c: {  	_ =	shalt  }
0x7d: {  	_ =	shalt  }
0x7e: {  	_ =	shalt  }
0x7f: {  	_ =	shalt  }
0x80: {  	_ =	shalt  }
0x81: {  	_ =	shalt  }
0x82: {  	_ =	shalt  }
0x83: {  	_ =	shalt  }
0x84: {  	_ =	shalt  }
0x85: {  	_ =	shalt  }
0x86: {  	_ =	shalt  }
0x87: {  	_ =	shalt  }
.Lfunc_end0:
.L_simem_size_0:
called_computation.1_lowered:
.L_overlay_start_0:
0x88: {  	s2 =	sld [smem:$0x3FD9]  }
0x89: {  	s3 =	sld [smem:$0x3FFE];
	_ =	sdelay $0x1  }
0x8a: {  	s1 =	srdreg.scid  }
0x8b: {  	s0 =	sand.u32 $0x1, s1  }
0x8c: {  	s17 =	sshll.u32 s0, $0xA;
	s2 =	sadd.s32 s3, s2  }
0x8d: {  	s2 =	sadd.s32 s2, s17  }
0x8e: {  	[smem:$0x3FBA] =	sst s2  }
0x8f: {  	_ = 	snop  }
0x90: {  	s18 =	sld [smem:$0x3FD0];
	(tm) =	ssettm $0x1  }
0x91: {  	s19 =	sld [smem:$0x3FFB];
	_ =	sdelay $0x3  }
0x92: {  	_ =	strace s19  }
0x93: {  	s2 =	sld [smem:$0x3FFC];
	_ =	sdelay $0x3  }
0x94: {  	_ =	strace s2  }
0x95: {  	s2 =	sld [smem:$0x3FFD];
	_ =	sdelay $0x3  }
0x96: {  	_ =	strace s2  }
0x97: {  	_ =	strace $0x8FFFFFFF  }
0x98: {  	s20 =	sld [smem:$0x3FDB];
	_ =	sdelay $0x1  }
0x99: {  	s4 =	simm.s32 $_scs_section_size  }
0x9a: {  	s5 =	simm.s32 $_size__tile_overlayer_lowered;
	s6 =	simm.s32 $_tile_overlayer_lowered  }
0x9b: {  	s7 =	simm.s32 $0x1BFF;
	s21 =	sshll.u32 s6, $0x1;
	s4 =	sadd.s32 s4, s20  }
0x9c: {  	s22 =	simm.s32 $0x0;
	s5 =	sshll.u32 s5, $0x1;
	s6 =	sadd.s32 s21, s4  }
0x9d: {  	[timem:s22], [sflag:s7] =	dma.local [hbm:s6], s5  }
0x9e: {  	_ =	swait.ge [sflag:s7], s5  }
0x9f: {  	s5 =	ssub.s32 $0x0, s5;
	[sflag:s7] =	ssyncset.done $0x0  }
0xa0: {  	[sflag:s7] =	ssyncadd.s32 s5;
	_ =	sdelay $0x1  }
0xa1: {  	s23 =	simm.s32 $0x1B8B  }
0xa2: {  	_ =	swait.ge [sflag:s23], $0x1  }
0xa3: {  	[sflag:s23] =	ssyncset.done $0x0  }
0xa4: {  	[sflag:s23] =	ssyncadd.s32 $0xFFFFFFFF  }
0xa5: {  	s5 =	sld [smem:$0x0]  }
0xa6: {  	s6 =	sand.u32 $0xFFFFFFFE, s1  }
0xa7: {  	p0 =	sne.s32 s1, s6  }
0xa8: {  	s6 =	sshll.u32 @p0 s6, $0xE  }
0xa9: {  	s6 =	sadd.s32 @p0 $0x11B8D, s6;
	s7 =	sshll.u32 @p0 s5, $0x11  }
0xaa: {  	s6 =	sor.u32 @p0 s7, s6  }
0xab: {  	[sflag:s6] =	ssyncadd.remote.s32 @p0 $0x1;
	_ =	sdelay $0x1  }
0xac: {  	s6 =	simm.s32 @p0 $0x1B8D  }
0xad: {  	_ =	swait.eq @p0 [sflag:s6], $0x1  }
0xae: {  	[sflag:s6] =	ssyncadd.s32 @p0 $0xFFFFFFFF  }
0xaf: {  	s7 =	sshll.u32 @!p0 s1, $0xE  }
0xb0: {  	s7 =	sor.u32 @!p0 $0x4000, s7;
	s6 =	simm.s32 @!p0 $0x1B8D  }
0xb1: {  	s5 =	sshll.u32 @!p0 s5, $0x11;
	s7 =	sadd.s32 @!p0 $0x11B8D, s7;
	_ =	swait.eq @!p0 [sflag:s6], $0x1  }
0xb2: {  	s5 =	sor.u32 @!p0 s5, s7;
	[sflag:s6] =	ssyncadd.s32 @!p0 $0xFFFFFFFF  }
0xb3: {  	s25 =	simm.s32 $0x1B8E;
	s24 =	sld [smem:$0x3FFE];
	[sflag:s5] =	ssyncadd.remote.s32 @!p0 $0x1  }
0xb4: {  	s26 =	simm.s32 $execute0_lowered;
	[smem:$0x3FD2] =	sst s25  }
0xb5: {  	s6 =	sshll.u32 s26, $0x1;
	_ =	strace $0x80000049;
	[dreg:$0x1] =	wrdreg $0xFFFFFFFF  }
0xb6: {  	s28 =	simm.s32 $_size_execute0_lowered;
	s4 =	sadd.s32 s4, s6;
	[dreg:$0x0] =	wrdreg $0x0  }
0xb7: {  	s6 =	sshll.u32 s28, $0x1;
	[dreg:$0x2] =	wrdreg s4  }
0xb8: {  	[dreg:$0x3] =	wrdreg s6  }
0xb9: {  	[dreg:$0x4] =	wrdreg $0xC0  }
0xba: {  	_ =	task [dreg:s22], $0x5FFFF  }
0xbb: {  	[dreg:$0x1] =	wrdreg $0xFFFFFFFF  }
0xbc: {  	[dreg:$0x0] =	wrdreg $0x60  }
0xbd: {  	[dreg:$0x2] =	wrdreg s18  }
0xbe: {  	[dreg:$0x3] =	wrdreg s24  }
0xbf: {  	[dreg:$0x4] =	wrdreg $0xA  }
0xc0: {  	_ =	task.clear_ibuf [dreg:s22], $0x5FFFF;
	_ =	strace $0x90000049  }
0xc1: {  	s29 =	simm.s32 $0xA;
	_ =	strace $0x8000004B  }
0xc2: {  	_ =	swait.ge [sflag:s29], $0x1  }
0xc3: {  	[sflag:s29] =	ssyncadd.s32 $0xFFFFFFFF  }
0xc4: {  	_ =	strace $0x9000004B  }
0xc5: {  	_ =	sfence  }
0xc6: {  	s30 =	sld [smem:$0x0];
	_ =	sdelay $0x2  }
0xc7: {  	s31 =	sshll.u32 s1, $0xD;
	s1 =	sshrl.u32 s1, $0x2  }
0xc8: {  	s4 =	sand.u32 $0x4000, s31;
	s1 =	sadd.s32 s1, s30  }
0xc9: {  	s0 =	sor.u32 s4, s0;
	s1 =	sshll.u32 s1, $0x11  }
0xca: {  	s0 =	sor.u32 s1, s0  }
0xcb: {  	s0 =	sadd.s32 $0x8F2B, s0  }
0xcc: {  	[sflag:s0] =	ssyncadd.remote.s32 $0x1  }
0xcd: {  	_ =	sfence.sel $0xFFFF  }
0xce: {  	[dreg:$0x0] =	wrdreg $0xFFFFFFFF;
	(pc) =	sbr.abs _section_cstart, $3  }
0xcf: {  	[dreg:$0x1] =	wrdreg $0xFFFFFFFF  }
0xd0: {  	_ =	task.clear_ibuf [dreg:s22], $0x2FFFF;
	_ =	strace $0x9FFFFFFF  }
0xd1: {  	(tm) =	ssettm $0x7FFFFFFF  }
tec
execute0_lowered:
.L_overlay_start_1:
0x0: {  	(tag) =	ssettag $0x1  }
0x1: {  	s0 =	rddreg [dreg:$0x0];
	s1 =	srdreg.scid  }
0x2: {  	s2 =	stileid.u32;
	s9 =	rddreg [dreg:$0x1]  }
0x3: {  	s15 =	simm.s32 $0x4;
	s21 =	simm.s32 $0x3;
	s28 =	simm.s32 $0x16980  }
0x4: {  	s29 =	simm.s32 $0x1;
	s30 =	simm.s32 $0x16D80;
	s31 =	simm.s32 $0x2  }
0x5: {  	s1 =	sand.u32 $0x1, s1;
	s2 =	sshll.u32 s2, $0x1;
	s6 =	sadd.s32 $0xC00, s9  }
0x6: {  	s13 =	sadd.s32 $0xD5900, s9;
	s10 =	sor.u32 s1, s2;
	s2 =	simm.s32 $0x0  }
0x7: {  	s1 =	ssub.s32 $0x2, s1;
	s3 =	sshll.u32 s10, $0xA;
	s4 =	sshll.u32 s10, $0x7  }
0x8: {  	[smem:$0x7FF] =	sst s2;
	s12 =	sshrl.u32 s1, $0x1;
	s5 =	sor.u32 s4, s3  }
0x9: {  	s10 =	sshll.u32 s10, $0x9;
	_ =	strace $0x8000004A;
	s7 =	sand.u32 $0x6380, s5  }
0xa: {  	s1 =	ssub.s32 s1, s12;
	s0 =	sadd.s32 s0, s10;
	s8 =	sshrl.u32 s7, $0x3  }
0xb: {  	[dreg:$0x3] =	wrdreg s0;
	s26 =	smax.u32 s1, $0x1;
	s11 =	sadd.s32 s8, s9  }
0xc: {  	s4 =	sadd.s32 $0x7000, s9;
	[dreg:$0x7] =	wrdreg s26;
	s23 =	sadd.s32 $0xA200, s11  }
0xd: {  	v2 =	vlaneseq.u32;
	s5 =	sadd.s32 $0x3E00, s9;
	s24 =	sadd.s32 $0xB200, s11;
	[dreg:$0x4] =	wrdreg s23  }
0xe: {  	vm0 =	vmmov $0xffff;
	vm1 =	vmmov $0xff;
	v1 =	vshrl.u32 v2, $0x3;
	s1 =	simm.s32 $0x0;
	s25 =	sadd.s32 $0xC200, s11;
	[dreg:$0x5] =	wrdreg s24  }
0xf: {  	v0 =	vand.u32 $0x7, v2;
	v2 =	vor.u32 $0x8, v2;
	v1 =	vmul.u32 $0x8, v1;
	s7 =	sadd.s32 $0xD5800, s9;
	s8 =	sadd.s32 $0x49F800, s9;
	[dreg:$0x6] =	wrdreg s25  }
.LBB2_1:
0x10: {  	[dreg:$0x8] =	wrdreg s1  }
0x11: {  	s0 =	rddreg [dreg:$0x3]  }
0x12: {  	[tilespmem:s2], [sflag:$0x4] =	stream.linear.gather [hbm4b:s0+s2], $0x1000, $0x38;
	[tilespmem:$0x19D80] =	vst v63  }
0x13: {  	_ =	swait.ge [sflag:s15], $0x1000  }
0x14: {  	s19 =	simm.s32 $0x80;
	s9 =	simm.s32 $0x400;
	[sflag:s15] =	ssyncset.done $0x0  }
0x15: {  	s10 =	simm.s32 $0x4000;
	s18 =	rddreg [dreg:$0x4];
	[sflag:s15] =	ssyncadd.s32 $0xFFFFF000  }
0x16: {  	[tilespmem:s10], [sflag:$0x4] =	stream.strided.gather [hbm4b:s18+s19], $0x400, s9, s19, $0x38;
	[tilespmem:$0x19D80] =	vst v63  }
0x17: {  	_ =	swait.ge [sflag:s15], $0x400  }
0x18: {  	[sflag:s15] =	ssyncset.done $0x0  }
0x19: {  	s22 =	simm.s32 $0x4480;
	s20 =	rddreg [dreg:$0x5];
	[sflag:s15] =	ssyncadd.s32 $0xFFFFFC00  }
0x1a: {  	[tilespmem:s22], [sflag:$0x4] =	stream.strided.gather [hbm4b:s20+s19], $0x400, s9, s19, $0x38;
	[tilespmem:$0x19D80] =	vst v63  }
0x1b: {  	_ =	swait.ge [sflag:s15], $0x400  }
0x1c: {  	[sflag:s15] =	ssyncset.done $0x0  }
0x1d: {  	s24 =	simm.s32 $0x4900;
	s23 =	rddreg [dreg:$0x6];
	[sflag:s15] =	ssyncadd.s32 $0xFFFFFC00  }
0x1e: {  	[tilespmem:s24], [sflag:$0x4] =	stream.strided.gather [hbm4b:s23+s19], $0x400, s9, s19, $0x38;
	[tilespmem:$0x19D80] =	vst v63  }
0x1f: {  	_ =	swait.ge [sflag:s15], $0x400  }
0x20: {  	s25 =	simm.s32 $0x1000;
	[sflag:s15] =	ssyncset.done $0x0  }
0x21: {  	s0 =	simm.s32 $0x20;
	s9 =	simm.s32 $0x0;
	[sflag:s15] =	ssyncadd.s32 $0xFFFFFC00  }
0x22: {  	[tilespmem:s25], [sflag:$0x3] =	stream.indirect.gather [hbm4b:s4+s0], $0x1, s9, s0, $0xb8;
	[tilespmem:$0x19D80] =	vst v63  }
0x23: {  	s26 =	simm.s32 $0x2000;
	s1 =	simm.s32 $0x200;
	s10 =	simm.s32 $0x20  }
0x24: {  	[tilespmem:s26], [sflag:$0x3] =	stream.indirect.gather [hbm4b:s5+s0], $0x1, s9, s0, $0xb8;
	[tilespmem:$0x19D80] =	vst v63  }
.LBB2_2:
0x25: {  	s11 =	sshra.s32 s1, $0x2;
	s12 =	sadd.s32 $0x3000, s9;
	p0 =	sne.s32 s1, $0x3E00  }
0x26: {  	[tilespmem:s12], [sflag:$0x3] =	stream.indirect.gather [hbm4b:s6+s10], $0x1, s9, s10, $0xb8;
	[tilespmem:$0x19D80] =	vst v63  }
.Ltmp0:
0x27: {  	_ = 	snop;
	(pc) =	sbr.rel @p0 .LBB2_2-.Ltmp0, $4  }
0x28: {  	s1 =	sadd.s32 $0x200, s1;
	s9 =	sadd.s32 $0x1000, s11  }
0x29: {  	[tilespmem:s9], [sflag:$0x3] =	stream.indirect.gather [hbm4b:s4+s0], $0x1, s11, s0, $0xb8;
	[tilespmem:$0x19D80] =	vst v63  }
0x2a: {  	s12 =	sadd.s32 $0x2000, s11;
	s10 =	smov.u32 s0;
	s9 =	smov.u32 s11  }
0x2b: {  	[tilespmem:s12], [sflag:$0x3] =	stream.indirect.gather [hbm4b:s5+s10], $0x1, s9, s10, $0xb8;
	[tilespmem:$0x19D80] =	vst v63  }
0x2c: {  	s0 =	sadd.s32 $0x3000, s9  }
0x2d: {  	[tilespmem:s0], [sflag:$0x3] =	stream.indirect.gather [hbm4b:s6+s10], $0x1, s9, s10, $0xb8;
	[tilespmem:$0x19D80] =	vst v63  }
0x2e: {  	_ =	swait.ge [sflag:s21], $0x20  }
0x2f: {  	[sflag:s21] =	ssyncset.done $0x0  }
0x30: {  	[sflag:s21] =	ssyncadd.s32 $0xFFFFFFE0  }
0x31: {  	_ =	swait.ge [sflag:s21], $0x20  }
0x32: {  	[sflag:s21] =	ssyncset.done $0x0  }
0x33: {  	[sflag:s21] =	ssyncadd.s32 $0xFFFFFFE0  }
0x34: {  	_ =	swait.ge [sflag:s21], $0x20  }
0x35: {  	s0 =	simm.s32 $0x1F;
	[sflag:s21] =	ssyncset.done $0x0  }
.LBB2_4:
0x36: {  	p0 =	sne.s32 s0, $0x1;
	s0 =	sadd.s32 $0xFFFFFFFF, s0;
	[sflag:s21] =	ssyncadd.s32 $0xFFFFFFE0  }
0x37: {  	_ =	swait.ge [sflag:s21], $0x20  }
0x38: {  	[sflag:s21] =	ssyncset.done $0x0  }
0x39: {  	[sflag:s21] =	ssyncadd.s32 $0xFFFFFFE0  }
.Ltmp1:
0x3a: {  	_ =	swait.ge [sflag:s21], $0x20;
	(pc) =	sbr.rel @p0 .LBB2_4-.Ltmp1, $4  }
0x3b: {  	[sflag:s21] =	ssyncset.done $0x0  }
0x3c: {  	[sflag:s21] =	ssyncadd.s32 $0xFFFFFFE0  }
0x3d: {  	_ =	swait.ge [sflag:s21], $0x20  }
0x3e: {  	[sflag:s21] =	ssyncset.done $0x0  }
0x3f: {  	[sflag:s21] =	ssyncadd.s32 $0xFFFFFFE0  }
0x40: {  	v3 =	vld [tilespmem:$0x1000];
	_ =	sdelay $0x4  }
0x41: {  	v4 =	vshrl.u32 v3, $0x3  }
0x42: {  	v4 =	vmul.u32 $0x18, v4  }
0x43: {  	v3 =	vand.u32 $0x7, v3  }
0x44: {  	v3 =	vor.u32 v3, v4  }
0x45: {  	v4 =	vperm.xlane v3, v0;
	_ =	sdelay $0x1  }
0x46: {  	v4 =	vadd.s32 v1, v4;
	_ =	sdelay $0x1  }
0x47: {  	v3 =	vperm.xlane v3, v2;
	_ =	sdelay $0x1  }
0x48: {  	s1 =	simm.s32 $0x0;
	s0 =	simm.s32 $0x4D80;
	v3 =	vadd.s32 v1, v3  }
0x49: {  	[tilespmem:s0], [sflag:$0x1] =	stream.indirect_vreg.gather [hbm4b:s7+s1], $0x80, v4, vm0, $0xb8;
	[tilespmem:$0x19D80] =	vst v63  }
0x4a: {  	s18 =	simm.s32 $0x5580  }
0x4b: {  	[tilespmem:s18], [sflag:$0x1] =	stream.indirect_vreg.gather [hbm4b:s13+s1], $0x80, v4, vm1, $0xb8;
	[tilespmem:$0x19D80] =	vst v63  }
0x4c: {  	s19 =	simm.s32 $0x5980  }
0x4d: {  	[tilespmem:s19], [sflag:$0x1] =	stream.indirect_vreg.gather [hbm4b:s7+s1], $0x80, v3, vm0, $0xb8;
	[tilespmem:$0x19D80] =	vst v63  }
0x4e: {  	s20 =	simm.s32 $0x6180  }
0x4f: {  	[tilespmem:s20], [sflag:$0x1] =	stream.indirect_vreg.gather [hbm4b:s13+s1], $0x80, v3, vm1, $0xb8;
	[tilespmem:$0x19D80] =	vst v63  }
0x50: {  	v3 =	vld [tilespmem:$0x1010];
	_ =	sdelay $0x4  }
0x51: {  	v59 =	vshrl.u32 v3, $0x3  }
0x52: {  	v4 =	vmul.u32 $0x18, v59  }
0x53: {  	v3 =	vand.u32 $0x7, v3  }
0x54: {  	v3 =	vor.u32 v3, v4  }
0x55: {  	v4 =	vperm.xlane v3, v0;
	_ =	sdelay $0x1  }
0x56: {  	v4 =	vadd.s32 v1, v4;
	_ =	sdelay $0x1  }
0x57: {  	v3 =	vperm.xlane v3, v2;
	_ =	sdelay $0x1  }
0x58: {  	s22 =	simm.s32 $0x6580;
	v3 =	vadd.s32 v1, v3  }
0x59: {  	[tilespmem:s22], [sflag:$0x1] =	stream.indirect_vreg.gather [hbm4b:s7+s1], $0x80, v4, vm0, $0xb8;
	[tilespmem:$0x19D80] =	vst v63  }
0x5a: {  	s23 =	simm.s32 $0x6D80  }
0x5b: {  	[tilespmem:s23], [sflag:$0x1] =	stream.indirect_vreg.gather [hbm4b:s13+s1], $0x80, v4, vm1, $0xb8;
	[tilespmem:$0x19D80] =	vst v63  }
0x5c: {  	s24 =	simm.s32 $0x7180  }
0x5d: {  	[tilespmem:s24], [sflag:$0x1] =	stream.indirect_vreg.gather [hbm4b:s7+s1], $0x80, v3, vm0, $0xb8;
	[tilespmem:$0x19D80] =	vst v63  }
0x5e: {  	s25 =	simm.s32 $0x7980  }
0x5f: {  	[tilespmem:s25], [sflag:$0x1] =	stream.indirect_vreg.gather [hbm4b:s13+s1], $0x80, v3, vm1, $0xb8;
	[tilespmem:$0x19D80] =	vst v63  }
0x60: {  	v3 =	vld [tilespmem:$0x2000];
	_ =	sdelay $0x4  }
0x61: {  	v60 =	vshrl.u32 v3, $0x3  }
0x62: {  	v4 =	vmul.u32 $0x18, v60  }
0x63: {  	v3 =	vand.u32 $0x7, v3  }
0x64: {  	v3 =	vor.u32 v3, v4  }
0x65: {  	v4 =	vperm.xlane v3, v0;
	_ =	sdelay $0x1  }
0x66: {  	v4 =	vadd.s32 v1, v4;
	_ =	sdelay $0x1  }
0x67: {  	v3 =	vperm.xlane v3, v2;
	_ =	sdelay $0x1  }
0x68: {  	s26 =	simm.s32 $0x7D80;
	v3 =	vadd.s32 v1, v3  }
0x69: {  	[tilespmem:s26], [sflag:$0x1] =	stream.indirect_vreg.gather [hbm4b:s7+s1], $0x80, v4, vm0, $0xb8;
	[tilespmem:$0x19D80] =	vst v63  }
0x6a: {  	s9 =	simm.s32 $0x8580  }
0x6b: {  	[tilespmem:s9], [sflag:$0x1] =	stream.indirect_vreg.gather [hbm4b:s13+s1], $0x80, v4, vm1, $0xb8;
	[tilespmem:$0x19D80] =	vst v63  }
0x6c: {  	s10 =	simm.s32 $0x8980  }
0x6d: {  	[tilespmem:s10], [sflag:$0x1] =	stream.indirect_vreg.gather [hbm4b:s7+s1], $0x80, v3, vm0, $0xb8;
	[tilespmem:$0x19D80] =	vst v63  }
0x6e: {  	s11 =	simm.s32 $0x9180  }
0x6f: {  	[tilespmem:s11], [sflag:$0x1] =	stream.indirect_vreg.gather [hbm4b:s13+s1], $0x80, v3, vm1, $0xb8;
	[tilespmem:$0x19D80] =	vst v63  }
0x70: {  	v3 =	vld [tilespmem:$0x2010];
	_ =	sdelay $0x4  }
0x71: {  	v61 =	vshrl.u32 v3, $0x3  }
0x72: {  	v4 =	vmul.u32 $0x18, v61  }
0x73: {  	v3 =	vand.u32 $0x7, v3  }
0x74: {  	v3 =	vor.u32 v3, v4  }
0x75: {  	v4 =	vperm.xlane v3, v0;
	_ =	sdelay $0x1  }
0x76: {  	v4 =	vadd.s32 v1, v4;
	_ =	sdelay $0x1  }
0x77: {  	v3 =	vperm.xlane v3, v2;
	_ =	sdelay $0x1  }
0x78: {  	s12 =	simm.s32 $0x9580;
	v3 =	vadd.s32 v1, v3  }
0x79: {  	[tilespmem:s12], [sflag:$0x1] =	stream.indirect_vreg.gather [hbm4b:s7+s1], $0x80, v4, vm0, $0xb8;
	[tilespmem:$0x19D80] =	vst v63  }
0x7a: {  	s14 =	simm.s32 $0x9D80  }
0x7b: {  	[tilespmem:s14], [sflag:$0x1] =	stream.indirect_vreg.gather [hbm4b:s13+s1], $0x80, v4, vm1, $0xb8;
	[tilespmem:$0x19D80] =	vst v63  }
0x7c: {  	s16 =	simm.s32 $0xA180  }
0x7d: {  	[tilespmem:s16], [sflag:$0x1] =	stream.indirect_vreg.gather [hbm4b:s7+s1], $0x80, v3, vm0, $0xb8;
	[tilespmem:$0x19D80] =	vst v63  }
0x7e: {  	s17 =	simm.s32 $0xA980  }
0x7f: {  	[tilespmem:s17], [sflag:$0x1] =	stream.indirect_vreg.gather [hbm4b:s13+s1], $0x80, v3, vm1, $0xb8;
	[tilespmem:$0x19D80] =	vst v63  }
0x80: {  	v3 =	vld [tilespmem:$0x3000];
	_ =	sdelay $0x4  }
0x81: {  	v62 =	vshrl.u32 v3, $0x3  }
0x82: {  	v4 =	vmul.u32 $0x18, v62  }
0x83: {  	v3 =	vand.u32 $0x7, v3  }
0x84: {  	v3 =	vor.u32 v3, v4  }
0x85: {  	v4 =	vperm.xlane v3, v0;
	_ =	sdelay $0x1  }
0x86: {  	v4 =	vadd.s32 v1, v4;
	_ =	sdelay $0x1  }
0x87: {  	v3 =	vperm.xlane v3, v2;
	_ =	sdelay $0x1  }
0x88: {  	s18 =	simm.s32 $0xAD80;
	v3 =	vadd.s32 v1, v3  }
0x89: {  	[tilespmem:s18], [sflag:$0x1] =	stream.indirect_vreg.gather [hbm4b:s7+s1], $0x80, v4, vm0, $0xb8;
	[tilespmem:$0x19D80] =	vst v63  }
0x8a: {  	s19 =	simm.s32 $0xB580  }
0x8b: {  	[tilespmem:s19], [sflag:$0x1] =	stream.indirect_vreg.gather [hbm4b:s13+s1], $0x80, v4, vm1, $0xb8;
	[tilespmem:$0x19D80] =	vst v63  }
0x8c: {  	s20 =	simm.s32 $0xB980  }
0x8d: {  	[tilespmem:s20], [sflag:$0x1] =	stream.indirect_vreg.gather [hbm4b:s7+s1], $0x80, v3, vm0, $0xb8;
	[tilespmem:$0x19D80] =	vst v63  }
0x8e: {  	s22 =	simm.s32 $0xC180  }
0x8f: {  	[tilespmem:s22], [sflag:$0x1] =	stream.indirect_vreg.gather [hbm4b:s13+s1], $0x80, v3, vm1, $0xb8;
	[tilespmem:$0x19D80] =	vst v63  }
0x90: {  	v3 =	vld [tilespmem:$0x3010];
	_ =	sdelay $0x4  }
0x91: {  	v63 =	vshrl.u32 v3, $0x3  }
0x92: {  	v4 =	vmul.u32 $0x18, v63  }
0x93: {  	v3 =	vand.u32 $0x7, v3  }
0x94: {  	v3 =	vor.u32 v3, v4  }
0x95: {  	v4 =	vperm.xlane v3, v0;
	_ =	sdelay $0x1  }
0x96: {  	v4 =	vadd.s32 v1, v4;
	_ =	sdelay $0x1  }
0x97: {  	v3 =	vperm.xlane v3, v2;
	_ =	sdelay $0x1  }
0x98: {  	s23 =	simm.s32 $0xC580;
	s24 =	simm.s32 $0xCD80;
	v3 =	vadd.s32 v1, v3  }
0x99: {  	[tilespmem:s23], [sflag:$0x1] =	stream.indirect_vreg.gather [hbm4b:s7+s1], $0x80, v4, vm0, $0xb8;
	[tilespmem:$0x19D80] =	vst v63  }
0x9a: {  	s25 =	simm.s32 $0xD180;
	s26 =	simm.s32 $0xD980;
	s9 =	simm.s32 $0x44A0  }
0x9b: {  	[tilespmem:s24], [sflag:$0x1] =	stream.indirect_vreg.gather [hbm4b:s13+s1], $0x80, v4, vm1, $0xb8;
	[tilespmem:$0x19D80] =	vst v63  }
0x9c: {  	s10 =	simm.s32 $0x4920;
	s11 =	simm.s32 $0x0;
	s16 =	simm.s32 $0x4900  }
0x9d: {  	[tilespmem:s25], [sflag:$0x1] =	stream.indirect_vreg.gather [hbm4b:s7+s1], $0x80, v3, vm0, $0xb8;
	[tilespmem:$0x19D80] =	vst v63  }
0x9e: {  	s17 =	simm.s32 $0x4480;
	s20 =	simm.s32 $0x4020;
	s22 =	simm.s32 $0x4000  }
0x9f: {  	[tilespmem:s26], [sflag:$0x1] =	stream.indirect_vreg.gather [hbm4b:s13+s1], $0x80, v3, vm1, $0xb8;
	[tilespmem:$0x19D80] =	vst v63  }
.LBB2_6:
0xa0: {  	s12 =	sshllo.u32 s11, $0x1  }
0xa1: {  	s0 =	sshll.u32 s12, $0x7  }
0xa2: {  	v3 =	vld [tilespmem:s0+$0x1000];
	_ =	sdelay $0x4  }
0xa3: {  	v4 =	vshrl.u32 v3, $0x3  }
0xa4: {  	v4 =	vmul.u32 $0x18, v4  }
0xa5: {  	v3 =	vand.u32 $0x7, v3  }
0xa6: {  	v3 =	vor.u32 v3, v4  }
0xa7: {  	v4 =	vperm.xlane v3, v0;
	_ =	sdelay $0x1  }
0xa8: {  	v4 =	vadd.s32 v1, v4;
	_ =	sdelay $0x1  }
0xa9: {  	v3 =	vperm.xlane v3, v2;
	_ =	sdelay $0x1  }
0xaa: {  	s14 =	simm.s32 $0xDD80;
	v3 =	vadd.s32 v1, v3  }
0xab: {  	[tilespmem:s14], [sflag:$0x2] =	stream.indirect_vreg.gather [hbm4b:s7+s1], $0x80, v4, vm0, $0xb8;
	[tilespmem:$0x19D80] =	vst v63  }
0xac: {  	s23 =	simm.s32 $0xE580  }
0xad: {  	[tilespmem:s23], [sflag:$0x2] =	stream.indirect_vreg.gather [hbm4b:s13+s1], $0x80, v4, vm1, $0xb8;
	[tilespmem:$0x19D80] =	vst v63  }
0xae: {  	s24 =	simm.s32 $0xE980  }
0xaf: {  	[tilespmem:s24], [sflag:$0x2] =	stream.indirect_vreg.gather [hbm4b:s7+s1], $0x80, v3, vm0, $0xb8;
	[tilespmem:$0x19D80] =	vst v63  }
0xb0: {  	s25 =	simm.s32 $0xF180  }
0xb1: {  	[tilespmem:s25], [sflag:$0x2] =	stream.indirect_vreg.gather [hbm4b:s13+s1], $0x80, v3, vm1, $0xb8;
	[tilespmem:$0x19D80] =	vst v63  }
0xb2: {  	v3 =	vld [tilespmem:s0+$0x1010];
	_ =	sdelay $0x4  }
0xb3: {  	v59 =	vshrl.u32 v3, $0x3  }
0xb4: {  	v4 =	vmul.u32 $0x18, v59  }
0xb5: {  	v3 =	vand.u32 $0x7, v3  }
0xb6: {  	v3 =	vor.u32 v3, v4  }
0xb7: {  	v4 =	vperm.xlane v3, v0;
	_ =	sdelay $0x1  }
0xb8: {  	v4 =	vadd.s32 v1, v4;
	_ =	sdelay $0x1  }
0xb9: {  	v3 =	vperm.xlane v3, v2;
	_ =	sdelay $0x1  }
0xba: {  	s26 =	simm.s32 $0xF580;
	v3 =	vadd.s32 v1, v3  }
0xbb: {  	[tilespmem:s26], [sflag:$0x2] =	stream.indirect_vreg.gather [hbm4b:s7+s1], $0x80, v4, vm0, $0xb8;
	[tilespmem:$0x19D80] =	vst v63  }
0xbc: {  	s18 =	simm.s32 $0xFD80  }
0xbd: {  	[tilespmem:s18], [sflag:$0x2] =	stream.indirect_vreg.gather [hbm4b:s13+s1], $0x80, v4, vm1, $0xb8;
	[tilespmem:$0x19D80] =	vst v63  }
0xbe: {  	s19 =	simm.s32 $0x10180  }
0xbf: {  	[tilespmem:s19], [sflag:$0x2] =	stream.indirect_vreg.gather [hbm4b:s7+s1], $0x80, v3, vm0, $0xb8;
	[tilespmem:$0x19D80] =	vst v63  }
0xc0: {  	s23 =	simm.s32 $0x10980  }
0xc1: {  	[tilespmem:s23], [sflag:$0x2] =	stream.indirect_vreg.gather [hbm4b:s13+s1], $0x80, v3, vm1, $0xb8;
	[tilespmem:$0x19D80] =	vst v63  }
0xc2: {  	v3 =	vld [tilespmem:s0+$0x2000];
	_ =	sdelay $0x4  }
0xc3: {  	v60 =	vshrl.u32 v3, $0x3  }
0xc4: {  	v4 =	vmul.u32 $0x18, v60  }
0xc5: {  	v3 =	vand.u32 $0x7, v3  }
0xc6: {  	v3 =	vor.u32 v3, v4  }
0xc7: {  	v4 =	vperm.xlane v3, v0;
	_ =	sdelay $0x1  }
0xc8: {  	v4 =	vadd.s32 v1, v4;
	_ =	sdelay $0x1  }
0xc9: {  	v3 =	vperm.xlane v3, v2;
	_ =	sdelay $0x1  }
0xca: {  	s24 =	simm.s32 $0x10D80;
	v3 =	vadd.s32 v1, v3  }
0xcb: {  	[tilespmem:s24], [sflag:$0x2] =	stream.indirect_vreg.gather [hbm4b:s7+s1], $0x80, v4, vm0, $0xb8;
	[tilespmem:$0x19D80] =	vst v63  }
0xcc: {  	s25 =	simm.s32 $0x11580  }
0xcd: {  	[tilespmem:s25], [sflag:$0x2] =	stream.indirect_vreg.gather [hbm4b:s13+s1], $0x80, v4, vm1, $0xb8;
	[tilespmem:$0x19D80] =	vst v63  }
0xce: {  	s26 =	simm.s32 $0x11980  }
0xcf: {  	[tilespmem:s26], [sflag:$0x2] =	stream.indirect_vreg.gather [hbm4b:s7+s1], $0x80, v3, vm0, $0xb8;
	[tilespmem:$0x19D80] =	vst v63  }
0xd0: {  	s18 =	simm.s32 $0x12180  }
0xd1: {  	[tilespmem:s18], [sflag:$0x2] =	stream.indirect_vreg.gather [hbm4b:s13+s1], $0x80, v3, vm1, $0xb8;
	[tilespmem:$0x19D80] =	vst v63  }
0xd2: {  	v3 =	vld [tilespmem:s0+$0x2010];
	_ =	sdelay $0x4  }
0xd3: {  	v61 =	vshrl.u32 v3, $0x3  }
0xd4: {  	v4 =	vmul.u32 $0x18, v61  }
0xd5: {  	v3 =	vand.u32 $0x7, v3  }
0xd6: {  	v3 =	vor.u32 v3, v4  }
0xd7: {  	v4 =	vperm.xlane v3, v0;
	_ =	sdelay $0x1  }
0xd8: {  	v4 =	vadd.s32 v1, v4;
	_ =	sdelay $0x1  }
0xd9: {  	v3 =	vperm.xlane v3, v2;
	_ =	sdelay $0x1  }
0xda: {  	s19 =	simm.s32 $0x12580;
	v3 =	vadd.s32 v1, v3  }
0xdb: {  	[tilespmem:s19], [sflag:$0x2] =	stream.indirect_vreg.gather [hbm4b:s7+s1], $0x80, v4, vm0, $0xb8;
	[tilespmem:$0x19D80] =	vst v63  }
0xdc: {  	s23 =	simm.s32 $0x12D80  }
0xdd: {  	[tilespmem:s23], [sflag:$0x2] =	stream.indirect_vreg.gather [hbm4b:s13+s1], $0x80, v4, vm1, $0xb8;
	[tilespmem:$0x19D80] =	vst v63  }
0xde: {  	s24 =	simm.s32 $0x13180  }
0xdf: {  	[tilespmem:s24], [sflag:$0x2] =	stream.indirect_vreg.gather [hbm4b:s7+s1], $0x80, v3, vm0, $0xb8;
	[tilespmem:$0x19D80] =	vst v63  }
0xe0: {  	s25 =	simm.s32 $0x13980  }
0xe1: {  	[tilespmem:s25], [sflag:$0x2] =	stream.indirect_vreg.gather [hbm4b:s13+s1], $0x80, v3, vm1, $0xb8;
	[tilespmem:$0x19D80] =	vst v63  }
0xe2: {  	v3 =	vld [tilespmem:s0+$0x3000];
	_ =	sdelay $0x4  }
0xe3: {  	v62 =	vshrl.u32 v3, $0x3  }
0xe4: {  	v4 =	vmul.u32 $0x18, v62  }
0xe5: {  	v3 =	vand.u32 $0x7, v3  }
0xe6: {  	v3 =	vor.u32 v3, v4  }
0xe7: {  	v4 =	vperm.xlane v3, v0;
	_ =	sdelay $0x1  }
0xe8: {  	v4 =	vadd.s32 v1, v4;
	_ =	sdelay $0x1  }
0xe9: {  	v3 =	vperm.xlane v3, v2;
	_ =	sdelay $0x1  }
0xea: {  	s26 =	simm.s32 $0x13D80;
	v3 =	vadd.s32 v1, v3  }
0xeb: {  	[tilespmem:s26], [sflag:$0x2] =	stream.indirect_vreg.gather [hbm4b:s7+s1], $0x80, v4, vm0, $0xb8;
	[tilespmem:$0x19D80] =	vst v63  }
0xec: {  	s18 =	simm.s32 $0x14580  }
0xed: {  	[tilespmem:s18], [sflag:$0x2] =	stream.indirect_vreg.gather [hbm4b:s13+s1], $0x80, v4, vm1, $0xb8;
	[tilespmem:$0x19D80] =	vst v63  }
0xee: {  	s19 =	simm.s32 $0x14980  }
0xef: {  	[tilespmem:s19], [sflag:$0x2] =	stream.indirect_vreg.gather [hbm4b:s7+s1], $0x80, v3, vm0, $0xb8;
	[tilespmem:$0x19D80] =	vst v63  }
0xf0: {  	s23 =	simm.s32 $0x15180  }
0xf1: {  	[tilespmem:s23], [sflag:$0x2] =	stream.indirect_vreg.gather [hbm4b:s13+s1], $0x80, v3, vm1, $0xb8;
	[tilespmem:$0x19D80] =	vst v63  }
0xf2: {  	v3 =	vld [tilespmem:s0+$0x3010];
	_ =	sdelay $0x4  }
0xf3: {  	v63 =	vshrl.u32 v3, $0x3  }
0xf4: {  	v4 =	vmul.u32 $0x18, v63  }
0xf5: {  	v3 =	vand.u32 $0x7, v3  }
0xf6: {  	v3 =	vor.u32 v3, v4  }
0xf7: {  	v4 =	vperm.xlane v3, v0;
	_ =	sdelay $0x1  }
0xf8: {  	v4 =	vadd.s32 v1, v4;
	_ =	sdelay $0x1  }
0xf9: {  	v3 =	vperm.xlane v3, v2;
	_ =	sdelay $0x1  }
0xfa: {  	s24 =	simm.s32 $0x15580;
	v3 =	vadd.s32 v1, v3  }
0xfb: {  	[tilespmem:s24], [sflag:$0x2] =	stream.indirect_vreg.gather [hbm4b:s7+s1], $0x80, v4, vm0, $0xb8;
	[tilespmem:$0x19D80] =	vst v63  }
0xfc: {  	s25 =	simm.s32 $0x15D80  }
0xfd: {  	[tilespmem:s25], [sflag:$0x2] =	stream.indirect_vreg.gather [hbm4b:s13+s1], $0x80, v4, vm1, $0xb8;
	[tilespmem:$0x19D80] =	vst v63  }
0xfe: {  	s26 =	simm.s32 $0x16180  }
0xff: {  	[tilespmem:s26], [sflag:$0x2] =	stream.indirect_vreg.gather [hbm4b:s7+s1], $0x80, v3, vm0, $0xb8;
	[tilespmem:$0x19D80] =	vst v63  }
0x100: {  	_ = 	snop  }
0x101: {  	[tilespmem:s28], [sflag:$0x2] =	stream.indirect_vreg.gather [hbm4b:s13+s1], $0x80, v3, vm1, $0xb8;
	[tilespmem:$0x19D80] =	vst v63  }
0x102: {  	_ =	swait.ge [sflag:s29], $0x3000  }
0x103: {  	[sflag:s29] =	ssyncset.done $0x0  }
0x104: {  	[sflag:s29] =	ssyncadd.s32 $0xFFFFD000  }
0x105: {  	_ =	swait.ge [sflag:s29], $0x3000  }
0x106: {  	[sflag:s29] =	ssyncset.done $0x0  }
0x107: {  	[sflag:s29] =	ssyncadd.s32 $0xFFFFD000  }
0x108: {  	s14 =	sshll.u32 s11, $0x6;
	s18 =	smov.u32 s17;
	_ =	swait.ge [sflag:s29], $0x3000  }
0x109: {  	s19 =	smov.u32 s16;
	s23 =	simm.s32 $0x0;
	[sflag:s29] =	ssyncset.done $0x0  }
0x10a: {  	s0 =	smov.u32 s22;
	s24 =	simm.s32 $0x0;
	[sflag:s29] =	ssyncadd.s32 $0xFFFFD000  }
.LBB2_7:
0x10b: {  	s25 =	sshrl.u32 s24, $0x3  }
0x10c: {  	v5 =	vld.msk [tilespmem:s0+$0x0 ss:$0x0], $0xffff;
	s25 =	smul.u32 $0xC00, s25  }
0x10d: {  	v4 =	vld.msk [tilespmem:s18+$0x0 ss:$0x0], $0xffff;
	s26 =	sand.u32 $0x380, s23  }
0x10e: {  	v3 =	vld.msk [tilespmem:s19+$0x0 ss:$0x0], $0xffff;
	s25 =	sor.u32 s26, s25  }
0x10f: {  	v6 =	vld [tilespmem:s25+$0x4D80]  }
0x110: {  	v7 =	vld [tilespmem:s25+$0x7D80]  }
0x111: {  	v8 =	vld [tilespmem:s25+$0xAD80]  }
0x112: {  	v9 =	vld [tilespmem:s25+$0x4D90]  }
0x113: {  	v10 =	vld [tilespmem:s25+$0x7D90]  }
0x114: {  	v11 =	vld [tilespmem:s25+$0xAD90]  }
0x115: {  	v12 =	vld [tilespmem:s25+$0x4DA0]  }
0x116: {  	v13 =	vld [tilespmem:s25+$0x7DA0]  }
0x117: {  	v14 =	vld [tilespmem:s25+$0xADA0]  }
0x118: {  	v15 =	vld [tilespmem:s25+$0x4DB0]  }
0x119: {  	v16 =	vld [tilespmem:s25+$0x7DB0]  }
0x11a: {  	v17 =	vld [tilespmem:s25+$0xADB0]  }
0x11b: {  	v18 =	vld [tilespmem:s25+$0x4DC0]  }
0x11c: {  	v19 =	vld [tilespmem:s25+$0x7DC0]  }
0x11d: {  	v20 =	vld [tilespmem:s25+$0xADC0]  }
0x11e: {  	v21 =	vld [tilespmem:s25+$0x4DD0]  }
0x11f: {  	v22 =	vld [tilespmem:s25+$0x7DD0]  }
0x120: {  	v23 =	vld [tilespmem:s25+$0xADD0]  }
0x121: {  	v24 =	vld [tilespmem:s25+$0x4DE0]  }
0x122: {  	v25 =	vld [tilespmem:s25+$0x7DE0]  }
0x123: {  	v26 =	vld [tilespmem:s25+$0xADE0]  }
0x124: {  	v27 =	vld [tilespmem:s25+$0x4DF0]  }
0x125: {  	v28 =	vld [tilespmem:s25+$0x7DF0]  }
0x126: {  	v29 =	vld [tilespmem:s25+$0xADF0]  }
0x127: {  	v30 =	vld [tilespmem:s25+$0x5180]  }
0x128: {  	v31 =	vld [tilespmem:s25+$0x8180]  }
0x129: {  	v32 =	vld [tilespmem:s25+$0xB180]  }
0x12a: {  	v33 =	vld [tilespmem:s25+$0x5190]  }
0x12b: {  	v34 =	vld [tilespmem:s25+$0x8190]  }
0x12c: {  	v35 =	vld [tilespmem:s25+$0xB190]  }
0x12d: {  	v36 =	vld [tilespmem:s25+$0x51A0];
	v6 =	vmul.f32 v6, v5;
	v7 =	vmul.f32 v7, v4  }
0x12e: {  	v37 =	vld [tilespmem:s25+$0x81A0];
	v8 =	vmul.f32 v8, v3;
	v9 =	vmul.f32 v9, v5  }
0x12f: {  	v38 =	vld [tilespmem:s25+$0xB1A0];
	v10 =	vmul.f32 v10, v4;
	v42 =	vmul.f32 v12, v5  }
0x130: {  	v39 =	vld [tilespmem:s25+$0x51B0];
	v43 =	vmul.f32 v13, v4;
	v44 =	vmul.f32 v11, v3  }
0x131: {  	v40 =	vld [tilespmem:s25+$0x81B0];
	v45 =	vmul.f32 v14, v3;
	v46 =	vmul.f32 v15, v5  }
0x132: {  	v13 =	vld [tilespmem:s25+$0xB1B0];
	v47 =	vmul.f32 v16, v4;
	v48 =	vmul.f32 v18, v5  }
0x133: {  	v11 =	vld [tilespmem:s25+$0x51C0];
	v49 =	vmul.f32 v19, v4;
	v50 =	vmul.f32 v17, v3  }
0x134: {  	v12 =	vld [tilespmem:s25+$0x81C0];
	v51 =	vmul.f32 v20, v3;
	v52 =	vmul.f32 v21, v5  }
0x135: {  	v15 =	vld [tilespmem:s25+$0xB1C0];
	v53 =	vmul.f32 v22, v4;
	v54 =	vmul.f32 v23, v3  }
0x136: {  	v18 =	vld [tilespmem:s25+$0x51D0];
	v55 =	vmul.f32 v24, v5;
	v56 =	vmul.f32 v25, v4  }
0x137: {  	v19 =	vld [tilespmem:s25+$0x81D0];
	v57 =	vmul.f32 v26, v3;
	v58 =	vmul.f32 v27, v5  }
0x138: {  	v21 =	vld [tilespmem:s25+$0xB1D0];
	v59 =	vmul.f32 v28, v4;
	v60 =	vmul.f32 v30, v5;
	v6 =	vadd.f32 v7, v6  }
0x139: {  	v23 =	vld [tilespmem:s25+$0x51E0];
	v61 =	vmul.f32 v31, v4;
	v9 =	vadd.f32 v10, v9;
	v7 =	vadd.f32 v43, v42  }
0x13a: {  	v25 =	vld [tilespmem:s25+$0x81E0];
	v63 =	vmul.f32 v29, v3;
	v10 =	vadd.f32 v47, v46;
	v16 =	vadd.f32 v53, v52  }
0x13b: {  	v27 =	vld [tilespmem:s25+$0xB1E0];
	v41 =	vmul.f32 v32, v3;
	v17 =	vadd.f32 v56, v55;
	v62 =	vadd.f32 v59, v58  }
0x13c: {  	v30 =	vld [tilespmem:s25+$0x51F0];
	v22 =	vadd.f32 v61, v60;
	v42 =	vmul.f32 v33, v5;
	v43 =	vmul.f32 v34, v4  }
0x13d: {  	v26 =	vld [tilespmem:s25+$0x81F0];
	v46 =	vmul.f32 v37, v4;
	v52 =	vmul.f32 v39, v5;
	v6 =	vadd.f32 v8, v6  }
0x13e: {  	v28 =	vld [tilespmem:s25+$0xB1F0];
	v53 =	vmul.f32 v40, v4;
	v9 =	vadd.f32 v44, v9;
	v7 =	vadd.f32 v45, v7  }
0x13f: {  	v47 =	vld [tilespmem:s25+$0x8580];
	v8 =	vadd.f32 v49, v48;
	v10 =	vadd.f32 v50, v10;
	v45 =	vmul.f32 v36, v5  }
0x140: {  	v56 =	vld [tilespmem:s25+$0x8590];
	v14 =	vadd.f32 v54, v16;
	v48 =	vmul.f32 v35, v3;
	v49 =	vmul.f32 v38, v3  }
0x141: {  	v59 =	vld [tilespmem:s25+$0xB590];
	v17 =	vadd.f32 v57, v17;
	v13 =	vmul.f32 v13, v3;
	v11 =	vmul.f32 v11, v5  }
0x142: {  	v61 =	vld [tilespmem:s25+$0x55A0];
	v16 =	vadd.f32 v63, v62;
	v57 =	vmul.f32 v12, v4;
	v58 =	vmul.f32 v15, v3;
	[tilespmem:s25+$0x16D80] =	vst v6  }
0x143: {  	v34 =	vld [tilespmem:s25+$0xB5A0];
	v22 =	vadd.f32 v41, v22;
	v18 =	vmul.f32 v18, v5;
	v19 =	vmul.f32 v19, v4;
	[tilespmem:s25+$0x16D90] =	vst v9  }
0x144: {  	v44 =	vld [tilespmem:s25+$0x5580];
	v20 =	vadd.f32 v43, v42;
	v62 =	vmul.f32 v23, v5;
	v63 =	vmul.f32 v25, v4;
	[tilespmem:s25+$0x16DA0] =	vst v7  }
0x145: {  	v50 =	vld [tilespmem:s25+$0xB580];
	v60 =	vadd.f32 v53, v52;
	v32 =	vmul.f32 v21, v3;
	v37 =	vmul.f32 v27, v3;
	[tilespmem:s25+$0x16DB0] =	vst v10  }
0x146: {  	v54 =	vld [tilespmem:s25+$0x5590];
	v39 =	vmul.f32 v30, v5;
	v8 =	vadd.f32 v51, v8;
	v51 =	vadd.f32 v46, v45;
	[tilespmem:s25+$0x16DD0] =	vst v14  }
0x147: {  	v38 =	vld [tilespmem:s25+$0x55B0];
	v40 =	vmul.f32 v26, v4;
	v55 =	vadd.f32 v48, v20;
	[tilespmem:s25+$0x16DE0] =	vst v17;
	v7 =	vadd.f32 v57, v11  }
0x148: {  	v41 =	vld [tilespmem:s25+$0x55C0];
	[tilespmem:s25+$0x16DF0] =	vst v16;
	v46 =	vmul.f32 v28, v3;
	v10 =	vadd.f32 v13, v60;
	v29 =	vadd.f32 v19, v18  }
0x149: {  	v25 =	vld [tilespmem:s25+$0x85A0];
	[tilespmem:s25+$0x17180] =	vst v22;
	v43 =	vmul.f32 v47, v4;
	v45 =	vadd.f32 v40, v39;
	v53 =	vmul.f32 v61, v5  }
0x14a: {  	v6 =	vadd.f32 v49, v51;
	[tilespmem:s25+$0x16DC0] =	vst v8;
	v8 =	vadd.f32 v63, v62;
	v42 =	vmul.f32 v44, v5;
	v44 =	vld [tilespmem:s25+$0x85B0]  }
0x14b: {  	v48 =	vld [tilespmem:s25+$0x85C0];
	[tilespmem:s25+$0x17190] =	vst v55;
	v51 =	vmul.f32 v56, v4;
	v56 =	vmul.f32 v59, v3;
	v7 =	vadd.f32 v58, v7  }
0x14c: {  	v52 =	vld [tilespmem:s25+$0xB5B0];
	v13 =	vadd.f32 v32, v29;
	v47 =	vmul.f32 v50, v3;
	v50 =	vmul.f32 v54, v5;
	[tilespmem:s25+$0x171B0] =	vst v10  }
0x14d: {  	v9 =	vadd.f32 v46, v45;
	v12 =	vmul.f32 v38, v5;
	v54 =	vld [tilespmem:s25+$0xB5C0];
	v5 =	vmul.f32 v41, v5;
	[tilespmem:s25+$0x171A0] =	vst v6  }
0x14e: {  	v58 =	vmul.f32 v34, v3;
	v55 =	vmul.f32 v25, v4;
	v49 =	vadd.f32 v43, v42;
	[tilespmem:s25+$0x171C0] =	vst v7  }
0x14f: {  	v8 =	vadd.f32 v37, v8;
	[tilespmem:s25+$0x171D0] =	vst v13;
	v11 =	vadd.f32 v51, v50;
	v57 =	vmul.f32 v44, v4  }
0x150: {  	[tilespmem:s25+$0x171F0] =	vst v9;
	v7 =	vadd.f32 v55, v53;
	v6 =	vadd.f32 v47, v49;
	v4 =	vmul.f32 v48, v4  }
0x151: {  	p0 =	sne.s32 s24, $0x1F;
	v61 =	vmul.f32 v52, v3;
	[tilespmem:s25+$0x171E0] =	vst v8;
	v59 =	vadd.f32 v56, v11;
	v60 =	vadd.f32 v57, v12  }
.Ltmp2:
0x152: {  	v62 =	vadd.f32 v58, v7;
	v3 =	vmul.f32 v54, v3;
	[tilespmem:s25+$0x17580] =	vst v6;
	v4 =	vadd.f32 v4, v5;
	(pc) =	sbr.rel @p0 .LBB2_7-.Ltmp2, $4  }
0x153: {  	[tilespmem:s25+$0x17590] =	vst v59;
	v63 =	vadd.f32 v61, v60  }
0x154: {  	[tilespmem:s25+$0x175A0] =	vst v62;
	v3 =	vadd.f32 v3, v4  }
0x155: {  	s23 =	sadd.s32 $0x80, s23;
	s0 =	sadd.s32 $0x1, s0;
	[tilespmem:s25+$0x175B0] =	vst v63  }
0x156: {  	s18 =	sadd.s32 $0x1, s18;
	s19 =	sadd.s32 $0x1, s19;
	s24 =	sadd.s32 $0x1, s24;
	[tilespmem:s25+$0x175C0] =	vst v3  }
0x157: {  	s0 =	sadd.s32 s3, s14  }
0x158: {  	s0 =	sshrl.u32 s0, $0x3  }
0x159: {  	s0 =	smul.u32 $0x180, s0  }
0x15a: {  	p0 =	seq.s32 s11, $0xF  }
.Ltmp3:
0x15b: {  	s0 =	sadd.s32 s8, s0;
	(pc) =	sbr.rel @p0 .LBB2_10-.Ltmp3, $4  }
0x15c: {  	[hbm4b:s0+s2] =	stream.linear.scatter [tilespmem:s30], [sflag:$0x4], $0x3000, $0x38;
	[tilespmem:$0x19D80] =	vst v63  }
0x15d: {  	_ =	swait.ge [sflag:s15], $0x3000  }
0x15e: {  	[sflag:s15] =	ssyncset.done $0x0  }
0x15f: {  	[sflag:s15] =	ssyncadd.s32 $0xFFFFD000  }
0x160: {  	s0 =	sshll.u32 s11, $0x8  }
0x161: {  	v3 =	vld [tilespmem:s0+$0x1100];
	_ =	sdelay $0x4  }
0x162: {  	v4 =	vshrl.u32 v3, $0x3  }
0x163: {  	v4 =	vmul.u32 $0x18, v4  }
0x164: {  	v3 =	vand.u32 $0x7, v3  }
0x165: {  	v3 =	vor.u32 v3, v4  }
0x166: {  	v4 =	vperm.xlane v3, v0;
	_ =	sdelay $0x1  }
0x167: {  	v4 =	vadd.s32 v1, v4;
	_ =	sdelay $0x1  }
0x168: {  	v3 =	vperm.xlane v3, v2;
	_ =	sdelay $0x1  }
0x169: {  	s14 =	simm.s32 $0x4D80;
	v3 =	vadd.s32 v1, v3  }
0x16a: {  	[tilespmem:s14], [sflag:$0x1] =	stream.indirect_vreg.gather [hbm4b:s7+s2], $0x80, v4, vm0, $0xb8;
	[tilespmem:$0x19D80] =	vst v63  }
0x16b: {  	s19 =	simm.s32 $0x5580  }
0x16c: {  	[tilespmem:s19], [sflag:$0x1] =	stream.indirect_vreg.gather [hbm4b:s13+s2], $0x80, v4, vm1, $0xb8;
	[tilespmem:$0x19D80] =	vst v63  }
0x16d: {  	s23 =	simm.s32 $0x5980  }
0x16e: {  	[tilespmem:s23], [sflag:$0x1] =	stream.indirect_vreg.gather [hbm4b:s7+s2], $0x80, v3, vm0, $0xb8;
	[tilespmem:$0x19D80] =	vst v63  }
0x16f: {  	s24 =	simm.s32 $0x6180  }
0x170: {  	[tilespmem:s24], [sflag:$0x1] =	stream.indirect_vreg.gather [hbm4b:s13+s2], $0x80, v3, vm1, $0xb8;
	[tilespmem:$0x19D80] =	vst v63  }
0x171: {  	v3 =	vld [tilespmem:s0+$0x1110];
	_ =	sdelay $0x4  }
0x172: {  	v59 =	vshrl.u32 v3, $0x3  }
0x173: {  	v4 =	vmul.u32 $0x18, v59  }
0x174: {  	v3 =	vand.u32 $0x7, v3  }
0x175: {  	v3 =	vor.u32 v3, v4  }
0x176: {  	v4 =	vperm.xlane v3, v0;
	_ =	sdelay $0x1  }
0x177: {  	v4 =	vadd.s32 v1, v4;
	_ =	sdelay $0x1  }
0x178: {  	v3 =	vperm.xlane v3, v2;
	_ =	sdelay $0x1  }
0x179: {  	s25 =	simm.s32 $0x6580;
	v3 =	vadd.s32 v1, v3  }
0x17a: {  	[tilespmem:s25], [sflag:$0x1] =	stream.indirect_vreg.gather [hbm4b:s7+s2], $0x80, v4, vm0, $0xb8;
	[tilespmem:$0x19D80] =	vst v63  }
0x17b: {  	s26 =	simm.s32 $0x6D80  }
0x17c: {  	[tilespmem:s26], [sflag:$0x1] =	stream.indirect_vreg.gather [hbm4b:s13+s2], $0x80, v4, vm1, $0xb8;
	[tilespmem:$0x19D80] =	vst v63  }
0x17d: {  	s18 =	simm.s32 $0x7180  }
0x17e: {  	[tilespmem:s18], [sflag:$0x1] =	stream.indirect_vreg.gather [hbm4b:s7+s2], $0x80, v3, vm0, $0xb8;
	[tilespmem:$0x19D80] =	vst v63  }
0x17f: {  	s19 =	simm.s32 $0x7980  }
0x180: {  	[tilespmem:s19], [sflag:$0x1] =	stream.indirect_vreg.gather [hbm4b:s13+s2], $0x80, v3, vm1, $0xb8;
	[tilespmem:$0x19D80] =	vst v63  }
0x181: {  	v3 =	vld [tilespmem:s0+$0x2100];
	_ =	sdelay $0x4  }
0x182: {  	v60 =	vshrl.u32 v3, $0x3  }
0x183: {  	v4 =	vmul.u32 $0x18, v60  }
0x184: {  	v3 =	vand.u32 $0x7, v3  }
0x185: {  	v3 =	vor.u32 v3, v4  }
0x186: {  	v4 =	vperm.xlane v3, v0;
	_ =	sdelay $0x1  }
0x187: {  	v4 =	vadd.s32 v1, v4;
	_ =	sdelay $0x1  }
0x188: {  	v3 =	vperm.xlane v3, v2;
	_ =	sdelay $0x1  }
0x189: {  	s23 =	simm.s32 $0x7D80;
	v3 =	vadd.s32 v1, v3  }
0x18a: {  	[tilespmem:s23], [sflag:$0x1] =	stream.indirect_vreg.gather [hbm4b:s7+s2], $0x80, v4, vm0, $0xb8;
	[tilespmem:$0x19D80] =	vst v63  }
0x18b: {  	s24 =	simm.s32 $0x8580  }
0x18c: {  	[tilespmem:s24], [sflag:$0x1] =	stream.indirect_vreg.gather [hbm4b:s13+s2], $0x80, v4, vm1, $0xb8;
	[tilespmem:$0x19D80] =	vst v63  }
0x18d: {  	s25 =	simm.s32 $0x8980  }
0x18e: {  	[tilespmem:s25], [sflag:$0x1] =	stream.indirect_vreg.gather [hbm4b:s7+s2], $0x80, v3, vm0, $0xb8;
	[tilespmem:$0x19D80] =	vst v63  }
0x18f: {  	s26 =	simm.s32 $0x9180  }
0x190: {  	[tilespmem:s26], [sflag:$0x1] =	stream.indirect_vreg.gather [hbm4b:s13+s2], $0x80, v3, vm1, $0xb8;
	[tilespmem:$0x19D80] =	vst v63  }
0x191: {  	v3 =	vld [tilespmem:s0+$0x2110];
	_ =	sdelay $0x4  }
0x192: {  	v61 =	vshrl.u32 v3, $0x3  }
0x193: {  	v4 =	vmul.u32 $0x18, v61  }
0x194: {  	v3 =	vand.u32 $0x7, v3  }
0x195: {  	v3 =	vor.u32 v3, v4  }
0x196: {  	v4 =	vperm.xlane v3, v0;
	_ =	sdelay $0x1  }
0x197: {  	v4 =	vadd.s32 v1, v4;
	_ =	sdelay $0x1  }
0x198: {  	v3 =	vperm.xlane v3, v2;
	_ =	sdelay $0x1  }
0x199: {  	s18 =	simm.s32 $0x9580;
	v3 =	vadd.s32 v1, v3  }
0x19a: {  	[tilespmem:s18], [sflag:$0x1] =	stream.indirect_vreg.gather [hbm4b:s7+s2], $0x80, v4, vm0, $0xb8;
	[tilespmem:$0x19D80] =	vst v63  }
0x19b: {  	s19 =	simm.s32 $0x9D80  }
0x19c: {  	[tilespmem:s19], [sflag:$0x1] =	stream.indirect_vreg.gather [hbm4b:s13+s2], $0x80, v4, vm1, $0xb8;
	[tilespmem:$0x19D80] =	vst v63  }
0x19d: {  	s23 =	simm.s32 $0xA180  }
0x19e: {  	[tilespmem:s23], [sflag:$0x1] =	stream.indirect_vreg.gather [hbm4b:s7+s2], $0x80, v3, vm0, $0xb8;
	[tilespmem:$0x19D80] =	vst v63  }
0x19f: {  	s24 =	simm.s32 $0xA980  }
0x1a0: {  	[tilespmem:s24], [sflag:$0x1] =	stream.indirect_vreg.gather [hbm4b:s13+s2], $0x80, v3, vm1, $0xb8;
	[tilespmem:$0x19D80] =	vst v63  }
0x1a1: {  	v3 =	vld [tilespmem:s0+$0x3100];
	_ =	sdelay $0x4  }
0x1a2: {  	v62 =	vshrl.u32 v3, $0x3  }
0x1a3: {  	v4 =	vmul.u32 $0x18, v62  }
0x1a4: {  	v3 =	vand.u32 $0x7, v3  }
0x1a5: {  	v3 =	vor.u32 v3, v4  }
0x1a6: {  	v4 =	vperm.xlane v3, v0;
	_ =	sdelay $0x1  }
0x1a7: {  	v4 =	vadd.s32 v1, v4;
	_ =	sdelay $0x1  }
0x1a8: {  	v3 =	vperm.xlane v3, v2;
	_ =	sdelay $0x1  }
0x1a9: {  	s25 =	simm.s32 $0xAD80;
	v3 =	vadd.s32 v1, v3  }
0x1aa: {  	[tilespmem:s25], [sflag:$0x1] =	stream.indirect_vreg.gather [hbm4b:s7+s2], $0x80, v4, vm0, $0xb8;
	[tilespmem:$0x19D80] =	vst v63  }
0x1ab: {  	s26 =	simm.s32 $0xB580  }
0x1ac: {  	[tilespmem:s26], [sflag:$0x1] =	stream.indirect_vreg.gather [hbm4b:s13+s2], $0x80, v4, vm1, $0xb8;
	[tilespmem:$0x19D80] =	vst v63  }
0x1ad: {  	s18 =	simm.s32 $0xB980  }
0x1ae: {  	[tilespmem:s18], [sflag:$0x1] =	stream.indirect_vreg.gather [hbm4b:s7+s2], $0x80, v3, vm0, $0xb8;
	[tilespmem:$0x19D80] =	vst v63  }
0x1af: {  	s19 =	simm.s32 $0xC180  }
0x1b0: {  	[tilespmem:s19], [sflag:$0x1] =	stream.indirect_vreg.gather [hbm4b:s13+s2], $0x80, v3, vm1, $0xb8;
	[tilespmem:$0x19D80] =	vst v63  }
0x1b1: {  	v3 =	vld [tilespmem:s0+$0x3110];
	_ =	sdelay $0x4  }
0x1b2: {  	v63 =	vshrl.u32 v3, $0x3  }
0x1b3: {  	v4 =	vmul.u32 $0x18, v63  }
0x1b4: {  	v3 =	vand.u32 $0x7, v3  }
0x1b5: {  	v3 =	vor.u32 v3, v4  }
0x1b6: {  	v4 =	vperm.xlane v3, v0;
	_ =	sdelay $0x1  }
0x1b7: {  	v4 =	vadd.s32 v1, v4;
	_ =	sdelay $0x1  }
0x1b8: {  	v3 =	vperm.xlane v3, v2;
	_ =	sdelay $0x1  }
0x1b9: {  	s23 =	simm.s32 $0xC580;
	v3 =	vadd.s32 v1, v3  }
0x1ba: {  	[tilespmem:s23], [sflag:$0x1] =	stream.indirect_vreg.gather [hbm4b:s7+s2], $0x80, v4, vm0, $0xb8;
	[tilespmem:$0x19D80] =	vst v63  }
0x1bb: {  	s24 =	simm.s32 $0xCD80  }
0x1bc: {  	[tilespmem:s24], [sflag:$0x1] =	stream.indirect_vreg.gather [hbm4b:s13+s2], $0x80, v4, vm1, $0xb8;
	[tilespmem:$0x19D80] =	vst v63  }
0x1bd: {  	s25 =	simm.s32 $0xD180  }
0x1be: {  	[tilespmem:s25], [sflag:$0x1] =	stream.indirect_vreg.gather [hbm4b:s7+s2], $0x80, v3, vm0, $0xb8;
	[tilespmem:$0x19D80] =	vst v63  }
0x1bf: {  	s26 =	simm.s32 $0xD980  }
0x1c0: {  	[tilespmem:s26], [sflag:$0x1] =	stream.indirect_vreg.gather [hbm4b:s13+s2], $0x80, v3, vm1, $0xb8;
	[tilespmem:$0x19D80] =	vst v63  }
.LBB2_10:
0x1c1: {  	_ =	swait.ge [sflag:s31], $0x3000  }
0x1c2: {  	[sflag:s31] =	ssyncset.done $0x0  }
0x1c3: {  	[sflag:s31] =	ssyncadd.s32 $0xFFFFD000  }
0x1c4: {  	_ =	swait.ge [sflag:s31], $0x3000  }
0x1c5: {  	[sflag:s31] =	ssyncset.done $0x0  }
0x1c6: {  	[sflag:s31] =	ssyncadd.s32 $0xFFFFD000  }
0x1c7: {  	s12 =	sshll.u32 s12, $0x5;
	s14 =	simm.s32 $0x0;
	_ =	swait.ge [sflag:s31], $0x3000  }
0x1c8: {  	s18 =	smov.u32 s10;
	s0 =	smov.u32 s9;
	[sflag:s31] =	ssyncset.done $0x0  }
0x1c9: {  	s19 =	smov.u32 s20;
	s23 =	simm.s32 $0x0;
	[sflag:s31] =	ssyncadd.s32 $0xFFFFD000  }
.LBB2_11:
0x1ca: {  	s24 =	sshrl.u32 s23, $0x3  }
0x1cb: {  	v5 =	vld.msk [tilespmem:s19+$0x0 ss:$0x0], $0xffff;
	s24 =	smul.u32 $0xC00, s24  }
0x1cc: {  	v4 =	vld.msk [tilespmem:s0+$0x0 ss:$0x0], $0xffff;
	s25 =	sand.u32 $0x380, s14  }
0x1cd: {  	v3 =	vld.msk [tilespmem:s18+$0x0 ss:$0x0], $0xffff;
	s24 =	sor.u32 s25, s24  }
0x1ce: {  	v6 =	vld [tilespmem:s24+$0xDD80]  }
0x1cf: {  	v7 =	vld [tilespmem:s24+$0x10D80]  }
0x1d0: {  	v8 =	vld [tilespmem:s24+$0x13D80]  }
0x1d1: {  	v9 =	vld [tilespmem:s24+$0xDD90]  }
0x1d2: {  	v10 =	vld [tilespmem:s24+$0x10D90]  }
0x1d3: {  	v11 =	vld [tilespmem:s24+$0x13D90]  }
0x1d4: {  	v12 =	vld [tilespmem:s24+$0xDDA0]  }
0x1d5: {  	v13 =	vld [tilespmem:s24+$0x10DA0]  }
0x1d6: {  	v14 =	vld [tilespmem:s24+$0x13DA0]  }
0x1d7: {  	v15 =	vld [tilespmem:s24+$0xDDB0]  }
0x1d8: {  	v16 =	vld [tilespmem:s24+$0x10DB0]  }
0x1d9: {  	v17 =	vld [tilespmem:s24+$0x13DB0]  }
0x1da: {  	v18 =	vld [tilespmem:s24+$0xDDC0]  }
0x1db: {  	v19 =	vld [tilespmem:s24+$0x10DC0]  }
0x1dc: {  	v20 =	vld [tilespmem:s24+$0x13DC0]  }
0x1dd: {  	v21 =	vld [tilespmem:s24+$0xDDD0]  }
0x1de: {  	v22 =	vld [tilespmem:s24+$0x10DD0]  }
0x1df: {  	v23 =	vld [tilespmem:s24+$0x13DD0]  }
0x1e0: {  	v24 =	vld [tilespmem:s24+$0xDDE0]  }
0x1e1: {  	v25 =	vld [tilespmem:s24+$0x10DE0]  }
0x1e2: {  	v26 =	vld [tilespmem:s24+$0x13DE0]  }
0x1e3: {  	v27 =	vld [tilespmem:s24+$0xDDF0]  }
0x1e4: {  	v28 =	vld [tilespmem:s24+$0x10DF0]  }
0x1e5: {  	v29 =	vld [tilespmem:s24+$0x13DF0]  }
0x1e6: {  	v30 =	vld [tilespmem:s24+$0xE180]  }
0x1e7: {  	v31 =	vld [tilespmem:s24+$0x11180]  }
0x1e8: {  	v32 =	vld [tilespmem:s24+$0x14180]  }
0x1e9: {  	v33 =	vld [tilespmem:s24+$0xE190]  }
0x1ea: {  	v34 =	vld [tilespmem:s24+$0x11190]  }
0x1eb: {  	v35 =	vld [tilespmem:s24+$0x14190]  }
0x1ec: {  	v36 =	vld [tilespmem:s24+$0xE1A0];
	v6 =	vmul.f32 v6, v5;
	v7 =	vmul.f32 v7, v4  }
0x1ed: {  	v37 =	vld [tilespmem:s24+$0x111A0];
	v8 =	vmul.f32 v8, v3;
	v9 =	vmul.f32 v9, v5  }
0x1ee: {  	v38 =	vld [tilespmem:s24+$0x141A0];
	v10 =	vmul.f32 v10, v4;
	v42 =	vmul.f32 v12, v5  }
0x1ef: {  	v39 =	vld [tilespmem:s24+$0xE1B0];
	v43 =	vmul.f32 v13, v4;
	v44 =	vmul.f32 v11, v3  }
0x1f0: {  	v40 =	vld [tilespmem:s24+$0x111B0];
	v45 =	vmul.f32 v14, v3;
	v46 =	vmul.f32 v15, v5  }
0x1f1: {  	v13 =	vld [tilespmem:s24+$0x141B0];
	v47 =	vmul.f32 v16, v4;
	v48 =	vmul.f32 v18, v5  }
0x1f2: {  	v11 =	vld [tilespmem:s24+$0xE1C0];
	v49 =	vmul.f32 v19, v4;
	v50 =	vmul.f32 v17, v3  }
0x1f3: {  	v12 =	vld [tilespmem:s24+$0x111C0];
	v51 =	vmul.f32 v20, v3;
	v52 =	vmul.f32 v21, v5  }
0x1f4: {  	v15 =	vld [tilespmem:s24+$0x141C0];
	v53 =	vmul.f32 v22, v4;
	v54 =	vmul.f32 v23, v3  }
0x1f5: {  	v18 =	vld [tilespmem:s24+$0xE1D0];
	v55 =	vmul.f32 v24, v5;
	v56 =	vmul.f32 v25, v4  }
0x1f6: {  	v19 =	vld [tilespmem:s24+$0x111D0];
	v57 =	vmul.f32 v26, v3;
	v58 =	vmul.f32 v27, v5  }
0x1f7: {  	v21 =	vld [tilespmem:s24+$0x141D0];
	v59 =	vmul.f32 v28, v4;
	v60 =	vmul.f32 v30, v5;
	v6 =	vadd.f32 v7, v6  }
0x1f8: {  	v23 =	vld [tilespmem:s24+$0xE1E0];
	v61 =	vmul.f32 v31, v4;
	v9 =	vadd.f32 v10, v9;
	v7 =	vadd.f32 v43, v42  }
0x1f9: {  	v25 =	vld [tilespmem:s24+$0x111E0];
	v63 =	vmul.f32 v29, v3;
	v10 =	vadd.f32 v47, v46;
	v16 =	vadd.f32 v53, v52  }
0x1fa: {  	v27 =	vld [tilespmem:s24+$0x141E0];
	v41 =	vmul.f32 v32, v3;
	v17 =	vadd.f32 v56, v55;
	v62 =	vadd.f32 v59, v58  }
0x1fb: {  	v30 =	vld [tilespmem:s24+$0xE1F0];
	v22 =	vadd.f32 v61, v60;
	v42 =	vmul.f32 v33, v5;
	v43 =	vmul.f32 v34, v4  }
0x1fc: {  	v26 =	vld [tilespmem:s24+$0x111F0];
	v46 =	vmul.f32 v37, v4;
	v52 =	vmul.f32 v39, v5;
	v6 =	vadd.f32 v8, v6  }
0x1fd: {  	v28 =	vld [tilespmem:s24+$0x141F0];
	v53 =	vmul.f32 v40, v4;
	v9 =	vadd.f32 v44, v9;
	v7 =	vadd.f32 v45, v7  }
0x1fe: {  	v47 =	vld [tilespmem:s24+$0x11580];
	v8 =	vadd.f32 v49, v48;
	v10 =	vadd.f32 v50, v10;
	v45 =	vmul.f32 v36, v5  }
0x1ff: {  	v56 =	vld [tilespmem:s24+$0x11590];
	v14 =	vadd.f32 v54, v16;
	v48 =	vmul.f32 v35, v3;
	v49 =	vmul.f32 v38, v3  }
0x200: {  	v59 =	vld [tilespmem:s24+$0x14590];
	v17 =	vadd.f32 v57, v17;
	v13 =	vmul.f32 v13, v3;
	v11 =	vmul.f32 v11, v5  }
0x201: {  	v61 =	vld [tilespmem:s24+$0xE5A0];
	v16 =	vadd.f32 v63, v62;
	v57 =	vmul.f32 v12, v4;
	v58 =	vmul.f32 v15, v3;
	[tilespmem:s24+$0x16D80] =	vst v6  }
0x202: {  	v34 =	vld [tilespmem:s24+$0x145A0];
	v22 =	vadd.f32 v41, v22;
	v18 =	vmul.f32 v18, v5;
	v19 =	vmul.f32 v19, v4;
	[tilespmem:s24+$0x16D90] =	vst v9  }
0x203: {  	v44 =	vld [tilespmem:s24+$0xE580];
	v20 =	vadd.f32 v43, v42;
	v62 =	vmul.f32 v23, v5;
	v63 =	vmul.f32 v25, v4;
	[tilespmem:s24+$0x16DA0] =	vst v7  }
0x204: {  	v50 =	vld [tilespmem:s24+$0x14580];
	v60 =	vadd.f32 v53, v52;
	v32 =	vmul.f32 v21, v3;
	v37 =	vmul.f32 v27, v3;
	[tilespmem:s24+$0x16DB0] =	vst v10  }
0x205: {  	v54 =	vld [tilespmem:s24+$0xE590];
	v39 =	vmul.f32 v30, v5;
	v8 =	vadd.f32 v51, v8;
	v51 =	vadd.f32 v46, v45;
	[tilespmem:s24+$0x16DD0] =	vst v14  }
0x206: {  	v38 =	vld [tilespmem:s24+$0xE5B0];
	v40 =	vmul.f32 v26, v4;
	v55 =	vadd.f32 v48, v20;
	[tilespmem:s24+$0x16DE0] =	vst v17;
	v7 =	vadd.f32 v57, v11  }
0x207: {  	v41 =	vld [tilespmem:s24+$0xE5C0];
	[tilespmem:s24+$0x16DF0] =	vst v16;
	v46 =	vmul.f32 v28, v3;
	v10 =	vadd.f32 v13, v60;
	v29 =	vadd.f32 v19, v18  }
0x208: {  	v25 =	vld [tilespmem:s24+$0x115A0];
	[tilespmem:s24+$0x17180] =	vst v22;
	v43 =	vmul.f32 v47, v4;
	v45 =	vadd.f32 v40, v39;
	v53 =	vmul.f32 v61, v5  }
0x209: {  	v6 =	vadd.f32 v49, v51;
	[tilespmem:s24+$0x16DC0] =	vst v8;
	v8 =	vadd.f32 v63, v62;
	v42 =	vmul.f32 v44, v5;
	v44 =	vld [tilespmem:s24+$0x115B0]  }
0x20a: {  	v48 =	vld [tilespmem:s24+$0x115C0];
	[tilespmem:s24+$0x17190] =	vst v55;
	v51 =	vmul.f32 v56, v4;
	v56 =	vmul.f32 v59, v3;
	v7 =	vadd.f32 v58, v7  }
0x20b: {  	v52 =	vld [tilespmem:s24+$0x145B0];
	v13 =	vadd.f32 v32, v29;
	v47 =	vmul.f32 v50, v3;
	v50 =	vmul.f32 v54, v5;
	[tilespmem:s24+$0x171B0] =	vst v10  }
0x20c: {  	v9 =	vadd.f32 v46, v45;
	v12 =	vmul.f32 v38, v5;
	v54 =	vld [tilespmem:s24+$0x145C0];
	v5 =	vmul.f32 v41, v5;
	[tilespmem:s24+$0x171A0] =	vst v6  }
0x20d: {  	v58 =	vmul.f32 v34, v3;
	v55 =	vmul.f32 v25, v4;
	v49 =	vadd.f32 v43, v42;
	[tilespmem:s24+$0x171C0] =	vst v7  }
0x20e: {  	v8 =	vadd.f32 v37, v8;
	[tilespmem:s24+$0x171D0] =	vst v13;
	v11 =	vadd.f32 v51, v50;
	v57 =	vmul.f32 v44, v4  }
0x20f: {  	[tilespmem:s24+$0x171F0] =	vst v9;
	v7 =	vadd.f32 v55, v53;
	v6 =	vadd.f32 v47, v49;
	v4 =	vmul.f32 v48, v4  }
0x210: {  	p0 =	sne.s32 s23, $0x1F;
	v61 =	vmul.f32 v52, v3;
	[tilespmem:s24+$0x171E0] =	vst v8;
	v59 =	vadd.f32 v56, v11;
	v60 =	vadd.f32 v57, v12  }
.Ltmp4:
0x211: {  	v62 =	vadd.f32 v58, v7;
	v3 =	vmul.f32 v54, v3;
	[tilespmem:s24+$0x17580] =	vst v6;
	v4 =	vadd.f32 v4, v5;
	(pc) =	sbr.rel @p0 .LBB2_11-.Ltmp4, $4  }
0x212: {  	[tilespmem:s24+$0x17590] =	vst v59;
	v63 =	vadd.f32 v61, v60  }
0x213: {  	[tilespmem:s24+$0x175A0] =	vst v62;
	v3 =	vadd.f32 v3, v4  }
0x214: {  	s14 =	sadd.s32 $0x80, s14;
	s19 =	sadd.s32 $0x1, s19;
	[tilespmem:s24+$0x175B0] =	vst v63  }
0x215: {  	s0 =	sadd.s32 $0x1, s0;
	s18 =	sadd.s32 $0x1, s18;
	s23 =	sadd.s32 $0x1, s23;
	[tilespmem:s24+$0x175C0] =	vst v3  }
0x216: {  	s0 =	sadd.s32 s3, s12  }
0x217: {  	s0 =	sshrl.u32 s0, $0x3  }
0x218: {  	s11 =	sadd.s32 $0x1, s11;
	s0 =	smul.u32 $0x180, s0  }
0x219: {  	p0 =	sne.s32 s11, $0x10  }
.Ltmp5:
0x21a: {  	s0 =	sadd.s32 s8, s0;
	(pc) =	sbr.rel @p0 .LBB2_6-.Ltmp5, $4  }
0x21b: {  	[hbm4b:s0+s2] =	stream.linear.scatter [tilespmem:s30], [sflag:$0x4], $0x3000, $0x38;
	[tilespmem:$0x19D80] =	vst v63  }
0x21c: {  	s22 =	sadd.s32 $0x40, s22;
	s17 =	sadd.s32 $0x40, s17;
	_ =	swait.ge [sflag:s15], $0x3000  }
0x21d: {  	s16 =	sadd.s32 $0x40, s16;
	s20 =	sadd.s32 $0x40, s20;
	[sflag:s15] =	ssyncset.done $0x0  }
0x21e: {  	s9 =	sadd.s32 $0x40, s9;
	s10 =	sadd.s32 $0x40, s10;
	[sflag:s15] =	ssyncadd.s32 $0xFFFFD000  }
0x21f: {  	s1 =	rddreg [dreg:$0x8]  }
0x220: {  	s0 =	rddreg [dreg:$0x7];
	s1 =	sadd.s32 $0x1, s1  }
0x221: {  	p0 =	sne.s32 s1, s0  }
.Ltmp6:
0x222: {  	_ = 	snop;
	(pc) =	sbr.rel @p0 .LBB2_1-.Ltmp6, $1  }
0x223: {  	_ =	sdelay $0x3  }
0x224: {  	_ =	sfence.sel $0x180000  }
0x225: {  	[bflag:$0x0] =	sbarrier.arrive $0xFFFF  }
0x226: {  	_ =	strace $0x9000004A  }
0x227: {  	s0 =	stileid.u32;
	[bflag:$0x2] =	sbarrier.arrive $0xFFFF  }
0x228: {  	p0 =	sne.s32 s0, $0x0;
	s0 =	rddreg [dreg:$0x2]  }
0x229: {  	s0 =	sadd.s32 @!p0 $0x100000, s0  }
0x22a: {  	[sflag:s0] =	ssyncadd.tile.s32 @!p0 $0x1;
	_ =	shalt  }
.Lfunc_end2:
_tile_overlayer_lowered:
.L_overlay_start_2:
0x22b: {  	(tag) =	ssettag $0x2  }
0x22c: {  	s0 =	rddreg [dreg:$0x0];
	s2 =	stileid.u32  }
0x22d: {  	s1 =	rddreg [dreg:$0x1];
	p0 =	sne.s32 s2, $0x0  }
0x22e: {  	s3 =	rddreg [dreg:$0x2];
	[bflag:$0x3] =	sbarrier.arrive $0xFFFF;
	s2 =	simm.s32 @!p0 $0x1C04  }
0x22f: {  	[timem:s3], [sflag:s2] =	dma.local @!p0 [hbm:s0], s1  }
0x230: {  	s0 =	simm.s32 @!p0 $0x4  }
0x231: {  	_ =	swait.ge @!p0 [sflag:s0], s1  }
0x232: {  	s1 =	ssub.s32 @!p0 $0x0, s1;
	[sflag:s0] =	ssyncset.done @!p0 $0x0  }
0x233: {  	[sflag:s0] =	ssyncadd.s32 @!p0 s1  }
0x234: {  	[bflag:$0x3] =	sbarrier.arrive $0xFFFF  }
0x235: {  	_ =	shalt  }

</sc_bundles>
